<compile_context>
chip_gen: v7x
topology: tpu7x:2x2x1
jax: 0.10.2.dev20260603
libtpu: 0.0.44.dev20260713+nightly
codegen_flags: <defaults>
</compile_context>

<pallas_src>
import functools

import jax
import jax.numpy as jnp
from jax import lax
from jax.experimental import pallas as pl
from jax.experimental.pallas import tpu as pltpu
from jax.experimental.pallas import tpu_sc as plsc

C = 1000
CP = 1024
D = 256
B = 16384
BLK = 2048
NB = B // BLK

NH = 4
NG = 8
W = D // NG
RPT = B // NH
RCH = 1024
NCHT = RPT // RCH
GRP = 16


def _offsets_body(pred_ref, truth_ref, off_ref):
    pred = pred_ref[...]
    truth = truth_ref[...]
    pn = jnp.sqrt(jnp.sum(pred * pred, axis=1, keepdims=True))
    p_ = pred / (pn + 1e-10)
    tn = jnp.sqrt(jnp.sum(truth * truth, axis=1, keepdims=True))
    t_ = truth / (tn + 1e-10)
    off_ref[...] = (p_ - t_) ** 2


def _sc_segsum(off_hbm, lab_hbm, out_sum, out_cnt,
               acc_v, cnt_v, buf_v, lab_v, sem_in, sem_lab):
    c = lax.axis_index("c")
    s = lax.axis_index("s")
    wid = c * 16 + s
    g = wid % NG
    h = wid // NG
    row0 = h * RPT
    col0 = g * W

    zeros16 = jnp.zeros((16,), jnp.float32)
    ones16 = jnp.ones((16,), jnp.float32)
    iota16 = lax.iota(jnp.int32, 16)
    col_z = jnp.broadcast_to(jnp.int32(0), (16,))

    cps = [None, None]
    lps = [None, None]
    cps[0] = pltpu.async_copy(
        off_hbm.at[pl.ds(row0, RCH), pl.ds(col0, W)], buf_v.at[0], sem_in)
    lps[0] = pltpu.async_copy(
        lab_hbm.at[pl.ds(row0, RCH)], lab_v.at[0], sem_lab)

    @plsc.parallel_loop(0, CP, GRP)
    def zrow(r):
        for rr in range(GRP):
            for jb in range(W // 16):
                acc_v[r + rr, pl.ds(jb * 16, 16)] = zeros16

    @pl.when(g == 0)
    def _zcnt():
        @plsc.parallel_loop(0, CP, GRP)
        def zcnt(r):
            for rr in range(GRP):
                cnt_v[r + rr, :] = zeros16

    for ch in range(NCHT):
        b = ch % 2
        if ch + 1 < NCHT:
            nb = (ch + 1) % 2
            cps[nb] = pltpu.async_copy(
                off_hbm.at[pl.ds(row0 + (ch + 1) * RCH, RCH), pl.ds(col0, W)],
                buf_v.at[nb], sem_in)
            lps[nb] = pltpu.async_copy(
                lab_hbm.at[pl.ds(row0 + (ch + 1) * RCH, RCH)],
                lab_v.at[nb], sem_lab)
        cps[b].wait()
        lps[b].wait()

        cols = [lax.iota(jnp.int32, 16) + jb * 16 for jb in range(W // 16)]

        @plsc.parallel_loop(0, RCH // GRP, 1, unroll=4)
        def grp_body(gi):
            base_r = gi * GRP
            labs1 = [plsc.load_gather(
                lab_v.at[b], [jnp.broadcast_to(base_r + j, (16,))])
                for j in range(GRP)]
            for j in range(GRP):
                for jb in range(W // 16):
                    vals = buf_v[b, base_r + j, pl.ds(jb * 16, 16)]
                    plsc.addupdate_scatter(acc_v, [labs1[j], cols[jb]], vals)

            @pl.when(g == 0)
            def _cnt():
                labs = lab_v[b, pl.ds(base_r, GRP)]
                plsc.addupdate_scatter(cnt_v, [labs, col_z], ones16)

    pltpu.sync_copy(acc_v, out_sum.at[h, g])

    @pl.when(g == 0)
    def _cnt_out():
        pltpu.sync_copy(cnt_v, out_cnt.at[h])


_sc_segsum_call = functools.partial(
    pl.kernel,
    out_type=[jax.ShapeDtypeStruct((NH, NG, CP, W), jnp.float32),
              jax.ShapeDtypeStruct((NH, CP, 16), jnp.float32)],
    mesh=plsc.VectorSubcoreMesh(core_axis_name="c", subcore_axis_name="s"),
    compiler_params=pltpu.CompilerParams(use_tc_tiling_on_sc=False,
                                         needs_layout_passes=False),
    scratch_types=[
        pltpu.VMEM((CP, W), jnp.float32),
        pltpu.VMEM((CP, 16), jnp.float32),
        pltpu.VMEM((2, RCH, W), jnp.float32),
        pltpu.VMEM((2, RCH), jnp.int32),
        pltpu.SemaphoreType.DMA,
        pltpu.SemaphoreType.DMA,
    ],
)(_sc_segsum)


def _weights_body(part_ref, cnt_ref, mean_ref, w_ref):
    pieces = []
    for gidx in range(NG):
        acc = part_ref[0, gidx]
        for hidx in range(1, NH):
            acc = acc + part_ref[hidx, gidx]
        pieces.append(acc)
    sums = jnp.concatenate(pieces, axis=1)
    cnt = (cnt_ref[0, :, 0:1] + cnt_ref[1, :, 0:1]
           + cnt_ref[2, :, 0:1] + cnt_ref[3, :, 0:1])
    mean = sums / jnp.maximum(cnt, 1.0)
    mask = mean > 0.0
    big = jnp.where(mask, mean, jnp.inf)
    col_min = jnp.min(big, axis=1, keepdims=True)
    row_min = jnp.min(big, axis=0, keepdims=True)
    col_min = jnp.where(col_min < jnp.inf, col_min, 1.0)
    row_min = jnp.where(row_min < jnp.inf, row_min, 1.0)
    safe = jnp.where(mask, mean, 1.0)
    w1 = jnp.log(safe / row_min) + 1.0
    w2 = jnp.log(safe / col_min) + 1.0
    w = jnp.where(mask, w1 * w2, 1.0)
    mean_ref[...] = mean[:C]
    w_ref[...] = w[:C]


@jax.jit
def kernel(batch_pred, batch_truth, batch_label):
    offsets = pl.pallas_call(
        _offsets_body,
        grid=(NB,),
        in_specs=[
            pl.BlockSpec((BLK, D), lambda i: (i, 0)),
            pl.BlockSpec((BLK, D), lambda i: (i, 0)),
        ],
        out_specs=pl.BlockSpec((BLK, D), lambda i: (i, 0)),
        out_shape=jax.ShapeDtypeStruct((B, D), jnp.float32),
    )(batch_pred, batch_truth)

    parts, cnts = _sc_segsum_call(offsets, batch_label)

    mean_p, w_p = pl.pallas_call(
        _weights_body,
        out_shape=[
            jax.ShapeDtypeStruct((C, D), jnp.float32),
            jax.ShapeDtypeStruct((C, D), jnp.float32),
        ],
    )(parts, cnts)
    return (mean_p, w_p)

# --- scband reference (transcript-rebuilt; emitter-appended) ---
"""Pipeline reference for scband-re-zsl-14422500180286 (READ-ONLY COPY).

The authoritative reference and input builder live on the scoring server;
editing this copy changes nothing except your own understanding.
"""

import jax, jax.numpy as jnp
import numpy as np

P = 1.0
P2 = 1.0
TRAIN_CLASS_NUM = 1000
ATT_DIM = 256
BATCH = 16384


def setup_inputs(seed: int = 0) -> dict:
    key = jax.random.key(seed)
    k1, k2, k3 = jax.random.split(key, 3)
    batch_pred = jax.random.normal(k1, (BATCH, ATT_DIM), dtype=jnp.float32)
    batch_truth = jax.random.uniform(k2, (BATCH, ATT_DIM), dtype=jnp.float32)
    batch_label = jax.random.randint(k3, (BATCH,), 0, TRAIN_CLASS_NUM, dtype=jnp.int32)
    return {"batch_pred": batch_pred, "batch_truth": batch_truth, "batch_label": batch_label}


def _arrange_train_offset(batch_pred, batch_truth, batch_label):
    # RegNorm == True: L2-normalize rows
    pred_norm = jnp.linalg.norm(batch_pred, axis=1, keepdims=True)
    pred_ = batch_pred / (pred_norm + 1e-10)
    truth_norm = jnp.linalg.norm(batch_truth, axis=1, keepdims=True)
    truth_ = batch_truth / (truth_norm + 1e-10)
    # RegType == 'MSE'
    batch_offset = (pred_ - truth_) ** 2
    # class-wise segment reduce (scatter-add)
    cls_offset_sum = jax.ops.segment_sum(batch_offset, batch_label, num_segments=TRAIN_CLASS_NUM)
    cls_count = jax.ops.segment_sum(jnp.ones((batch_offset.shape[0],), dtype=jnp.float32), batch_label, num_segments=TRAIN_CLASS_NUM)
    cls_offset_mean = cls_offset_sum / jnp.maximum(cls_count, 1.0)[:, None]
    return cls_offset_mean


def _update_weights_matrix(cls_mean):
    data = cls_mean.T  # [att_dim, class_num]
    mask = data > 0.0
    data_safe = jnp.where(mask, data, 1.0)
    # per-feature (row of data) min over positive entries
    row_min = jnp.min(jnp.where(mask, data, jnp.inf), axis=1)
    row_min = jnp.where(jnp.isfinite(row_min), row_min, 1.0)
    W1 = (jnp.log(data_safe / row_min[:, None]) + 1.0) ** P
    W1 = jnp.where(mask, W1, 1.0).T  # [class_num, att_dim]
    # per-class (row of data.T) min over positive entries
    dataT = cls_mean  # [class_num, att_dim]
    maskT = mask.T
    dataT_safe = jnp.where(maskT, dataT, 1.0)
    col_min = jnp.min(jnp.where(maskT, dataT, jnp.inf), axis=1)
    col_min = jnp.where(jnp.isfinite(col_min), col_min, 1.0)
    W2 = (jnp.log(dataT_safe / col_min[:, None]) + 1.0) ** P2
    W2 = jnp.where(maskT, W2, 1.0)
    return W1 * W2


def reference(batch_pred, batch_truth, batch_label):
    # updateWeightsMatrix_inBatch: returns (running_offset_Matrix, running_weights_Matrix)
    cls_mean = _arrange_train_offset(batch_pred, batch_truth, batch_label)
    weights = _update_weights_matrix(cls_mean)
    return (cls_mean, weights)

if __name__ == "__main__":
    import jax
    _d = setup_inputs()
    print(jax.jit(kernel)(*tuple(_d.values())))

</pallas_src>

<mosaic_0001>
#map = affine_map<(d0, d1) -> (0, 0)>
#map1 = affine_map<(d0, d1) -> (0)>
#map2 = affine_map<(d0, d1) -> (0, 0, 0, 0)>
#map3 = affine_map<(d0, d1) -> (0, 0, 0)>
module attributes {stable_mosaic.version = 14 : i64} {
  func.func @_sc_segsum(%arg0: i32, %arg1: i32, %arg2: memref<16384x256xf32, #tpu.memory_space<hbm>>, %arg3: memref<16384xi32, #tpu.memory_space<hbm>>, %arg4: memref<4x8x1024x32xf32, #tpu.memory_space<hbm>>, %arg5: memref<4x1024x16xf32, #tpu.memory_space<hbm>>, %arg6: memref<1024x32xf32, #tpu.memory_space<vmem>>, %arg7: memref<1024x16xf32, #tpu.memory_space<vmem>>, %arg8: memref<2x1024x32xf32, #tpu.memory_space<vmem>>, %arg9: memref<2x1024xi32, #tpu.memory_space<vmem>>, %arg10: memref<!tpu.dma_semaphore, #tpu.memory_space<semaphore_mem>>, %arg11: memref<!tpu.dma_semaphore, #tpu.memory_space<semaphore_mem>>) attributes {dimension_semantics = [#tpu.dimension_semantics<core_parallel>, #tpu.dimension_semantics<subcore_parallel>], iteration_bounds = array<i64: 2, 16>, scalar_prefetch = 0 : i64, scratch_operands = 6 : i64, tpu.core_type = #tpu.core_type<sc_vector_subcore>, window_params = [{transform_indices = #map}, {transform_indices = #map1}, {transform_indices = #map2}, {transform_indices = #map3}]} {
    %mul3A = arith.constant 16 : i32
    %mul3A_0 = arith.muli %arg0, %mul3A : i32
    %add3A = arith.addi %mul3A_0, %arg1 : i32
    %jit3A = arith.constant 8 : i32
    %eq3A = arith.constant 0 : i32
    %eq3A_1 = arith.cmpi eq, %jit3A, %eq3A : i32
    %jit3A_2 = arith.constant 1 : i32
    %select_n3A = arith.select %eq3A_1, %jit3A_2, %jit3A : i32
    %rem3A = arith.remsi %add3A, %select_n3A : i32
    %ne3A = arith.constant 0 : i32
    %ne3A_3 = arith.cmpi ne, %rem3A, %ne3A : i32
    %lt3A = arith.constant 0 : i32
    %lt3A_4 = arith.cmpi slt, %rem3A, %lt3A : i32
    %lt3A_5 = arith.constant 0 : i32
    %lt3A_6 = arith.cmpi slt, %select_n3A, %lt3A_5 : i32
    %ne3A_7 = arith.xori %lt3A_4, %lt3A_6 : i1
    %and3A = arith.andi %ne3A_7, %ne3A_3 : i1
    %add3A_8 = arith.addi %rem3A, %select_n3A : i32
    %select_n3A_9 = arith.select %and3A, %add3A_8, %rem3A : i32
    %jit3A_10 = arith.constant 8 : i32
    %div3A = arith.divsi %add3A, %jit3A_10 : i32
    %sign3A = arith.constant 0 : i32
    %sign3A_11 = arith.cmpi sgt, %add3A, %sign3A : i32
    %sign3A_12 = arith.extui %sign3A_11 : i1 to i32
    %sign3A_13 = arith.constant 0 : i32
    %sign3A_14 = arith.cmpi slt, %add3A, %sign3A_13 : i32
    %sign3A_15 = arith.extui %sign3A_14 : i1 to i32
    %sign3A_16 = arith.subi %sign3A_12, %sign3A_15 : i32
    %sign3A_17 = arith.constant 0 : i32
    %sign3A_18 = arith.cmpi sgt, %jit3A_10, %sign3A_17 : i32
    %sign3A_19 = arith.extui %sign3A_18 : i1 to i32
    %sign3A_20 = arith.constant 0 : i32
    %sign3A_21 = arith.cmpi slt, %jit3A_10, %sign3A_20 : i32
    %sign3A_22 = arith.extui %sign3A_21 : i1 to i32
    %sign3A_23 = arith.subi %sign3A_19, %sign3A_22 : i32
    %ne3A_24 = arith.cmpi ne, %sign3A_16, %sign3A_23 : i32
    %rem3A_25 = arith.remsi %add3A, %jit3A_10 : i32
    %ne3A_26 = arith.constant 0 : i32
    %ne3A_27 = arith.cmpi ne, %rem3A_25, %ne3A_26 : i32
    %and3A_28 = arith.andi %ne3A_24, %ne3A_27 : i1
    %sub3A = arith.constant 1 : i32
    %sub3A_29 = arith.subi %div3A, %sub3A : i32
    %select_n3A_30 = arith.select %and3A_28, %sub3A_29, %div3A : i32
    %mul3A_31 = arith.constant 4096 : i32
    %mul3A_32 = arith.muli %select_n3A_30, %mul3A_31 : i32
    %mul3A_33 = arith.constant 32 : i32
    %mul3A_34 = arith.muli %select_n3A_9, %mul3A_33 : i32
    %broadcast_in_dim3A = arith.constant 0.000000e+00 : f32
    %broadcast_in_dim3A_35 = vector.broadcast %broadcast_in_dim3A : f32 to vector<16xf32>
    %broadcast_in_dim3A_36 = arith.constant 1.000000e+00 : f32
    %broadcast_in_dim3A_37 = vector.broadcast %broadcast_in_dim3A_36 : f32 to vector<16xf32>
    %iota3A = tpu.iota {dimensions = array<i32: 0>} : vector<16xi32>
    %broadcast_in_dim3A_38 = arith.constant 0 : i32
    %broadcast_in_dim3A_39 = vector.broadcast %broadcast_in_dim3A_38 : i32 to vector<16xi32>
    %dma_start3A = arith.constant 0 : i32
    %dma_start3A_40 = arith.constant 0 : i32
    %dma_start3A_41 = arith.constant 0 : i32
    %dma_start3A_42 = tpu.memref_slice %arg8[%dma_start3A, %dma_start3A_40, %dma_start3A_41] : memref<2x1024x32xf32, #tpu.memory_space<vmem>> -> memref<1x1024x32xf32, #tpu.memory_space<vmem>>
    %dma_start3A_43 = tpu.memref_squeeze %dma_start3A_42 : memref<1x1024x32xf32, #tpu.memory_space<vmem>> -> memref<1024x32xf32, #tpu.memory_space<vmem>>
    %dma_start3A_44 = tpu.memref_slice %arg2[%mul3A_32, %mul3A_34] : memref<16384x256xf32, #tpu.memory_space<hbm>> -> memref<1024x32xf32, #tpu.memory_space<hbm>>
    %dma_start3A_45 = arith.constant 0 : i32
    %dma_start3A_46 = arith.constant 0 : i32
    %dma_start3A_47 = tpu.memref_slice %arg8[%dma_start3A, %dma_start3A_45, %dma_start3A_46] : memref<2x1024x32xf32, #tpu.memory_space<vmem>> -> memref<1x1024x32xf32, #tpu.memory_space<vmem>>
    %dma_start3A_48 = tpu.memref_squeeze %dma_start3A_47 : memref<1x1024x32xf32, #tpu.memory_space<vmem>> -> memref<1024x32xf32, #tpu.memory_space<vmem>>
    %dma_start3A_49 = tpu.memref_slice %arg2[%mul3A_32, %mul3A_34] : memref<16384x256xf32, #tpu.memory_space<hbm>> -> memref<1024x32xf32, #tpu.memory_space<hbm>>
    tpu.enqueue_dma source(%dma_start3A_49 : memref<1024x32xf32, #tpu.memory_space<hbm>>) target(%dma_start3A_48 : memref<1024x32xf32, #tpu.memory_space<vmem>>) target_semaphore(%arg10 : memref<!tpu.dma_semaphore, #tpu.memory_space<semaphore_mem>>)
    %dma_start3A_50 = arith.constant 0 : i32
    %dma_start3A_51 = arith.constant 0 : i32
    %dma_start3A_52 = tpu.memref_slice %arg9[%dma_start3A_50, %dma_start3A_51] : memref<2x1024xi32, #tpu.memory_space<vmem>> -> memref<1x1024xi32, #tpu.memory_space<vmem>>
    %dma_start3A_53 = tpu.memref_squeeze %dma_start3A_52 : memref<1x1024xi32, #tpu.memory_space<vmem>> -> memref<1024xi32, #tpu.memory_space<vmem>>
    %dma_start3A_54 = tpu.memref_slice %arg3[%mul3A_32] : memref<16384xi32, #tpu.memory_space<hbm>> -> memref<1024xi32, #tpu.memory_space<hbm>>
    %dma_start3A_55 = arith.constant 0 : i32
    %dma_start3A_56 = tpu.memref_slice %arg9[%dma_start3A_50, %dma_start3A_55] : memref<2x1024xi32, #tpu.memory_space<vmem>> -> memref<1x1024xi32, #tpu.memory_space<vmem>>
    %dma_start3A_57 = tpu.memref_squeeze %dma_start3A_56 : memref<1x1024xi32, #tpu.memory_space<vmem>> -> memref<1024xi32, #tpu.memory_space<vmem>>
    %dma_start3A_58 = tpu.memref_slice %arg3[%mul3A_32] : memref<16384xi32, #tpu.memory_space<hbm>> -> memref<1024xi32, #tpu.memory_space<hbm>>
    tpu.enqueue_dma source(%dma_start3A_58 : memref<1024xi32, #tpu.memory_space<hbm>>) target(%dma_start3A_57 : memref<1024xi32, #tpu.memory_space<vmem>>) target_semaphore(%arg11 : memref<!tpu.dma_semaphore, #tpu.memory_space<semaphore_mem>>)
    %parallel_loop3A = arith.constant 0 : i32
    %parallel_loop3A_59 = arith.constant 1024 : i32
    %parallel_loop3A_60 = arith.constant 16 : i32
    scf.for %parallel_loop3A_264 = %parallel_loop3A to %parallel_loop3A_59 step %parallel_loop3A_60  : i32 {
      %parallel_loop3A_265 = arith.constant 0 : i32
      %parallel_loop3A_266 = arith.addi %parallel_loop3A_264, %parallel_loop3A_265 : i32
      %parallel_loop3A_267 = arith.index_cast %parallel_loop3A_266 : i32 to index
      %parallel_loop3A_268 = arith.constant 0 : index
      %parallel_loop3A_269 = tpu.vector_load %arg6[%parallel_loop3A_267, %parallel_loop3A_268] {strides = array<i32>} : memref<1024x32xf32, #tpu.memory_space<vmem>>, vector<16xf32>,
      tpu.vector_store %arg6[%parallel_loop3A_267, %parallel_loop3A_268], %broadcast_in_dim3A_35 {strides = array<i32>} : memref<1024x32xf32, #tpu.memory_space<vmem>>, vector<16xf32>,
      %parallel_loop3A_270 = arith.constant 0 : i32
      %parallel_loop3A_271 = arith.addi %parallel_loop3A_264, %parallel_loop3A_270 : i32
      %parallel_loop3A_272 = arith.index_cast %parallel_loop3A_271 : i32 to index
      %parallel_loop3A_273 = arith.constant 16 : index
      %parallel_loop3A_274 = tpu.vector_load %arg6[%parallel_loop3A_272, %parallel_loop3A_273] {strides = array<i32>} : memref<1024x32xf32, #tpu.memory_space<vmem>>, vector<16xf32>,
      tpu.vector_store %arg6[%parallel_loop3A_272, %parallel_loop3A_273], %broadcast_in_dim3A_35 {strides = array<i32>} : memref<1024x32xf32, #tpu.memory_space<vmem>>, vector<16xf32>,
      %parallel_loop3A_275 = arith.constant 1 : i32
      %parallel_loop3A_276 = arith.addi %parallel_loop3A_264, %parallel_loop3A_275 : i32
      %parallel_loop3A_277 = arith.index_cast %parallel_loop3A_276 : i32 to index
      %parallel_loop3A_278 = arith.constant 0 : index
      %parallel_loop3A_279 = tpu.vector_load %arg6[%parallel_loop3A_277, %parallel_loop3A_278] {strides = array<i32>} : memref<1024x32xf32, #tpu.memory_space<vmem>>, vector<16xf32>,
      tpu.vector_store %arg6[%parallel_loop3A_277, %parallel_loop3A_278], %broadcast_in_dim3A_35 {strides = array<i32>} : memref<1024x32xf32, #tpu.memory_space<vmem>>, vector<16xf32>,
      %parallel_loop3A_280 = arith.constant 1 : i32
      %parallel_loop3A_281 = arith.addi %parallel_loop3A_264, %parallel_loop3A_280 : i32
      %parallel_loop3A_282 = arith.index_cast %parallel_loop3A_281 : i32 to index
      %parallel_loop3A_283 = arith.constant 16 : index
      %parallel_loop3A_284 = tpu.vector_load %arg6[%parallel_loop3A_282, %parallel_loop3A_283] {strides = array<i32>} : memref<1024x32xf32, #tpu.memory_space<vmem>>, vector<16xf32>,
      tpu.vector_store %arg6[%parallel_loop3A_282, %parallel_loop3A_283], %broadcast_in_dim3A_35 {strides = array<i32>} : memref<1024x32xf32, #tpu.memory_space<vmem>>, vector<16xf32>,
      %parallel_loop3A_285 = arith.constant 2 : i32
      %parallel_loop3A_286 = arith.addi %parallel_loop3A_264, %parallel_loop3A_285 : i32
      %parallel_loop3A_287 = arith.index_cast %parallel_loop3A_286 : i32 to index
      %parallel_loop3A_288 = arith.constant 0 : index
      %parallel_loop3A_289 = tpu.vector_load %arg6[%parallel_loop3A_287, %parallel_loop3A_288] {strides = array<i32>} : memref<1024x32xf32, #tpu.memory_space<vmem>>, vector<16xf32>,
      tpu.vector_store %arg6[%parallel_loop3A_287, %parallel_loop3A_288], %broadcast_in_dim3A_35 {strides = array<i32>} : memref<1024x32xf32, #tpu.memory_space<vmem>>, vector<16xf32>,
      %parallel_loop3A_290 = arith.constant 2 : i32
      %parallel_loop3A_291 = arith.addi %parallel_loop3A_264, %parallel_loop3A_290 : i32
      %parallel_loop3A_292 = arith.index_cast %parallel_loop3A_291 : i32 to index
      %parallel_loop3A_293 = arith.constant 16 : index
      %parallel_loop3A_294 = tpu.vector_load %arg6[%parallel_loop3A_292, %parallel_loop3A_293] {strides = array<i32>} : memref<1024x32xf32, #tpu.memory_space<vmem>>, vector<16xf32>,
      tpu.vector_store %arg6[%parallel_loop3A_292, %parallel_loop3A_293], %broadcast_in_dim3A_35 {strides = array<i32>} : memref<1024x32xf32, #tpu.memory_space<vmem>>, vector<16xf32>,
      %parallel_loop3A_295 = arith.constant 3 : i32
      %parallel_loop3A_296 = arith.addi %parallel_loop3A_264, %parallel_loop3A_295 : i32
      %parallel_loop3A_297 = arith.index_cast %parallel_loop3A_296 : i32 to index
      %parallel_loop3A_298 = arith.constant 0 : index
      %parallel_loop3A_299 = tpu.vector_load %arg6[%parallel_loop3A_297, %parallel_loop3A_298] {strides = array<i32>} : memref<1024x32xf32, #tpu.memory_space<vmem>>, vector<16xf32>,
      tpu.vector_store %arg6[%parallel_loop3A_297, %parallel_loop3A_298], %broadcast_in_dim3A_35 {strides = array<i32>} : memref<1024x32xf32, #tpu.memory_space<vmem>>, vector<16xf32>,
      %parallel_loop3A_300 = arith.constant 3 : i32
      %parallel_loop3A_301 = arith.addi %parallel_loop3A_264, %parallel_loop3A_300 : i32
      %parallel_loop3A_302 = arith.index_cast %parallel_loop3A_301 : i32 to index
      %parallel_loop3A_303 = arith.constant 16 : index
      %parallel_loop3A_304 = tpu.vector_load %arg6[%parallel_loop3A_302, %parallel_loop3A_303] {strides = array<i32>} : memref<1024x32xf32, #tpu.memory_space<vmem>>, vector<16xf32>,
      tpu.vector_store %arg6[%parallel_loop3A_302, %parallel_loop3A_303], %broadcast_in_dim3A_35 {strides = array<i32>} : memref<1024x32xf32, #tpu.memory_space<vmem>>, vector<16xf32>,
      %parallel_loop3A_305 = arith.constant 4 : i32
      %parallel_loop3A_306 = arith.addi %parallel_loop3A_264, %parallel_loop3A_305 : i32
      %parallel_loop3A_307 = arith.index_cast %parallel_loop3A_306 : i32 to index
      %parallel_loop3A_308 = arith.constant 0 : index
      %parallel_loop3A_309 = tpu.vector_load %arg6[%parallel_loop3A_307, %parallel_loop3A_308] {strides = array<i32>} : memref<1024x32xf32, #tpu.memory_space<vmem>>, vector<16xf32>,
      tpu.vector_store %arg6[%parallel_loop3A_307, %parallel_loop3A_308], %broadcast_in_dim3A_35 {strides = array<i32>} : memref<1024x32xf32, #tpu.memory_space<vmem>>, vector<16xf32>,
      %parallel_loop3A_310 = arith.constant 4 : i32
      %parallel_loop3A_311 = arith.addi %parallel_loop3A_264, %parallel_loop3A_310 : i32
      %parallel_loop3A_312 = arith.index_cast %parallel_loop3A_311 : i32 to index
      %parallel_loop3A_313 = arith.constant 16 : index
      %parallel_loop3A_314 = tpu.vector_load %arg6[%parallel_loop3A_312, %parallel_loop3A_313] {strides = array<i32>} : memref<1024x32xf32, #tpu.memory_space<vmem>>, vector<16xf32>,
      tpu.vector_store %arg6[%parallel_loop3A_312, %parallel_loop3A_313], %broadcast_in_dim3A_35 {strides = array<i32>} : memref<1024x32xf32, #tpu.memory_space<vmem>>, vector<16xf32>,
      %parallel_loop3A_315 = arith.constant 5 : i32
      %parallel_loop3A_316 = arith.addi %parallel_loop3A_264, %parallel_loop3A_315 : i32
      %parallel_loop3A_317 = arith.index_cast %parallel_loop3A_316 : i32 to index
      %parallel_loop3A_318 = arith.constant 0 : index
      %parallel_loop3A_319 = tpu.vector_load %arg6[%parallel_loop3A_317, %parallel_loop3A_318] {strides = array<i32>} : memref<1024x32xf32, #tpu.memory_space<vmem>>, vector<16xf32>,
      tpu.vector_store %arg6[%parallel_loop3A_317, %parallel_loop3A_318], %broadcast_in_dim3A_35 {strides = array<i32>} : memref<1024x32xf32, #tpu.memory_space<vmem>>, vector<16xf32>,
      %parallel_loop3A_320 = arith.constant 5 : i32
      %parallel_loop3A_321 = arith.addi %parallel_loop3A_264, %parallel_loop3A_320 : i32
      %parallel_loop3A_322 = arith.index_cast %parallel_loop3A_321 : i32 to index
      %parallel_loop3A_323 = arith.constant 16 : index
      %parallel_loop3A_324 = tpu.vector_load %arg6[%parallel_loop3A_322, %parallel_loop3A_323] {strides = array<i32>} : memref<1024x32xf32, #tpu.memory_space<vmem>>, vector<16xf32>,
      tpu.vector_store %arg6[%parallel_loop3A_322, %parallel_loop3A_323], %broadcast_in_dim3A_35 {strides = array<i32>} : memref<1024x32xf32, #tpu.memory_space<vmem>>, vector<16xf32>,
      %parallel_loop3A_325 = arith.constant 6 : i32
      %parallel_loop3A_326 = arith.addi %parallel_loop3A_264, %parallel_loop3A_325 : i32
      %parallel_loop3A_327 = arith.index_cast %parallel_loop3A_326 : i32 to index
      %parallel_loop3A_328 = arith.constant 0 : index
      %parallel_loop3A_329 = tpu.vector_load %arg6[%parallel_loop3A_327, %parallel_loop3A_328] {strides = array<i32>} : memref<1024x32xf32, #tpu.memory_space<vmem>>, vector<16xf32>,
      tpu.vector_store %arg6[%parallel_loop3A_327, %parallel_loop3A_328], %broadcast_in_dim3A_35 {strides = array<i32>} : memref<1024x32xf32, #tpu.memory_space<vmem>>, vector<16xf32>,
      %parallel_loop3A_330 = arith.constant 6 : i32
      %parallel_loop3A_331 = arith.addi %parallel_loop3A_264, %parallel_loop3A_330 : i32
      %parallel_loop3A_332 = arith.index_cast %parallel_loop3A_331 : i32 to index
      %parallel_loop3A_333 = arith.constant 16 : index
      %parallel_loop3A_334 = tpu.vector_load %arg6[%parallel_loop3A_332, %parallel_loop3A_333] {strides = array<i32>} : memref<1024x32xf32, #tpu.memory_space<vmem>>, vector<16xf32>,
      tpu.vector_store %arg6[%parallel_loop3A_332, %parallel_loop3A_333], %broadcast_in_dim3A_35 {strides = array<i32>} : memref<1024x32xf32, #tpu.memory_space<vmem>>, vector<16xf32>,
      %parallel_loop3A_335 = arith.constant 7 : i32
      %parallel_loop3A_336 = arith.addi %parallel_loop3A_264, %parallel_loop3A_335 : i32
      %parallel_loop3A_337 = arith.index_cast %parallel_loop3A_336 : i32 to index
      %parallel_loop3A_338 = arith.constant 0 : index
      %parallel_loop3A_339 = tpu.vector_load %arg6[%parallel_loop3A_337, %parallel_loop3A_338] {strides = array<i32>} : memref<1024x32xf32, #tpu.memory_space<vmem>>, vector<16xf32>,
      tpu.vector_store %arg6[%parallel_loop3A_337, %parallel_loop3A_338], %broadcast_in_dim3A_35 {strides = array<i32>} : memref<1024x32xf32, #tpu.memory_space<vmem>>, vector<16xf32>,
      %parallel_loop3A_340 = arith.constant 7 : i32
      %parallel_loop3A_341 = arith.addi %parallel_loop3A_264, %parallel_loop3A_340 : i32
      %parallel_loop3A_342 = arith.index_cast %parallel_loop3A_341 : i32 to index
      %parallel_loop3A_343 = arith.constant 16 : index
      %parallel_loop3A_344 = tpu.vector_load %arg6[%parallel_loop3A_342, %parallel_loop3A_343] {strides = array<i32>} : memref<1024x32xf32, #tpu.memory_space<vmem>>, vector<16xf32>,
      tpu.vector_store %arg6[%parallel_loop3A_342, %parallel_loop3A_343], %broadcast_in_dim3A_35 {strides = array<i32>} : memref<1024x32xf32, #tpu.memory_space<vmem>>, vector<16xf32>,
      %parallel_loop3A_345 = arith.constant 8 : i32
      %parallel_loop3A_346 = arith.addi %parallel_loop3A_264, %parallel_loop3A_345 : i32
      %parallel_loop3A_347 = arith.index_cast %parallel_loop3A_346 : i32 to index
      %parallel_loop3A_348 = arith.constant 0 : index
      %parallel_loop3A_349 = tpu.vector_load %arg6[%parallel_loop3A_347, %parallel_loop3A_348] {strides = array<i32>} : memref<1024x32xf32, #tpu.memory_space<vmem>>, vector<16xf32>,
      tpu.vector_store %arg6[%parallel_loop3A_347, %parallel_loop3A_348], %broadcast_in_dim3A_35 {strides = array<i32>} : memref<1024x32xf32, #tpu.memory_space<vmem>>, vector<16xf32>,
      %parallel_loop3A_350 = arith.constant 8 : i32
      %parallel_loop3A_351 = arith.addi %parallel_loop3A_264, %parallel_loop3A_350 : i32
      %parallel_loop3A_352 = arith.index_cast %parallel_loop3A_351 : i32 to index
      %parallel_loop3A_353 = arith.constant 16 : index
      %parallel_loop3A_354 = tpu.vector_load %arg6[%parallel_loop3A_352, %parallel_loop3A_353] {strides = array<i32>} : memref<1024x32xf32, #tpu.memory_space<vmem>>, vector<16xf32>,
      tpu.vector_store %arg6[%parallel_loop3A_352, %parallel_loop3A_353], %broadcast_in_dim3A_35 {strides = array<i32>} : memref<1024x32xf32, #tpu.memory_space<vmem>>, vector<16xf32>,
      %parallel_loop3A_355 = arith.constant 9 : i32
      %parallel_loop3A_356 = arith.addi %parallel_loop3A_264, %parallel_loop3A_355 : i32
      %parallel_loop3A_357 = arith.index_cast %parallel_loop3A_356 : i32 to index
      %parallel_loop3A_358 = arith.constant 0 : index
      %parallel_loop3A_359 = tpu.vector_load %arg6[%parallel_loop3A_357, %parallel_loop3A_358] {strides = array<i32>} : memref<1024x32xf32, #tpu.memory_space<vmem>>, vector<16xf32>,
      tpu.vector_store %arg6[%parallel_loop3A_357, %parallel_loop3A_358], %broadcast_in_dim3A_35 {strides = array<i32>} : memref<1024x32xf32, #tpu.memory_space<vmem>>, vector<16xf32>,
      %parallel_loop3A_360 = arith.constant 9 : i32
      %parallel_loop3A_361 = arith.addi %parallel_loop3A_264, %parallel_loop3A_360 : i32
      %parallel_loop3A_362 = arith.index_cast %parallel_loop3A_361 : i32 to index
      %parallel_loop3A_363 = arith.constant 16 : index
      %parallel_loop3A_364 = tpu.vector_load %arg6[%parallel_loop3A_362, %parallel_loop3A_363] {strides = array<i32>} : memref<1024x32xf32, #tpu.memory_space<vmem>>, vector<16xf32>,
      tpu.vector_store %arg6[%parallel_loop3A_362, %parallel_loop3A_363], %broadcast_in_dim3A_35 {strides = array<i32>} : memref<1024x32xf32, #tpu.memory_space<vmem>>, vector<16xf32>,
      %parallel_loop3A_365 = arith.constant 10 : i32
      %parallel_loop3A_366 = arith.addi %parallel_loop3A_264, %parallel_loop3A_365 : i32
      %parallel_loop3A_367 = arith.index_cast %parallel_loop3A_366 : i32 to index
      %parallel_loop3A_368 = arith.constant 0 : index
      %parallel_loop3A_369 = tpu.vector_load %arg6[%parallel_loop3A_367, %parallel_loop3A_368] {strides = array<i32>} : memref<1024x32xf32, #tpu.memory_space<vmem>>, vector<16xf32>,
      tpu.vector_store %arg6[%parallel_loop3A_367, %parallel_loop3A_368], %broadcast_in_dim3A_35 {strides = array<i32>} : memref<1024x32xf32, #tpu.memory_space<vmem>>, vector<16xf32>,
      %parallel_loop3A_370 = arith.constant 10 : i32
      %parallel_loop3A_371 = arith.addi %parallel_loop3A_264, %parallel_loop3A_370 : i32
      %parallel_loop3A_372 = arith.index_cast %parallel_loop3A_371 : i32 to index
      %parallel_loop3A_373 = arith.constant 16 : index
      %parallel_loop3A_374 = tpu.vector_load %arg6[%parallel_loop3A_372, %parallel_loop3A_373] {strides = array<i32>} : memref<1024x32xf32, #tpu.memory_space<vmem>>, vector<16xf32>,
      tpu.vector_store %arg6[%parallel_loop3A_372, %parallel_loop3A_373], %broadcast_in_dim3A_35 {strides = array<i32>} : memref<1024x32xf32, #tpu.memory_space<vmem>>, vector<16xf32>,
      %parallel_loop3A_375 = arith.constant 11 : i32
      %parallel_loop3A_376 = arith.addi %parallel_loop3A_264, %parallel_loop3A_375 : i32
      %parallel_loop3A_377 = arith.index_cast %parallel_loop3A_376 : i32 to index
      %parallel_loop3A_378 = arith.constant 0 : index
      %parallel_loop3A_379 = tpu.vector_load %arg6[%parallel_loop3A_377, %parallel_loop3A_378] {strides = array<i32>} : memref<1024x32xf32, #tpu.memory_space<vmem>>, vector<16xf32>,
      tpu.vector_store %arg6[%parallel_loop3A_377, %parallel_loop3A_378], %broadcast_in_dim3A_35 {strides = array<i32>} : memref<1024x32xf32, #tpu.memory_space<vmem>>, vector<16xf32>,
      %parallel_loop3A_380 = arith.constant 11 : i32
      %parallel_loop3A_381 = arith.addi %parallel_loop3A_264, %parallel_loop3A_380 : i32
      %parallel_loop3A_382 = arith.index_cast %parallel_loop3A_381 : i32 to index
      %parallel_loop3A_383 = arith.constant 16 : index
      %parallel_loop3A_384 = tpu.vector_load %arg6[%parallel_loop3A_382, %parallel_loop3A_383] {strides = array<i32>} : memref<1024x32xf32, #tpu.memory_space<vmem>>, vector<16xf32>,
      tpu.vector_store %arg6[%parallel_loop3A_382, %parallel_loop3A_383], %broadcast_in_dim3A_35 {strides = array<i32>} : memref<1024x32xf32, #tpu.memory_space<vmem>>, vector<16xf32>,
      %parallel_loop3A_385 = arith.constant 12 : i32
      %parallel_loop3A_386 = arith.addi %parallel_loop3A_264, %parallel_loop3A_385 : i32
      %parallel_loop3A_387 = arith.index_cast %parallel_loop3A_386 : i32 to index
      %parallel_loop3A_388 = arith.constant 0 : index
      %parallel_loop3A_389 = tpu.vector_load %arg6[%parallel_loop3A_387, %parallel_loop3A_388] {strides = array<i32>} : memref<1024x32xf32, #tpu.memory_space<vmem>>, vector<16xf32>,
      tpu.vector_store %arg6[%parallel_loop3A_387, %parallel_loop3A_388], %broadcast_in_dim3A_35 {strides = array<i32>} : memref<1024x32xf32, #tpu.memory_space<vmem>>, vector<16xf32>,
      %parallel_loop3A_390 = arith.constant 12 : i32
      %parallel_loop3A_391 = arith.addi %parallel_loop3A_264, %parallel_loop3A_390 : i32
      %parallel_loop3A_392 = arith.index_cast %parallel_loop3A_391 : i32 to index
      %parallel_loop3A_393 = arith.constant 16 : index
      %parallel_loop3A_394 = tpu.vector_load %arg6[%parallel_loop3A_392, %parallel_loop3A_393] {strides = array<i32>} : memref<1024x32xf32, #tpu.memory_space<vmem>>, vector<16xf32>,
      tpu.vector_store %arg6[%parallel_loop3A_392, %parallel_loop3A_393], %broadcast_in_dim3A_35 {strides = array<i32>} : memref<1024x32xf32, #tpu.memory_space<vmem>>, vector<16xf32>,
      %parallel_loop3A_395 = arith.constant 13 : i32
      %parallel_loop3A_396 = arith.addi %parallel_loop3A_264, %parallel_loop3A_395 : i32
      %parallel_loop3A_397 = arith.index_cast %parallel_loop3A_396 : i32 to index
      %parallel_loop3A_398 = arith.constant 0 : index
      %parallel_loop3A_399 = tpu.vector_load %arg6[%parallel_loop3A_397, %parallel_loop3A_398] {strides = array<i32>} : memref<1024x32xf32, #tpu.memory_space<vmem>>, vector<16xf32>,
      tpu.vector_store %arg6[%parallel_loop3A_397, %parallel_loop3A_398], %broadcast_in_dim3A_35 {strides = array<i32>} : memref<1024x32xf32, #tpu.memory_space<vmem>>, vector<16xf32>,
      %parallel_loop3A_400 = arith.constant 13 : i32
      %parallel_loop3A_401 = arith.addi %parallel_loop3A_264, %parallel_loop3A_400 : i32
      %parallel_loop3A_402 = arith.index_cast %parallel_loop3A_401 : i32 to index
      %parallel_loop3A_403 = arith.constant 16 : index
      %parallel_loop3A_404 = tpu.vector_load %arg6[%parallel_loop3A_402, %parallel_loop3A_403] {strides = array<i32>} : memref<1024x32xf32, #tpu.memory_space<vmem>>, vector<16xf32>,
      tpu.vector_store %arg6[%parallel_loop3A_402, %parallel_loop3A_403], %broadcast_in_dim3A_35 {strides = array<i32>} : memref<1024x32xf32, #tpu.memory_space<vmem>>, vector<16xf32>,
      %parallel_loop3A_405 = arith.constant 14 : i32
      %parallel_loop3A_406 = arith.addi %parallel_loop3A_264, %parallel_loop3A_405 : i32
      %parallel_loop3A_407 = arith.index_cast %parallel_loop3A_406 : i32 to index
      %parallel_loop3A_408 = arith.constant 0 : index
      %parallel_loop3A_409 = tpu.vector_load %arg6[%parallel_loop3A_407, %parallel_loop3A_408] {strides = array<i32>} : memref<1024x32xf32, #tpu.memory_space<vmem>>, vector<16xf32>,
      tpu.vector_store %arg6[%parallel_loop3A_407, %parallel_loop3A_408], %broadcast_in_dim3A_35 {strides = array<i32>} : memref<1024x32xf32, #tpu.memory_space<vmem>>, vector<16xf32>,
      %parallel_loop3A_410 = arith.constant 14 : i32
      %parallel_loop3A_411 = arith.addi %parallel_loop3A_264, %parallel_loop3A_410 : i32
      %parallel_loop3A_412 = arith.index_cast %parallel_loop3A_411 : i32 to index
      %parallel_loop3A_413 = arith.constant 16 : index
      %parallel_loop3A_414 = tpu.vector_load %arg6[%parallel_loop3A_412, %parallel_loop3A_413] {strides = array<i32>} : memref<1024x32xf32, #tpu.memory_space<vmem>>, vector<16xf32>,
      tpu.vector_store %arg6[%parallel_loop3A_412, %parallel_loop3A_413], %broadcast_in_dim3A_35 {strides = array<i32>} : memref<1024x32xf32, #tpu.memory_space<vmem>>, vector<16xf32>,
      %parallel_loop3A_415 = arith.constant 15 : i32
      %parallel_loop3A_416 = arith.addi %parallel_loop3A_264, %parallel_loop3A_415 : i32
      %parallel_loop3A_417 = arith.index_cast %parallel_loop3A_416 : i32 to index
      %parallel_loop3A_418 = arith.constant 0 : index
      %parallel_loop3A_419 = tpu.vector_load %arg6[%parallel_loop3A_417, %parallel_loop3A_418] {strides = array<i32>} : memref<1024x32xf32, #tpu.memory_space<vmem>>, vector<16xf32>,
      tpu.vector_store %arg6[%parallel_loop3A_417, %parallel_loop3A_418], %broadcast_in_dim3A_35 {strides = array<i32>} : memref<1024x32xf32, #tpu.memory_space<vmem>>, vector<16xf32>,
      %parallel_loop3A_420 = arith.constant 15 : i32
      %parallel_loop3A_421 = arith.addi %parallel_loop3A_264, %parallel_loop3A_420 : i32
      %parallel_loop3A_422 = arith.index_cast %parallel_loop3A_421 : i32 to index
      %parallel_loop3A_423 = arith.constant 16 : index
      %parallel_loop3A_424 = tpu.vector_load %arg6[%parallel_loop3A_422, %parallel_loop3A_423] {strides = array<i32>} : memref<1024x32xf32, #tpu.memory_space<vmem>>, vector<16xf32>,
      tpu.vector_store %arg6[%parallel_loop3A_422, %parallel_loop3A_423], %broadcast_in_dim3A_35 {strides = array<i32>} : memref<1024x32xf32, #tpu.memory_space<vmem>>, vector<16xf32>,
    } {sc.loop_unroll_factor = 1 : i64, sc.parallel_access}
    %eq3A_61 = arith.constant 0 : i32
    %eq3A_62 = arith.cmpi eq, %select_n3A_9, %eq3A_61 : i32
    %convert_element_type3A = arith.extui %eq3A_62 : i1 to i32
    %cond3A = arith.constant 0 : i32
    %cond3A_63 = arith.cmpi ne, %convert_element_type3A, %cond3A : i32
    scf.if %cond3A_63 {
      %parallel_loop3A_264 = arith.constant 0 : i32
      %parallel_loop3A_265 = arith.constant 1024 : i32
      %parallel_loop3A_266 = arith.constant 16 : i32
      scf.for %parallel_loop3A_267 = %parallel_loop3A_264 to %parallel_loop3A_265 step %parallel_loop3A_266  : i32 {
        %parallel_loop3A_268 = arith.constant 0 : i32
        %parallel_loop3A_269 = arith.addi %parallel_loop3A_267, %parallel_loop3A_268 : i32
        %parallel_loop3A_270 = arith.index_cast %parallel_loop3A_269 : i32 to index
        %parallel_loop3A_271 = arith.constant 0 : index
        %parallel_loop3A_272 = tpu.vector_load %arg7[%parallel_loop3A_270, %parallel_loop3A_271] {strides = array<i32>} : memref<1024x16xf32, #tpu.memory_space<vmem>>, vector<16xf32>,
        tpu.vector_store %arg7[%parallel_loop3A_270, %parallel_loop3A_271], %broadcast_in_dim3A_35 {strides = array<i32>} : memref<1024x16xf32, #tpu.memory_space<vmem>>, vector<16xf32>,
        %parallel_loop3A_273 = arith.constant 1 : i32
        %parallel_loop3A_274 = arith.addi %parallel_loop3A_267, %parallel_loop3A_273 : i32
        %parallel_loop3A_275 = arith.index_cast %parallel_loop3A_274 : i32 to index
        %parallel_loop3A_276 = arith.constant 0 : index
        %parallel_loop3A_277 = tpu.vector_load %arg7[%parallel_loop3A_275, %parallel_loop3A_276] {strides = array<i32>} : memref<1024x16xf32, #tpu.memory_space<vmem>>, vector<16xf32>,
        tpu.vector_store %arg7[%parallel_loop3A_275, %parallel_loop3A_276], %broadcast_in_dim3A_35 {strides = array<i32>} : memref<1024x16xf32, #tpu.memory_space<vmem>>, vector<16xf32>,
        %parallel_loop3A_278 = arith.constant 2 : i32
        %parallel_loop3A_279 = arith.addi %parallel_loop3A_267, %parallel_loop3A_278 : i32
        %parallel_loop3A_280 = arith.index_cast %parallel_loop3A_279 : i32 to index
        %parallel_loop3A_281 = arith.constant 0 : index
        %parallel_loop3A_282 = tpu.vector_load %arg7[%parallel_loop3A_280, %parallel_loop3A_281] {strides = array<i32>} : memref<1024x16xf32, #tpu.memory_space<vmem>>, vector<16xf32>,
        tpu.vector_store %arg7[%parallel_loop3A_280, %parallel_loop3A_281], %broadcast_in_dim3A_35 {strides = array<i32>} : memref<1024x16xf32, #tpu.memory_space<vmem>>, vector<16xf32>,
        %parallel_loop3A_283 = arith.constant 3 : i32
        %parallel_loop3A_284 = arith.addi %parallel_loop3A_267, %parallel_loop3A_283 : i32
        %parallel_loop3A_285 = arith.index_cast %parallel_loop3A_284 : i32 to index
        %parallel_loop3A_286 = arith.constant 0 : index
        %parallel_loop3A_287 = tpu.vector_load %arg7[%parallel_loop3A_285, %parallel_loop3A_286] {strides = array<i32>} : memref<1024x16xf32, #tpu.memory_space<vmem>>, vector<16xf32>,
        tpu.vector_store %arg7[%parallel_loop3A_285, %parallel_loop3A_286], %broadcast_in_dim3A_35 {strides = array<i32>} : memref<1024x16xf32, #tpu.memory_space<vmem>>, vector<16xf32>,
        %parallel_loop3A_288 = arith.constant 4 : i32
        %parallel_loop3A_289 = arith.addi %parallel_loop3A_267, %parallel_loop3A_288 : i32
        %parallel_loop3A_290 = arith.index_cast %parallel_loop3A_289 : i32 to index
        %parallel_loop3A_291 = arith.constant 0 : index
        %parallel_loop3A_292 = tpu.vector_load %arg7[%parallel_loop3A_290, %parallel_loop3A_291] {strides = array<i32>} : memref<1024x16xf32, #tpu.memory_space<vmem>>, vector<16xf32>,
        tpu.vector_store %arg7[%parallel_loop3A_290, %parallel_loop3A_291], %broadcast_in_dim3A_35 {strides = array<i32>} : memref<1024x16xf32, #tpu.memory_space<vmem>>, vector<16xf32>,
        %parallel_loop3A_293 = arith.constant 5 : i32
        %parallel_loop3A_294 = arith.addi %parallel_loop3A_267, %parallel_loop3A_293 : i32
        %parallel_loop3A_295 = arith.index_cast %parallel_loop3A_294 : i32 to index
        %parallel_loop3A_296 = arith.constant 0 : index
        %parallel_loop3A_297 = tpu.vector_load %arg7[%parallel_loop3A_295, %parallel_loop3A_296] {strides = array<i32>} : memref<1024x16xf32, #tpu.memory_space<vmem>>, vector<16xf32>,
        tpu.vector_store %arg7[%parallel_loop3A_295, %parallel_loop3A_296], %broadcast_in_dim3A_35 {strides = array<i32>} : memref<1024x16xf32, #tpu.memory_space<vmem>>, vector<16xf32>,
        %parallel_loop3A_298 = arith.constant 6 : i32
        %parallel_loop3A_299 = arith.addi %parallel_loop3A_267, %parallel_loop3A_298 : i32
        %parallel_loop3A_300 = arith.index_cast %parallel_loop3A_299 : i32 to index
        %parallel_loop3A_301 = arith.constant 0 : index
        %parallel_loop3A_302 = tpu.vector_load %arg7[%parallel_loop3A_300, %parallel_loop3A_301] {strides = array<i32>} : memref<1024x16xf32, #tpu.memory_space<vmem>>, vector<16xf32>,
        tpu.vector_store %arg7[%parallel_loop3A_300, %parallel_loop3A_301], %broadcast_in_dim3A_35 {strides = array<i32>} : memref<1024x16xf32, #tpu.memory_space<vmem>>, vector<16xf32>,
        %parallel_loop3A_303 = arith.constant 7 : i32
        %parallel_loop3A_304 = arith.addi %parallel_loop3A_267, %parallel_loop3A_303 : i32
        %parallel_loop3A_305 = arith.index_cast %parallel_loop3A_304 : i32 to index
        %parallel_loop3A_306 = arith.constant 0 : index
        %parallel_loop3A_307 = tpu.vector_load %arg7[%parallel_loop3A_305, %parallel_loop3A_306] {strides = array<i32>} : memref<1024x16xf32, #tpu.memory_space<vmem>>, vector<16xf32>,
        tpu.vector_store %arg7[%parallel_loop3A_305, %parallel_loop3A_306], %broadcast_in_dim3A_35 {strides = array<i32>} : memref<1024x16xf32, #tpu.memory_space<vmem>>, vector<16xf32>,
        %parallel_loop3A_308 = arith.constant 8 : i32
        %parallel_loop3A_309 = arith.addi %parallel_loop3A_267, %parallel_loop3A_308 : i32
        %parallel_loop3A_310 = arith.index_cast %parallel_loop3A_309 : i32 to index
        %parallel_loop3A_311 = arith.constant 0 : index
        %parallel_loop3A_312 = tpu.vector_load %arg7[%parallel_loop3A_310, %parallel_loop3A_311] {strides = array<i32>} : memref<1024x16xf32, #tpu.memory_space<vmem>>, vector<16xf32>,
        tpu.vector_store %arg7[%parallel_loop3A_310, %parallel_loop3A_311], %broadcast_in_dim3A_35 {strides = array<i32>} : memref<1024x16xf32, #tpu.memory_space<vmem>>, vector<16xf32>,
        %parallel_loop3A_313 = arith.constant 9 : i32
        %parallel_loop3A_314 = arith.addi %parallel_loop3A_267, %parallel_loop3A_313 : i32
        %parallel_loop3A_315 = arith.index_cast %parallel_loop3A_314 : i32 to index
        %parallel_loop3A_316 = arith.constant 0 : index
        %parallel_loop3A_317 = tpu.vector_load %arg7[%parallel_loop3A_315, %parallel_loop3A_316] {strides = array<i32>} : memref<1024x16xf32, #tpu.memory_space<vmem>>, vector<16xf32>,
        tpu.vector_store %arg7[%parallel_loop3A_315, %parallel_loop3A_316], %broadcast_in_dim3A_35 {strides = array<i32>} : memref<1024x16xf32, #tpu.memory_space<vmem>>, vector<16xf32>,
        %parallel_loop3A_318 = arith.constant 10 : i32
        %parallel_loop3A_319 = arith.addi %parallel_loop3A_267, %parallel_loop3A_318 : i32
        %parallel_loop3A_320 = arith.index_cast %parallel_loop3A_319 : i32 to index
        %parallel_loop3A_321 = arith.constant 0 : index
        %parallel_loop3A_322 = tpu.vector_load %arg7[%parallel_loop3A_320, %parallel_loop3A_321] {strides = array<i32>} : memref<1024x16xf32, #tpu.memory_space<vmem>>, vector<16xf32>,
        tpu.vector_store %arg7[%parallel_loop3A_320, %parallel_loop3A_321], %broadcast_in_dim3A_35 {strides = array<i32>} : memref<1024x16xf32, #tpu.memory_space<vmem>>, vector<16xf32>,
        %parallel_loop3A_323 = arith.constant 11 : i32
        %parallel_loop3A_324 = arith.addi %parallel_loop3A_267, %parallel_loop3A_323 : i32
        %parallel_loop3A_325 = arith.index_cast %parallel_loop3A_324 : i32 to index
        %parallel_loop3A_326 = arith.constant 0 : index
        %parallel_loop3A_327 = tpu.vector_load %arg7[%parallel_loop3A_325, %parallel_loop3A_326] {strides = array<i32>} : memref<1024x16xf32, #tpu.memory_space<vmem>>, vector<16xf32>,
        tpu.vector_store %arg7[%parallel_loop3A_325, %parallel_loop3A_326], %broadcast_in_dim3A_35 {strides = array<i32>} : memref<1024x16xf32, #tpu.memory_space<vmem>>, vector<16xf32>,
        %parallel_loop3A_328 = arith.constant 12 : i32
        %parallel_loop3A_329 = arith.addi %parallel_loop3A_267, %parallel_loop3A_328 : i32
        %parallel_loop3A_330 = arith.index_cast %parallel_loop3A_329 : i32 to index
        %parallel_loop3A_331 = arith.constant 0 : index
        %parallel_loop3A_332 = tpu.vector_load %arg7[%parallel_loop3A_330, %parallel_loop3A_331] {strides = array<i32>} : memref<1024x16xf32, #tpu.memory_space<vmem>>, vector<16xf32>,
        tpu.vector_store %arg7[%parallel_loop3A_330, %parallel_loop3A_331], %broadcast_in_dim3A_35 {strides = array<i32>} : memref<1024x16xf32, #tpu.memory_space<vmem>>, vector<16xf32>,
        %parallel_loop3A_333 = arith.constant 13 : i32
        %parallel_loop3A_334 = arith.addi %parallel_loop3A_267, %parallel_loop3A_333 : i32
        %parallel_loop3A_335 = arith.index_cast %parallel_loop3A_334 : i32 to index
        %parallel_loop3A_336 = arith.constant 0 : index
        %parallel_loop3A_337 = tpu.vector_load %arg7[%parallel_loop3A_335, %parallel_loop3A_336] {strides = array<i32>} : memref<1024x16xf32, #tpu.memory_space<vmem>>, vector<16xf32>,
        tpu.vector_store %arg7[%parallel_loop3A_335, %parallel_loop3A_336], %broadcast_in_dim3A_35 {strides = array<i32>} : memref<1024x16xf32, #tpu.memory_space<vmem>>, vector<16xf32>,
        %parallel_loop3A_338 = arith.constant 14 : i32
        %parallel_loop3A_339 = arith.addi %parallel_loop3A_267, %parallel_loop3A_338 : i32
        %parallel_loop3A_340 = arith.index_cast %parallel_loop3A_339 : i32 to index
        %parallel_loop3A_341 = arith.constant 0 : index
        %parallel_loop3A_342 = tpu.vector_load %arg7[%parallel_loop3A_340, %parallel_loop3A_341] {strides = array<i32>} : memref<1024x16xf32, #tpu.memory_space<vmem>>, vector<16xf32>,
        tpu.vector_store %arg7[%parallel_loop3A_340, %parallel_loop3A_341], %broadcast_in_dim3A_35 {strides = array<i32>} : memref<1024x16xf32, #tpu.memory_space<vmem>>, vector<16xf32>,
        %parallel_loop3A_343 = arith.constant 15 : i32
        %parallel_loop3A_344 = arith.addi %parallel_loop3A_267, %parallel_loop3A_343 : i32
        %parallel_loop3A_345 = arith.index_cast %parallel_loop3A_344 : i32 to index
        %parallel_loop3A_346 = arith.constant 0 : index
        %parallel_loop3A_347 = tpu.vector_load %arg7[%parallel_loop3A_345, %parallel_loop3A_346] {strides = array<i32>} : memref<1024x16xf32, #tpu.memory_space<vmem>>, vector<16xf32>,
        tpu.vector_store %arg7[%parallel_loop3A_345, %parallel_loop3A_346], %broadcast_in_dim3A_35 {strides = array<i32>} : memref<1024x16xf32, #tpu.memory_space<vmem>>, vector<16xf32>,
      } {sc.loop_unroll_factor = 1 : i64, sc.parallel_access}
    } else {
    }
    %add3A_64 = arith.constant 1024 : i32
    %add3A_65 = arith.addi %mul3A_32, %add3A_64 : i32
    %dma_start3A_66 = arith.constant 1 : i32
    %dma_start3A_67 = arith.constant 0 : i32
    %dma_start3A_68 = arith.constant 0 : i32
    %dma_start3A_69 = tpu.memref_slice %arg8[%dma_start3A_66, %dma_start3A_67, %dma_start3A_68] : memref<2x1024x32xf32, #tpu.memory_space<vmem>> -> memref<1x1024x32xf32, #tpu.memory_space<vmem>>
    %dma_start3A_70 = tpu.memref_squeeze %dma_start3A_69 : memref<1x1024x32xf32, #tpu.memory_space<vmem>> -> memref<1024x32xf32, #tpu.memory_space<vmem>>
    %dma_start3A_71 = tpu.memref_slice %arg2[%add3A_65, %mul3A_34] : memref<16384x256xf32, #tpu.memory_space<hbm>> -> memref<1024x32xf32, #tpu.memory_space<hbm>>
    %dma_start3A_72 = arith.constant 0 : i32
    %dma_start3A_73 = arith.constant 0 : i32
    %dma_start3A_74 = tpu.memref_slice %arg8[%dma_start3A_66, %dma_start3A_72, %dma_start3A_73] : memref<2x1024x32xf32, #tpu.memory_space<vmem>> -> memref<1x1024x32xf32, #tpu.memory_space<vmem>>
    %dma_start3A_75 = tpu.memref_squeeze %dma_start3A_74 : memref<1x1024x32xf32, #tpu.memory_space<vmem>> -> memref<1024x32xf32, #tpu.memory_space<vmem>>
    %dma_start3A_76 = tpu.memref_slice %arg2[%add3A_65, %mul3A_34] : memref<16384x256xf32, #tpu.memory_space<hbm>> -> memref<1024x32xf32, #tpu.memory_space<hbm>>
    tpu.enqueue_dma source(%dma_start3A_76 : memref<1024x32xf32, #tpu.memory_space<hbm>>) target(%dma_start3A_75 : memref<1024x32xf32, #tpu.memory_space<vmem>>) target_semaphore(%arg10 : memref<!tpu.dma_semaphore, #tpu.memory_space<semaphore_mem>>)
    %add3A_77 = arith.constant 1024 : i32
    %add3A_78 = arith.addi %mul3A_32, %add3A_77 : i32
    %dma_start3A_79 = arith.constant 1 : i32
    %dma_start3A_80 = arith.constant 0 : i32
    %dma_start3A_81 = tpu.memref_slice %arg9[%dma_start3A_79, %dma_start3A_80] : memref<2x1024xi32, #tpu.memory_space<vmem>> -> memref<1x1024xi32, #tpu.memory_space<vmem>>
    %dma_start3A_82 = tpu.memref_squeeze %dma_start3A_81 : memref<1x1024xi32, #tpu.memory_space<vmem>> -> memref<1024xi32, #tpu.memory_space<vmem>>
    %dma_start3A_83 = tpu.memref_slice %arg3[%add3A_78] : memref<16384xi32, #tpu.memory_space<hbm>> -> memref<1024xi32, #tpu.memory_space<hbm>>
    %dma_start3A_84 = arith.constant 0 : i32
    %dma_start3A_85 = tpu.memref_slice %arg9[%dma_start3A_79, %dma_start3A_84] : memref<2x1024xi32, #tpu.memory_space<vmem>> -> memref<1x1024xi32, #tpu.memory_space<vmem>>
    %dma_start3A_86 = tpu.memref_squeeze %dma_start3A_85 : memref<1x1024xi32, #tpu.memory_space<vmem>> -> memref<1024xi32, #tpu.memory_space<vmem>>
    %dma_start3A_87 = tpu.memref_slice %arg3[%add3A_78] : memref<16384xi32, #tpu.memory_space<hbm>> -> memref<1024xi32, #tpu.memory_space<hbm>>
    tpu.enqueue_dma source(%dma_start3A_87 : memref<1024xi32, #tpu.memory_space<hbm>>) target(%dma_start3A_86 : memref<1024xi32, #tpu.memory_space<vmem>>) target_semaphore(%arg11 : memref<!tpu.dma_semaphore, #tpu.memory_space<semaphore_mem>>)
    %dma_wait3A = arith.constant 0 : i32
    %dma_wait3A_88 = arith.constant 0 : i32
    %dma_wait3A_89 = arith.constant 0 : i32
    %dma_wait3A_90 = tpu.memref_slice %arg8[%dma_wait3A, %dma_wait3A_88, %dma_wait3A_89] : memref<2x1024x32xf32, #tpu.memory_space<vmem>> -> memref<1x1024x32xf32, #tpu.memory_space<vmem>>
    %dma_wait3A_91 = tpu.memref_squeeze %dma_wait3A_90 : memref<1x1024x32xf32, #tpu.memory_space<vmem>> -> memref<1024x32xf32, #tpu.memory_space<vmem>>
    %dma_wait3A_92 = tpu.memref_slice %arg2[%mul3A_32, %mul3A_34] : memref<16384x256xf32, #tpu.memory_space<hbm>> -> memref<1024x32xf32, #tpu.memory_space<hbm>>
    %dma_wait3A_93 = arith.constant 0 : i32
    %dma_wait3A_94 = arith.constant 0 : i32
    %dma_wait3A_95 = tpu.memref_slice %arg8[%dma_wait3A, %dma_wait3A_93, %dma_wait3A_94] : memref<2x1024x32xf32, #tpu.memory_space<vmem>> -> memref<1x1024x32xf32, #tpu.memory_space<vmem>>
    %dma_wait3A_96 = tpu.memref_squeeze %dma_wait3A_95 : memref<1x1024x32xf32, #tpu.memory_space<vmem>> -> memref<1024x32xf32, #tpu.memory_space<vmem>>
    %dma_wait3A_97 = tpu.memref_slice %arg2[%mul3A_32, %mul3A_34] : memref<16384x256xf32, #tpu.memory_space<hbm>> -> memref<1024x32xf32, #tpu.memory_space<hbm>>
    tpu.wait_dma2 semaphore(%arg10 : memref<!tpu.dma_semaphore, #tpu.memory_space<semaphore_mem>>) src(%dma_wait3A_97 : memref<1024x32xf32, #tpu.memory_space<hbm>>) dst(%dma_wait3A_96 : memref<1024x32xf32, #tpu.memory_space<vmem>>)
    %dma_wait3A_98 = arith.constant 0 : i32
    %dma_wait3A_99 = arith.constant 0 : i32
    %dma_wait3A_100 = tpu.memref_slice %arg9[%dma_wait3A_98, %dma_wait3A_99] : memref<2x1024xi32, #tpu.memory_space<vmem>> -> memref<1x1024xi32, #tpu.memory_space<vmem>>
    %dma_wait3A_101 = tpu.memref_squeeze %dma_wait3A_100 : memref<1x1024xi32, #tpu.memory_space<vmem>> -> memref<1024xi32, #tpu.memory_space<vmem>>
    %dma_wait3A_102 = tpu.memref_slice %arg3[%mul3A_32] : memref<16384xi32, #tpu.memory_space<hbm>> -> memref<1024xi32, #tpu.memory_space<hbm>>
    %dma_wait3A_103 = arith.constant 0 : i32
    %dma_wait3A_104 = tpu.memref_slice %arg9[%dma_wait3A_98, %dma_wait3A_103] : memref<2x1024xi32, #tpu.memory_space<vmem>> -> memref<1x1024xi32, #tpu.memory_space<vmem>>
    %dma_wait3A_105 = tpu.memref_squeeze %dma_wait3A_104 : memref<1x1024xi32, #tpu.memory_space<vmem>> -> memref<1024xi32, #tpu.memory_space<vmem>>
    %dma_wait3A_106 = tpu.memref_slice %arg3[%mul3A_32] : memref<16384xi32, #tpu.memory_space<hbm>> -> memref<1024xi32, #tpu.memory_space<hbm>>
    tpu.wait_dma2 semaphore(%arg11 : memref<!tpu.dma_semaphore, #tpu.memory_space<semaphore_mem>>) src(%dma_wait3A_106 : memref<1024xi32, #tpu.memory_space<hbm>>) dst(%dma_wait3A_105 : memref<1024xi32, #tpu.memory_space<vmem>>)
    %iota3A_107 = tpu.iota {dimensions = array<i32: 0>} : vector<16xi32>
    %add3A_108 = arith.constant 0 : i32
    %add3A_109 = vector.broadcast %add3A_108 : i32 to vector<16xi32>
    %add3A_110 = arith.addi %iota3A_107, %add3A_109 : vector<16xi32>
    %iota3A_111 = tpu.iota {dimensions = array<i32: 0>} : vector<16xi32>
    %add3A_112 = arith.constant 16 : i32
    %add3A_113 = vector.broadcast %add3A_112 : i32 to vector<16xi32>
    %add3A_114 = arith.addi %iota3A_111, %add3A_113 : vector<16xi32>
    %parallel_loop3A_115 = arith.constant 0 : i32
    %parallel_loop3A_116 = arith.constant 64 : i32
    %parallel_loop3A_117 = arith.constant 1 : i32
    scf.for %parallel_loop3A_264 = %parallel_loop3A_115 to %parallel_loop3A_116 step %parallel_loop3A_117  : i32 {
      %parallel_loop3A_265 = arith.constant 16 : i32
      %parallel_loop3A_266 = arith.muli %parallel_loop3A_264, %parallel_loop3A_265 : i32
      %parallel_loop3A_267 = arith.constant 0 : i32
      %parallel_loop3A_268 = arith.addi %parallel_loop3A_266, %parallel_loop3A_267 : i32
      %parallel_loop3A_269 = vector.broadcast %parallel_loop3A_268 : i32 to vector<16xi32>
      %parallel_loop3A_270 = arith.constant 0 : i32
      %parallel_loop3A_271 = arith.constant 0 : i32
      %parallel_loop3A_272 = tpu.memref_slice %arg9[%parallel_loop3A_270, %parallel_loop3A_271] : memref<2x1024xi32, #tpu.memory_space<vmem>> -> memref<1x1024xi32, #tpu.memory_space<vmem>>
      %parallel_loop3A_273 = tpu.memref_squeeze %parallel_loop3A_272 : memref<1x1024xi32, #tpu.memory_space<vmem>> -> memref<1024xi32, #tpu.memory_space<vmem>>
      %parallel_loop3A_274 = tpu.vector_load_idx %parallel_loop3A_273[%parallel_loop3A_269] : memref<1024xi32, #tpu.memory_space<vmem>>[vector<16xi32>], vector<16xi32>,
      %parallel_loop3A_275 = arith.constant 1 : i32
      %parallel_loop3A_276 = arith.addi %parallel_loop3A_266, %parallel_loop3A_275 : i32
      %parallel_loop3A_277 = vector.broadcast %parallel_loop3A_276 : i32 to vector<16xi32>
      %parallel_loop3A_278 = arith.constant 0 : i32
      %parallel_loop3A_279 = arith.constant 0 : i32
      %parallel_loop3A_280 = tpu.memref_slice %arg9[%parallel_loop3A_278, %parallel_loop3A_279] : memref<2x1024xi32, #tpu.memory_space<vmem>> -> memref<1x1024xi32, #tpu.memory_space<vmem>>
      %parallel_loop3A_281 = tpu.memref_squeeze %parallel_loop3A_280 : memref<1x1024xi32, #tpu.memory_space<vmem>> -> memref<1024xi32, #tpu.memory_space<vmem>>
      %parallel_loop3A_282 = tpu.vector_load_idx %parallel_loop3A_281[%parallel_loop3A_277] : memref<1024xi32, #tpu.memory_space<vmem>>[vector<16xi32>], vector<16xi32>,
      %parallel_loop3A_283 = arith.constant 2 : i32
      %parallel_loop3A_284 = arith.addi %parallel_loop3A_266, %parallel_loop3A_283 : i32
      %parallel_loop3A_285 = vector.broadcast %parallel_loop3A_284 : i32 to vector<16xi32>
      %parallel_loop3A_286 = arith.constant 0 : i32
      %parallel_loop3A_287 = arith.constant 0 : i32
      %parallel_loop3A_288 = tpu.memref_slice %arg9[%parallel_loop3A_286, %parallel_loop3A_287] : memref<2x1024xi32, #tpu.memory_space<vmem>> -> memref<1x1024xi32, #tpu.memory_space<vmem>>
      %parallel_loop3A_289 = tpu.memref_squeeze %parallel_loop3A_288 : memref<1x1024xi32, #tpu.memory_space<vmem>> -> memref<1024xi32, #tpu.memory_space<vmem>>
      %parallel_loop3A_290 = tpu.vector_load_idx %parallel_loop3A_289[%parallel_loop3A_285] : memref<1024xi32, #tpu.memory_space<vmem>>[vector<16xi32>], vector<16xi32>,
      %parallel_loop3A_291 = arith.constant 3 : i32
      %parallel_loop3A_292 = arith.addi %parallel_loop3A_266, %parallel_loop3A_291 : i32
      %parallel_loop3A_293 = vector.broadcast %parallel_loop3A_292 : i32 to vector<16xi32>
      %parallel_loop3A_294 = arith.constant 0 : i32
      %parallel_loop3A_295 = arith.constant 0 : i32
      %parallel_loop3A_296 = tpu.memref_slice %arg9[%parallel_loop3A_294, %parallel_loop3A_295] : memref<2x1024xi32, #tpu.memory_space<vmem>> -> memref<1x1024xi32, #tpu.memory_space<vmem>>
      %parallel_loop3A_297 = tpu.memref_squeeze %parallel_loop3A_296 : memref<1x1024xi32, #tpu.memory_space<vmem>> -> memref<1024xi32, #tpu.memory_space<vmem>>
      %parallel_loop3A_298 = tpu.vector_load_idx %parallel_loop3A_297[%parallel_loop3A_293] : memref<1024xi32, #tpu.memory_space<vmem>>[vector<16xi32>], vector<16xi32>,
      %parallel_loop3A_299 = arith.constant 4 : i32
      %parallel_loop3A_300 = arith.addi %parallel_loop3A_266, %parallel_loop3A_299 : i32
      %parallel_loop3A_301 = vector.broadcast %parallel_loop3A_300 : i32 to vector<16xi32>
      %parallel_loop3A_302 = arith.constant 0 : i32
      %parallel_loop3A_303 = arith.constant 0 : i32
      %parallel_loop3A_304 = tpu.memref_slice %arg9[%parallel_loop3A_302, %parallel_loop3A_303] : memref<2x1024xi32, #tpu.memory_space<vmem>> -> memref<1x1024xi32, #tpu.memory_space<vmem>>
      %parallel_loop3A_305 = tpu.memref_squeeze %parallel_loop3A_304 : memref<1x1024xi32, #tpu.memory_space<vmem>> -> memref<1024xi32, #tpu.memory_space<vmem>>
      %parallel_loop3A_306 = tpu.vector_load_idx %parallel_loop3A_305[%parallel_loop3A_301] : memref<1024xi32, #tpu.memory_space<vmem>>[vector<16xi32>], vector<16xi32>,
      %parallel_loop3A_307 = arith.constant 5 : i32
      %parallel_loop3A_308 = arith.addi %parallel_loop3A_266, %parallel_loop3A_307 : i32
      %parallel_loop3A_309 = vector.broadcast %parallel_loop3A_308 : i32 to vector<16xi32>
      %parallel_loop3A_310 = arith.constant 0 : i32
      %parallel_loop3A_311 = arith.constant 0 : i32
      %parallel_loop3A_312 = tpu.memref_slice %arg9[%parallel_loop3A_310, %parallel_loop3A_311] : memref<2x1024xi32, #tpu.memory_space<vmem>> -> memref<1x1024xi32, #tpu.memory_space<vmem>>
      %parallel_loop3A_313 = tpu.memref_squeeze %parallel_loop3A_312 : memref<1x1024xi32, #tpu.memory_space<vmem>> -> memref<1024xi32, #tpu.memory_space<vmem>>
      %parallel_loop3A_314 = tpu.vector_load_idx %parallel_loop3A_313[%parallel_loop3A_309] : memref<1024xi32, #tpu.memory_space<vmem>>[vector<16xi32>], vector<16xi32>,
      %parallel_loop3A_315 = arith.constant 6 : i32
      %parallel_loop3A_316 = arith.addi %parallel_loop3A_266, %parallel_loop3A_315 : i32
      %parallel_loop3A_317 = vector.broadcast %parallel_loop3A_316 : i32 to vector<16xi32>
      %parallel_loop3A_318 = arith.constant 0 : i32
      %parallel_loop3A_319 = arith.constant 0 : i32
      %parallel_loop3A_320 = tpu.memref_slice %arg9[%parallel_loop3A_318, %parallel_loop3A_319] : memref<2x1024xi32, #tpu.memory_space<vmem>> -> memref<1x1024xi32, #tpu.memory_space<vmem>>
      %parallel_loop3A_321 = tpu.memref_squeeze %parallel_loop3A_320 : memref<1x1024xi32, #tpu.memory_space<vmem>> -> memref<1024xi32, #tpu.memory_space<vmem>>
      %parallel_loop3A_322 = tpu.vector_load_idx %parallel_loop3A_321[%parallel_loop3A_317] : memref<1024xi32, #tpu.memory_space<vmem>>[vector<16xi32>], vector<16xi32>,
      %parallel_loop3A_323 = arith.constant 7 : i32
      %parallel_loop3A_324 = arith.addi %parallel_loop3A_266, %parallel_loop3A_323 : i32
      %parallel_loop3A_325 = vector.broadcast %parallel_loop3A_324 : i32 to vector<16xi32>
      %parallel_loop3A_326 = arith.constant 0 : i32
      %parallel_loop3A_327 = arith.constant 0 : i32
      %parallel_loop3A_328 = tpu.memref_slice %arg9[%parallel_loop3A_326, %parallel_loop3A_327] : memref<2x1024xi32, #tpu.memory_space<vmem>> -> memref<1x1024xi32, #tpu.memory_space<vmem>>
      %parallel_loop3A_329 = tpu.memref_squeeze %parallel_loop3A_328 : memref<1x1024xi32, #tpu.memory_space<vmem>> -> memref<1024xi32, #tpu.memory_space<vmem>>
      %parallel_loop3A_330 = tpu.vector_load_idx %parallel_loop3A_329[%parallel_loop3A_325] : memref<1024xi32, #tpu.memory_space<vmem>>[vector<16xi32>], vector<16xi32>,
      %parallel_loop3A_331 = arith.constant 8 : i32
      %parallel_loop3A_332 = arith.addi %parallel_loop3A_266, %parallel_loop3A_331 : i32
      %parallel_loop3A_333 = vector.broadcast %parallel_loop3A_332 : i32 to vector<16xi32>
      %parallel_loop3A_334 = arith.constant 0 : i32
      %parallel_loop3A_335 = arith.constant 0 : i32
      %parallel_loop3A_336 = tpu.memref_slice %arg9[%parallel_loop3A_334, %parallel_loop3A_335] : memref<2x1024xi32, #tpu.memory_space<vmem>> -> memref<1x1024xi32, #tpu.memory_space<vmem>>
      %parallel_loop3A_337 = tpu.memref_squeeze %parallel_loop3A_336 : memref<1x1024xi32, #tpu.memory_space<vmem>> -> memref<1024xi32, #tpu.memory_space<vmem>>
      %parallel_loop3A_338 = tpu.vector_load_idx %parallel_loop3A_337[%parallel_loop3A_333] : memref<1024xi32, #tpu.memory_space<vmem>>[vector<16xi32>], vector<16xi32>,
      %parallel_loop3A_339 = arith.constant 9 : i32
      %parallel_loop3A_340 = arith.addi %parallel_loop3A_266, %parallel_loop3A_339 : i32
      %parallel_loop3A_341 = vector.broadcast %parallel_loop3A_340 : i32 to vector<16xi32>
      %parallel_loop3A_342 = arith.constant 0 : i32
      %parallel_loop3A_343 = arith.constant 0 : i32
      %parallel_loop3A_344 = tpu.memref_slice %arg9[%parallel_loop3A_342, %parallel_loop3A_343] : memref<2x1024xi32, #tpu.memory_space<vmem>> -> memref<1x1024xi32, #tpu.memory_space<vmem>>
      %parallel_loop3A_345 = tpu.memref_squeeze %parallel_loop3A_344 : memref<1x1024xi32, #tpu.memory_space<vmem>> -> memref<1024xi32, #tpu.memory_space<vmem>>
      %parallel_loop3A_346 = tpu.vector_load_idx %parallel_loop3A_345[%parallel_loop3A_341] : memref<1024xi32, #tpu.memory_space<vmem>>[vector<16xi32>], vector<16xi32>,
      %parallel_loop3A_347 = arith.constant 10 : i32
      %parallel_loop3A_348 = arith.addi %parallel_loop3A_266, %parallel_loop3A_347 : i32
      %parallel_loop3A_349 = vector.broadcast %parallel_loop3A_348 : i32 to vector<16xi32>
      %parallel_loop3A_350 = arith.constant 0 : i32
      %parallel_loop3A_351 = arith.constant 0 : i32
      %parallel_loop3A_352 = tpu.memref_slice %arg9[%parallel_loop3A_350, %parallel_loop3A_351] : memref<2x1024xi32, #tpu.memory_space<vmem>> -> memref<1x1024xi32, #tpu.memory_space<vmem>>
      %parallel_loop3A_353 = tpu.memref_squeeze %parallel_loop3A_352 : memref<1x1024xi32, #tpu.memory_space<vmem>> -> memref<1024xi32, #tpu.memory_space<vmem>>
      %parallel_loop3A_354 = tpu.vector_load_idx %parallel_loop3A_353[%parallel_loop3A_349] : memref<1024xi32, #tpu.memory_space<vmem>>[vector<16xi32>], vector<16xi32>,
      %parallel_loop3A_355 = arith.constant 11 : i32
      %parallel_loop3A_356 = arith.addi %parallel_loop3A_266, %parallel_loop3A_355 : i32
      %parallel_loop3A_357 = vector.broadcast %parallel_loop3A_356 : i32 to vector<16xi32>
      %parallel_loop3A_358 = arith.constant 0 : i32
      %parallel_loop3A_359 = arith.constant 0 : i32
      %parallel_loop3A_360 = tpu.memref_slice %arg9[%parallel_loop3A_358, %parallel_loop3A_359] : memref<2x1024xi32, #tpu.memory_space<vmem>> -> memref<1x1024xi32, #tpu.memory_space<vmem>>
      %parallel_loop3A_361 = tpu.memref_squeeze %parallel_loop3A_360 : memref<1x1024xi32, #tpu.memory_space<vmem>> -> memref<1024xi32, #tpu.memory_space<vmem>>
      %parallel_loop3A_362 = tpu.vector_load_idx %parallel_loop3A_361[%parallel_loop3A_357] : memref<1024xi32, #tpu.memory_space<vmem>>[vector<16xi32>], vector<16xi32>,
      %parallel_loop3A_363 = arith.constant 12 : i32
      %parallel_loop3A_364 = arith.addi %parallel_loop3A_266, %parallel_loop3A_363 : i32
      %parallel_loop3A_365 = vector.broadcast %parallel_loop3A_364 : i32 to vector<16xi32>
      %parallel_loop3A_366 = arith.constant 0 : i32
      %parallel_loop3A_367 = arith.constant 0 : i32
      %parallel_loop3A_368 = tpu.memref_slice %arg9[%parallel_loop3A_366, %parallel_loop3A_367] : memref<2x1024xi32, #tpu.memory_space<vmem>> -> memref<1x1024xi32, #tpu.memory_space<vmem>>
      %parallel_loop3A_369 = tpu.memref_squeeze %parallel_loop3A_368 : memref<1x1024xi32, #tpu.memory_space<vmem>> -> memref<1024xi32, #tpu.memory_space<vmem>>
      %parallel_loop3A_370 = tpu.vector_load_idx %parallel_loop3A_369[%parallel_loop3A_365] : memref<1024xi32, #tpu.memory_space<vmem>>[vector<16xi32>], vector<16xi32>,
      %parallel_loop3A_371 = arith.constant 13 : i32
      %parallel_loop3A_372 = arith.addi %parallel_loop3A_266, %parallel_loop3A_371 : i32
      %parallel_loop3A_373 = vector.broadcast %parallel_loop3A_372 : i32 to vector<16xi32>
      %parallel_loop3A_374 = arith.constant 0 : i32
      %parallel_loop3A_375 = arith.constant 0 : i32
      %parallel_loop3A_376 = tpu.memref_slice %arg9[%parallel_loop3A_374, %parallel_loop3A_375] : memref<2x1024xi32, #tpu.memory_space<vmem>> -> memref<1x1024xi32, #tpu.memory_space<vmem>>
      %parallel_loop3A_377 = tpu.memref_squeeze %parallel_loop3A_376 : memref<1x1024xi32, #tpu.memory_space<vmem>> -> memref<1024xi32, #tpu.memory_space<vmem>>
      %parallel_loop3A_378 = tpu.vector_load_idx %parallel_loop3A_377[%parallel_loop3A_373] : memref<1024xi32, #tpu.memory_space<vmem>>[vector<16xi32>], vector<16xi32>,
      %parallel_loop3A_379 = arith.constant 14 : i32
      %parallel_loop3A_380 = arith.addi %parallel_loop3A_266, %parallel_loop3A_379 : i32
      %parallel_loop3A_381 = vector.broadcast %parallel_loop3A_380 : i32 to vector<16xi32>
      %parallel_loop3A_382 = arith.constant 0 : i32
      %parallel_loop3A_383 = arith.constant 0 : i32
      %parallel_loop3A_384 = tpu.memref_slice %arg9[%parallel_loop3A_382, %parallel_loop3A_383] : memref<2x1024xi32, #tpu.memory_space<vmem>> -> memref<1x1024xi32, #tpu.memory_space<vmem>>
      %parallel_loop3A_385 = tpu.memref_squeeze %parallel_loop3A_384 : memref<1x1024xi32, #tpu.memory_space<vmem>> -> memref<1024xi32, #tpu.memory_space<vmem>>
      %parallel_loop3A_386 = tpu.vector_load_idx %parallel_loop3A_385[%parallel_loop3A_381] : memref<1024xi32, #tpu.memory_space<vmem>>[vector<16xi32>], vector<16xi32>,
      %parallel_loop3A_387 = arith.constant 15 : i32
      %parallel_loop3A_388 = arith.addi %parallel_loop3A_266, %parallel_loop3A_387 : i32
      %parallel_loop3A_389 = vector.broadcast %parallel_loop3A_388 : i32 to vector<16xi32>
      %parallel_loop3A_390 = arith.constant 0 : i32
      %parallel_loop3A_391 = arith.constant 0 : i32
      %parallel_loop3A_392 = tpu.memref_slice %arg9[%parallel_loop3A_390, %parallel_loop3A_391] : memref<2x1024xi32, #tpu.memory_space<vmem>> -> memref<1x1024xi32, #tpu.memory_space<vmem>>
      %parallel_loop3A_393 = tpu.memref_squeeze %parallel_loop3A_392 : memref<1x1024xi32, #tpu.memory_space<vmem>> -> memref<1024xi32, #tpu.memory_space<vmem>>
      %parallel_loop3A_394 = tpu.vector_load_idx %parallel_loop3A_393[%parallel_loop3A_389] : memref<1024xi32, #tpu.memory_space<vmem>>[vector<16xi32>], vector<16xi32>,
      %parallel_loop3A_395 = arith.constant 0 : i32
      %parallel_loop3A_396 = arith.addi %parallel_loop3A_266, %parallel_loop3A_395 : i32
      %parallel_loop3A_397 = arith.constant 0 : i32
      %parallel_loop3A_398 = arith.index_cast %parallel_loop3A_397 : i32 to index
      %parallel_loop3A_399 = arith.index_cast %parallel_loop3A_396 : i32 to index
      %parallel_loop3A_400 = arith.constant 0 : index
      %parallel_loop3A_401 = tpu.vector_load %arg8[%parallel_loop3A_398, %parallel_loop3A_399, %parallel_loop3A_400] {strides = array<i32>} : memref<2x1024x32xf32, #tpu.memory_space<vmem>>, vector<16xf32>,
      tpu.vector_store_idx %arg6[%parallel_loop3A_274, %add3A_110], %parallel_loop3A_401 {add = true} : memref<1024x32xf32, #tpu.memory_space<vmem>>[vector<16xi32>, vector<16xi32>], vector<16xf32>,
      %parallel_loop3A_402 = arith.constant 0 : i32
      %parallel_loop3A_403 = arith.addi %parallel_loop3A_266, %parallel_loop3A_402 : i32
      %parallel_loop3A_404 = arith.constant 0 : i32
      %parallel_loop3A_405 = arith.index_cast %parallel_loop3A_404 : i32 to index
      %parallel_loop3A_406 = arith.index_cast %parallel_loop3A_403 : i32 to index
      %parallel_loop3A_407 = arith.constant 16 : index
      %parallel_loop3A_408 = tpu.vector_load %arg8[%parallel_loop3A_405, %parallel_loop3A_406, %parallel_loop3A_407] {strides = array<i32>} : memref<2x1024x32xf32, #tpu.memory_space<vmem>>, vector<16xf32>,
      tpu.vector_store_idx %arg6[%parallel_loop3A_274, %add3A_114], %parallel_loop3A_408 {add = true} : memref<1024x32xf32, #tpu.memory_space<vmem>>[vector<16xi32>, vector<16xi32>], vector<16xf32>,
      %parallel_loop3A_409 = arith.constant 1 : i32
      %parallel_loop3A_410 = arith.addi %parallel_loop3A_266, %parallel_loop3A_409 : i32
      %parallel_loop3A_411 = arith.constant 0 : i32
      %parallel_loop3A_412 = arith.index_cast %parallel_loop3A_411 : i32 to index
      %parallel_loop3A_413 = arith.index_cast %parallel_loop3A_410 : i32 to index
      %parallel_loop3A_414 = arith.constant 0 : index
      %parallel_loop3A_415 = tpu.vector_load %arg8[%parallel_loop3A_412, %parallel_loop3A_413, %parallel_loop3A_414] {strides = array<i32>} : memref<2x1024x32xf32, #tpu.memory_space<vmem>>, vector<16xf32>,
      tpu.vector_store_idx %arg6[%parallel_loop3A_282, %add3A_110], %parallel_loop3A_415 {add = true} : memref<1024x32xf32, #tpu.memory_space<vmem>>[vector<16xi32>, vector<16xi32>], vector<16xf32>,
      %parallel_loop3A_416 = arith.constant 1 : i32
      %parallel_loop3A_417 = arith.addi %parallel_loop3A_266, %parallel_loop3A_416 : i32
      %parallel_loop3A_418 = arith.constant 0 : i32
      %parallel_loop3A_419 = arith.index_cast %parallel_loop3A_418 : i32 to index
      %parallel_loop3A_420 = arith.index_cast %parallel_loop3A_417 : i32 to index
      %parallel_loop3A_421 = arith.constant 16 : index
      %parallel_loop3A_422 = tpu.vector_load %arg8[%parallel_loop3A_419, %parallel_loop3A_420, %parallel_loop3A_421] {strides = array<i32>} : memref<2x1024x32xf32, #tpu.memory_space<vmem>>, vector<16xf32>,
      tpu.vector_store_idx %arg6[%parallel_loop3A_282, %add3A_114], %parallel_loop3A_422 {add = true} : memref<1024x32xf32, #tpu.memory_space<vmem>>[vector<16xi32>, vector<16xi32>], vector<16xf32>,
      %parallel_loop3A_423 = arith.constant 2 : i32
      %parallel_loop3A_424 = arith.addi %parallel_loop3A_266, %parallel_loop3A_423 : i32
      %parallel_loop3A_425 = arith.constant 0 : i32
      %parallel_loop3A_426 = arith.index_cast %parallel_loop3A_425 : i32 to index
      %parallel_loop3A_427 = arith.index_cast %parallel_loop3A_424 : i32 to index
      %parallel_loop3A_428 = arith.constant 0 : index
      %parallel_loop3A_429 = tpu.vector_load %arg8[%parallel_loop3A_426, %parallel_loop3A_427, %parallel_loop3A_428] {strides = array<i32>} : memref<2x1024x32xf32, #tpu.memory_space<vmem>>, vector<16xf32>,
      tpu.vector_store_idx %arg6[%parallel_loop3A_290, %add3A_110], %parallel_loop3A_429 {add = true} : memref<1024x32xf32, #tpu.memory_space<vmem>>[vector<16xi32>, vector<16xi32>], vector<16xf32>,
      %parallel_loop3A_430 = arith.constant 2 : i32
      %parallel_loop3A_431 = arith.addi %parallel_loop3A_266, %parallel_loop3A_430 : i32
      %parallel_loop3A_432 = arith.constant 0 : i32
      %parallel_loop3A_433 = arith.index_cast %parallel_loop3A_432 : i32 to index
      %parallel_loop3A_434 = arith.index_cast %parallel_loop3A_431 : i32 to index
      %parallel_loop3A_435 = arith.constant 16 : index
      %parallel_loop3A_436 = tpu.vector_load %arg8[%parallel_loop3A_433, %parallel_loop3A_434, %parallel_loop3A_435] {strides = array<i32>} : memref<2x1024x32xf32, #tpu.memory_space<vmem>>, vector<16xf32>,
      tpu.vector_store_idx %arg6[%parallel_loop3A_290, %add3A_114], %parallel_loop3A_436 {add = true} : memref<1024x32xf32, #tpu.memory_space<vmem>>[vector<16xi32>, vector<16xi32>], vector<16xf32>,
      %parallel_loop3A_437 = arith.constant 3 : i32
      %parallel_loop3A_438 = arith.addi %parallel_loop3A_266, %parallel_loop3A_437 : i32
      %parallel_loop3A_439 = arith.constant 0 : i32
      %parallel_loop3A_440 = arith.index_cast %parallel_loop3A_439 : i32 to index
      %parallel_loop3A_441 = arith.index_cast %parallel_loop3A_438 : i32 to index
      %parallel_loop3A_442 = arith.constant 0 : index
      %parallel_loop3A_443 = tpu.vector_load %arg8[%parallel_loop3A_440, %parallel_loop3A_441, %parallel_loop3A_442] {strides = array<i32>} : memref<2x1024x32xf32, #tpu.memory_space<vmem>>, vector<16xf32>,
      tpu.vector_store_idx %arg6[%parallel_loop3A_298, %add3A_110], %parallel_loop3A_443 {add = true} : memref<1024x32xf32, #tpu.memory_space<vmem>>[vector<16xi32>, vector<16xi32>], vector<16xf32>,
      %parallel_loop3A_444 = arith.constant 3 : i32
      %parallel_loop3A_445 = arith.addi %parallel_loop3A_266, %parallel_loop3A_444 : i32
      %parallel_loop3A_446 = arith.constant 0 : i32
      %parallel_loop3A_447 = arith.index_cast %parallel_loop3A_446 : i32 to index
      %parallel_loop3A_448 = arith.index_cast %parallel_loop3A_445 : i32 to index
      %parallel_loop3A_449 = arith.constant 16 : index
      %parallel_loop3A_450 = tpu.vector_load %arg8[%parallel_loop3A_447, %parallel_loop3A_448, %parallel_loop3A_449] {strides = array<i32>} : memref<2x1024x32xf32, #tpu.memory_space<vmem>>, vector<16xf32>,
      tpu.vector_store_idx %arg6[%parallel_loop3A_298, %add3A_114], %parallel_loop3A_450 {add = true} : memref<1024x32xf32, #tpu.memory_space<vmem>>[vector<16xi32>, vector<16xi32>], vector<16xf32>,
      %parallel_loop3A_451 = arith.constant 4 : i32
      %parallel_loop3A_452 = arith.addi %parallel_loop3A_266, %parallel_loop3A_451 : i32
      %parallel_loop3A_453 = arith.constant 0 : i32
      %parallel_loop3A_454 = arith.index_cast %parallel_loop3A_453 : i32 to index
      %parallel_loop3A_455 = arith.index_cast %parallel_loop3A_452 : i32 to index
      %parallel_loop3A_456 = arith.constant 0 : index
      %parallel_loop3A_457 = tpu.vector_load %arg8[%parallel_loop3A_454, %parallel_loop3A_455, %parallel_loop3A_456] {strides = array<i32>} : memref<2x1024x32xf32, #tpu.memory_space<vmem>>, vector<16xf32>,
      tpu.vector_store_idx %arg6[%parallel_loop3A_306, %add3A_110], %parallel_loop3A_457 {add = true} : memref<1024x32xf32, #tpu.memory_space<vmem>>[vector<16xi32>, vector<16xi32>], vector<16xf32>,
      %parallel_loop3A_458 = arith.constant 4 : i32
      %parallel_loop3A_459 = arith.addi %parallel_loop3A_266, %parallel_loop3A_458 : i32
      %parallel_loop3A_460 = arith.constant 0 : i32
      %parallel_loop3A_461 = arith.index_cast %parallel_loop3A_460 : i32 to index
      %parallel_loop3A_462 = arith.index_cast %parallel_loop3A_459 : i32 to index
      %parallel_loop3A_463 = arith.constant 16 : index
      %parallel_loop3A_464 = tpu.vector_load %arg8[%parallel_loop3A_461, %parallel_loop3A_462, %parallel_loop3A_463] {strides = array<i32>} : memref<2x1024x32xf32, #tpu.memory_space<vmem>>, vector<16xf32>,
      tpu.vector_store_idx %arg6[%parallel_loop3A_306, %add3A_114], %parallel_loop3A_464 {add = true} : memref<1024x32xf32, #tpu.memory_space<vmem>>[vector<16xi32>, vector<16xi32>], vector<16xf32>,
      %parallel_loop3A_465 = arith.constant 5 : i32
      %parallel_loop3A_466 = arith.addi %parallel_loop3A_266, %parallel_loop3A_465 : i32
      %parallel_loop3A_467 = arith.constant 0 : i32
      %parallel_loop3A_468 = arith.index_cast %parallel_loop3A_467 : i32 to index
      %parallel_loop3A_469 = arith.index_cast %parallel_loop3A_466 : i32 to index
      %parallel_loop3A_470 = arith.constant 0 : index
      %parallel_loop3A_471 = tpu.vector_load %arg8[%parallel_loop3A_468, %parallel_loop3A_469, %parallel_loop3A_470] {strides = array<i32>} : memref<2x1024x32xf32, #tpu.memory_space<vmem>>, vector<16xf32>,
      tpu.vector_store_idx %arg6[%parallel_loop3A_314, %add3A_110], %parallel_loop3A_471 {add = true} : memref<1024x32xf32, #tpu.memory_space<vmem>>[vector<16xi32>, vector<16xi32>], vector<16xf32>,
      %parallel_loop3A_472 = arith.constant 5 : i32
      %parallel_loop3A_473 = arith.addi %parallel_loop3A_266, %parallel_loop3A_472 : i32
      %parallel_loop3A_474 = arith.constant 0 : i32
      %parallel_loop3A_475 = arith.index_cast %parallel_loop3A_474 : i32 to index
      %parallel_loop3A_476 = arith.index_cast %parallel_loop3A_473 : i32 to index
      %parallel_loop3A_477 = arith.constant 16 : index
      %parallel_loop3A_478 = tpu.vector_load %arg8[%parallel_loop3A_475, %parallel_loop3A_476, %parallel_loop3A_477] {strides = array<i32>} : memref<2x1024x32xf32, #tpu.memory_space<vmem>>, vector<16xf32>,
      tpu.vector_store_idx %arg6[%parallel_loop3A_314, %add3A_114], %parallel_loop3A_478 {add = true} : memref<1024x32xf32, #tpu.memory_space<vmem>>[vector<16xi32>, vector<16xi32>], vector<16xf32>,
      %parallel_loop3A_479 = arith.constant 6 : i32
      %parallel_loop3A_480 = arith.addi %parallel_loop3A_266, %parallel_loop3A_479 : i32
      %parallel_loop3A_481 = arith.constant 0 : i32
      %parallel_loop3A_482 = arith.index_cast %parallel_loop3A_481 : i32 to index
      %parallel_loop3A_483 = arith.index_cast %parallel_loop3A_480 : i32 to index
      %parallel_loop3A_484 = arith.constant 0 : index
      %parallel_loop3A_485 = tpu.vector_load %arg8[%parallel_loop3A_482, %parallel_loop3A_483, %parallel_loop3A_484] {strides = array<i32>} : memref<2x1024x32xf32, #tpu.memory_space<vmem>>, vector<16xf32>,
      tpu.vector_store_idx %arg6[%parallel_loop3A_322, %add3A_110], %parallel_loop3A_485 {add = true} : memref<1024x32xf32, #tpu.memory_space<vmem>>[vector<16xi32>, vector<16xi32>], vector<16xf32>,
      %parallel_loop3A_486 = arith.constant 6 : i32
      %parallel_loop3A_487 = arith.addi %parallel_loop3A_266, %parallel_loop3A_486 : i32
      %parallel_loop3A_488 = arith.constant 0 : i32
      %parallel_loop3A_489 = arith.index_cast %parallel_loop3A_488 : i32 to index
      %parallel_loop3A_490 = arith.index_cast %parallel_loop3A_487 : i32 to index
      %parallel_loop3A_491 = arith.constant 16 : index
      %parallel_loop3A_492 = tpu.vector_load %arg8[%parallel_loop3A_489, %parallel_loop3A_490, %parallel_loop3A_491] {strides = array<i32>} : memref<2x1024x32xf32, #tpu.memory_space<vmem>>, vector<16xf32>,
      tpu.vector_store_idx %arg6[%parallel_loop3A_322, %add3A_114], %parallel_loop3A_492 {add = true} : memref<1024x32xf32, #tpu.memory_space<vmem>>[vector<16xi32>, vector<16xi32>], vector<16xf32>,
      %parallel_loop3A_493 = arith.constant 7 : i32
      %parallel_loop3A_494 = arith.addi %parallel_loop3A_266, %parallel_loop3A_493 : i32
      %parallel_loop3A_495 = arith.constant 0 : i32
      %parallel_loop3A_496 = arith.index_cast %parallel_loop3A_495 : i32 to index
      %parallel_loop3A_497 = arith.index_cast %parallel_loop3A_494 : i32 to index
      %parallel_loop3A_498 = arith.constant 0 : index
      %parallel_loop3A_499 = tpu.vector_load %arg8[%parallel_loop3A_496, %parallel_loop3A_497, %parallel_loop3A_498] {strides = array<i32>} : memref<2x1024x32xf32, #tpu.memory_space<vmem>>, vector<16xf32>,
      tpu.vector_store_idx %arg6[%parallel_loop3A_330, %add3A_110], %parallel_loop3A_499 {add = true} : memref<1024x32xf32, #tpu.memory_space<vmem>>[vector<16xi32>, vector<16xi32>], vector<16xf32>,
      %parallel_loop3A_500 = arith.constant 7 : i32
      %parallel_loop3A_501 = arith.addi %parallel_loop3A_266, %parallel_loop3A_500 : i32
      %parallel_loop3A_502 = arith.constant 0 : i32
      %parallel_loop3A_503 = arith.index_cast %parallel_loop3A_502 : i32 to index
      %parallel_loop3A_504 = arith.index_cast %parallel_loop3A_501 : i32 to index
      %parallel_loop3A_505 = arith.constant 16 : index
      %parallel_loop3A_506 = tpu.vector_load %arg8[%parallel_loop3A_503, %parallel_loop3A_504, %parallel_loop3A_505] {strides = array<i32>} : memref<2x1024x32xf32, #tpu.memory_space<vmem>>, vector<16xf32>,
      tpu.vector_store_idx %arg6[%parallel_loop3A_330, %add3A_114], %parallel_loop3A_506 {add = true} : memref<1024x32xf32, #tpu.memory_space<vmem>>[vector<16xi32>, vector<16xi32>], vector<16xf32>,
      %parallel_loop3A_507 = arith.constant 8 : i32
      %parallel_loop3A_508 = arith.addi %parallel_loop3A_266, %parallel_loop3A_507 : i32
      %parallel_loop3A_509 = arith.constant 0 : i32
      %parallel_loop3A_510 = arith.index_cast %parallel_loop3A_509 : i32 to index
      %parallel_loop3A_511 = arith.index_cast %parallel_loop3A_508 : i32 to index
      %parallel_loop3A_512 = arith.constant 0 : index
      %parallel_loop3A_513 = tpu.vector_load %arg8[%parallel_loop3A_510, %parallel_loop3A_511, %parallel_loop3A_512] {strides = array<i32>} : memref<2x1024x32xf32, #tpu.memory_space<vmem>>, vector<16xf32>,
      tpu.vector_store_idx %arg6[%parallel_loop3A_338, %add3A_110], %parallel_loop3A_513 {add = true} : memref<1024x32xf32, #tpu.memory_space<vmem>>[vector<16xi32>, vector<16xi32>], vector<16xf32>,
      %parallel_loop3A_514 = arith.constant 8 : i32
      %parallel_loop3A_515 = arith.addi %parallel_loop3A_266, %parallel_loop3A_514 : i32
      %parallel_loop3A_516 = arith.constant 0 : i32
      %parallel_loop3A_517 = arith.index_cast %parallel_loop3A_516 : i32 to index
      %parallel_loop3A_518 = arith.index_cast %parallel_loop3A_515 : i32 to index
      %parallel_loop3A_519 = arith.constant 16 : index
      %parallel_loop3A_520 = tpu.vector_load %arg8[%parallel_loop3A_517, %parallel_loop3A_518, %parallel_loop3A_519] {strides = array<i32>} : memref<2x1024x32xf32, #tpu.memory_space<vmem>>, vector<16xf32>,
      tpu.vector_store_idx %arg6[%parallel_loop3A_338, %add3A_114], %parallel_loop3A_520 {add = true} : memref<1024x32xf32, #tpu.memory_space<vmem>>[vector<16xi32>, vector<16xi32>], vector<16xf32>,
      %parallel_loop3A_521 = arith.constant 9 : i32
      %parallel_loop3A_522 = arith.addi %parallel_loop3A_266, %parallel_loop3A_521 : i32
      %parallel_loop3A_523 = arith.constant 0 : i32
      %parallel_loop3A_524 = arith.index_cast %parallel_loop3A_523 : i32 to index
      %parallel_loop3A_525 = arith.index_cast %parallel_loop3A_522 : i32 to index
      %parallel_loop3A_526 = arith.constant 0 : index
      %parallel_loop3A_527 = tpu.vector_load %arg8[%parallel_loop3A_524, %parallel_loop3A_525, %parallel_loop3A_526] {strides = array<i32>} : memref<2x1024x32xf32, #tpu.memory_space<vmem>>, vector<16xf32>,
      tpu.vector_store_idx %arg6[%parallel_loop3A_346, %add3A_110], %parallel_loop3A_527 {add = true} : memref<1024x32xf32, #tpu.memory_space<vmem>>[vector<16xi32>, vector<16xi32>], vector<16xf32>,
      %parallel_loop3A_528 = arith.constant 9 : i32
      %parallel_loop3A_529 = arith.addi %parallel_loop3A_266, %parallel_loop3A_528 : i32
      %parallel_loop3A_530 = arith.constant 0 : i32
      %parallel_loop3A_531 = arith.index_cast %parallel_loop3A_530 : i32 to index
      %parallel_loop3A_532 = arith.index_cast %parallel_loop3A_529 : i32 to index
      %parallel_loop3A_533 = arith.constant 16 : index
      %parallel_loop3A_534 = tpu.vector_load %arg8[%parallel_loop3A_531, %parallel_loop3A_532, %parallel_loop3A_533] {strides = array<i32>} : memref<2x1024x32xf32, #tpu.memory_space<vmem>>, vector<16xf32>,
      tpu.vector_store_idx %arg6[%parallel_loop3A_346, %add3A_114], %parallel_loop3A_534 {add = true} : memref<1024x32xf32, #tpu.memory_space<vmem>>[vector<16xi32>, vector<16xi32>], vector<16xf32>,
      %parallel_loop3A_535 = arith.constant 10 : i32
      %parallel_loop3A_536 = arith.addi %parallel_loop3A_266, %parallel_loop3A_535 : i32
      %parallel_loop3A_537 = arith.constant 0 : i32
      %parallel_loop3A_538 = arith.index_cast %parallel_loop3A_537 : i32 to index
      %parallel_loop3A_539 = arith.index_cast %parallel_loop3A_536 : i32 to index
      %parallel_loop3A_540 = arith.constant 0 : index
      %parallel_loop3A_541 = tpu.vector_load %arg8[%parallel_loop3A_538, %parallel_loop3A_539, %parallel_loop3A_540] {strides = array<i32>} : memref<2x1024x32xf32, #tpu.memory_space<vmem>>, vector<16xf32>,
      tpu.vector_store_idx %arg6[%parallel_loop3A_354, %add3A_110], %parallel_loop3A_541 {add = true} : memref<1024x32xf32, #tpu.memory_space<vmem>>[vector<16xi32>, vector<16xi32>], vector<16xf32>,
      %parallel_loop3A_542 = arith.constant 10 : i32
      %parallel_loop3A_543 = arith.addi %parallel_loop3A_266, %parallel_loop3A_542 : i32
      %parallel_loop3A_544 = arith.constant 0 : i32
      %parallel_loop3A_545 = arith.index_cast %parallel_loop3A_544 : i32 to index
      %parallel_loop3A_546 = arith.index_cast %parallel_loop3A_543 : i32 to index
      %parallel_loop3A_547 = arith.constant 16 : index
      %parallel_loop3A_548 = tpu.vector_load %arg8[%parallel_loop3A_545, %parallel_loop3A_546, %parallel_loop3A_547] {strides = array<i32>} : memref<2x1024x32xf32, #tpu.memory_space<vmem>>, vector<16xf32>,
      tpu.vector_store_idx %arg6[%parallel_loop3A_354, %add3A_114], %parallel_loop3A_548 {add = true} : memref<1024x32xf32, #tpu.memory_space<vmem>>[vector<16xi32>, vector<16xi32>], vector<16xf32>,
      %parallel_loop3A_549 = arith.constant 11 : i32
      %parallel_loop3A_550 = arith.addi %parallel_loop3A_266, %parallel_loop3A_549 : i32
      %parallel_loop3A_551 = arith.constant 0 : i32
      %parallel_loop3A_552 = arith.index_cast %parallel_loop3A_551 : i32 to index
      %parallel_loop3A_553 = arith.index_cast %parallel_loop3A_550 : i32 to index
      %parallel_loop3A_554 = arith.constant 0 : index
      %parallel_loop3A_555 = tpu.vector_load %arg8[%parallel_loop3A_552, %parallel_loop3A_553, %parallel_loop3A_554] {strides = array<i32>} : memref<2x1024x32xf32, #tpu.memory_space<vmem>>, vector<16xf32>,
      tpu.vector_store_idx %arg6[%parallel_loop3A_362, %add3A_110], %parallel_loop3A_555 {add = true} : memref<1024x32xf32, #tpu.memory_space<vmem>>[vector<16xi32>, vector<16xi32>], vector<16xf32>,
      %parallel_loop3A_556 = arith.constant 11 : i32
      %parallel_loop3A_557 = arith.addi %parallel_loop3A_266, %parallel_loop3A_556 : i32
      %parallel_loop3A_558 = arith.constant 0 : i32
      %parallel_loop3A_559 = arith.index_cast %parallel_loop3A_558 : i32 to index
      %parallel_loop3A_560 = arith.index_cast %parallel_loop3A_557 : i32 to index
      %parallel_loop3A_561 = arith.constant 16 : index
      %parallel_loop3A_562 = tpu.vector_load %arg8[%parallel_loop3A_559, %parallel_loop3A_560, %parallel_loop3A_561] {strides = array<i32>} : memref<2x1024x32xf32, #tpu.memory_space<vmem>>, vector<16xf32>,
      tpu.vector_store_idx %arg6[%parallel_loop3A_362, %add3A_114], %parallel_loop3A_562 {add = true} : memref<1024x32xf32, #tpu.memory_space<vmem>>[vector<16xi32>, vector<16xi32>], vector<16xf32>,
      %parallel_loop3A_563 = arith.constant 12 : i32
      %parallel_loop3A_564 = arith.addi %parallel_loop3A_266, %parallel_loop3A_563 : i32
      %parallel_loop3A_565 = arith.constant 0 : i32
      %parallel_loop3A_566 = arith.index_cast %parallel_loop3A_565 : i32 to index
      %parallel_loop3A_567 = arith.index_cast %parallel_loop3A_564 : i32 to index
      %parallel_loop3A_568 = arith.constant 0 : index
      %parallel_loop3A_569 = tpu.vector_load %arg8[%parallel_loop3A_566, %parallel_loop3A_567, %parallel_loop3A_568] {strides = array<i32>} : memref<2x1024x32xf32, #tpu.memory_space<vmem>>, vector<16xf32>,
      tpu.vector_store_idx %arg6[%parallel_loop3A_370, %add3A_110], %parallel_loop3A_569 {add = true} : memref<1024x32xf32, #tpu.memory_space<vmem>>[vector<16xi32>, vector<16xi32>], vector<16xf32>,
      %parallel_loop3A_570 = arith.constant 12 : i32
      %parallel_loop3A_571 = arith.addi %parallel_loop3A_266, %parallel_loop3A_570 : i32
      %parallel_loop3A_572 = arith.constant 0 : i32
      %parallel_loop3A_573 = arith.index_cast %parallel_loop3A_572 : i32 to index
      %parallel_loop3A_574 = arith.index_cast %parallel_loop3A_571 : i32 to index
      %parallel_loop3A_575 = arith.constant 16 : index
      %parallel_loop3A_576 = tpu.vector_load %arg8[%parallel_loop3A_573, %parallel_loop3A_574, %parallel_loop3A_575] {strides = array<i32>} : memref<2x1024x32xf32, #tpu.memory_space<vmem>>, vector<16xf32>,
      tpu.vector_store_idx %arg6[%parallel_loop3A_370, %add3A_114], %parallel_loop3A_576 {add = true} : memref<1024x32xf32, #tpu.memory_space<vmem>>[vector<16xi32>, vector<16xi32>], vector<16xf32>,
      %parallel_loop3A_577 = arith.constant 13 : i32
      %parallel_loop3A_578 = arith.addi %parallel_loop3A_266, %parallel_loop3A_577 : i32
      %parallel_loop3A_579 = arith.constant 0 : i32
      %parallel_loop3A_580 = arith.index_cast %parallel_loop3A_579 : i32 to index
      %parallel_loop3A_581 = arith.index_cast %parallel_loop3A_578 : i32 to index
      %parallel_loop3A_582 = arith.constant 0 : index
      %parallel_loop3A_583 = tpu.vector_load %arg8[%parallel_loop3A_580, %parallel_loop3A_581, %parallel_loop3A_582] {strides = array<i32>} : memref<2x1024x32xf32, #tpu.memory_space<vmem>>, vector<16xf32>,
      tpu.vector_store_idx %arg6[%parallel_loop3A_378, %add3A_110], %parallel_loop3A_583 {add = true} : memref<1024x32xf32, #tpu.memory_space<vmem>>[vector<16xi32>, vector<16xi32>], vector<16xf32>,
      %parallel_loop3A_584 = arith.constant 13 : i32
      %parallel_loop3A_585 = arith.addi %parallel_loop3A_266, %parallel_loop3A_584 : i32
      %parallel_loop3A_586 = arith.constant 0 : i32
      %parallel_loop3A_587 = arith.index_cast %parallel_loop3A_586 : i32 to index
      %parallel_loop3A_588 = arith.index_cast %parallel_loop3A_585 : i32 to index
      %parallel_loop3A_589 = arith.constant 16 : index
      %parallel_loop3A_590 = tpu.vector_load %arg8[%parallel_loop3A_587, %parallel_loop3A_588, %parallel_loop3A_589] {strides = array<i32>} : memref<2x1024x32xf32, #tpu.memory_space<vmem>>, vector<16xf32>,
      tpu.vector_store_idx %arg6[%parallel_loop3A_378, %add3A_114], %parallel_loop3A_590 {add = true} : memref<1024x32xf32, #tpu.memory_space<vmem>>[vector<16xi32>, vector<16xi32>], vector<16xf32>,
      %parallel_loop3A_591 = arith.constant 14 : i32
      %parallel_loop3A_592 = arith.addi %parallel_loop3A_266, %parallel_loop3A_591 : i32
      %parallel_loop3A_593 = arith.constant 0 : i32
      %parallel_loop3A_594 = arith.index_cast %parallel_loop3A_593 : i32 to index
      %parallel_loop3A_595 = arith.index_cast %parallel_loop3A_592 : i32 to index
      %parallel_loop3A_596 = arith.constant 0 : index
      %parallel_loop3A_597 = tpu.vector_load %arg8[%parallel_loop3A_594, %parallel_loop3A_595, %parallel_loop3A_596] {strides = array<i32>} : memref<2x1024x32xf32, #tpu.memory_space<vmem>>, vector<16xf32>,
      tpu.vector_store_idx %arg6[%parallel_loop3A_386, %add3A_110], %parallel_loop3A_597 {add = true} : memref<1024x32xf32, #tpu.memory_space<vmem>>[vector<16xi32>, vector<16xi32>], vector<16xf32>,
      %parallel_loop3A_598 = arith.constant 14 : i32
      %parallel_loop3A_599 = arith.addi %parallel_loop3A_266, %parallel_loop3A_598 : i32
      %parallel_loop3A_600 = arith.constant 0 : i32
      %parallel_loop3A_601 = arith.index_cast %parallel_loop3A_600 : i32 to index
      %parallel_loop3A_602 = arith.index_cast %parallel_loop3A_599 : i32 to index
      %parallel_loop3A_603 = arith.constant 16 : index
      %parallel_loop3A_604 = tpu.vector_load %arg8[%parallel_loop3A_601, %parallel_loop3A_602, %parallel_loop3A_603] {strides = array<i32>} : memref<2x1024x32xf32, #tpu.memory_space<vmem>>, vector<16xf32>,
      tpu.vector_store_idx %arg6[%parallel_loop3A_386, %add3A_114], %parallel_loop3A_604 {add = true} : memref<1024x32xf32, #tpu.memory_space<vmem>>[vector<16xi32>, vector<16xi32>], vector<16xf32>,
      %parallel_loop3A_605 = arith.constant 15 : i32
      %parallel_loop3A_606 = arith.addi %parallel_loop3A_266, %parallel_loop3A_605 : i32
      %parallel_loop3A_607 = arith.constant 0 : i32
      %parallel_loop3A_608 = arith.index_cast %parallel_loop3A_607 : i32 to index
      %parallel_loop3A_609 = arith.index_cast %parallel_loop3A_606 : i32 to index
      %parallel_loop3A_610 = arith.constant 0 : index
      %parallel_loop3A_611 = tpu.vector_load %arg8[%parallel_loop3A_608, %parallel_loop3A_609, %parallel_loop3A_610] {strides = array<i32>} : memref<2x1024x32xf32, #tpu.memory_space<vmem>>, vector<16xf32>,
      tpu.vector_store_idx %arg6[%parallel_loop3A_394, %add3A_110], %parallel_loop3A_611 {add = true} : memref<1024x32xf32, #tpu.memory_space<vmem>>[vector<16xi32>, vector<16xi32>], vector<16xf32>,
      %parallel_loop3A_612 = arith.constant 15 : i32
      %parallel_loop3A_613 = arith.addi %parallel_loop3A_266, %parallel_loop3A_612 : i32
      %parallel_loop3A_614 = arith.constant 0 : i32
      %parallel_loop3A_615 = arith.index_cast %parallel_loop3A_614 : i32 to index
      %parallel_loop3A_616 = arith.index_cast %parallel_loop3A_613 : i32 to index
      %parallel_loop3A_617 = arith.constant 16 : index
      %parallel_loop3A_618 = tpu.vector_load %arg8[%parallel_loop3A_615, %parallel_loop3A_616, %parallel_loop3A_617] {strides = array<i32>} : memref<2x1024x32xf32, #tpu.memory_space<vmem>>, vector<16xf32>,
      tpu.vector_store_idx %arg6[%parallel_loop3A_394, %add3A_114], %parallel_loop3A_618 {add = true} : memref<1024x32xf32, #tpu.memory_space<vmem>>[vector<16xi32>, vector<16xi32>], vector<16xf32>,
      %parallel_loop3A_619 = arith.constant 0 : i32
      %parallel_loop3A_620 = arith.cmpi eq, %select_n3A_9, %parallel_loop3A_619 : i32
      %parallel_loop3A_621 = arith.extui %parallel_loop3A_620 : i1 to i32
      %parallel_loop3A_622 = arith.constant 0 : i32
      %parallel_loop3A_623 = arith.cmpi ne, %parallel_loop3A_621, %parallel_loop3A_622 : i32
      scf.if %parallel_loop3A_623 {
        %parallel_loop3A_624 = arith.constant 0 : i32
        %parallel_loop3A_625 = arith.index_cast %parallel_loop3A_624 : i32 to index
        %parallel_loop3A_626 = arith.index_cast %parallel_loop3A_266 : i32 to index
        %parallel_loop3A_627 = tpu.vector_load %arg9[%parallel_loop3A_625, %parallel_loop3A_626] {strides = array<i32>} : memref<2x1024xi32, #tpu.memory_space<vmem>>, vector<16xi32>,
        tpu.vector_store_idx %arg7[%parallel_loop3A_627, %broadcast_in_dim3A_39], %broadcast_in_dim3A_37 {add = true} : memref<1024x16xf32, #tpu.memory_space<vmem>>[vector<16xi32>, vector<16xi32>], vector<16xf32>,
      } else {
      }
    } {sc.loop_unroll_factor = 4 : i64, sc.parallel_access}
    %add3A_118 = arith.constant 2048 : i32
    %add3A_119 = arith.addi %mul3A_32, %add3A_118 : i32
    %dma_start3A_120 = arith.constant 0 : i32
    %dma_start3A_121 = arith.constant 0 : i32
    %dma_start3A_122 = arith.constant 0 : i32
    %dma_start3A_123 = tpu.memref_slice %arg8[%dma_start3A_120, %dma_start3A_121, %dma_start3A_122] : memref<2x1024x32xf32, #tpu.memory_space<vmem>> -> memref<1x1024x32xf32, #tpu.memory_space<vmem>>
    %dma_start3A_124 = tpu.memref_squeeze %dma_start3A_123 : memref<1x1024x32xf32, #tpu.memory_space<vmem>> -> memref<1024x32xf32, #tpu.memory_space<vmem>>
    %dma_start3A_125 = tpu.memref_slice %arg2[%add3A_119, %mul3A_34] : memref<16384x256xf32, #tpu.memory_space<hbm>> -> memref<1024x32xf32, #tpu.memory_space<hbm>>
    %dma_start3A_126 = arith.constant 0 : i32
    %dma_start3A_127 = arith.constant 0 : i32
    %dma_start3A_128 = tpu.memref_slice %arg8[%dma_start3A_120, %dma_start3A_126, %dma_start3A_127] : memref<2x1024x32xf32, #tpu.memory_space<vmem>> -> memref<1x1024x32xf32, #tpu.memory_space<vmem>>
    %dma_start3A_129 = tpu.memref_squeeze %dma_start3A_128 : memref<1x1024x32xf32, #tpu.memory_space<vmem>> -> memref<1024x32xf32, #tpu.memory_space<vmem>>
    %dma_start3A_130 = tpu.memref_slice %arg2[%add3A_119, %mul3A_34] : memref<16384x256xf32, #tpu.memory_space<hbm>> -> memref<1024x32xf32, #tpu.memory_space<hbm>>
    tpu.enqueue_dma source(%dma_start3A_130 : memref<1024x32xf32, #tpu.memory_space<hbm>>) target(%dma_start3A_129 : memref<1024x32xf32, #tpu.memory_space<vmem>>) target_semaphore(%arg10 : memref<!tpu.dma_semaphore, #tpu.memory_space<semaphore_mem>>)
    %add3A_131 = arith.constant 2048 : i32
    %add3A_132 = arith.addi %mul3A_32, %add3A_131 : i32
    %dma_start3A_133 = arith.constant 0 : i32
    %dma_start3A_134 = arith.constant 0 : i32
    %dma_start3A_135 = tpu.memref_slice %arg9[%dma_start3A_133, %dma_start3A_134] : memref<2x1024xi32, #tpu.memory_space<vmem>> -> memref<1x1024xi32, #tpu.memory_space<vmem>>
    %dma_start3A_136 = tpu.memref_squeeze %dma_start3A_135 : memref<1x1024xi32, #tpu.memory_space<vmem>> -> memref<1024xi32, #tpu.memory_space<vmem>>
    %dma_start3A_137 = tpu.memref_slice %arg3[%add3A_132] : memref<16384xi32, #tpu.memory_space<hbm>> -> memref<1024xi32, #tpu.memory_space<hbm>>
    %dma_start3A_138 = arith.constant 0 : i32
    %dma_start3A_139 = tpu.memref_slice %arg9[%dma_start3A_133, %dma_start3A_138] : memref<2x1024xi32, #tpu.memory_space<vmem>> -> memref<1x1024xi32, #tpu.memory_space<vmem>>
    %dma_start3A_140 = tpu.memref_squeeze %dma_start3A_139 : memref<1x1024xi32, #tpu.memory_space<vmem>> -> memref<1024xi32, #tpu.memory_space<vmem>>
    %dma_start3A_141 = tpu.memref_slice %arg3[%add3A_132] : memref<16384xi32, #tpu.memory_space<hbm>> -> memref<1024xi32, #tpu.memory_space<hbm>>
    tpu.enqueue_dma source(%dma_start3A_141 : memref<1024xi32, #tpu.memory_space<hbm>>) target(%dma_start3A_140 : memref<1024xi32, #tpu.memory_space<vmem>>) target_semaphore(%arg11 : memref<!tpu.dma_semaphore, #tpu.memory_space<semaphore_mem>>)
    %dma_wait3A_142 = arith.constant 1 : i32
    %dma_wait3A_143 = arith.constant 0 : i32
    %dma_wait3A_144 = arith.constant 0 : i32
    %dma_wait3A_145 = tpu.memref_slice %arg8[%dma_wait3A_142, %dma_wait3A_143, %dma_wait3A_144] : memref<2x1024x32xf32, #tpu.memory_space<vmem>> -> memref<1x1024x32xf32, #tpu.memory_space<vmem>>
    %dma_wait3A_146 = tpu.memref_squeeze %dma_wait3A_145 : memref<1x1024x32xf32, #tpu.memory_space<vmem>> -> memref<1024x32xf32, #tpu.memory_space<vmem>>
    %dma_wait3A_147 = tpu.memref_slice %arg2[%add3A_65, %mul3A_34] : memref<16384x256xf32, #tpu.memory_space<hbm>> -> memref<1024x32xf32, #tpu.memory_space<hbm>>
    %dma_wait3A_148 = arith.constant 0 : i32
    %dma_wait3A_149 = arith.constant 0 : i32
    %dma_wait3A_150 = tpu.memref_slice %arg8[%dma_wait3A_142, %dma_wait3A_148, %dma_wait3A_149] : memref<2x1024x32xf32, #tpu.memory_space<vmem>> -> memref<1x1024x32xf32, #tpu.memory_space<vmem>>
    %dma_wait3A_151 = tpu.memref_squeeze %dma_wait3A_150 : memref<1x1024x32xf32, #tpu.memory_space<vmem>> -> memref<1024x32xf32, #tpu.memory_space<vmem>>
    %dma_wait3A_152 = tpu.memref_slice %arg2[%add3A_65, %mul3A_34] : memref<16384x256xf32, #tpu.memory_space<hbm>> -> memref<1024x32xf32, #tpu.memory_space<hbm>>
    tpu.wait_dma2 semaphore(%arg10 : memref<!tpu.dma_semaphore, #tpu.memory_space<semaphore_mem>>) src(%dma_wait3A_152 : memref<1024x32xf32, #tpu.memory_space<hbm>>) dst(%dma_wait3A_151 : memref<1024x32xf32, #tpu.memory_space<vmem>>)
    %dma_wait3A_153 = arith.constant 1 : i32
    %dma_wait3A_154 = arith.constant 0 : i32
    %dma_wait3A_155 = tpu.memref_slice %arg9[%dma_wait3A_153, %dma_wait3A_154] : memref<2x1024xi32, #tpu.memory_space<vmem>> -> memref<1x1024xi32, #tpu.memory_space<vmem>>
    %dma_wait3A_156 = tpu.memref_squeeze %dma_wait3A_155 : memref<1x1024xi32, #tpu.memory_space<vmem>> -> memref<1024xi32, #tpu.memory_space<vmem>>
    %dma_wait3A_157 = tpu.memref_slice %arg3[%add3A_78] : memref<16384xi32, #tpu.memory_space<hbm>> -> memref<1024xi32, #tpu.memory_space<hbm>>
    %dma_wait3A_158 = arith.constant 0 : i32
    %dma_wait3A_159 = tpu.memref_slice %arg9[%dma_wait3A_153, %dma_wait3A_158] : memref<2x1024xi32, #tpu.memory_space<vmem>> -> memref<1x1024xi32, #tpu.memory_space<vmem>>
    %dma_wait3A_160 = tpu.memref_squeeze %dma_wait3A_159 : memref<1x1024xi32, #tpu.memory_space<vmem>> -> memref<1024xi32, #tpu.memory_space<vmem>>
    %dma_wait3A_161 = tpu.memref_slice %arg3[%add3A_78] : memref<16384xi32, #tpu.memory_space<hbm>> -> memref<1024xi32, #tpu.memory_space<hbm>>
    tpu.wait_dma2 semaphore(%arg11 : memref<!tpu.dma_semaphore, #tpu.memory_space<semaphore_mem>>) src(%dma_wait3A_161 : memref<1024xi32, #tpu.memory_space<hbm>>) dst(%dma_wait3A_160 : memref<1024xi32, #tpu.memory_space<vmem>>)
    %iota3A_162 = tpu.iota {dimensions = array<i32: 0>} : vector<16xi32>
    %add3A_163 = arith.constant 0 : i32
    %add3A_164 = vector.broadcast %add3A_163 : i32 to vector<16xi32>
    %add3A_165 = arith.addi %iota3A_162, %add3A_164 : vector<16xi32>
    %iota3A_166 = tpu.iota {dimensions = array<i32: 0>} : vector<16xi32>
    %add3A_167 = arith.constant 16 : i32
    %add3A_168 = vector.broadcast %add3A_167 : i32 to vector<16xi32>
    %add3A_169 = arith.addi %iota3A_166, %add3A_168 : vector<16xi32>
    %parallel_loop3A_170 = arith.constant 0 : i32
    %parallel_loop3A_171 = arith.constant 64 : i32
    %parallel_loop3A_172 = arith.constant 1 : i32
    scf.for %parallel_loop3A_264 = %parallel_loop3A_170 to %parallel_loop3A_171 step %parallel_loop3A_172  : i32 {
      %parallel_loop3A_265 = arith.constant 16 : i32
      %parallel_loop3A_266 = arith.muli %parallel_loop3A_264, %parallel_loop3A_265 : i32
      %parallel_loop3A_267 = arith.constant 0 : i32
      %parallel_loop3A_268 = arith.addi %parallel_loop3A_266, %parallel_loop3A_267 : i32
      %parallel_loop3A_269 = vector.broadcast %parallel_loop3A_268 : i32 to vector<16xi32>
      %parallel_loop3A_270 = arith.constant 1 : i32
      %parallel_loop3A_271 = arith.constant 0 : i32
      %parallel_loop3A_272 = tpu.memref_slice %arg9[%parallel_loop3A_270, %parallel_loop3A_271] : memref<2x1024xi32, #tpu.memory_space<vmem>> -> memref<1x1024xi32, #tpu.memory_space<vmem>>
      %parallel_loop3A_273 = tpu.memref_squeeze %parallel_loop3A_272 : memref<1x1024xi32, #tpu.memory_space<vmem>> -> memref<1024xi32, #tpu.memory_space<vmem>>
      %parallel_loop3A_274 = tpu.vector_load_idx %parallel_loop3A_273[%parallel_loop3A_269] : memref<1024xi32, #tpu.memory_space<vmem>>[vector<16xi32>], vector<16xi32>,
      %parallel_loop3A_275 = arith.constant 1 : i32
      %parallel_loop3A_276 = arith.addi %parallel_loop3A_266, %parallel_loop3A_275 : i32
      %parallel_loop3A_277 = vector.broadcast %parallel_loop3A_276 : i32 to vector<16xi32>
      %parallel_loop3A_278 = arith.constant 1 : i32
      %parallel_loop3A_279 = arith.constant 0 : i32
      %parallel_loop3A_280 = tpu.memref_slice %arg9[%parallel_loop3A_278, %parallel_loop3A_279] : memref<2x1024xi32, #tpu.memory_space<vmem>> -> memref<1x1024xi32, #tpu.memory_space<vmem>>
      %parallel_loop3A_281 = tpu.memref_squeeze %parallel_loop3A_280 : memref<1x1024xi32, #tpu.memory_space<vmem>> -> memref<1024xi32, #tpu.memory_space<vmem>>
      %parallel_loop3A_282 = tpu.vector_load_idx %parallel_loop3A_281[%parallel_loop3A_277] : memref<1024xi32, #tpu.memory_space<vmem>>[vector<16xi32>], vector<16xi32>,
      %parallel_loop3A_283 = arith.constant 2 : i32
      %parallel_loop3A_284 = arith.addi %parallel_loop3A_266, %parallel_loop3A_283 : i32
      %parallel_loop3A_285 = vector.broadcast %parallel_loop3A_284 : i32 to vector<16xi32>
      %parallel_loop3A_286 = arith.constant 1 : i32
      %parallel_loop3A_287 = arith.constant 0 : i32
      %parallel_loop3A_288 = tpu.memref_slice %arg9[%parallel_loop3A_286, %parallel_loop3A_287] : memref<2x1024xi32, #tpu.memory_space<vmem>> -> memref<1x1024xi32, #tpu.memory_space<vmem>>
      %parallel_loop3A_289 = tpu.memref_squeeze %parallel_loop3A_288 : memref<1x1024xi32, #tpu.memory_space<vmem>> -> memref<1024xi32, #tpu.memory_space<vmem>>
      %parallel_loop3A_290 = tpu.vector_load_idx %parallel_loop3A_289[%parallel_loop3A_285] : memref<1024xi32, #tpu.memory_space<vmem>>[vector<16xi32>], vector<16xi32>,
      %parallel_loop3A_291 = arith.constant 3 : i32
      %parallel_loop3A_292 = arith.addi %parallel_loop3A_266, %parallel_loop3A_291 : i32
      %parallel_loop3A_293 = vector.broadcast %parallel_loop3A_292 : i32 to vector<16xi32>
      %parallel_loop3A_294 = arith.constant 1 : i32
      %parallel_loop3A_295 = arith.constant 0 : i32
      %parallel_loop3A_296 = tpu.memref_slice %arg9[%parallel_loop3A_294, %parallel_loop3A_295] : memref<2x1024xi32, #tpu.memory_space<vmem>> -> memref<1x1024xi32, #tpu.memory_space<vmem>>
      %parallel_loop3A_297 = tpu.memref_squeeze %parallel_loop3A_296 : memref<1x1024xi32, #tpu.memory_space<vmem>> -> memref<1024xi32, #tpu.memory_space<vmem>>
      %parallel_loop3A_298 = tpu.vector_load_idx %parallel_loop3A_297[%parallel_loop3A_293] : memref<1024xi32, #tpu.memory_space<vmem>>[vector<16xi32>], vector<16xi32>,
      %parallel_loop3A_299 = arith.constant 4 : i32
      %parallel_loop3A_300 = arith.addi %parallel_loop3A_266, %parallel_loop3A_299 : i32
      %parallel_loop3A_301 = vector.broadcast %parallel_loop3A_300 : i32 to vector<16xi32>
      %parallel_loop3A_302 = arith.constant 1 : i32
      %parallel_loop3A_303 = arith.constant 0 : i32
      %parallel_loop3A_304 = tpu.memref_slice %arg9[%parallel_loop3A_302, %parallel_loop3A_303] : memref<2x1024xi32, #tpu.memory_space<vmem>> -> memref<1x1024xi32, #tpu.memory_space<vmem>>
      %parallel_loop3A_305 = tpu.memref_squeeze %parallel_loop3A_304 : memref<1x1024xi32, #tpu.memory_space<vmem>> -> memref<1024xi32, #tpu.memory_space<vmem>>
      %parallel_loop3A_306 = tpu.vector_load_idx %parallel_loop3A_305[%parallel_loop3A_301] : memref<1024xi32, #tpu.memory_space<vmem>>[vector<16xi32>], vector<16xi32>,
      %parallel_loop3A_307 = arith.constant 5 : i32
      %parallel_loop3A_308 = arith.addi %parallel_loop3A_266, %parallel_loop3A_307 : i32
      %parallel_loop3A_309 = vector.broadcast %parallel_loop3A_308 : i32 to vector<16xi32>
      %parallel_loop3A_310 = arith.constant 1 : i32
      %parallel_loop3A_311 = arith.constant 0 : i32
      %parallel_loop3A_312 = tpu.memref_slice %arg9[%parallel_loop3A_310, %parallel_loop3A_311] : memref<2x1024xi32, #tpu.memory_space<vmem>> -> memref<1x1024xi32, #tpu.memory_space<vmem>>
      %parallel_loop3A_313 = tpu.memref_squeeze %parallel_loop3A_312 : memref<1x1024xi32, #tpu.memory_space<vmem>> -> memref<1024xi32, #tpu.memory_space<vmem>>
      %parallel_loop3A_314 = tpu.vector_load_idx %parallel_loop3A_313[%parallel_loop3A_309] : memref<1024xi32, #tpu.memory_space<vmem>>[vector<16xi32>], vector<16xi32>,
      %parallel_loop3A_315 = arith.constant 6 : i32
      %parallel_loop3A_316 = arith.addi %parallel_loop3A_266, %parallel_loop3A_315 : i32
      %parallel_loop3A_317 = vector.broadcast %parallel_loop3A_316 : i32 to vector<16xi32>
      %parallel_loop3A_318 = arith.constant 1 : i32
      %parallel_loop3A_319 = arith.constant 0 : i32
      %parallel_loop3A_320 = tpu.memref_slice %arg9[%parallel_loop3A_318, %parallel_loop3A_319] : memref<2x1024xi32, #tpu.memory_space<vmem>> -> memref<1x1024xi32, #tpu.memory_space<vmem>>
      %parallel_loop3A_321 = tpu.memref_squeeze %parallel_loop3A_320 : memref<1x1024xi32, #tpu.memory_space<vmem>> -> memref<1024xi32, #tpu.memory_space<vmem>>
      %parallel_loop3A_322 = tpu.vector_load_idx %parallel_loop3A_321[%parallel_loop3A_317] : memref<1024xi32, #tpu.memory_space<vmem>>[vector<16xi32>], vector<16xi32>,
      %parallel_loop3A_323 = arith.constant 7 : i32
      %parallel_loop3A_324 = arith.addi %parallel_loop3A_266, %parallel_loop3A_323 : i32
      %parallel_loop3A_325 = vector.broadcast %parallel_loop3A_324 : i32 to vector<16xi32>
      %parallel_loop3A_326 = arith.constant 1 : i32
      %parallel_loop3A_327 = arith.constant 0 : i32
      %parallel_loop3A_328 = tpu.memref_slice %arg9[%parallel_loop3A_326, %parallel_loop3A_327] : memref<2x1024xi32, #tpu.memory_space<vmem>> -> memref<1x1024xi32, #tpu.memory_space<vmem>>
      %parallel_loop3A_329 = tpu.memref_squeeze %parallel_loop3A_328 : memref<1x1024xi32, #tpu.memory_space<vmem>> -> memref<1024xi32, #tpu.memory_space<vmem>>
      %parallel_loop3A_330 = tpu.vector_load_idx %parallel_loop3A_329[%parallel_loop3A_325] : memref<1024xi32, #tpu.memory_space<vmem>>[vector<16xi32>], vector<16xi32>,
      %parallel_loop3A_331 = arith.constant 8 : i32
      %parallel_loop3A_332 = arith.addi %parallel_loop3A_266, %parallel_loop3A_331 : i32
      %parallel_loop3A_333 = vector.broadcast %parallel_loop3A_332 : i32 to vector<16xi32>
      %parallel_loop3A_334 = arith.constant 1 : i32
      %parallel_loop3A_335 = arith.constant 0 : i32
      %parallel_loop3A_336 = tpu.memref_slice %arg9[%parallel_loop3A_334, %parallel_loop3A_335] : memref<2x1024xi32, #tpu.memory_space<vmem>> -> memref<1x1024xi32, #tpu.memory_space<vmem>>
      %parallel_loop3A_337 = tpu.memref_squeeze %parallel_loop3A_336 : memref<1x1024xi32, #tpu.memory_space<vmem>> -> memref<1024xi32, #tpu.memory_space<vmem>>
      %parallel_loop3A_338 = tpu.vector_load_idx %parallel_loop3A_337[%parallel_loop3A_333] : memref<1024xi32, #tpu.memory_space<vmem>>[vector<16xi32>], vector<16xi32>,
      %parallel_loop3A_339 = arith.constant 9 : i32
      %parallel_loop3A_340 = arith.addi %parallel_loop3A_266, %parallel_loop3A_339 : i32
      %parallel_loop3A_341 = vector.broadcast %parallel_loop3A_340 : i32 to vector<16xi32>
      %parallel_loop3A_342 = arith.constant 1 : i32
      %parallel_loop3A_343 = arith.constant 0 : i32
      %parallel_loop3A_344 = tpu.memref_slice %arg9[%parallel_loop3A_342, %parallel_loop3A_343] : memref<2x1024xi32, #tpu.memory_space<vmem>> -> memref<1x1024xi32, #tpu.memory_space<vmem>>
      %parallel_loop3A_345 = tpu.memref_squeeze %parallel_loop3A_344 : memref<1x1024xi32, #tpu.memory_space<vmem>> -> memref<1024xi32, #tpu.memory_space<vmem>>
      %parallel_loop3A_346 = tpu.vector_load_idx %parallel_loop3A_345[%parallel_loop3A_341] : memref<1024xi32, #tpu.memory_space<vmem>>[vector<16xi32>], vector<16xi32>,
      %parallel_loop3A_347 = arith.constant 10 : i32
      %parallel_loop3A_348 = arith.addi %parallel_loop3A_266, %parallel_loop3A_347 : i32
      %parallel_loop3A_349 = vector.broadcast %parallel_loop3A_348 : i32 to vector<16xi32>
      %parallel_loop3A_350 = arith.constant 1 : i32
      %parallel_loop3A_351 = arith.constant 0 : i32
      %parallel_loop3A_352 = tpu.memref_slice %arg9[%parallel_loop3A_350, %parallel_loop3A_351] : memref<2x1024xi32, #tpu.memory_space<vmem>> -> memref<1x1024xi32, #tpu.memory_space<vmem>>
      %parallel_loop3A_353 = tpu.memref_squeeze %parallel_loop3A_352 : memref<1x1024xi32, #tpu.memory_space<vmem>> -> memref<1024xi32, #tpu.memory_space<vmem>>
      %parallel_loop3A_354 = tpu.vector_load_idx %parallel_loop3A_353[%parallel_loop3A_349] : memref<1024xi32, #tpu.memory_space<vmem>>[vector<16xi32>], vector<16xi32>,
      %parallel_loop3A_355 = arith.constant 11 : i32
      %parallel_loop3A_356 = arith.addi %parallel_loop3A_266, %parallel_loop3A_355 : i32
      %parallel_loop3A_357 = vector.broadcast %parallel_loop3A_356 : i32 to vector<16xi32>
      %parallel_loop3A_358 = arith.constant 1 : i32
      %parallel_loop3A_359 = arith.constant 0 : i32
      %parallel_loop3A_360 = tpu.memref_slice %arg9[%parallel_loop3A_358, %parallel_loop3A_359] : memref<2x1024xi32, #tpu.memory_space<vmem>> -> memref<1x1024xi32, #tpu.memory_space<vmem>>
      %parallel_loop3A_361 = tpu.memref_squeeze %parallel_loop3A_360 : memref<1x1024xi32, #tpu.memory_space<vmem>> -> memref<1024xi32, #tpu.memory_space<vmem>>
      %parallel_loop3A_362 = tpu.vector_load_idx %parallel_loop3A_361[%parallel_loop3A_357] : memref<1024xi32, #tpu.memory_space<vmem>>[vector<16xi32>], vector<16xi32>,
      %parallel_loop3A_363 = arith.constant 12 : i32
      %parallel_loop3A_364 = arith.addi %parallel_loop3A_266, %parallel_loop3A_363 : i32
      %parallel_loop3A_365 = vector.broadcast %parallel_loop3A_364 : i32 to vector<16xi32>
      %parallel_loop3A_366 = arith.constant 1 : i32
      %parallel_loop3A_367 = arith.constant 0 : i32
      %parallel_loop3A_368 = tpu.memref_slice %arg9[%parallel_loop3A_366, %parallel_loop3A_367] : memref<2x1024xi32, #tpu.memory_space<vmem>> -> memref<1x1024xi32, #tpu.memory_space<vmem>>
      %parallel_loop3A_369 = tpu.memref_squeeze %parallel_loop3A_368 : memref<1x1024xi32, #tpu.memory_space<vmem>> -> memref<1024xi32, #tpu.memory_space<vmem>>
      %parallel_loop3A_370 = tpu.vector_load_idx %parallel_loop3A_369[%parallel_loop3A_365] : memref<1024xi32, #tpu.memory_space<vmem>>[vector<16xi32>], vector<16xi32>,
      %parallel_loop3A_371 = arith.constant 13 : i32
      %parallel_loop3A_372 = arith.addi %parallel_loop3A_266, %parallel_loop3A_371 : i32
      %parallel_loop3A_373 = vector.broadcast %parallel_loop3A_372 : i32 to vector<16xi32>
      %parallel_loop3A_374 = arith.constant 1 : i32
      %parallel_loop3A_375 = arith.constant 0 : i32
      %parallel_loop3A_376 = tpu.memref_slice %arg9[%parallel_loop3A_374, %parallel_loop3A_375] : memref<2x1024xi32, #tpu.memory_space<vmem>> -> memref<1x1024xi32, #tpu.memory_space<vmem>>
      %parallel_loop3A_377 = tpu.memref_squeeze %parallel_loop3A_376 : memref<1x1024xi32, #tpu.memory_space<vmem>> -> memref<1024xi32, #tpu.memory_space<vmem>>
      %parallel_loop3A_378 = tpu.vector_load_idx %parallel_loop3A_377[%parallel_loop3A_373] : memref<1024xi32, #tpu.memory_space<vmem>>[vector<16xi32>], vector<16xi32>,
      %parallel_loop3A_379 = arith.constant 14 : i32
      %parallel_loop3A_380 = arith.addi %parallel_loop3A_266, %parallel_loop3A_379 : i32
      %parallel_loop3A_381 = vector.broadcast %parallel_loop3A_380 : i32 to vector<16xi32>
      %parallel_loop3A_382 = arith.constant 1 : i32
      %parallel_loop3A_383 = arith.constant 0 : i32
      %parallel_loop3A_384 = tpu.memref_slice %arg9[%parallel_loop3A_382, %parallel_loop3A_383] : memref<2x1024xi32, #tpu.memory_space<vmem>> -> memref<1x1024xi32, #tpu.memory_space<vmem>>
      %parallel_loop3A_385 = tpu.memref_squeeze %parallel_loop3A_384 : memref<1x1024xi32, #tpu.memory_space<vmem>> -> memref<1024xi32, #tpu.memory_space<vmem>>
      %parallel_loop3A_386 = tpu.vector_load_idx %parallel_loop3A_385[%parallel_loop3A_381] : memref<1024xi32, #tpu.memory_space<vmem>>[vector<16xi32>], vector<16xi32>,
      %parallel_loop3A_387 = arith.constant 15 : i32
      %parallel_loop3A_388 = arith.addi %parallel_loop3A_266, %parallel_loop3A_387 : i32
      %parallel_loop3A_389 = vector.broadcast %parallel_loop3A_388 : i32 to vector<16xi32>
      %parallel_loop3A_390 = arith.constant 1 : i32
      %parallel_loop3A_391 = arith.constant 0 : i32
      %parallel_loop3A_392 = tpu.memref_slice %arg9[%parallel_loop3A_390, %parallel_loop3A_391] : memref<2x1024xi32, #tpu.memory_space<vmem>> -> memref<1x1024xi32, #tpu.memory_space<vmem>>
      %parallel_loop3A_393 = tpu.memref_squeeze %parallel_loop3A_392 : memref<1x1024xi32, #tpu.memory_space<vmem>> -> memref<1024xi32, #tpu.memory_space<vmem>>
      %parallel_loop3A_394 = tpu.vector_load_idx %parallel_loop3A_393[%parallel_loop3A_389] : memref<1024xi32, #tpu.memory_space<vmem>>[vector<16xi32>], vector<16xi32>,
      %parallel_loop3A_395 = arith.constant 0 : i32
      %parallel_loop3A_396 = arith.addi %parallel_loop3A_266, %parallel_loop3A_395 : i32
      %parallel_loop3A_397 = arith.constant 1 : i32
      %parallel_loop3A_398 = arith.index_cast %parallel_loop3A_397 : i32 to index
      %parallel_loop3A_399 = arith.index_cast %parallel_loop3A_396 : i32 to index
      %parallel_loop3A_400 = arith.constant 0 : index
      %parallel_loop3A_401 = tpu.vector_load %arg8[%parallel_loop3A_398, %parallel_loop3A_399, %parallel_loop3A_400] {strides = array<i32>} : memref<2x1024x32xf32, #tpu.memory_space<vmem>>, vector<16xf32>,
      tpu.vector_store_idx %arg6[%parallel_loop3A_274, %add3A_165], %parallel_loop3A_401 {add = true} : memref<1024x32xf32, #tpu.memory_space<vmem>>[vector<16xi32>, vector<16xi32>], vector<16xf32>,
      %parallel_loop3A_402 = arith.constant 0 : i32
      %parallel_loop3A_403 = arith.addi %parallel_loop3A_266, %parallel_loop3A_402 : i32
      %parallel_loop3A_404 = arith.constant 1 : i32
      %parallel_loop3A_405 = arith.index_cast %parallel_loop3A_404 : i32 to index
      %parallel_loop3A_406 = arith.index_cast %parallel_loop3A_403 : i32 to index
      %parallel_loop3A_407 = arith.constant 16 : index
      %parallel_loop3A_408 = tpu.vector_load %arg8[%parallel_loop3A_405, %parallel_loop3A_406, %parallel_loop3A_407] {strides = array<i32>} : memref<2x1024x32xf32, #tpu.memory_space<vmem>>, vector<16xf32>,
      tpu.vector_store_idx %arg6[%parallel_loop3A_274, %add3A_169], %parallel_loop3A_408 {add = true} : memref<1024x32xf32, #tpu.memory_space<vmem>>[vector<16xi32>, vector<16xi32>], vector<16xf32>,
      %parallel_loop3A_409 = arith.constant 1 : i32
      %parallel_loop3A_410 = arith.addi %parallel_loop3A_266, %parallel_loop3A_409 : i32
      %parallel_loop3A_411 = arith.constant 1 : i32
      %parallel_loop3A_412 = arith.index_cast %parallel_loop3A_411 : i32 to index
      %parallel_loop3A_413 = arith.index_cast %parallel_loop3A_410 : i32 to index
      %parallel_loop3A_414 = arith.constant 0 : index
      %parallel_loop3A_415 = tpu.vector_load %arg8[%parallel_loop3A_412, %parallel_loop3A_413, %parallel_loop3A_414] {strides = array<i32>} : memref<2x1024x32xf32, #tpu.memory_space<vmem>>, vector<16xf32>,
      tpu.vector_store_idx %arg6[%parallel_loop3A_282, %add3A_165], %parallel_loop3A_415 {add = true} : memref<1024x32xf32, #tpu.memory_space<vmem>>[vector<16xi32>, vector<16xi32>], vector<16xf32>,
      %parallel_loop3A_416 = arith.constant 1 : i32
      %parallel_loop3A_417 = arith.addi %parallel_loop3A_266, %parallel_loop3A_416 : i32
      %parallel_loop3A_418 = arith.constant 1 : i32
      %parallel_loop3A_419 = arith.index_cast %parallel_loop3A_418 : i32 to index
      %parallel_loop3A_420 = arith.index_cast %parallel_loop3A_417 : i32 to index
      %parallel_loop3A_421 = arith.constant 16 : index
      %parallel_loop3A_422 = tpu.vector_load %arg8[%parallel_loop3A_419, %parallel_loop3A_420, %parallel_loop3A_421] {strides = array<i32>} : memref<2x1024x32xf32, #tpu.memory_space<vmem>>, vector<16xf32>,
      tpu.vector_store_idx %arg6[%parallel_loop3A_282, %add3A_169], %parallel_loop3A_422 {add = true} : memref<1024x32xf32, #tpu.memory_space<vmem>>[vector<16xi32>, vector<16xi32>], vector<16xf32>,
      %parallel_loop3A_423 = arith.constant 2 : i32
      %parallel_loop3A_424 = arith.addi %parallel_loop3A_266, %parallel_loop3A_423 : i32
      %parallel_loop3A_425 = arith.constant 1 : i32
      %parallel_loop3A_426 = arith.index_cast %parallel_loop3A_425 : i32 to index
      %parallel_loop3A_427 = arith.index_cast %parallel_loop3A_424 : i32 to index
      %parallel_loop3A_428 = arith.constant 0 : index
      %parallel_loop3A_429 = tpu.vector_load %arg8[%parallel_loop3A_426, %parallel_loop3A_427, %parallel_loop3A_428] {strides = array<i32>} : memref<2x1024x32xf32, #tpu.memory_space<vmem>>, vector<16xf32>,
      tpu.vector_store_idx %arg6[%parallel_loop3A_290, %add3A_165], %parallel_loop3A_429 {add = true} : memref<1024x32xf32, #tpu.memory_space<vmem>>[vector<16xi32>, vector<16xi32>], vector<16xf32>,
      %parallel_loop3A_430 = arith.constant 2 : i32
      %parallel_loop3A_431 = arith.addi %parallel_loop3A_266, %parallel_loop3A_430 : i32
      %parallel_loop3A_432 = arith.constant 1 : i32
      %parallel_loop3A_433 = arith.index_cast %parallel_loop3A_432 : i32 to index
      %parallel_loop3A_434 = arith.index_cast %parallel_loop3A_431 : i32 to index
      %parallel_loop3A_435 = arith.constant 16 : index
      %parallel_loop3A_436 = tpu.vector_load %arg8[%parallel_loop3A_433, %parallel_loop3A_434, %parallel_loop3A_435] {strides = array<i32>} : memref<2x1024x32xf32, #tpu.memory_space<vmem>>, vector<16xf32>,
      tpu.vector_store_idx %arg6[%parallel_loop3A_290, %add3A_169], %parallel_loop3A_436 {add = true} : memref<1024x32xf32, #tpu.memory_space<vmem>>[vector<16xi32>, vector<16xi32>], vector<16xf32>,
      %parallel_loop3A_437 = arith.constant 3 : i32
      %parallel_loop3A_438 = arith.addi %parallel_loop3A_266, %parallel_loop3A_437 : i32
      %parallel_loop3A_439 = arith.constant 1 : i32
      %parallel_loop3A_440 = arith.index_cast %parallel_loop3A_439 : i32 to index
      %parallel_loop3A_441 = arith.index_cast %parallel_loop3A_438 : i32 to index
      %parallel_loop3A_442 = arith.constant 0 : index
      %parallel_loop3A_443 = tpu.vector_load %arg8[%parallel_loop3A_440, %parallel_loop3A_441, %parallel_loop3A_442] {strides = array<i32>} : memref<2x1024x32xf32, #tpu.memory_space<vmem>>, vector<16xf32>,
      tpu.vector_store_idx %arg6[%parallel_loop3A_298, %add3A_165], %parallel_loop3A_443 {add = true} : memref<1024x32xf32, #tpu.memory_space<vmem>>[vector<16xi32>, vector<16xi32>], vector<16xf32>,
      %parallel_loop3A_444 = arith.constant 3 : i32
      %parallel_loop3A_445 = arith.addi %parallel_loop3A_266, %parallel_loop3A_444 : i32
      %parallel_loop3A_446 = arith.constant 1 : i32
      %parallel_loop3A_447 = arith.index_cast %parallel_loop3A_446 : i32 to index
      %parallel_loop3A_448 = arith.index_cast %parallel_loop3A_445 : i32 to index
      %parallel_loop3A_449 = arith.constant 16 : index
      %parallel_loop3A_450 = tpu.vector_load %arg8[%parallel_loop3A_447, %parallel_loop3A_448, %parallel_loop3A_449] {strides = array<i32>} : memref<2x1024x32xf32, #tpu.memory_space<vmem>>, vector<16xf32>,
      tpu.vector_store_idx %arg6[%parallel_loop3A_298, %add3A_169], %parallel_loop3A_450 {add = true} : memref<1024x32xf32, #tpu.memory_space<vmem>>[vector<16xi32>, vector<16xi32>], vector<16xf32>,
      %parallel_loop3A_451 = arith.constant 4 : i32
      %parallel_loop3A_452 = arith.addi %parallel_loop3A_266, %parallel_loop3A_451 : i32
      %parallel_loop3A_453 = arith.constant 1 : i32
      %parallel_loop3A_454 = arith.index_cast %parallel_loop3A_453 : i32 to index
      %parallel_loop3A_455 = arith.index_cast %parallel_loop3A_452 : i32 to index
      %parallel_loop3A_456 = arith.constant 0 : index
      %parallel_loop3A_457 = tpu.vector_load %arg8[%parallel_loop3A_454, %parallel_loop3A_455, %parallel_loop3A_456] {strides = array<i32>} : memref<2x1024x32xf32, #tpu.memory_space<vmem>>, vector<16xf32>,
      tpu.vector_store_idx %arg6[%parallel_loop3A_306, %add3A_165], %parallel_loop3A_457 {add = true} : memref<1024x32xf32, #tpu.memory_space<vmem>>[vector<16xi32>, vector<16xi32>], vector<16xf32>,
      %parallel_loop3A_458 = arith.constant 4 : i32
      %parallel_loop3A_459 = arith.addi %parallel_loop3A_266, %parallel_loop3A_458 : i32
      %parallel_loop3A_460 = arith.constant 1 : i32
      %parallel_loop3A_461 = arith.index_cast %parallel_loop3A_460 : i32 to index
      %parallel_loop3A_462 = arith.index_cast %parallel_loop3A_459 : i32 to index
      %parallel_loop3A_463 = arith.constant 16 : index
      %parallel_loop3A_464 = tpu.vector_load %arg8[%parallel_loop3A_461, %parallel_loop3A_462, %parallel_loop3A_463] {strides = array<i32>} : memref<2x1024x32xf32, #tpu.memory_space<vmem>>, vector<16xf32>,
      tpu.vector_store_idx %arg6[%parallel_loop3A_306, %add3A_169], %parallel_loop3A_464 {add = true} : memref<1024x32xf32, #tpu.memory_space<vmem>>[vector<16xi32>, vector<16xi32>], vector<16xf32>,
      %parallel_loop3A_465 = arith.constant 5 : i32
      %parallel_loop3A_466 = arith.addi %parallel_loop3A_266, %parallel_loop3A_465 : i32
      %parallel_loop3A_467 = arith.constant 1 : i32
      %parallel_loop3A_468 = arith.index_cast %parallel_loop3A_467 : i32 to index
      %parallel_loop3A_469 = arith.index_cast %parallel_loop3A_466 : i32 to index
      %parallel_loop3A_470 = arith.constant 0 : index
      %parallel_loop3A_471 = tpu.vector_load %arg8[%parallel_loop3A_468, %parallel_loop3A_469, %parallel_loop3A_470] {strides = array<i32>} : memref<2x1024x32xf32, #tpu.memory_space<vmem>>, vector<16xf32>,
      tpu.vector_store_idx %arg6[%parallel_loop3A_314, %add3A_165], %parallel_loop3A_471 {add = true} : memref<1024x32xf32, #tpu.memory_space<vmem>>[vector<16xi32>, vector<16xi32>], vector<16xf32>,
      %parallel_loop3A_472 = arith.constant 5 : i32
      %parallel_loop3A_473 = arith.addi %parallel_loop3A_266, %parallel_loop3A_472 : i32
      %parallel_loop3A_474 = arith.constant 1 : i32
      %parallel_loop3A_475 = arith.index_cast %parallel_loop3A_474 : i32 to index
      %parallel_loop3A_476 = arith.index_cast %parallel_loop3A_473 : i32 to index
      %parallel_loop3A_477 = arith.constant 16 : index
      %parallel_loop3A_478 = tpu.vector_load %arg8[%parallel_loop3A_475, %parallel_loop3A_476, %parallel_loop3A_477] {strides = array<i32>} : memref<2x1024x32xf32, #tpu.memory_space<vmem>>, vector<16xf32>,
      tpu.vector_store_idx %arg6[%parallel_loop3A_314, %add3A_169], %parallel_loop3A_478 {add = true} : memref<1024x32xf32, #tpu.memory_space<vmem>>[vector<16xi32>, vector<16xi32>], vector<16xf32>,
      %parallel_loop3A_479 = arith.constant 6 : i32
      %parallel_loop3A_480 = arith.addi %parallel_loop3A_266, %parallel_loop3A_479 : i32
      %parallel_loop3A_481 = arith.constant 1 : i32
      %parallel_loop3A_482 = arith.index_cast %parallel_loop3A_481 : i32 to index
      %parallel_loop3A_483 = arith.index_cast %parallel_loop3A_480 : i32 to index
      %parallel_loop3A_484 = arith.constant 0 : index
      %parallel_loop3A_485 = tpu.vector_load %arg8[%parallel_loop3A_482, %parallel_loop3A_483, %parallel_loop3A_484] {strides = array<i32>} : memref<2x1024x32xf32, #tpu.memory_space<vmem>>, vector<16xf32>,
      tpu.vector_store_idx %arg6[%parallel_loop3A_322, %add3A_165], %parallel_loop3A_485 {add = true} : memref<1024x32xf32, #tpu.memory_space<vmem>>[vector<16xi32>, vector<16xi32>], vector<16xf32>,
      %parallel_loop3A_486 = arith.constant 6 : i32
      %parallel_loop3A_487 = arith.addi %parallel_loop3A_266, %parallel_loop3A_486 : i32
      %parallel_loop3A_488 = arith.constant 1 : i32
      %parallel_loop3A_489 = arith.index_cast %parallel_loop3A_488 : i32 to index
      %parallel_loop3A_490 = arith.index_cast %parallel_loop3A_487 : i32 to index
      %parallel_loop3A_491 = arith.constant 16 : index
      %parallel_loop3A_492 = tpu.vector_load %arg8[%parallel_loop3A_489, %parallel_loop3A_490, %parallel_loop3A_491] {strides = array<i32>} : memref<2x1024x32xf32, #tpu.memory_space<vmem>>, vector<16xf32>,
      tpu.vector_store_idx %arg6[%parallel_loop3A_322, %add3A_169], %parallel_loop3A_492 {add = true} : memref<1024x32xf32, #tpu.memory_space<vmem>>[vector<16xi32>, vector<16xi32>], vector<16xf32>,
      %parallel_loop3A_493 = arith.constant 7 : i32
      %parallel_loop3A_494 = arith.addi %parallel_loop3A_266, %parallel_loop3A_493 : i32
      %parallel_loop3A_495 = arith.constant 1 : i32
      %parallel_loop3A_496 = arith.index_cast %parallel_loop3A_495 : i32 to index
      %parallel_loop3A_497 = arith.index_cast %parallel_loop3A_494 : i32 to index
      %parallel_loop3A_498 = arith.constant 0 : index
      %parallel_loop3A_499 = tpu.vector_load %arg8[%parallel_loop3A_496, %parallel_loop3A_497, %parallel_loop3A_498] {strides = array<i32>} : memref<2x1024x32xf32, #tpu.memory_space<vmem>>, vector<16xf32>,
      tpu.vector_store_idx %arg6[%parallel_loop3A_330, %add3A_165], %parallel_loop3A_499 {add = true} : memref<1024x32xf32, #tpu.memory_space<vmem>>[vector<16xi32>, vector<16xi32>], vector<16xf32>,
      %parallel_loop3A_500 = arith.constant 7 : i32
      %parallel_loop3A_501 = arith.addi %parallel_loop3A_266, %parallel_loop3A_500 : i32
      %parallel_loop3A_502 = arith.constant 1 : i32
      %parallel_loop3A_503 = arith.index_cast %parallel_loop3A_502 : i32 to index
      %parallel_loop3A_504 = arith.index_cast %parallel_loop3A_501 : i32 to index
      %parallel_loop3A_505 = arith.constant 16 : index
      %parallel_loop3A_506 = tpu.vector_load %arg8[%parallel_loop3A_503, %parallel_loop3A_504, %parallel_loop3A_505] {strides = array<i32>} : memref<2x1024x32xf32, #tpu.memory_space<vmem>>, vector<16xf32>,
      tpu.vector_store_idx %arg6[%parallel_loop3A_330, %add3A_169], %parallel_loop3A_506 {add = true} : memref<1024x32xf32, #tpu.memory_space<vmem>>[vector<16xi32>, vector<16xi32>], vector<16xf32>,
      %parallel_loop3A_507 = arith.constant 8 : i32
      %parallel_loop3A_508 = arith.addi %parallel_loop3A_266, %parallel_loop3A_507 : i32
      %parallel_loop3A_509 = arith.constant 1 : i32
      %parallel_loop3A_510 = arith.index_cast %parallel_loop3A_509 : i32 to index
      %parallel_loop3A_511 = arith.index_cast %parallel_loop3A_508 : i32 to index
      %parallel_loop3A_512 = arith.constant 0 : index
      %parallel_loop3A_513 = tpu.vector_load %arg8[%parallel_loop3A_510, %parallel_loop3A_511, %parallel_loop3A_512] {strides = array<i32>} : memref<2x1024x32xf32, #tpu.memory_space<vmem>>, vector<16xf32>,
      tpu.vector_store_idx %arg6[%parallel_loop3A_338, %add3A_165], %parallel_loop3A_513 {add = true} : memref<1024x32xf32, #tpu.memory_space<vmem>>[vector<16xi32>, vector<16xi32>], vector<16xf32>,
      %parallel_loop3A_514 = arith.constant 8 : i32
      %parallel_loop3A_515 = arith.addi %parallel_loop3A_266, %parallel_loop3A_514 : i32
      %parallel_loop3A_516 = arith.constant 1 : i32
      %parallel_loop3A_517 = arith.index_cast %parallel_loop3A_516 : i32 to index
      %parallel_loop3A_518 = arith.index_cast %parallel_loop3A_515 : i32 to index
      %parallel_loop3A_519 = arith.constant 16 : index
      %parallel_loop3A_520 = tpu.vector_load %arg8[%parallel_loop3A_517, %parallel_loop3A_518, %parallel_loop3A_519] {strides = array<i32>} : memref<2x1024x32xf32, #tpu.memory_space<vmem>>, vector<16xf32>,
      tpu.vector_store_idx %arg6[%parallel_loop3A_338, %add3A_169], %parallel_loop3A_520 {add = true} : memref<1024x32xf32, #tpu.memory_space<vmem>>[vector<16xi32>, vector<16xi32>], vector<16xf32>,
      %parallel_loop3A_521 = arith.constant 9 : i32
      %parallel_loop3A_522 = arith.addi %parallel_loop3A_266, %parallel_loop3A_521 : i32
      %parallel_loop3A_523 = arith.constant 1 : i32
      %parallel_loop3A_524 = arith.index_cast %parallel_loop3A_523 : i32 to index
      %parallel_loop3A_525 = arith.index_cast %parallel_loop3A_522 : i32 to index
      %parallel_loop3A_526 = arith.constant 0 : index
      %parallel_loop3A_527 = tpu.vector_load %arg8[%parallel_loop3A_524, %parallel_loop3A_525, %parallel_loop3A_526] {strides = array<i32>} : memref<2x1024x32xf32, #tpu.memory_space<vmem>>, vector<16xf32>,
      tpu.vector_store_idx %arg6[%parallel_loop3A_346, %add3A_165], %parallel_loop3A_527 {add = true} : memref<1024x32xf32, #tpu.memory_space<vmem>>[vector<16xi32>, vector<16xi32>], vector<16xf32>,
      %parallel_loop3A_528 = arith.constant 9 : i32
      %parallel_loop3A_529 = arith.addi %parallel_loop3A_266, %parallel_loop3A_528 : i32
      %parallel_loop3A_530 = arith.constant 1 : i32
      %parallel_loop3A_531 = arith.index_cast %parallel_loop3A_530 : i32 to index
      %parallel_loop3A_532 = arith.index_cast %parallel_loop3A_529 : i32 to index
      %parallel_loop3A_533 = arith.constant 16 : index
      %parallel_loop3A_534 = tpu.vector_load %arg8[%parallel_loop3A_531, %parallel_loop3A_532, %parallel_loop3A_533] {strides = array<i32>} : memref<2x1024x32xf32, #tpu.memory_space<vmem>>, vector<16xf32>,
      tpu.vector_store_idx %arg6[%parallel_loop3A_346, %add3A_169], %parallel_loop3A_534 {add = true} : memref<1024x32xf32, #tpu.memory_space<vmem>>[vector<16xi32>, vector<16xi32>], vector<16xf32>,
      %parallel_loop3A_535 = arith.constant 10 : i32
      %parallel_loop3A_536 = arith.addi %parallel_loop3A_266, %parallel_loop3A_535 : i32
      %parallel_loop3A_537 = arith.constant 1 : i32
      %parallel_loop3A_538 = arith.index_cast %parallel_loop3A_537 : i32 to index
      %parallel_loop3A_539 = arith.index_cast %parallel_loop3A_536 : i32 to index
      %parallel_loop3A_540 = arith.constant 0 : index
      %parallel_loop3A_541 = tpu.vector_load %arg8[%parallel_loop3A_538, %parallel_loop3A_539, %parallel_loop3A_540] {strides = array<i32>} : memref<2x1024x32xf32, #tpu.memory_space<vmem>>, vector<16xf32>,
      tpu.vector_store_idx %arg6[%parallel_loop3A_354, %add3A_165], %parallel_loop3A_541 {add = true} : memref<1024x32xf32, #tpu.memory_space<vmem>>[vector<16xi32>, vector<16xi32>], vector<16xf32>,
      %parallel_loop3A_542 = arith.constant 10 : i32
      %parallel_loop3A_543 = arith.addi %parallel_loop3A_266, %parallel_loop3A_542 : i32
      %parallel_loop3A_544 = arith.constant 1 : i32
      %parallel_loop3A_545 = arith.index_cast %parallel_loop3A_544 : i32 to index
      %parallel_loop3A_546 = arith.index_cast %parallel_loop3A_543 : i32 to index
      %parallel_loop3A_547 = arith.constant 16 : index
      %parallel_loop3A_548 = tpu.vector_load %arg8[%parallel_loop3A_545, %parallel_loop3A_546, %parallel_loop3A_547] {strides = array<i32>} : memref<2x1024x32xf32, #tpu.memory_space<vmem>>, vector<16xf32>,
      tpu.vector_store_idx %arg6[%parallel_loop3A_354, %add3A_169], %parallel_loop3A_548 {add = true} : memref<1024x32xf32, #tpu.memory_space<vmem>>[vector<16xi32>, vector<16xi32>], vector<16xf32>,
      %parallel_loop3A_549 = arith.constant 11 : i32
      %parallel_loop3A_550 = arith.addi %parallel_loop3A_266, %parallel_loop3A_549 : i32
      %parallel_loop3A_551 = arith.constant 1 : i32
      %parallel_loop3A_552 = arith.index_cast %parallel_loop3A_551 : i32 to index
      %parallel_loop3A_553 = arith.index_cast %parallel_loop3A_550 : i32 to index
      %parallel_loop3A_554 = arith.constant 0 : index
      %parallel_loop3A_555 = tpu.vector_load %arg8[%parallel_loop3A_552, %parallel_loop3A_553, %parallel_loop3A_554] {strides = array<i32>} : memref<2x1024x32xf32, #tpu.memory_space<vmem>>, vector<16xf32>,
      tpu.vector_store_idx %arg6[%parallel_loop3A_362, %add3A_165], %parallel_loop3A_555 {add = true} : memref<1024x32xf32, #tpu.memory_space<vmem>>[vector<16xi32>, vector<16xi32>], vector<16xf32>,
      %parallel_loop3A_556 = arith.constant 11 : i32
      %parallel_loop3A_557 = arith.addi %parallel_loop3A_266, %parallel_loop3A_556 : i32
      %parallel_loop3A_558 = arith.constant 1 : i32
      %parallel_loop3A_559 = arith.index_cast %parallel_loop3A_558 : i32 to index
      %parallel_loop3A_560 = arith.index_cast %parallel_loop3A_557 : i32 to index
      %parallel_loop3A_561 = arith.constant 16 : index
      %parallel_loop3A_562 = tpu.vector_load %arg8[%parallel_loop3A_559, %parallel_loop3A_560, %parallel_loop3A_561] {strides = array<i32>} : memref<2x1024x32xf32, #tpu.memory_space<vmem>>, vector<16xf32>,
      tpu.vector_store_idx %arg6[%parallel_loop3A_362, %add3A_169], %parallel_loop3A_562 {add = true} : memref<1024x32xf32, #tpu.memory_space<vmem>>[vector<16xi32>, vector<16xi32>], vector<16xf32>,
      %parallel_loop3A_563 = arith.constant 12 : i32
      %parallel_loop3A_564 = arith.addi %parallel_loop3A_266, %parallel_loop3A_563 : i32
      %parallel_loop3A_565 = arith.constant 1 : i32
      %parallel_loop3A_566 = arith.index_cast %parallel_loop3A_565 : i32 to index
      %parallel_loop3A_567 = arith.index_cast %parallel_loop3A_564 : i32 to index
      %parallel_loop3A_568 = arith.constant 0 : index
      %parallel_loop3A_569 = tpu.vector_load %arg8[%parallel_loop3A_566, %parallel_loop3A_567, %parallel_loop3A_568] {strides = array<i32>} : memref<2x1024x32xf32, #tpu.memory_space<vmem>>, vector<16xf32>,
      tpu.vector_store_idx %arg6[%parallel_loop3A_370, %add3A_165], %parallel_loop3A_569 {add = true} : memref<1024x32xf32, #tpu.memory_space<vmem>>[vector<16xi32>, vector<16xi32>], vector<16xf32>,
      %parallel_loop3A_570 = arith.constant 12 : i32
      %parallel_loop3A_571 = arith.addi %parallel_loop3A_266, %parallel_loop3A_570 : i32
      %parallel_loop3A_572 = arith.constant 1 : i32
      %parallel_loop3A_573 = arith.index_cast %parallel_loop3A_572 : i32 to index
      %parallel_loop3A_574 = arith.index_cast %parallel_loop3A_571 : i32 to index
      %parallel_loop3A_575 = arith.constant 16 : index
      %parallel_loop3A_576 = tpu.vector_load %arg8[%parallel_loop3A_573, %parallel_loop3A_574, %parallel_loop3A_575] {strides = array<i32>} : memref<2x1024x32xf32, #tpu.memory_space<vmem>>, vector<16xf32>,
      tpu.vector_store_idx %arg6[%parallel_loop3A_370, %add3A_169], %parallel_loop3A_576 {add = true} : memref<1024x32xf32, #tpu.memory_space<vmem>>[vector<16xi32>, vector<16xi32>], vector<16xf32>,
      %parallel_loop3A_577 = arith.constant 13 : i32
      %parallel_loop3A_578 = arith.addi %parallel_loop3A_266, %parallel_loop3A_577 : i32
      %parallel_loop3A_579 = arith.constant 1 : i32
      %parallel_loop3A_580 = arith.index_cast %parallel_loop3A_579 : i32 to index
      %parallel_loop3A_581 = arith.index_cast %parallel_loop3A_578 : i32 to index
      %parallel_loop3A_582 = arith.constant 0 : index
      %parallel_loop3A_583 = tpu.vector_load %arg8[%parallel_loop3A_580, %parallel_loop3A_581, %parallel_loop3A_582] {strides = array<i32>} : memref<2x1024x32xf32, #tpu.memory_space<vmem>>, vector<16xf32>,
      tpu.vector_store_idx %arg6[%parallel_loop3A_378, %add3A_165], %parallel_loop3A_583 {add = true} : memref<1024x32xf32, #tpu.memory_space<vmem>>[vector<16xi32>, vector<16xi32>], vector<16xf32>,
      %parallel_loop3A_584 = arith.constant 13 : i32
      %parallel_loop3A_585 = arith.addi %parallel_loop3A_266, %parallel_loop3A_584 : i32
      %parallel_loop3A_586 = arith.constant 1 : i32
      %parallel_loop3A_587 = arith.index_cast %parallel_loop3A_586 : i32 to index
      %parallel_loop3A_588 = arith.index_cast %parallel_loop3A_585 : i32 to index
      %parallel_loop3A_589 = arith.constant 16 : index
      %parallel_loop3A_590 = tpu.vector_load %arg8[%parallel_loop3A_587, %parallel_loop3A_588, %parallel_loop3A_589] {strides = array<i32>} : memref<2x1024x32xf32, #tpu.memory_space<vmem>>, vector<16xf32>,
      tpu.vector_store_idx %arg6[%parallel_loop3A_378, %add3A_169], %parallel_loop3A_590 {add = true} : memref<1024x32xf32, #tpu.memory_space<vmem>>[vector<16xi32>, vector<16xi32>], vector<16xf32>,
      %parallel_loop3A_591 = arith.constant 14 : i32
      %parallel_loop3A_592 = arith.addi %parallel_loop3A_266, %parallel_loop3A_591 : i32
      %parallel_loop3A_593 = arith.constant 1 : i32
      %parallel_loop3A_594 = arith.index_cast %parallel_loop3A_593 : i32 to index
      %parallel_loop3A_595 = arith.index_cast %parallel_loop3A_592 : i32 to index
      %parallel_loop3A_596 = arith.constant 0 : index
      %parallel_loop3A_597 = tpu.vector_load %arg8[%parallel_loop3A_594, %parallel_loop3A_595, %parallel_loop3A_596] {strides = array<i32>} : memref<2x1024x32xf32, #tpu.memory_space<vmem>>, vector<16xf32>,
      tpu.vector_store_idx %arg6[%parallel_loop3A_386, %add3A_165], %parallel_loop3A_597 {add = true} : memref<1024x32xf32, #tpu.memory_space<vmem>>[vector<16xi32>, vector<16xi32>], vector<16xf32>,
      %parallel_loop3A_598 = arith.constant 14 : i32
      %parallel_loop3A_599 = arith.addi %parallel_loop3A_266, %parallel_loop3A_598 : i32
      %parallel_loop3A_600 = arith.constant 1 : i32
      %parallel_loop3A_601 = arith.index_cast %parallel_loop3A_600 : i32 to index
      %parallel_loop3A_602 = arith.index_cast %parallel_loop3A_599 : i32 to index
      %parallel_loop3A_603 = arith.constant 16 : index
      %parallel_loop3A_604 = tpu.vector_load %arg8[%parallel_loop3A_601, %parallel_loop3A_602, %parallel_loop3A_603] {strides = array<i32>} : memref<2x1024x32xf32, #tpu.memory_space<vmem>>, vector<16xf32>,
      tpu.vector_store_idx %arg6[%parallel_loop3A_386, %add3A_169], %parallel_loop3A_604 {add = true} : memref<1024x32xf32, #tpu.memory_space<vmem>>[vector<16xi32>, vector<16xi32>], vector<16xf32>,
      %parallel_loop3A_605 = arith.constant 15 : i32
      %parallel_loop3A_606 = arith.addi %parallel_loop3A_266, %parallel_loop3A_605 : i32
      %parallel_loop3A_607 = arith.constant 1 : i32
      %parallel_loop3A_608 = arith.index_cast %parallel_loop3A_607 : i32 to index
      %parallel_loop3A_609 = arith.index_cast %parallel_loop3A_606 : i32 to index
      %parallel_loop3A_610 = arith.constant 0 : index
      %parallel_loop3A_611 = tpu.vector_load %arg8[%parallel_loop3A_608, %parallel_loop3A_609, %parallel_loop3A_610] {strides = array<i32>} : memref<2x1024x32xf32, #tpu.memory_space<vmem>>, vector<16xf32>,
      tpu.vector_store_idx %arg6[%parallel_loop3A_394, %add3A_165], %parallel_loop3A_611 {add = true} : memref<1024x32xf32, #tpu.memory_space<vmem>>[vector<16xi32>, vector<16xi32>], vector<16xf32>,
      %parallel_loop3A_612 = arith.constant 15 : i32
      %parallel_loop3A_613 = arith.addi %parallel_loop3A_266, %parallel_loop3A_612 : i32
      %parallel_loop3A_614 = arith.constant 1 : i32
      %parallel_loop3A_615 = arith.index_cast %parallel_loop3A_614 : i32 to index
      %parallel_loop3A_616 = arith.index_cast %parallel_loop3A_613 : i32 to index
      %parallel_loop3A_617 = arith.constant 16 : index
      %parallel_loop3A_618 = tpu.vector_load %arg8[%parallel_loop3A_615, %parallel_loop3A_616, %parallel_loop3A_617] {strides = array<i32>} : memref<2x1024x32xf32, #tpu.memory_space<vmem>>, vector<16xf32>,
      tpu.vector_store_idx %arg6[%parallel_loop3A_394, %add3A_169], %parallel_loop3A_618 {add = true} : memref<1024x32xf32, #tpu.memory_space<vmem>>[vector<16xi32>, vector<16xi32>], vector<16xf32>,
      %parallel_loop3A_619 = arith.constant 0 : i32
      %parallel_loop3A_620 = arith.cmpi eq, %select_n3A_9, %parallel_loop3A_619 : i32
      %parallel_loop3A_621 = arith.extui %parallel_loop3A_620 : i1 to i32
      %parallel_loop3A_622 = arith.constant 0 : i32
      %parallel_loop3A_623 = arith.cmpi ne, %parallel_loop3A_621, %parallel_loop3A_622 : i32
      scf.if %parallel_loop3A_623 {
        %parallel_loop3A_624 = arith.constant 1 : i32
        %parallel_loop3A_625 = arith.index_cast %parallel_loop3A_624 : i32 to index
        %parallel_loop3A_626 = arith.index_cast %parallel_loop3A_266 : i32 to index
        %parallel_loop3A_627 = tpu.vector_load %arg9[%parallel_loop3A_625, %parallel_loop3A_626] {strides = array<i32>} : memref<2x1024xi32, #tpu.memory_space<vmem>>, vector<16xi32>,
        tpu.vector_store_idx %arg7[%parallel_loop3A_627, %broadcast_in_dim3A_39], %broadcast_in_dim3A_37 {add = true} : memref<1024x16xf32, #tpu.memory_space<vmem>>[vector<16xi32>, vector<16xi32>], vector<16xf32>,
      } else {
      }
    } {sc.loop_unroll_factor = 4 : i64, sc.parallel_access}
    %add3A_173 = arith.constant 3072 : i32
    %add3A_174 = arith.addi %mul3A_32, %add3A_173 : i32
    %dma_start3A_175 = arith.constant 1 : i32
    %dma_start3A_176 = arith.constant 0 : i32
    %dma_start3A_177 = arith.constant 0 : i32
    %dma_start3A_178 = tpu.memref_slice %arg8[%dma_start3A_175, %dma_start3A_176, %dma_start3A_177] : memref<2x1024x32xf32, #tpu.memory_space<vmem>> -> memref<1x1024x32xf32, #tpu.memory_space<vmem>>
    %dma_start3A_179 = tpu.memref_squeeze %dma_start3A_178 : memref<1x1024x32xf32, #tpu.memory_space<vmem>> -> memref<1024x32xf32, #tpu.memory_space<vmem>>
    %dma_start3A_180 = tpu.memref_slice %arg2[%add3A_174, %mul3A_34] : memref<16384x256xf32, #tpu.memory_space<hbm>> -> memref<1024x32xf32, #tpu.memory_space<hbm>>
    %dma_start3A_181 = arith.constant 0 : i32
    %dma_start3A_182 = arith.constant 0 : i32
    %dma_start3A_183 = tpu.memref_slice %arg8[%dma_start3A_175, %dma_start3A_181, %dma_start3A_182] : memref<2x1024x32xf32, #tpu.memory_space<vmem>> -> memref<1x1024x32xf32, #tpu.memory_space<vmem>>
    %dma_start3A_184 = tpu.memref_squeeze %dma_start3A_183 : memref<1x1024x32xf32, #tpu.memory_space<vmem>> -> memref<1024x32xf32, #tpu.memory_space<vmem>>
    %dma_start3A_185 = tpu.memref_slice %arg2[%add3A_174, %mul3A_34] : memref<16384x256xf32, #tpu.memory_space<hbm>> -> memref<1024x32xf32, #tpu.memory_space<hbm>>
    tpu.enqueue_dma source(%dma_start3A_185 : memref<1024x32xf32, #tpu.memory_space<hbm>>) target(%dma_start3A_184 : memref<1024x32xf32, #tpu.memory_space<vmem>>) target_semaphore(%arg10 : memref<!tpu.dma_semaphore, #tpu.memory_space<semaphore_mem>>)
    %add3A_186 = arith.constant 3072 : i32
    %add3A_187 = arith.addi %mul3A_32, %add3A_186 : i32
    %dma_start3A_188 = arith.constant 1 : i32
    %dma_start3A_189 = arith.constant 0 : i32
    %dma_start3A_190 = tpu.memref_slice %arg9[%dma_start3A_188, %dma_start3A_189] : memref<2x1024xi32, #tpu.memory_space<vmem>> -> memref<1x1024xi32, #tpu.memory_space<vmem>>
    %dma_start3A_191 = tpu.memref_squeeze %dma_start3A_190 : memref<1x1024xi32, #tpu.memory_space<vmem>> -> memref<1024xi32, #tpu.memory_space<vmem>>
    %dma_start3A_192 = tpu.memref_slice %arg3[%add3A_187] : memref<16384xi32, #tpu.memory_space<hbm>> -> memref<1024xi32, #tpu.memory_space<hbm>>
    %dma_start3A_193 = arith.constant 0 : i32
    %dma_start3A_194 = tpu.memref_slice %arg9[%dma_start3A_188, %dma_start3A_193] : memref<2x1024xi32, #tpu.memory_space<vmem>> -> memref<1x1024xi32, #tpu.memory_space<vmem>>
    %dma_start3A_195 = tpu.memref_squeeze %dma_start3A_194 : memref<1x1024xi32, #tpu.memory_space<vmem>> -> memref<1024xi32, #tpu.memory_space<vmem>>
    %dma_start3A_196 = tpu.memref_slice %arg3[%add3A_187] : memref<16384xi32, #tpu.memory_space<hbm>> -> memref<1024xi32, #tpu.memory_space<hbm>>
    tpu.enqueue_dma source(%dma_start3A_196 : memref<1024xi32, #tpu.memory_space<hbm>>) target(%dma_start3A_195 : memref<1024xi32, #tpu.memory_space<vmem>>) target_semaphore(%arg11 : memref<!tpu.dma_semaphore, #tpu.memory_space<semaphore_mem>>)
    %dma_wait3A_197 = arith.constant 0 : i32
    %dma_wait3A_198 = arith.constant 0 : i32
    %dma_wait3A_199 = arith.constant 0 : i32
    %dma_wait3A_200 = tpu.memref_slice %arg8[%dma_wait3A_197, %dma_wait3A_198, %dma_wait3A_199] : memref<2x1024x32xf32, #tpu.memory_space<vmem>> -> memref<1x1024x32xf32, #tpu.memory_space<vmem>>
    %dma_wait3A_201 = tpu.memref_squeeze %dma_wait3A_200 : memref<1x1024x32xf32, #tpu.memory_space<vmem>> -> memref<1024x32xf32, #tpu.memory_space<vmem>>
    %dma_wait3A_202 = tpu.memref_slice %arg2[%add3A_119, %mul3A_34] : memref<16384x256xf32, #tpu.memory_space<hbm>> -> memref<1024x32xf32, #tpu.memory_space<hbm>>
    %dma_wait3A_203 = arith.constant 0 : i32
    %dma_wait3A_204 = arith.constant 0 : i32
    %dma_wait3A_205 = tpu.memref_slice %arg8[%dma_wait3A_197, %dma_wait3A_203, %dma_wait3A_204] : memref<2x1024x32xf32, #tpu.memory_space<vmem>> -> memref<1x1024x32xf32, #tpu.memory_space<vmem>>
    %dma_wait3A_206 = tpu.memref_squeeze %dma_wait3A_205 : memref<1x1024x32xf32, #tpu.memory_space<vmem>> -> memref<1024x32xf32, #tpu.memory_space<vmem>>
    %dma_wait3A_207 = tpu.memref_slice %arg2[%add3A_119, %mul3A_34] : memref<16384x256xf32, #tpu.memory_space<hbm>> -> memref<1024x32xf32, #tpu.memory_space<hbm>>
    tpu.wait_dma2 semaphore(%arg10 : memref<!tpu.dma_semaphore, #tpu.memory_space<semaphore_mem>>) src(%dma_wait3A_207 : memref<1024x32xf32, #tpu.memory_space<hbm>>) dst(%dma_wait3A_206 : memref<1024x32xf32, #tpu.memory_space<vmem>>)
    %dma_wait3A_208 = arith.constant 0 : i32
    %dma_wait3A_209 = arith.constant 0 : i32
    %dma_wait3A_210 = tpu.memref_slice %arg9[%dma_wait3A_208, %dma_wait3A_209] : memref<2x1024xi32, #tpu.memory_space<vmem>> -> memref<1x1024xi32, #tpu.memory_space<vmem>>
    %dma_wait3A_211 = tpu.memref_squeeze %dma_wait3A_210 : memref<1x1024xi32, #tpu.memory_space<vmem>> -> memref<1024xi32, #tpu.memory_space<vmem>>
    %dma_wait3A_212 = tpu.memref_slice %arg3[%add3A_132] : memref<16384xi32, #tpu.memory_space<hbm>> -> memref<1024xi32, #tpu.memory_space<hbm>>
    %dma_wait3A_213 = arith.constant 0 : i32
    %dma_wait3A_214 = tpu.memref_slice %arg9[%dma_wait3A_208, %dma_wait3A_213] : memref<2x1024xi32, #tpu.memory_space<vmem>> -> memref<1x1024xi32, #tpu.memory_space<vmem>>
    %dma_wait3A_215 = tpu.memref_squeeze %dma_wait3A_214 : memref<1x1024xi32, #tpu.memory_space<vmem>> -> memref<1024xi32, #tpu.memory_space<vmem>>
    %dma_wait3A_216 = tpu.memref_slice %arg3[%add3A_132] : memref<16384xi32, #tpu.memory_space<hbm>> -> memref<1024xi32, #tpu.memory_space<hbm>>
    tpu.wait_dma2 semaphore(%arg11 : memref<!tpu.dma_semaphore, #tpu.memory_space<semaphore_mem>>) src(%dma_wait3A_216 : memref<1024xi32, #tpu.memory_space<hbm>>) dst(%dma_wait3A_215 : memref<1024xi32, #tpu.memory_space<vmem>>)
    %iota3A_217 = tpu.iota {dimensions = array<i32: 0>} : vector<16xi32>
    %add3A_218 = arith.constant 0 : i32
    %add3A_219 = vector.broadcast %add3A_218 : i32 to vector<16xi32>
    %add3A_220 = arith.addi %iota3A_217, %add3A_219 : vector<16xi32>
    %iota3A_221 = tpu.iota {dimensions = array<i32: 0>} : vector<16xi32>
    %add3A_222 = arith.constant 16 : i32
    %add3A_223 = vector.broadcast %add3A_222 : i32 to vector<16xi32>
    %add3A_224 = arith.addi %iota3A_221, %add3A_223 : vector<16xi32>
    %parallel_loop3A_225 = arith.constant 0 : i32
    %parallel_loop3A_226 = arith.constant 64 : i32
    %parallel_loop3A_227 = arith.constant 1 : i32
    scf.for %parallel_loop3A_264 = %parallel_loop3A_225 to %parallel_loop3A_226 step %parallel_loop3A_227  : i32 {
      %parallel_loop3A_265 = arith.constant 16 : i32
      %parallel_loop3A_266 = arith.muli %parallel_loop3A_264, %parallel_loop3A_265 : i32
      %parallel_loop3A_267 = arith.constant 0 : i32
      %parallel_loop3A_268 = arith.addi %parallel_loop3A_266, %parallel_loop3A_267 : i32
      %parallel_loop3A_269 = vector.broadcast %parallel_loop3A_268 : i32 to vector<16xi32>
      %parallel_loop3A_270 = arith.constant 0 : i32
      %parallel_loop3A_271 = arith.constant 0 : i32
      %parallel_loop3A_272 = tpu.memref_slice %arg9[%parallel_loop3A_270, %parallel_loop3A_271] : memref<2x1024xi32, #tpu.memory_space<vmem>> -> memref<1x1024xi32, #tpu.memory_space<vmem>>
      %parallel_loop3A_273 = tpu.memref_squeeze %parallel_loop3A_272 : memref<1x1024xi32, #tpu.memory_space<vmem>> -> memref<1024xi32, #tpu.memory_space<vmem>>
      %parallel_loop3A_274 = tpu.vector_load_idx %parallel_loop3A_273[%parallel_loop3A_269] : memref<1024xi32, #tpu.memory_space<vmem>>[vector<16xi32>], vector<16xi32>,
      %parallel_loop3A_275 = arith.constant 1 : i32
      %parallel_loop3A_276 = arith.addi %parallel_loop3A_266, %parallel_loop3A_275 : i32
      %parallel_loop3A_277 = vector.broadcast %parallel_loop3A_276 : i32 to vector<16xi32>
      %parallel_loop3A_278 = arith.constant 0 : i32
      %parallel_loop3A_279 = arith.constant 0 : i32
      %parallel_loop3A_280 = tpu.memref_slice %arg9[%parallel_loop3A_278, %parallel_loop3A_279] : memref<2x1024xi32, #tpu.memory_space<vmem>> -> memref<1x1024xi32, #tpu.memory_space<vmem>>
      %parallel_loop3A_281 = tpu.memref_squeeze %parallel_loop3A_280 : memref<1x1024xi32, #tpu.memory_space<vmem>> -> memref<1024xi32, #tpu.memory_space<vmem>>
      %parallel_loop3A_282 = tpu.vector_load_idx %parallel_loop3A_281[%parallel_loop3A_277] : memref<1024xi32, #tpu.memory_space<vmem>>[vector<16xi32>], vector<16xi32>,
      %parallel_loop3A_283 = arith.constant 2 : i32
      %parallel_loop3A_284 = arith.addi %parallel_loop3A_266, %parallel_loop3A_283 : i32
      %parallel_loop3A_285 = vector.broadcast %parallel_loop3A_284 : i32 to vector<16xi32>
      %parallel_loop3A_286 = arith.constant 0 : i32
      %parallel_loop3A_287 = arith.constant 0 : i32
      %parallel_loop3A_288 = tpu.memref_slice %arg9[%parallel_loop3A_286, %parallel_loop3A_287] : memref<2x1024xi32, #tpu.memory_space<vmem>> -> memref<1x1024xi32, #tpu.memory_space<vmem>>
      %parallel_loop3A_289 = tpu.memref_squeeze %parallel_loop3A_288 : memref<1x1024xi32, #tpu.memory_space<vmem>> -> memref<1024xi32, #tpu.memory_space<vmem>>
      %parallel_loop3A_290 = tpu.vector_load_idx %parallel_loop3A_289[%parallel_loop3A_285] : memref<1024xi32, #tpu.memory_space<vmem>>[vector<16xi32>], vector<16xi32>,
      %parallel_loop3A_291 = arith.constant 3 : i32
      %parallel_loop3A_292 = arith.addi %parallel_loop3A_266, %parallel_loop3A_291 : i32
      %parallel_loop3A_293 = vector.broadcast %parallel_loop3A_292 : i32 to vector<16xi32>
      %parallel_loop3A_294 = arith.constant 0 : i32
      %parallel_loop3A_295 = arith.constant 0 : i32
      %parallel_loop3A_296 = tpu.memref_slice %arg9[%parallel_loop3A_294, %parallel_loop3A_295] : memref<2x1024xi32, #tpu.memory_space<vmem>> -> memref<1x1024xi32, #tpu.memory_space<vmem>>
      %parallel_loop3A_297 = tpu.memref_squeeze %parallel_loop3A_296 : memref<1x1024xi32, #tpu.memory_space<vmem>> -> memref<1024xi32, #tpu.memory_space<vmem>>
      %parallel_loop3A_298 = tpu.vector_load_idx %parallel_loop3A_297[%parallel_loop3A_293] : memref<1024xi32, #tpu.memory_space<vmem>>[vector<16xi32>], vector<16xi32>,
      %parallel_loop3A_299 = arith.constant 4 : i32
      %parallel_loop3A_300 = arith.addi %parallel_loop3A_266, %parallel_loop3A_299 : i32
      %parallel_loop3A_301 = vector.broadcast %parallel_loop3A_300 : i32 to vector<16xi32>
      %parallel_loop3A_302 = arith.constant 0 : i32
      %parallel_loop3A_303 = arith.constant 0 : i32
      %parallel_loop3A_304 = tpu.memref_slice %arg9[%parallel_loop3A_302, %parallel_loop3A_303] : memref<2x1024xi32, #tpu.memory_space<vmem>> -> memref<1x1024xi32, #tpu.memory_space<vmem>>
      %parallel_loop3A_305 = tpu.memref_squeeze %parallel_loop3A_304 : memref<1x1024xi32, #tpu.memory_space<vmem>> -> memref<1024xi32, #tpu.memory_space<vmem>>
      %parallel_loop3A_306 = tpu.vector_load_idx %parallel_loop3A_305[%parallel_loop3A_301] : memref<1024xi32, #tpu.memory_space<vmem>>[vector<16xi32>], vector<16xi32>,
      %parallel_loop3A_307 = arith.constant 5 : i32
      %parallel_loop3A_308 = arith.addi %parallel_loop3A_266, %parallel_loop3A_307 : i32
      %parallel_loop3A_309 = vector.broadcast %parallel_loop3A_308 : i32 to vector<16xi32>
      %parallel_loop3A_310 = arith.constant 0 : i32
      %parallel_loop3A_311 = arith.constant 0 : i32
      %parallel_loop3A_312 = tpu.memref_slice %arg9[%parallel_loop3A_310, %parallel_loop3A_311] : memref<2x1024xi32, #tpu.memory_space<vmem>> -> memref<1x1024xi32, #tpu.memory_space<vmem>>
      %parallel_loop3A_313 = tpu.memref_squeeze %parallel_loop3A_312 : memref<1x1024xi32, #tpu.memory_space<vmem>> -> memref<1024xi32, #tpu.memory_space<vmem>>
      %parallel_loop3A_314 = tpu.vector_load_idx %parallel_loop3A_313[%parallel_loop3A_309] : memref<1024xi32, #tpu.memory_space<vmem>>[vector<16xi32>], vector<16xi32>,
      %parallel_loop3A_315 = arith.constant 6 : i32
      %parallel_loop3A_316 = arith.addi %parallel_loop3A_266, %parallel_loop3A_315 : i32
      %parallel_loop3A_317 = vector.broadcast %parallel_loop3A_316 : i32 to vector<16xi32>
      %parallel_loop3A_318 = arith.constant 0 : i32
      %parallel_loop3A_319 = arith.constant 0 : i32
      %parallel_loop3A_320 = tpu.memref_slice %arg9[%parallel_loop3A_318, %parallel_loop3A_319] : memref<2x1024xi32, #tpu.memory_space<vmem>> -> memref<1x1024xi32, #tpu.memory_space<vmem>>
      %parallel_loop3A_321 = tpu.memref_squeeze %parallel_loop3A_320 : memref<1x1024xi32, #tpu.memory_space<vmem>> -> memref<1024xi32, #tpu.memory_space<vmem>>
      %parallel_loop3A_322 = tpu.vector_load_idx %parallel_loop3A_321[%parallel_loop3A_317] : memref<1024xi32, #tpu.memory_space<vmem>>[vector<16xi32>], vector<16xi32>,
      %parallel_loop3A_323 = arith.constant 7 : i32
      %parallel_loop3A_324 = arith.addi %parallel_loop3A_266, %parallel_loop3A_323 : i32
      %parallel_loop3A_325 = vector.broadcast %parallel_loop3A_324 : i32 to vector<16xi32>
      %parallel_loop3A_326 = arith.constant 0 : i32
      %parallel_loop3A_327 = arith.constant 0 : i32
      %parallel_loop3A_328 = tpu.memref_slice %arg9[%parallel_loop3A_326, %parallel_loop3A_327] : memref<2x1024xi32, #tpu.memory_space<vmem>> -> memref<1x1024xi32, #tpu.memory_space<vmem>>
      %parallel_loop3A_329 = tpu.memref_squeeze %parallel_loop3A_328 : memref<1x1024xi32, #tpu.memory_space<vmem>> -> memref<1024xi32, #tpu.memory_space<vmem>>
      %parallel_loop3A_330 = tpu.vector_load_idx %parallel_loop3A_329[%parallel_loop3A_325] : memref<1024xi32, #tpu.memory_space<vmem>>[vector<16xi32>], vector<16xi32>,
      %parallel_loop3A_331 = arith.constant 8 : i32
      %parallel_loop3A_332 = arith.addi %parallel_loop3A_266, %parallel_loop3A_331 : i32
      %parallel_loop3A_333 = vector.broadcast %parallel_loop3A_332 : i32 to vector<16xi32>
      %parallel_loop3A_334 = arith.constant 0 : i32
      %parallel_loop3A_335 = arith.constant 0 : i32
      %parallel_loop3A_336 = tpu.memref_slice %arg9[%parallel_loop3A_334, %parallel_loop3A_335] : memref<2x1024xi32, #tpu.memory_space<vmem>> -> memref<1x1024xi32, #tpu.memory_space<vmem>>
      %parallel_loop3A_337 = tpu.memref_squeeze %parallel_loop3A_336 : memref<1x1024xi32, #tpu.memory_space<vmem>> -> memref<1024xi32, #tpu.memory_space<vmem>>
      %parallel_loop3A_338 = tpu.vector_load_idx %parallel_loop3A_337[%parallel_loop3A_333] : memref<1024xi32, #tpu.memory_space<vmem>>[vector<16xi32>], vector<16xi32>,
      %parallel_loop3A_339 = arith.constant 9 : i32
      %parallel_loop3A_340 = arith.addi %parallel_loop3A_266, %parallel_loop3A_339 : i32
      %parallel_loop3A_341 = vector.broadcast %parallel_loop3A_340 : i32 to vector<16xi32>
      %parallel_loop3A_342 = arith.constant 0 : i32
      %parallel_loop3A_343 = arith.constant 0 : i32
      %parallel_loop3A_344 = tpu.memref_slice %arg9[%parallel_loop3A_342, %parallel_loop3A_343] : memref<2x1024xi32, #tpu.memory_space<vmem>> -> memref<1x1024xi32, #tpu.memory_space<vmem>>
      %parallel_loop3A_345 = tpu.memref_squeeze %parallel_loop3A_344 : memref<1x1024xi32, #tpu.memory_space<vmem>> -> memref<1024xi32, #tpu.memory_space<vmem>>
      %parallel_loop3A_346 = tpu.vector_load_idx %parallel_loop3A_345[%parallel_loop3A_341] : memref<1024xi32, #tpu.memory_space<vmem>>[vector<16xi32>], vector<16xi32>,
      %parallel_loop3A_347 = arith.constant 10 : i32
      %parallel_loop3A_348 = arith.addi %parallel_loop3A_266, %parallel_loop3A_347 : i32
      %parallel_loop3A_349 = vector.broadcast %parallel_loop3A_348 : i32 to vector<16xi32>
      %parallel_loop3A_350 = arith.constant 0 : i32
      %parallel_loop3A_351 = arith.constant 0 : i32
      %parallel_loop3A_352 = tpu.memref_slice %arg9[%parallel_loop3A_350, %parallel_loop3A_351] : memref<2x1024xi32, #tpu.memory_space<vmem>> -> memref<1x1024xi32, #tpu.memory_space<vmem>>
      %parallel_loop3A_353 = tpu.memref_squeeze %parallel_loop3A_352 : memref<1x1024xi32, #tpu.memory_space<vmem>> -> memref<1024xi32, #tpu.memory_space<vmem>>
      %parallel_loop3A_354 = tpu.vector_load_idx %parallel_loop3A_353[%parallel_loop3A_349] : memref<1024xi32, #tpu.memory_space<vmem>>[vector<16xi32>], vector<16xi32>,
      %parallel_loop3A_355 = arith.constant 11 : i32
      %parallel_loop3A_356 = arith.addi %parallel_loop3A_266, %parallel_loop3A_355 : i32
      %parallel_loop3A_357 = vector.broadcast %parallel_loop3A_356 : i32 to vector<16xi32>
      %parallel_loop3A_358 = arith.constant 0 : i32
      %parallel_loop3A_359 = arith.constant 0 : i32
      %parallel_loop3A_360 = tpu.memref_slice %arg9[%parallel_loop3A_358, %parallel_loop3A_359] : memref<2x1024xi32, #tpu.memory_space<vmem>> -> memref<1x1024xi32, #tpu.memory_space<vmem>>
      %parallel_loop3A_361 = tpu.memref_squeeze %parallel_loop3A_360 : memref<1x1024xi32, #tpu.memory_space<vmem>> -> memref<1024xi32, #tpu.memory_space<vmem>>
      %parallel_loop3A_362 = tpu.vector_load_idx %parallel_loop3A_361[%parallel_loop3A_357] : memref<1024xi32, #tpu.memory_space<vmem>>[vector<16xi32>], vector<16xi32>,
      %parallel_loop3A_363 = arith.constant 12 : i32
      %parallel_loop3A_364 = arith.addi %parallel_loop3A_266, %parallel_loop3A_363 : i32
      %parallel_loop3A_365 = vector.broadcast %parallel_loop3A_364 : i32 to vector<16xi32>
      %parallel_loop3A_366 = arith.constant 0 : i32
      %parallel_loop3A_367 = arith.constant 0 : i32
      %parallel_loop3A_368 = tpu.memref_slice %arg9[%parallel_loop3A_366, %parallel_loop3A_367] : memref<2x1024xi32, #tpu.memory_space<vmem>> -> memref<1x1024xi32, #tpu.memory_space<vmem>>
      %parallel_loop3A_369 = tpu.memref_squeeze %parallel_loop3A_368 : memref<1x1024xi32, #tpu.memory_space<vmem>> -> memref<1024xi32, #tpu.memory_space<vmem>>
      %parallel_loop3A_370 = tpu.vector_load_idx %parallel_loop3A_369[%parallel_loop3A_365] : memref<1024xi32, #tpu.memory_space<vmem>>[vector<16xi32>], vector<16xi32>,
      %parallel_loop3A_371 = arith.constant 13 : i32
      %parallel_loop3A_372 = arith.addi %parallel_loop3A_266, %parallel_loop3A_371 : i32
      %parallel_loop3A_373 = vector.broadcast %parallel_loop3A_372 : i32 to vector<16xi32>
      %parallel_loop3A_374 = arith.constant 0 : i32
      %parallel_loop3A_375 = arith.constant 0 : i32
      %parallel_loop3A_376 = tpu.memref_slice %arg9[%parallel_loop3A_374, %parallel_loop3A_375] : memref<2x1024xi32, #tpu.memory_space<vmem>> -> memref<1x1024xi32, #tpu.memory_space<vmem>>
      %parallel_loop3A_377 = tpu.memref_squeeze %parallel_loop3A_376 : memref<1x1024xi32, #tpu.memory_space<vmem>> -> memref<1024xi32, #tpu.memory_space<vmem>>
      %parallel_loop3A_378 = tpu.vector_load_idx %parallel_loop3A_377[%parallel_loop3A_373] : memref<1024xi32, #tpu.memory_space<vmem>>[vector<16xi32>], vector<16xi32>,
      %parallel_loop3A_379 = arith.constant 14 : i32
      %parallel_loop3A_380 = arith.addi %parallel_loop3A_266, %parallel_loop3A_379 : i32
      %parallel_loop3A_381 = vector.broadcast %parallel_loop3A_380 : i32 to vector<16xi32>
      %parallel_loop3A_382 = arith.constant 0 : i32
      %parallel_loop3A_383 = arith.constant 0 : i32
      %parallel_loop3A_384 = tpu.memref_slice %arg9[%parallel_loop3A_382, %parallel_loop3A_383] : memref<2x1024xi32, #tpu.memory_space<vmem>> -> memref<1x1024xi32, #tpu.memory_space<vmem>>
      %parallel_loop3A_385 = tpu.memref_squeeze %parallel_loop3A_384 : memref<1x1024xi32, #tpu.memory_space<vmem>> -> memref<1024xi32, #tpu.memory_space<vmem>>
      %parallel_loop3A_386 = tpu.vector_load_idx %parallel_loop3A_385[%parallel_loop3A_381] : memref<1024xi32, #tpu.memory_space<vmem>>[vector<16xi32>], vector<16xi32>,
      %parallel_loop3A_387 = arith.constant 15 : i32
      %parallel_loop3A_388 = arith.addi %parallel_loop3A_266, %parallel_loop3A_387 : i32
      %parallel_loop3A_389 = vector.broadcast %parallel_loop3A_388 : i32 to vector<16xi32>
      %parallel_loop3A_390 = arith.constant 0 : i32
      %parallel_loop3A_391 = arith.constant 0 : i32
      %parallel_loop3A_392 = tpu.memref_slice %arg9[%parallel_loop3A_390, %parallel_loop3A_391] : memref<2x1024xi32, #tpu.memory_space<vmem>> -> memref<1x1024xi32, #tpu.memory_space<vmem>>
      %parallel_loop3A_393 = tpu.memref_squeeze %parallel_loop3A_392 : memref<1x1024xi32, #tpu.memory_space<vmem>> -> memref<1024xi32, #tpu.memory_space<vmem>>
      %parallel_loop3A_394 = tpu.vector_load_idx %parallel_loop3A_393[%parallel_loop3A_389] : memref<1024xi32, #tpu.memory_space<vmem>>[vector<16xi32>], vector<16xi32>,
      %parallel_loop3A_395 = arith.constant 0 : i32
      %parallel_loop3A_396 = arith.addi %parallel_loop3A_266, %parallel_loop3A_395 : i32
      %parallel_loop3A_397 = arith.constant 0 : i32
      %parallel_loop3A_398 = arith.index_cast %parallel_loop3A_397 : i32 to index
      %parallel_loop3A_399 = arith.index_cast %parallel_loop3A_396 : i32 to index
      %parallel_loop3A_400 = arith.constant 0 : index
      %parallel_loop3A_401 = tpu.vector_load %arg8[%parallel_loop3A_398, %parallel_loop3A_399, %parallel_loop3A_400] {strides = array<i32>} : memref<2x1024x32xf32, #tpu.memory_space<vmem>>, vector<16xf32>,
      tpu.vector_store_idx %arg6[%parallel_loop3A_274, %add3A_220], %parallel_loop3A_401 {add = true} : memref<1024x32xf32, #tpu.memory_space<vmem>>[vector<16xi32>, vector<16xi32>], vector<16xf32>,
      %parallel_loop3A_402 = arith.constant 0 : i32
      %parallel_loop3A_403 = arith.addi %parallel_loop3A_266, %parallel_loop3A_402 : i32
      %parallel_loop3A_404 = arith.constant 0 : i32
      %parallel_loop3A_405 = arith.index_cast %parallel_loop3A_404 : i32 to index
      %parallel_loop3A_406 = arith.index_cast %parallel_loop3A_403 : i32 to index
      %parallel_loop3A_407 = arith.constant 16 : index
      %parallel_loop3A_408 = tpu.vector_load %arg8[%parallel_loop3A_405, %parallel_loop3A_406, %parallel_loop3A_407] {strides = array<i32>} : memref<2x1024x32xf32, #tpu.memory_space<vmem>>, vector<16xf32>,
      tpu.vector_store_idx %arg6[%parallel_loop3A_274, %add3A_224], %parallel_loop3A_408 {add = true} : memref<1024x32xf32, #tpu.memory_space<vmem>>[vector<16xi32>, vector<16xi32>], vector<16xf32>,
      %parallel_loop3A_409 = arith.constant 1 : i32
      %parallel_loop3A_410 = arith.addi %parallel_loop3A_266, %parallel_loop3A_409 : i32
      %parallel_loop3A_411 = arith.constant 0 : i32
      %parallel_loop3A_412 = arith.index_cast %parallel_loop3A_411 : i32 to index
      %parallel_loop3A_413 = arith.index_cast %parallel_loop3A_410 : i32 to index
      %parallel_loop3A_414 = arith.constant 0 : index
      %parallel_loop3A_415 = tpu.vector_load %arg8[%parallel_loop3A_412, %parallel_loop3A_413, %parallel_loop3A_414] {strides = array<i32>} : memref<2x1024x32xf32, #tpu.memory_space<vmem>>, vector<16xf32>,
      tpu.vector_store_idx %arg6[%parallel_loop3A_282, %add3A_220], %parallel_loop3A_415 {add = true} : memref<1024x32xf32, #tpu.memory_space<vmem>>[vector<16xi32>, vector<16xi32>], vector<16xf32>,
      %parallel_loop3A_416 = arith.constant 1 : i32
      %parallel_loop3A_417 = arith.addi %parallel_loop3A_266, %parallel_loop3A_416 : i32
      %parallel_loop3A_418 = arith.constant 0 : i32
      %parallel_loop3A_419 = arith.index_cast %parallel_loop3A_418 : i32 to index
      %parallel_loop3A_420 = arith.index_cast %parallel_loop3A_417 : i32 to index
      %parallel_loop3A_421 = arith.constant 16 : index
      %parallel_loop3A_422 = tpu.vector_load %arg8[%parallel_loop3A_419, %parallel_loop3A_420, %parallel_loop3A_421] {strides = array<i32>} : memref<2x1024x32xf32, #tpu.memory_space<vmem>>, vector<16xf32>,
      tpu.vector_store_idx %arg6[%parallel_loop3A_282, %add3A_224], %parallel_loop3A_422 {add = true} : memref<1024x32xf32, #tpu.memory_space<vmem>>[vector<16xi32>, vector<16xi32>], vector<16xf32>,
      %parallel_loop3A_423 = arith.constant 2 : i32
      %parallel_loop3A_424 = arith.addi %parallel_loop3A_266, %parallel_loop3A_423 : i32
      %parallel_loop3A_425 = arith.constant 0 : i32
      %parallel_loop3A_426 = arith.index_cast %parallel_loop3A_425 : i32 to index
      %parallel_loop3A_427 = arith.index_cast %parallel_loop3A_424 : i32 to index
      %parallel_loop3A_428 = arith.constant 0 : index
      %parallel_loop3A_429 = tpu.vector_load %arg8[%parallel_loop3A_426, %parallel_loop3A_427, %parallel_loop3A_428] {strides = array<i32>} : memref<2x1024x32xf32, #tpu.memory_space<vmem>>, vector<16xf32>,
      tpu.vector_store_idx %arg6[%parallel_loop3A_290, %add3A_220], %parallel_loop3A_429 {add = true} : memref<1024x32xf32, #tpu.memory_space<vmem>>[vector<16xi32>, vector<16xi32>], vector<16xf32>,
      %parallel_loop3A_430 = arith.constant 2 : i32
      %parallel_loop3A_431 = arith.addi %parallel_loop3A_266, %parallel_loop3A_430 : i32
      %parallel_loop3A_432 = arith.constant 0 : i32
      %parallel_loop3A_433 = arith.index_cast %parallel_loop3A_432 : i32 to index
      %parallel_loop3A_434 = arith.index_cast %parallel_loop3A_431 : i32 to index
      %parallel_loop3A_435 = arith.constant 16 : index
      %parallel_loop3A_436 = tpu.vector_load %arg8[%parallel_loop3A_433, %parallel_loop3A_434, %parallel_loop3A_435] {strides = array<i32>} : memref<2x1024x32xf32, #tpu.memory_space<vmem>>, vector<16xf32>,
      tpu.vector_store_idx %arg6[%parallel_loop3A_290, %add3A_224], %parallel_loop3A_436 {add = true} : memref<1024x32xf32, #tpu.memory_space<vmem>>[vector<16xi32>, vector<16xi32>], vector<16xf32>,
      %parallel_loop3A_437 = arith.constant 3 : i32
      %parallel_loop3A_438 = arith.addi %parallel_loop3A_266, %parallel_loop3A_437 : i32
      %parallel_loop3A_439 = arith.constant 0 : i32
      %parallel_loop3A_440 = arith.index_cast %parallel_loop3A_439 : i32 to index
      %parallel_loop3A_441 = arith.index_cast %parallel_loop3A_438 : i32 to index
      %parallel_loop3A_442 = arith.constant 0 : index
      %parallel_loop3A_443 = tpu.vector_load %arg8[%parallel_loop3A_440, %parallel_loop3A_441, %parallel_loop3A_442] {strides = array<i32>} : memref<2x1024x32xf32, #tpu.memory_space<vmem>>, vector<16xf32>,
      tpu.vector_store_idx %arg6[%parallel_loop3A_298, %add3A_220], %parallel_loop3A_443 {add = true} : memref<1024x32xf32, #tpu.memory_space<vmem>>[vector<16xi32>, vector<16xi32>], vector<16xf32>,
      %parallel_loop3A_444 = arith.constant 3 : i32
      %parallel_loop3A_445 = arith.addi %parallel_loop3A_266, %parallel_loop3A_444 : i32
      %parallel_loop3A_446 = arith.constant 0 : i32
      %parallel_loop3A_447 = arith.index_cast %parallel_loop3A_446 : i32 to index
      %parallel_loop3A_448 = arith.index_cast %parallel_loop3A_445 : i32 to index
      %parallel_loop3A_449 = arith.constant 16 : index
      %parallel_loop3A_450 = tpu.vector_load %arg8[%parallel_loop3A_447, %parallel_loop3A_448, %parallel_loop3A_449] {strides = array<i32>} : memref<2x1024x32xf32, #tpu.memory_space<vmem>>, vector<16xf32>,
      tpu.vector_store_idx %arg6[%parallel_loop3A_298, %add3A_224], %parallel_loop3A_450 {add = true} : memref<1024x32xf32, #tpu.memory_space<vmem>>[vector<16xi32>, vector<16xi32>], vector<16xf32>,
      %parallel_loop3A_451 = arith.constant 4 : i32
      %parallel_loop3A_452 = arith.addi %parallel_loop3A_266, %parallel_loop3A_451 : i32
      %parallel_loop3A_453 = arith.constant 0 : i32
      %parallel_loop3A_454 = arith.index_cast %parallel_loop3A_453 : i32 to index
      %parallel_loop3A_455 = arith.index_cast %parallel_loop3A_452 : i32 to index
      %parallel_loop3A_456 = arith.constant 0 : index
      %parallel_loop3A_457 = tpu.vector_load %arg8[%parallel_loop3A_454, %parallel_loop3A_455, %parallel_loop3A_456] {strides = array<i32>} : memref<2x1024x32xf32, #tpu.memory_space<vmem>>, vector<16xf32>,
      tpu.vector_store_idx %arg6[%parallel_loop3A_306, %add3A_220], %parallel_loop3A_457 {add = true} : memref<1024x32xf32, #tpu.memory_space<vmem>>[vector<16xi32>, vector<16xi32>], vector<16xf32>,
      %parallel_loop3A_458 = arith.constant 4 : i32
      %parallel_loop3A_459 = arith.addi %parallel_loop3A_266, %parallel_loop3A_458 : i32
      %parallel_loop3A_460 = arith.constant 0 : i32
      %parallel_loop3A_461 = arith.index_cast %parallel_loop3A_460 : i32 to index
      %parallel_loop3A_462 = arith.index_cast %parallel_loop3A_459 : i32 to index
      %parallel_loop3A_463 = arith.constant 16 : index
      %parallel_loop3A_464 = tpu.vector_load %arg8[%parallel_loop3A_461, %parallel_loop3A_462, %parallel_loop3A_463] {strides = array<i32>} : memref<2x1024x32xf32, #tpu.memory_space<vmem>>, vector<16xf32>,
      tpu.vector_store_idx %arg6[%parallel_loop3A_306, %add3A_224], %parallel_loop3A_464 {add = true} : memref<1024x32xf32, #tpu.memory_space<vmem>>[vector<16xi32>, vector<16xi32>], vector<16xf32>,
      %parallel_loop3A_465 = arith.constant 5 : i32
      %parallel_loop3A_466 = arith.addi %parallel_loop3A_266, %parallel_loop3A_465 : i32
      %parallel_loop3A_467 = arith.constant 0 : i32
      %parallel_loop3A_468 = arith.index_cast %parallel_loop3A_467 : i32 to index
      %parallel_loop3A_469 = arith.index_cast %parallel_loop3A_466 : i32 to index
      %parallel_loop3A_470 = arith.constant 0 : index
      %parallel_loop3A_471 = tpu.vector_load %arg8[%parallel_loop3A_468, %parallel_loop3A_469, %parallel_loop3A_470] {strides = array<i32>} : memref<2x1024x32xf32, #tpu.memory_space<vmem>>, vector<16xf32>,
      tpu.vector_store_idx %arg6[%parallel_loop3A_314, %add3A_220], %parallel_loop3A_471 {add = true} : memref<1024x32xf32, #tpu.memory_space<vmem>>[vector<16xi32>, vector<16xi32>], vector<16xf32>,
      %parallel_loop3A_472 = arith.constant 5 : i32
      %parallel_loop3A_473 = arith.addi %parallel_loop3A_266, %parallel_loop3A_472 : i32
      %parallel_loop3A_474 = arith.constant 0 : i32
      %parallel_loop3A_475 = arith.index_cast %parallel_loop3A_474 : i32 to index
      %parallel_loop3A_476 = arith.index_cast %parallel_loop3A_473 : i32 to index
      %parallel_loop3A_477 = arith.constant 16 : index
      %parallel_loop3A_478 = tpu.vector_load %arg8[%parallel_loop3A_475, %parallel_loop3A_476, %parallel_loop3A_477] {strides = array<i32>} : memref<2x1024x32xf32, #tpu.memory_space<vmem>>, vector<16xf32>,
      tpu.vector_store_idx %arg6[%parallel_loop3A_314, %add3A_224], %parallel_loop3A_478 {add = true} : memref<1024x32xf32, #tpu.memory_space<vmem>>[vector<16xi32>, vector<16xi32>], vector<16xf32>,
      %parallel_loop3A_479 = arith.constant 6 : i32
      %parallel_loop3A_480 = arith.addi %parallel_loop3A_266, %parallel_loop3A_479 : i32
      %parallel_loop3A_481 = arith.constant 0 : i32
      %parallel_loop3A_482 = arith.index_cast %parallel_loop3A_481 : i32 to index
      %parallel_loop3A_483 = arith.index_cast %parallel_loop3A_480 : i32 to index
      %parallel_loop3A_484 = arith.constant 0 : index
      %parallel_loop3A_485 = tpu.vector_load %arg8[%parallel_loop3A_482, %parallel_loop3A_483, %parallel_loop3A_484] {strides = array<i32>} : memref<2x1024x32xf32, #tpu.memory_space<vmem>>, vector<16xf32>,
      tpu.vector_store_idx %arg6[%parallel_loop3A_322, %add3A_220], %parallel_loop3A_485 {add = true} : memref<1024x32xf32, #tpu.memory_space<vmem>>[vector<16xi32>, vector<16xi32>], vector<16xf32>,
      %parallel_loop3A_486 = arith.constant 6 : i32
      %parallel_loop3A_487 = arith.addi %parallel_loop3A_266, %parallel_loop3A_486 : i32
      %parallel_loop3A_488 = arith.constant 0 : i32
      %parallel_loop3A_489 = arith.index_cast %parallel_loop3A_488 : i32 to index
      %parallel_loop3A_490 = arith.index_cast %parallel_loop3A_487 : i32 to index
      %parallel_loop3A_491 = arith.constant 16 : index
      %parallel_loop3A_492 = tpu.vector_load %arg8[%parallel_loop3A_489, %parallel_loop3A_490, %parallel_loop3A_491] {strides = array<i32>} : memref<2x1024x32xf32, #tpu.memory_space<vmem>>, vector<16xf32>,
      tpu.vector_store_idx %arg6[%parallel_loop3A_322, %add3A_224], %parallel_loop3A_492 {add = true} : memref<1024x32xf32, #tpu.memory_space<vmem>>[vector<16xi32>, vector<16xi32>], vector<16xf32>,
      %parallel_loop3A_493 = arith.constant 7 : i32
      %parallel_loop3A_494 = arith.addi %parallel_loop3A_266, %parallel_loop3A_493 : i32
      %parallel_loop3A_495 = arith.constant 0 : i32
      %parallel_loop3A_496 = arith.index_cast %parallel_loop3A_495 : i32 to index
      %parallel_loop3A_497 = arith.index_cast %parallel_loop3A_494 : i32 to index
      %parallel_loop3A_498 = arith.constant 0 : index
      %parallel_loop3A_499 = tpu.vector_load %arg8[%parallel_loop3A_496, %parallel_loop3A_497, %parallel_loop3A_498] {strides = array<i32>} : memref<2x1024x32xf32, #tpu.memory_space<vmem>>, vector<16xf32>,
      tpu.vector_store_idx %arg6[%parallel_loop3A_330, %add3A_220], %parallel_loop3A_499 {add = true} : memref<1024x32xf32, #tpu.memory_space<vmem>>[vector<16xi32>, vector<16xi32>], vector<16xf32>,
      %parallel_loop3A_500 = arith.constant 7 : i32
      %parallel_loop3A_501 = arith.addi %parallel_loop3A_266, %parallel_loop3A_500 : i32
      %parallel_loop3A_502 = arith.constant 0 : i32
      %parallel_loop3A_503 = arith.index_cast %parallel_loop3A_502 : i32 to index
      %parallel_loop3A_504 = arith.index_cast %parallel_loop3A_501 : i32 to index
      %parallel_loop3A_505 = arith.constant 16 : index
      %parallel_loop3A_506 = tpu.vector_load %arg8[%parallel_loop3A_503, %parallel_loop3A_504, %parallel_loop3A_505] {strides = array<i32>} : memref<2x1024x32xf32, #tpu.memory_space<vmem>>, vector<16xf32>,
      tpu.vector_store_idx %arg6[%parallel_loop3A_330, %add3A_224], %parallel_loop3A_506 {add = true} : memref<1024x32xf32, #tpu.memory_space<vmem>>[vector<16xi32>, vector<16xi32>], vector<16xf32>,
      %parallel_loop3A_507 = arith.constant 8 : i32
      %parallel_loop3A_508 = arith.addi %parallel_loop3A_266, %parallel_loop3A_507 : i32
      %parallel_loop3A_509 = arith.constant 0 : i32
      %parallel_loop3A_510 = arith.index_cast %parallel_loop3A_509 : i32 to index
      %parallel_loop3A_511 = arith.index_cast %parallel_loop3A_508 : i32 to index
      %parallel_loop3A_512 = arith.constant 0 : index
      %parallel_loop3A_513 = tpu.vector_load %arg8[%parallel_loop3A_510, %parallel_loop3A_511, %parallel_loop3A_512] {strides = array<i32>} : memref<2x1024x32xf32, #tpu.memory_space<vmem>>, vector<16xf32>,
      tpu.vector_store_idx %arg6[%parallel_loop3A_338, %add3A_220], %parallel_loop3A_513 {add = true} : memref<1024x32xf32, #tpu.memory_space<vmem>>[vector<16xi32>, vector<16xi32>], vector<16xf32>,
      %parallel_loop3A_514 = arith.constant 8 : i32
      %parallel_loop3A_515 = arith.addi %parallel_loop3A_266, %parallel_loop3A_514 : i32
      %parallel_loop3A_516 = arith.constant 0 : i32
      %parallel_loop3A_517 = arith.index_cast %parallel_loop3A_516 : i32 to index
      %parallel_loop3A_518 = arith.index_cast %parallel_loop3A_515 : i32 to index
      %parallel_loop3A_519 = arith.constant 16 : index
      %parallel_loop3A_520 = tpu.vector_load %arg8[%parallel_loop3A_517, %parallel_loop3A_518, %parallel_loop3A_519] {strides = array<i32>} : memref<2x1024x32xf32, #tpu.memory_space<vmem>>, vector<16xf32>,
      tpu.vector_store_idx %arg6[%parallel_loop3A_338, %add3A_224], %parallel_loop3A_520 {add = true} : memref<1024x32xf32, #tpu.memory_space<vmem>>[vector<16xi32>, vector<16xi32>], vector<16xf32>,
      %parallel_loop3A_521 = arith.constant 9 : i32
      %parallel_loop3A_522 = arith.addi %parallel_loop3A_266, %parallel_loop3A_521 : i32
      %parallel_loop3A_523 = arith.constant 0 : i32
      %parallel_loop3A_524 = arith.index_cast %parallel_loop3A_523 : i32 to index
      %parallel_loop3A_525 = arith.index_cast %parallel_loop3A_522 : i32 to index
      %parallel_loop3A_526 = arith.constant 0 : index
      %parallel_loop3A_527 = tpu.vector_load %arg8[%parallel_loop3A_524, %parallel_loop3A_525, %parallel_loop3A_526] {strides = array<i32>} : memref<2x1024x32xf32, #tpu.memory_space<vmem>>, vector<16xf32>,
      tpu.vector_store_idx %arg6[%parallel_loop3A_346, %add3A_220], %parallel_loop3A_527 {add = true} : memref<1024x32xf32, #tpu.memory_space<vmem>>[vector<16xi32>, vector<16xi32>], vector<16xf32>,
      %parallel_loop3A_528 = arith.constant 9 : i32
      %parallel_loop3A_529 = arith.addi %parallel_loop3A_266, %parallel_loop3A_528 : i32
      %parallel_loop3A_530 = arith.constant 0 : i32
      %parallel_loop3A_531 = arith.index_cast %parallel_loop3A_530 : i32 to index
      %parallel_loop3A_532 = arith.index_cast %parallel_loop3A_529 : i32 to index
      %parallel_loop3A_533 = arith.constant 16 : index
      %parallel_loop3A_534 = tpu.vector_load %arg8[%parallel_loop3A_531, %parallel_loop3A_532, %parallel_loop3A_533] {strides = array<i32>} : memref<2x1024x32xf32, #tpu.memory_space<vmem>>, vector<16xf32>,
      tpu.vector_store_idx %arg6[%parallel_loop3A_346, %add3A_224], %parallel_loop3A_534 {add = true} : memref<1024x32xf32, #tpu.memory_space<vmem>>[vector<16xi32>, vector<16xi32>], vector<16xf32>,
      %parallel_loop3A_535 = arith.constant 10 : i32
      %parallel_loop3A_536 = arith.addi %parallel_loop3A_266, %parallel_loop3A_535 : i32
      %parallel_loop3A_537 = arith.constant 0 : i32
      %parallel_loop3A_538 = arith.index_cast %parallel_loop3A_537 : i32 to index
      %parallel_loop3A_539 = arith.index_cast %parallel_loop3A_536 : i32 to index
      %parallel_loop3A_540 = arith.constant 0 : index
      %parallel_loop3A_541 = tpu.vector_load %arg8[%parallel_loop3A_538, %parallel_loop3A_539, %parallel_loop3A_540] {strides = array<i32>} : memref<2x1024x32xf32, #tpu.memory_space<vmem>>, vector<16xf32>,
      tpu.vector_store_idx %arg6[%parallel_loop3A_354, %add3A_220], %parallel_loop3A_541 {add = true} : memref<1024x32xf32, #tpu.memory_space<vmem>>[vector<16xi32>, vector<16xi32>], vector<16xf32>,
      %parallel_loop3A_542 = arith.constant 10 : i32
      %parallel_loop3A_543 = arith.addi %parallel_loop3A_266, %parallel_loop3A_542 : i32
      %parallel_loop3A_544 = arith.constant 0 : i32
      %parallel_loop3A_545 = arith.index_cast %parallel_loop3A_544 : i32 to index
      %parallel_loop3A_546 = arith.index_cast %parallel_loop3A_543 : i32 to index
      %parallel_loop3A_547 = arith.constant 16 : index
      %parallel_loop3A_548 = tpu.vector_load %arg8[%parallel_loop3A_545, %parallel_loop3A_546, %parallel_loop3A_547] {strides = array<i32>} : memref<2x1024x32xf32, #tpu.memory_space<vmem>>, vector<16xf32>,
      tpu.vector_store_idx %arg6[%parallel_loop3A_354, %add3A_224], %parallel_loop3A_548 {add = true} : memref<1024x32xf32, #tpu.memory_space<vmem>>[vector<16xi32>, vector<16xi32>], vector<16xf32>,
      %parallel_loop3A_549 = arith.constant 11 : i32
      %parallel_loop3A_550 = arith.addi %parallel_loop3A_266, %parallel_loop3A_549 : i32
      %parallel_loop3A_551 = arith.constant 0 : i32
      %parallel_loop3A_552 = arith.index_cast %parallel_loop3A_551 : i32 to index
      %parallel_loop3A_553 = arith.index_cast %parallel_loop3A_550 : i32 to index
      %parallel_loop3A_554 = arith.constant 0 : index
      %parallel_loop3A_555 = tpu.vector_load %arg8[%parallel_loop3A_552, %parallel_loop3A_553, %parallel_loop3A_554] {strides = array<i32>} : memref<2x1024x32xf32, #tpu.memory_space<vmem>>, vector<16xf32>,
      tpu.vector_store_idx %arg6[%parallel_loop3A_362, %add3A_220], %parallel_loop3A_555 {add = true} : memref<1024x32xf32, #tpu.memory_space<vmem>>[vector<16xi32>, vector<16xi32>], vector<16xf32>,
      %parallel_loop3A_556 = arith.constant 11 : i32
      %parallel_loop3A_557 = arith.addi %parallel_loop3A_266, %parallel_loop3A_556 : i32
      %parallel_loop3A_558 = arith.constant 0 : i32
      %parallel_loop3A_559 = arith.index_cast %parallel_loop3A_558 : i32 to index
      %parallel_loop3A_560 = arith.index_cast %parallel_loop3A_557 : i32 to index
      %parallel_loop3A_561 = arith.constant 16 : index
      %parallel_loop3A_562 = tpu.vector_load %arg8[%parallel_loop3A_559, %parallel_loop3A_560, %parallel_loop3A_561] {strides = array<i32>} : memref<2x1024x32xf32, #tpu.memory_space<vmem>>, vector<16xf32>,
      tpu.vector_store_idx %arg6[%parallel_loop3A_362, %add3A_224], %parallel_loop3A_562 {add = true} : memref<1024x32xf32, #tpu.memory_space<vmem>>[vector<16xi32>, vector<16xi32>], vector<16xf32>,
      %parallel_loop3A_563 = arith.constant 12 : i32
      %parallel_loop3A_564 = arith.addi %parallel_loop3A_266, %parallel_loop3A_563 : i32
      %parallel_loop3A_565 = arith.constant 0 : i32
      %parallel_loop3A_566 = arith.index_cast %parallel_loop3A_565 : i32 to index
      %parallel_loop3A_567 = arith.index_cast %parallel_loop3A_564 : i32 to index
      %parallel_loop3A_568 = arith.constant 0 : index
      %parallel_loop3A_569 = tpu.vector_load %arg8[%parallel_loop3A_566, %parallel_loop3A_567, %parallel_loop3A_568] {strides = array<i32>} : memref<2x1024x32xf32, #tpu.memory_space<vmem>>, vector<16xf32>,
      tpu.vector_store_idx %arg6[%parallel_loop3A_370, %add3A_220], %parallel_loop3A_569 {add = true} : memref<1024x32xf32, #tpu.memory_space<vmem>>[vector<16xi32>, vector<16xi32>], vector<16xf32>,
      %parallel_loop3A_570 = arith.constant 12 : i32
      %parallel_loop3A_571 = arith.addi %parallel_loop3A_266, %parallel_loop3A_570 : i32
      %parallel_loop3A_572 = arith.constant 0 : i32
      %parallel_loop3A_573 = arith.index_cast %parallel_loop3A_572 : i32 to index
      %parallel_loop3A_574 = arith.index_cast %parallel_loop3A_571 : i32 to index
      %parallel_loop3A_575 = arith.constant 16 : index
      %parallel_loop3A_576 = tpu.vector_load %arg8[%parallel_loop3A_573, %parallel_loop3A_574, %parallel_loop3A_575] {strides = array<i32>} : memref<2x1024x32xf32, #tpu.memory_space<vmem>>, vector<16xf32>,
      tpu.vector_store_idx %arg6[%parallel_loop3A_370, %add3A_224], %parallel_loop3A_576 {add = true} : memref<1024x32xf32, #tpu.memory_space<vmem>>[vector<16xi32>, vector<16xi32>], vector<16xf32>,
      %parallel_loop3A_577 = arith.constant 13 : i32
      %parallel_loop3A_578 = arith.addi %parallel_loop3A_266, %parallel_loop3A_577 : i32
      %parallel_loop3A_579 = arith.constant 0 : i32
      %parallel_loop3A_580 = arith.index_cast %parallel_loop3A_579 : i32 to index
      %parallel_loop3A_581 = arith.index_cast %parallel_loop3A_578 : i32 to index
      %parallel_loop3A_582 = arith.constant 0 : index
      %parallel_loop3A_583 = tpu.vector_load %arg8[%parallel_loop3A_580, %parallel_loop3A_581, %parallel_loop3A_582] {strides = array<i32>} : memref<2x1024x32xf32, #tpu.memory_space<vmem>>, vector<16xf32>,
      tpu.vector_store_idx %arg6[%parallel_loop3A_378, %add3A_220], %parallel_loop3A_583 {add = true} : memref<1024x32xf32, #tpu.memory_space<vmem>>[vector<16xi32>, vector<16xi32>], vector<16xf32>,
      %parallel_loop3A_584 = arith.constant 13 : i32
      %parallel_loop3A_585 = arith.addi %parallel_loop3A_266, %parallel_loop3A_584 : i32
      %parallel_loop3A_586 = arith.constant 0 : i32
      %parallel_loop3A_587 = arith.index_cast %parallel_loop3A_586 : i32 to index
      %parallel_loop3A_588 = arith.index_cast %parallel_loop3A_585 : i32 to index
      %parallel_loop3A_589 = arith.constant 16 : index
      %parallel_loop3A_590 = tpu.vector_load %arg8[%parallel_loop3A_587, %parallel_loop3A_588, %parallel_loop3A_589] {strides = array<i32>} : memref<2x1024x32xf32, #tpu.memory_space<vmem>>, vector<16xf32>,
      tpu.vector_store_idx %arg6[%parallel_loop3A_378, %add3A_224], %parallel_loop3A_590 {add = true} : memref<1024x32xf32, #tpu.memory_space<vmem>>[vector<16xi32>, vector<16xi32>], vector<16xf32>,
      %parallel_loop3A_591 = arith.constant 14 : i32
      %parallel_loop3A_592 = arith.addi %parallel_loop3A_266, %parallel_loop3A_591 : i32
      %parallel_loop3A_593 = arith.constant 0 : i32
      %parallel_loop3A_594 = arith.index_cast %parallel_loop3A_593 : i32 to index
      %parallel_loop3A_595 = arith.index_cast %parallel_loop3A_592 : i32 to index
      %parallel_loop3A_596 = arith.constant 0 : index
      %parallel_loop3A_597 = tpu.vector_load %arg8[%parallel_loop3A_594, %parallel_loop3A_595, %parallel_loop3A_596] {strides = array<i32>} : memref<2x1024x32xf32, #tpu.memory_space<vmem>>, vector<16xf32>,
      tpu.vector_store_idx %arg6[%parallel_loop3A_386, %add3A_220], %parallel_loop3A_597 {add = true} : memref<1024x32xf32, #tpu.memory_space<vmem>>[vector<16xi32>, vector<16xi32>], vector<16xf32>,
      %parallel_loop3A_598 = arith.constant 14 : i32
      %parallel_loop3A_599 = arith.addi %parallel_loop3A_266, %parallel_loop3A_598 : i32
      %parallel_loop3A_600 = arith.constant 0 : i32
      %parallel_loop3A_601 = arith.index_cast %parallel_loop3A_600 : i32 to index
      %parallel_loop3A_602 = arith.index_cast %parallel_loop3A_599 : i32 to index
      %parallel_loop3A_603 = arith.constant 16 : index
      %parallel_loop3A_604 = tpu.vector_load %arg8[%parallel_loop3A_601, %parallel_loop3A_602, %parallel_loop3A_603] {strides = array<i32>} : memref<2x1024x32xf32, #tpu.memory_space<vmem>>, vector<16xf32>,
      tpu.vector_store_idx %arg6[%parallel_loop3A_386, %add3A_224], %parallel_loop3A_604 {add = true} : memref<1024x32xf32, #tpu.memory_space<vmem>>[vector<16xi32>, vector<16xi32>], vector<16xf32>,
      %parallel_loop3A_605 = arith.constant 15 : i32
      %parallel_loop3A_606 = arith.addi %parallel_loop3A_266, %parallel_loop3A_605 : i32
      %parallel_loop3A_607 = arith.constant 0 : i32
      %parallel_loop3A_608 = arith.index_cast %parallel_loop3A_607 : i32 to index
      %parallel_loop3A_609 = arith.index_cast %parallel_loop3A_606 : i32 to index
      %parallel_loop3A_610 = arith.constant 0 : index
      %parallel_loop3A_611 = tpu.vector_load %arg8[%parallel_loop3A_608, %parallel_loop3A_609, %parallel_loop3A_610] {strides = array<i32>} : memref<2x1024x32xf32, #tpu.memory_space<vmem>>, vector<16xf32>,
      tpu.vector_store_idx %arg6[%parallel_loop3A_394, %add3A_220], %parallel_loop3A_611 {add = true} : memref<1024x32xf32, #tpu.memory_space<vmem>>[vector<16xi32>, vector<16xi32>], vector<16xf32>,
      %parallel_loop3A_612 = arith.constant 15 : i32
      %parallel_loop3A_613 = arith.addi %parallel_loop3A_266, %parallel_loop3A_612 : i32
      %parallel_loop3A_614 = arith.constant 0 : i32
      %parallel_loop3A_615 = arith.index_cast %parallel_loop3A_614 : i32 to index
      %parallel_loop3A_616 = arith.index_cast %parallel_loop3A_613 : i32 to index
      %parallel_loop3A_617 = arith.constant 16 : index
      %parallel_loop3A_618 = tpu.vector_load %arg8[%parallel_loop3A_615, %parallel_loop3A_616, %parallel_loop3A_617] {strides = array<i32>} : memref<2x1024x32xf32, #tpu.memory_space<vmem>>, vector<16xf32>,
      tpu.vector_store_idx %arg6[%parallel_loop3A_394, %add3A_224], %parallel_loop3A_618 {add = true} : memref<1024x32xf32, #tpu.memory_space<vmem>>[vector<16xi32>, vector<16xi32>], vector<16xf32>,
      %parallel_loop3A_619 = arith.constant 0 : i32
      %parallel_loop3A_620 = arith.cmpi eq, %select_n3A_9, %parallel_loop3A_619 : i32
      %parallel_loop3A_621 = arith.extui %parallel_loop3A_620 : i1 to i32
      %parallel_loop3A_622 = arith.constant 0 : i32
      %parallel_loop3A_623 = arith.cmpi ne, %parallel_loop3A_621, %parallel_loop3A_622 : i32
      scf.if %parallel_loop3A_623 {
        %parallel_loop3A_624 = arith.constant 0 : i32
        %parallel_loop3A_625 = arith.index_cast %parallel_loop3A_624 : i32 to index
        %parallel_loop3A_626 = arith.index_cast %parallel_loop3A_266 : i32 to index
        %parallel_loop3A_627 = tpu.vector_load %arg9[%parallel_loop3A_625, %parallel_loop3A_626] {strides = array<i32>} : memref<2x1024xi32, #tpu.memory_space<vmem>>, vector<16xi32>,
        tpu.vector_store_idx %arg7[%parallel_loop3A_627, %broadcast_in_dim3A_39], %broadcast_in_dim3A_37 {add = true} : memref<1024x16xf32, #tpu.memory_space<vmem>>[vector<16xi32>, vector<16xi32>], vector<16xf32>,
      } else {
      }
    } {sc.loop_unroll_factor = 4 : i64, sc.parallel_access}
    %dma_wait3A_228 = arith.constant 1 : i32
    %dma_wait3A_229 = arith.constant 0 : i32
    %dma_wait3A_230 = arith.constant 0 : i32
    %dma_wait3A_231 = tpu.memref_slice %arg8[%dma_wait3A_228, %dma_wait3A_229, %dma_wait3A_230] : memref<2x1024x32xf32, #tpu.memory_space<vmem>> -> memref<1x1024x32xf32, #tpu.memory_space<vmem>>
    %dma_wait3A_232 = tpu.memref_squeeze %dma_wait3A_231 : memref<1x1024x32xf32, #tpu.memory_space<vmem>> -> memref<1024x32xf32, #tpu.memory_space<vmem>>
    %dma_wait3A_233 = tpu.memref_slice %arg2[%add3A_174, %mul3A_34] : memref<16384x256xf32, #tpu.memory_space<hbm>> -> memref<1024x32xf32, #tpu.memory_space<hbm>>
    %dma_wait3A_234 = arith.constant 0 : i32
    %dma_wait3A_235 = arith.constant 0 : i32
    %dma_wait3A_236 = tpu.memref_slice %arg8[%dma_wait3A_228, %dma_wait3A_234, %dma_wait3A_235] : memref<2x1024x32xf32, #tpu.memory_space<vmem>> -> memref<1x1024x32xf32, #tpu.memory_space<vmem>>
    %dma_wait3A_237 = tpu.memref_squeeze %dma_wait3A_236 : memref<1x1024x32xf32, #tpu.memory_space<vmem>> -> memref<1024x32xf32, #tpu.memory_space<vmem>>
    %dma_wait3A_238 = tpu.memref_slice %arg2[%add3A_174, %mul3A_34] : memref<16384x256xf32, #tpu.memory_space<hbm>> -> memref<1024x32xf32, #tpu.memory_space<hbm>>
    tpu.wait_dma2 semaphore(%arg10 : memref<!tpu.dma_semaphore, #tpu.memory_space<semaphore_mem>>) src(%dma_wait3A_238 : memref<1024x32xf32, #tpu.memory_space<hbm>>) dst(%dma_wait3A_237 : memref<1024x32xf32, #tpu.memory_space<vmem>>)
    %dma_wait3A_239 = arith.constant 1 : i32
    %dma_wait3A_240 = arith.constant 0 : i32
    %dma_wait3A_241 = tpu.memref_slice %arg9[%dma_wait3A_239, %dma_wait3A_240] : memref<2x1024xi32, #tpu.memory_space<vmem>> -> memref<1x1024xi32, #tpu.memory_space<vmem>>
    %dma_wait3A_242 = tpu.memref_squeeze %dma_wait3A_241 : memref<1x1024xi32, #tpu.memory_space<vmem>> -> memref<1024xi32, #tpu.memory_space<vmem>>
    %dma_wait3A_243 = tpu.memref_slice %arg3[%add3A_187] : memref<16384xi32, #tpu.memory_space<hbm>> -> memref<1024xi32, #tpu.memory_space<hbm>>
    %dma_wait3A_244 = arith.constant 0 : i32
    %dma_wait3A_245 = tpu.memref_slice %arg9[%dma_wait3A_239, %dma_wait3A_244] : memref<2x1024xi32, #tpu.memory_space<vmem>> -> memref<1x1024xi32, #tpu.memory_space<vmem>>
    %dma_wait3A_246 = tpu.memref_squeeze %dma_wait3A_245 : memref<1x1024xi32, #tpu.memory_space<vmem>> -> memref<1024xi32, #tpu.memory_space<vmem>>
    %dma_wait3A_247 = tpu.memref_slice %arg3[%add3A_187] : memref<16384xi32, #tpu.memory_space<hbm>> -> memref<1024xi32, #tpu.memory_space<hbm>>
    tpu.wait_dma2 semaphore(%arg11 : memref<!tpu.dma_semaphore, #tpu.memory_space<semaphore_mem>>) src(%dma_wait3A_247 : memref<1024xi32, #tpu.memory_space<hbm>>) dst(%dma_wait3A_246 : memref<1024xi32, #tpu.memory_space<vmem>>)
    %iota3A_248 = tpu.iota {dimensions = array<i32: 0>} : vector<16xi32>
    %add3A_249 = arith.constant 0 : i32
    %add3A_250 = vector.broadcast %add3A_249 : i32 to vector<16xi32>
    %add3A_251 = arith.addi %iota3A_248, %add3A_250 : vector<16xi32>
    %iota3A_252 = tpu.iota {dimensions = array<i32: 0>} : vector<16xi32>
    %add3A_253 = arith.constant 16 : i32
    %add3A_254 = vector.broadcast %add3A_253 : i32 to vector<16xi32>
    %add3A_255 = arith.addi %iota3A_252, %add3A_254 : vector<16xi32>
    %parallel_loop3A_256 = arith.constant 0 : i32
    %parallel_loop3A_257 = arith.constant 64 : i32
    %parallel_loop3A_258 = arith.constant 1 : i32
    scf.for %parallel_loop3A_264 = %parallel_loop3A_256 to %parallel_loop3A_257 step %parallel_loop3A_258  : i32 {
      %parallel_loop3A_265 = arith.constant 16 : i32
      %parallel_loop3A_266 = arith.muli %parallel_loop3A_264, %parallel_loop3A_265 : i32
      %parallel_loop3A_267 = arith.constant 0 : i32
      %parallel_loop3A_268 = arith.addi %parallel_loop3A_266, %parallel_loop3A_267 : i32
      %parallel_loop3A_269 = vector.broadcast %parallel_loop3A_268 : i32 to vector<16xi32>
      %parallel_loop3A_270 = arith.constant 1 : i32
      %parallel_loop3A_271 = arith.constant 0 : i32
      %parallel_loop3A_272 = tpu.memref_slice %arg9[%parallel_loop3A_270, %parallel_loop3A_271] : memref<2x1024xi32, #tpu.memory_space<vmem>> -> memref<1x1024xi32, #tpu.memory_space<vmem>>
      %parallel_loop3A_273 = tpu.memref_squeeze %parallel_loop3A_272 : memref<1x1024xi32, #tpu.memory_space<vmem>> -> memref<1024xi32, #tpu.memory_space<vmem>>
      %parallel_loop3A_274 = tpu.vector_load_idx %parallel_loop3A_273[%parallel_loop3A_269] : memref<1024xi32, #tpu.memory_space<vmem>>[vector<16xi32>], vector<16xi32>,
      %parallel_loop3A_275 = arith.constant 1 : i32
      %parallel_loop3A_276 = arith.addi %parallel_loop3A_266, %parallel_loop3A_275 : i32
      %parallel_loop3A_277 = vector.broadcast %parallel_loop3A_276 : i32 to vector<16xi32>
      %parallel_loop3A_278 = arith.constant 1 : i32
      %parallel_loop3A_279 = arith.constant 0 : i32
      %parallel_loop3A_280 = tpu.memref_slice %arg9[%parallel_loop3A_278, %parallel_loop3A_279] : memref<2x1024xi32, #tpu.memory_space<vmem>> -> memref<1x1024xi32, #tpu.memory_space<vmem>>
      %parallel_loop3A_281 = tpu.memref_squeeze %parallel_loop3A_280 : memref<1x1024xi32, #tpu.memory_space<vmem>> -> memref<1024xi32, #tpu.memory_space<vmem>>
      %parallel_loop3A_282 = tpu.vector_load_idx %parallel_loop3A_281[%parallel_loop3A_277] : memref<1024xi32, #tpu.memory_space<vmem>>[vector<16xi32>], vector<16xi32>,
      %parallel_loop3A_283 = arith.constant 2 : i32
      %parallel_loop3A_284 = arith.addi %parallel_loop3A_266, %parallel_loop3A_283 : i32
      %parallel_loop3A_285 = vector.broadcast %parallel_loop3A_284 : i32 to vector<16xi32>
      %parallel_loop3A_286 = arith.constant 1 : i32
      %parallel_loop3A_287 = arith.constant 0 : i32
      %parallel_loop3A_288 = tpu.memref_slice %arg9[%parallel_loop3A_286, %parallel_loop3A_287] : memref<2x1024xi32, #tpu.memory_space<vmem>> -> memref<1x1024xi32, #tpu.memory_space<vmem>>
      %parallel_loop3A_289 = tpu.memref_squeeze %parallel_loop3A_288 : memref<1x1024xi32, #tpu.memory_space<vmem>> -> memref<1024xi32, #tpu.memory_space<vmem>>
      %parallel_loop3A_290 = tpu.vector_load_idx %parallel_loop3A_289[%parallel_loop3A_285] : memref<1024xi32, #tpu.memory_space<vmem>>[vector<16xi32>], vector<16xi32>,
      %parallel_loop3A_291 = arith.constant 3 : i32
      %parallel_loop3A_292 = arith.addi %parallel_loop3A_266, %parallel_loop3A_291 : i32
      %parallel_loop3A_293 = vector.broadcast %parallel_loop3A_292 : i32 to vector<16xi32>
      %parallel_loop3A_294 = arith.constant 1 : i32
      %parallel_loop3A_295 = arith.constant 0 : i32
      %parallel_loop3A_296 = tpu.memref_slice %arg9[%parallel_loop3A_294, %parallel_loop3A_295] : memref<2x1024xi32, #tpu.memory_space<vmem>> -> memref<1x1024xi32, #tpu.memory_space<vmem>>
      %parallel_loop3A_297 = tpu.memref_squeeze %parallel_loop3A_296 : memref<1x1024xi32, #tpu.memory_space<vmem>> -> memref<1024xi32, #tpu.memory_space<vmem>>
      %parallel_loop3A_298 = tpu.vector_load_idx %parallel_loop3A_297[%parallel_loop3A_293] : memref<1024xi32, #tpu.memory_space<vmem>>[vector<16xi32>], vector<16xi32>,
      %parallel_loop3A_299 = arith.constant 4 : i32
      %parallel_loop3A_300 = arith.addi %parallel_loop3A_266, %parallel_loop3A_299 : i32
      %parallel_loop3A_301 = vector.broadcast %parallel_loop3A_300 : i32 to vector<16xi32>
      %parallel_loop3A_302 = arith.constant 1 : i32
      %parallel_loop3A_303 = arith.constant 0 : i32
      %parallel_loop3A_304 = tpu.memref_slice %arg9[%parallel_loop3A_302, %parallel_loop3A_303] : memref<2x1024xi32, #tpu.memory_space<vmem>> -> memref<1x1024xi32, #tpu.memory_space<vmem>>
      %parallel_loop3A_305 = tpu.memref_squeeze %parallel_loop3A_304 : memref<1x1024xi32, #tpu.memory_space<vmem>> -> memref<1024xi32, #tpu.memory_space<vmem>>
      %parallel_loop3A_306 = tpu.vector_load_idx %parallel_loop3A_305[%parallel_loop3A_301] : memref<1024xi32, #tpu.memory_space<vmem>>[vector<16xi32>], vector<16xi32>,
      %parallel_loop3A_307 = arith.constant 5 : i32
      %parallel_loop3A_308 = arith.addi %parallel_loop3A_266, %parallel_loop3A_307 : i32
      %parallel_loop3A_309 = vector.broadcast %parallel_loop3A_308 : i32 to vector<16xi32>
      %parallel_loop3A_310 = arith.constant 1 : i32
      %parallel_loop3A_311 = arith.constant 0 : i32
      %parallel_loop3A_312 = tpu.memref_slice %arg9[%parallel_loop3A_310, %parallel_loop3A_311] : memref<2x1024xi32, #tpu.memory_space<vmem>> -> memref<1x1024xi32, #tpu.memory_space<vmem>>
      %parallel_loop3A_313 = tpu.memref_squeeze %parallel_loop3A_312 : memref<1x1024xi32, #tpu.memory_space<vmem>> -> memref<1024xi32, #tpu.memory_space<vmem>>
      %parallel_loop3A_314 = tpu.vector_load_idx %parallel_loop3A_313[%parallel_loop3A_309] : memref<1024xi32, #tpu.memory_space<vmem>>[vector<16xi32>], vector<16xi32>,
      %parallel_loop3A_315 = arith.constant 6 : i32
      %parallel_loop3A_316 = arith.addi %parallel_loop3A_266, %parallel_loop3A_315 : i32
      %parallel_loop3A_317 = vector.broadcast %parallel_loop3A_316 : i32 to vector<16xi32>
      %parallel_loop3A_318 = arith.constant 1 : i32
      %parallel_loop3A_319 = arith.constant 0 : i32
      %parallel_loop3A_320 = tpu.memref_slice %arg9[%parallel_loop3A_318, %parallel_loop3A_319] : memref<2x1024xi32, #tpu.memory_space<vmem>> -> memref<1x1024xi32, #tpu.memory_space<vmem>>
      %parallel_loop3A_321 = tpu.memref_squeeze %parallel_loop3A_320 : memref<1x1024xi32, #tpu.memory_space<vmem>> -> memref<1024xi32, #tpu.memory_space<vmem>>
      %parallel_loop3A_322 = tpu.vector_load_idx %parallel_loop3A_321[%parallel_loop3A_317] : memref<1024xi32, #tpu.memory_space<vmem>>[vector<16xi32>], vector<16xi32>,
      %parallel_loop3A_323 = arith.constant 7 : i32
      %parallel_loop3A_324 = arith.addi %parallel_loop3A_266, %parallel_loop3A_323 : i32
      %parallel_loop3A_325 = vector.broadcast %parallel_loop3A_324 : i32 to vector<16xi32>
      %parallel_loop3A_326 = arith.constant 1 : i32
      %parallel_loop3A_327 = arith.constant 0 : i32
      %parallel_loop3A_328 = tpu.memref_slice %arg9[%parallel_loop3A_326, %parallel_loop3A_327] : memref<2x1024xi32, #tpu.memory_space<vmem>> -> memref<1x1024xi32, #tpu.memory_space<vmem>>
      %parallel_loop3A_329 = tpu.memref_squeeze %parallel_loop3A_328 : memref<1x1024xi32, #tpu.memory_space<vmem>> -> memref<1024xi32, #tpu.memory_space<vmem>>
      %parallel_loop3A_330 = tpu.vector_load_idx %parallel_loop3A_329[%parallel_loop3A_325] : memref<1024xi32, #tpu.memory_space<vmem>>[vector<16xi32>], vector<16xi32>,
      %parallel_loop3A_331 = arith.constant 8 : i32
      %parallel_loop3A_332 = arith.addi %parallel_loop3A_266, %parallel_loop3A_331 : i32
      %parallel_loop3A_333 = vector.broadcast %parallel_loop3A_332 : i32 to vector<16xi32>
      %parallel_loop3A_334 = arith.constant 1 : i32
      %parallel_loop3A_335 = arith.constant 0 : i32
      %parallel_loop3A_336 = tpu.memref_slice %arg9[%parallel_loop3A_334, %parallel_loop3A_335] : memref<2x1024xi32, #tpu.memory_space<vmem>> -> memref<1x1024xi32, #tpu.memory_space<vmem>>
      %parallel_loop3A_337 = tpu.memref_squeeze %parallel_loop3A_336 : memref<1x1024xi32, #tpu.memory_space<vmem>> -> memref<1024xi32, #tpu.memory_space<vmem>>
      %parallel_loop3A_338 = tpu.vector_load_idx %parallel_loop3A_337[%parallel_loop3A_333] : memref<1024xi32, #tpu.memory_space<vmem>>[vector<16xi32>], vector<16xi32>,
      %parallel_loop3A_339 = arith.constant 9 : i32
      %parallel_loop3A_340 = arith.addi %parallel_loop3A_266, %parallel_loop3A_339 : i32
      %parallel_loop3A_341 = vector.broadcast %parallel_loop3A_340 : i32 to vector<16xi32>
      %parallel_loop3A_342 = arith.constant 1 : i32
      %parallel_loop3A_343 = arith.constant 0 : i32
      %parallel_loop3A_344 = tpu.memref_slice %arg9[%parallel_loop3A_342, %parallel_loop3A_343] : memref<2x1024xi32, #tpu.memory_space<vmem>> -> memref<1x1024xi32, #tpu.memory_space<vmem>>
      %parallel_loop3A_345 = tpu.memref_squeeze %parallel_loop3A_344 : memref<1x1024xi32, #tpu.memory_space<vmem>> -> memref<1024xi32, #tpu.memory_space<vmem>>
      %parallel_loop3A_346 = tpu.vector_load_idx %parallel_loop3A_345[%parallel_loop3A_341] : memref<1024xi32, #tpu.memory_space<vmem>>[vector<16xi32>], vector<16xi32>,
      %parallel_loop3A_347 = arith.constant 10 : i32
      %parallel_loop3A_348 = arith.addi %parallel_loop3A_266, %parallel_loop3A_347 : i32
      %parallel_loop3A_349 = vector.broadcast %parallel_loop3A_348 : i32 to vector<16xi32>
      %parallel_loop3A_350 = arith.constant 1 : i32
      %parallel_loop3A_351 = arith.constant 0 : i32
      %parallel_loop3A_352 = tpu.memref_slice %arg9[%parallel_loop3A_350, %parallel_loop3A_351] : memref<2x1024xi32, #tpu.memory_space<vmem>> -> memref<1x1024xi32, #tpu.memory_space<vmem>>
      %parallel_loop3A_353 = tpu.memref_squeeze %parallel_loop3A_352 : memref<1x1024xi32, #tpu.memory_space<vmem>> -> memref<1024xi32, #tpu.memory_space<vmem>>
      %parallel_loop3A_354 = tpu.vector_load_idx %parallel_loop3A_353[%parallel_loop3A_349] : memref<1024xi32, #tpu.memory_space<vmem>>[vector<16xi32>], vector<16xi32>,
      %parallel_loop3A_355 = arith.constant 11 : i32
      %parallel_loop3A_356 = arith.addi %parallel_loop3A_266, %parallel_loop3A_355 : i32
      %parallel_loop3A_357 = vector.broadcast %parallel_loop3A_356 : i32 to vector<16xi32>
      %parallel_loop3A_358 = arith.constant 1 : i32
      %parallel_loop3A_359 = arith.constant 0 : i32
      %parallel_loop3A_360 = tpu.memref_slice %arg9[%parallel_loop3A_358, %parallel_loop3A_359] : memref<2x1024xi32, #tpu.memory_space<vmem>> -> memref<1x1024xi32, #tpu.memory_space<vmem>>
      %parallel_loop3A_361 = tpu.memref_squeeze %parallel_loop3A_360 : memref<1x1024xi32, #tpu.memory_space<vmem>> -> memref<1024xi32, #tpu.memory_space<vmem>>
      %parallel_loop3A_362 = tpu.vector_load_idx %parallel_loop3A_361[%parallel_loop3A_357] : memref<1024xi32, #tpu.memory_space<vmem>>[vector<16xi32>], vector<16xi32>,
      %parallel_loop3A_363 = arith.constant 12 : i32
      %parallel_loop3A_364 = arith.addi %parallel_loop3A_266, %parallel_loop3A_363 : i32
      %parallel_loop3A_365 = vector.broadcast %parallel_loop3A_364 : i32 to vector<16xi32>
      %parallel_loop3A_366 = arith.constant 1 : i32
      %parallel_loop3A_367 = arith.constant 0 : i32
      %parallel_loop3A_368 = tpu.memref_slice %arg9[%parallel_loop3A_366, %parallel_loop3A_367] : memref<2x1024xi32, #tpu.memory_space<vmem>> -> memref<1x1024xi32, #tpu.memory_space<vmem>>
      %parallel_loop3A_369 = tpu.memref_squeeze %parallel_loop3A_368 : memref<1x1024xi32, #tpu.memory_space<vmem>> -> memref<1024xi32, #tpu.memory_space<vmem>>
      %parallel_loop3A_370 = tpu.vector_load_idx %parallel_loop3A_369[%parallel_loop3A_365] : memref<1024xi32, #tpu.memory_space<vmem>>[vector<16xi32>], vector<16xi32>,
      %parallel_loop3A_371 = arith.constant 13 : i32
      %parallel_loop3A_372 = arith.addi %parallel_loop3A_266, %parallel_loop3A_371 : i32
      %parallel_loop3A_373 = vector.broadcast %parallel_loop3A_372 : i32 to vector<16xi32>
      %parallel_loop3A_374 = arith.constant 1 : i32
      %parallel_loop3A_375 = arith.constant 0 : i32
      %parallel_loop3A_376 = tpu.memref_slice %arg9[%parallel_loop3A_374, %parallel_loop3A_375] : memref<2x1024xi32, #tpu.memory_space<vmem>> -> memref<1x1024xi32, #tpu.memory_space<vmem>>
      %parallel_loop3A_377 = tpu.memref_squeeze %parallel_loop3A_376 : memref<1x1024xi32, #tpu.memory_space<vmem>> -> memref<1024xi32, #tpu.memory_space<vmem>>
      %parallel_loop3A_378 = tpu.vector_load_idx %parallel_loop3A_377[%parallel_loop3A_373] : memref<1024xi32, #tpu.memory_space<vmem>>[vector<16xi32>], vector<16xi32>,
      %parallel_loop3A_379 = arith.constant 14 : i32
      %parallel_loop3A_380 = arith.addi %parallel_loop3A_266, %parallel_loop3A_379 : i32
      %parallel_loop3A_381 = vector.broadcast %parallel_loop3A_380 : i32 to vector<16xi32>
      %parallel_loop3A_382 = arith.constant 1 : i32
      %parallel_loop3A_383 = arith.constant 0 : i32
      %parallel_loop3A_384 = tpu.memref_slice %arg9[%parallel_loop3A_382, %parallel_loop3A_383] : memref<2x1024xi32, #tpu.memory_space<vmem>> -> memref<1x1024xi32, #tpu.memory_space<vmem>>
      %parallel_loop3A_385 = tpu.memref_squeeze %parallel_loop3A_384 : memref<1x1024xi32, #tpu.memory_space<vmem>> -> memref<1024xi32, #tpu.memory_space<vmem>>
      %parallel_loop3A_386 = tpu.vector_load_idx %parallel_loop3A_385[%parallel_loop3A_381] : memref<1024xi32, #tpu.memory_space<vmem>>[vector<16xi32>], vector<16xi32>,
      %parallel_loop3A_387 = arith.constant 15 : i32
      %parallel_loop3A_388 = arith.addi %parallel_loop3A_266, %parallel_loop3A_387 : i32
      %parallel_loop3A_389 = vector.broadcast %parallel_loop3A_388 : i32 to vector<16xi32>
      %parallel_loop3A_390 = arith.constant 1 : i32
      %parallel_loop3A_391 = arith.constant 0 : i32
      %parallel_loop3A_392 = tpu.memref_slice %arg9[%parallel_loop3A_390, %parallel_loop3A_391] : memref<2x1024xi32, #tpu.memory_space<vmem>> -> memref<1x1024xi32, #tpu.memory_space<vmem>>
      %parallel_loop3A_393 = tpu.memref_squeeze %parallel_loop3A_392 : memref<1x1024xi32, #tpu.memory_space<vmem>> -> memref<1024xi32, #tpu.memory_space<vmem>>
      %parallel_loop3A_394 = tpu.vector_load_idx %parallel_loop3A_393[%parallel_loop3A_389] : memref<1024xi32, #tpu.memory_space<vmem>>[vector<16xi32>], vector<16xi32>,
      %parallel_loop3A_395 = arith.constant 0 : i32
      %parallel_loop3A_396 = arith.addi %parallel_loop3A_266, %parallel_loop3A_395 : i32
      %parallel_loop3A_397 = arith.constant 1 : i32
      %parallel_loop3A_398 = arith.index_cast %parallel_loop3A_397 : i32 to index
      %parallel_loop3A_399 = arith.index_cast %parallel_loop3A_396 : i32 to index
      %parallel_loop3A_400 = arith.constant 0 : index
      %parallel_loop3A_401 = tpu.vector_load %arg8[%parallel_loop3A_398, %parallel_loop3A_399, %parallel_loop3A_400] {strides = array<i32>} : memref<2x1024x32xf32, #tpu.memory_space<vmem>>, vector<16xf32>,
      tpu.vector_store_idx %arg6[%parallel_loop3A_274, %add3A_251], %parallel_loop3A_401 {add = true} : memref<1024x32xf32, #tpu.memory_space<vmem>>[vector<16xi32>, vector<16xi32>], vector<16xf32>,
      %parallel_loop3A_402 = arith.constant 0 : i32
      %parallel_loop3A_403 = arith.addi %parallel_loop3A_266, %parallel_loop3A_402 : i32
      %parallel_loop3A_404 = arith.constant 1 : i32
      %parallel_loop3A_405 = arith.index_cast %parallel_loop3A_404 : i32 to index
      %parallel_loop3A_406 = arith.index_cast %parallel_loop3A_403 : i32 to index
      %parallel_loop3A_407 = arith.constant 16 : index
      %parallel_loop3A_408 = tpu.vector_load %arg8[%parallel_loop3A_405, %parallel_loop3A_406, %parallel_loop3A_407] {strides = array<i32>} : memref<2x1024x32xf32, #tpu.memory_space<vmem>>, vector<16xf32>,
      tpu.vector_store_idx %arg6[%parallel_loop3A_274, %add3A_255], %parallel_loop3A_408 {add = true} : memref<1024x32xf32, #tpu.memory_space<vmem>>[vector<16xi32>, vector<16xi32>], vector<16xf32>,
      %parallel_loop3A_409 = arith.constant 1 : i32
      %parallel_loop3A_410 = arith.addi %parallel_loop3A_266, %parallel_loop3A_409 : i32
      %parallel_loop3A_411 = arith.constant 1 : i32
      %parallel_loop3A_412 = arith.index_cast %parallel_loop3A_411 : i32 to index
      %parallel_loop3A_413 = arith.index_cast %parallel_loop3A_410 : i32 to index
      %parallel_loop3A_414 = arith.constant 0 : index
      %parallel_loop3A_415 = tpu.vector_load %arg8[%parallel_loop3A_412, %parallel_loop3A_413, %parallel_loop3A_414] {strides = array<i32>} : memref<2x1024x32xf32, #tpu.memory_space<vmem>>, vector<16xf32>,
      tpu.vector_store_idx %arg6[%parallel_loop3A_282, %add3A_251], %parallel_loop3A_415 {add = true} : memref<1024x32xf32, #tpu.memory_space<vmem>>[vector<16xi32>, vector<16xi32>], vector<16xf32>,
      %parallel_loop3A_416 = arith.constant 1 : i32
      %parallel_loop3A_417 = arith.addi %parallel_loop3A_266, %parallel_loop3A_416 : i32
      %parallel_loop3A_418 = arith.constant 1 : i32
      %parallel_loop3A_419 = arith.index_cast %parallel_loop3A_418 : i32 to index
      %parallel_loop3A_420 = arith.index_cast %parallel_loop3A_417 : i32 to index
      %parallel_loop3A_421 = arith.constant 16 : index
      %parallel_loop3A_422 = tpu.vector_load %arg8[%parallel_loop3A_419, %parallel_loop3A_420, %parallel_loop3A_421] {strides = array<i32>} : memref<2x1024x32xf32, #tpu.memory_space<vmem>>, vector<16xf32>,
      tpu.vector_store_idx %arg6[%parallel_loop3A_282, %add3A_255], %parallel_loop3A_422 {add = true} : memref<1024x32xf32, #tpu.memory_space<vmem>>[vector<16xi32>, vector<16xi32>], vector<16xf32>,
      %parallel_loop3A_423 = arith.constant 2 : i32
      %parallel_loop3A_424 = arith.addi %parallel_loop3A_266, %parallel_loop3A_423 : i32
      %parallel_loop3A_425 = arith.constant 1 : i32
      %parallel_loop3A_426 = arith.index_cast %parallel_loop3A_425 : i32 to index
      %parallel_loop3A_427 = arith.index_cast %parallel_loop3A_424 : i32 to index
      %parallel_loop3A_428 = arith.constant 0 : index
      %parallel_loop3A_429 = tpu.vector_load %arg8[%parallel_loop3A_426, %parallel_loop3A_427, %parallel_loop3A_428] {strides = array<i32>} : memref<2x1024x32xf32, #tpu.memory_space<vmem>>, vector<16xf32>,
      tpu.vector_store_idx %arg6[%parallel_loop3A_290, %add3A_251], %parallel_loop3A_429 {add = true} : memref<1024x32xf32, #tpu.memory_space<vmem>>[vector<16xi32>, vector<16xi32>], vector<16xf32>,
      %parallel_loop3A_430 = arith.constant 2 : i32
      %parallel_loop3A_431 = arith.addi %parallel_loop3A_266, %parallel_loop3A_430 : i32
      %parallel_loop3A_432 = arith.constant 1 : i32
      %parallel_loop3A_433 = arith.index_cast %parallel_loop3A_432 : i32 to index
      %parallel_loop3A_434 = arith.index_cast %parallel_loop3A_431 : i32 to index
      %parallel_loop3A_435 = arith.constant 16 : index
      %parallel_loop3A_436 = tpu.vector_load %arg8[%parallel_loop3A_433, %parallel_loop3A_434, %parallel_loop3A_435] {strides = array<i32>} : memref<2x1024x32xf32, #tpu.memory_space<vmem>>, vector<16xf32>,
      tpu.vector_store_idx %arg6[%parallel_loop3A_290, %add3A_255], %parallel_loop3A_436 {add = true} : memref<1024x32xf32, #tpu.memory_space<vmem>>[vector<16xi32>, vector<16xi32>], vector<16xf32>,
      %parallel_loop3A_437 = arith.constant 3 : i32
      %parallel_loop3A_438 = arith.addi %parallel_loop3A_266, %parallel_loop3A_437 : i32
      %parallel_loop3A_439 = arith.constant 1 : i32
      %parallel_loop3A_440 = arith.index_cast %parallel_loop3A_439 : i32 to index
      %parallel_loop3A_441 = arith.index_cast %parallel_loop3A_438 : i32 to index
      %parallel_loop3A_442 = arith.constant 0 : index
      %parallel_loop3A_443 = tpu.vector_load %arg8[%parallel_loop3A_440, %parallel_loop3A_441, %parallel_loop3A_442] {strides = array<i32>} : memref<2x1024x32xf32, #tpu.memory_space<vmem>>, vector<16xf32>,
      tpu.vector_store_idx %arg6[%parallel_loop3A_298, %add3A_251], %parallel_loop3A_443 {add = true} : memref<1024x32xf32, #tpu.memory_space<vmem>>[vector<16xi32>, vector<16xi32>], vector<16xf32>,
      %parallel_loop3A_444 = arith.constant 3 : i32
      %parallel_loop3A_445 = arith.addi %parallel_loop3A_266, %parallel_loop3A_444 : i32
      %parallel_loop3A_446 = arith.constant 1 : i32
      %parallel_loop3A_447 = arith.index_cast %parallel_loop3A_446 : i32 to index
      %parallel_loop3A_448 = arith.index_cast %parallel_loop3A_445 : i32 to index
      %parallel_loop3A_449 = arith.constant 16 : index
      %parallel_loop3A_450 = tpu.vector_load %arg8[%parallel_loop3A_447, %parallel_loop3A_448, %parallel_loop3A_449] {strides = array<i32>} : memref<2x1024x32xf32, #tpu.memory_space<vmem>>, vector<16xf32>,
      tpu.vector_store_idx %arg6[%parallel_loop3A_298, %add3A_255], %parallel_loop3A_450 {add = true} : memref<1024x32xf32, #tpu.memory_space<vmem>>[vector<16xi32>, vector<16xi32>], vector<16xf32>,
      %parallel_loop3A_451 = arith.constant 4 : i32
      %parallel_loop3A_452 = arith.addi %parallel_loop3A_266, %parallel_loop3A_451 : i32
      %parallel_loop3A_453 = arith.constant 1 : i32
      %parallel_loop3A_454 = arith.index_cast %parallel_loop3A_453 : i32 to index
      %parallel_loop3A_455 = arith.index_cast %parallel_loop3A_452 : i32 to index
      %parallel_loop3A_456 = arith.constant 0 : index
      %parallel_loop3A_457 = tpu.vector_load %arg8[%parallel_loop3A_454, %parallel_loop3A_455, %parallel_loop3A_456] {strides = array<i32>} : memref<2x1024x32xf32, #tpu.memory_space<vmem>>, vector<16xf32>,
      tpu.vector_store_idx %arg6[%parallel_loop3A_306, %add3A_251], %parallel_loop3A_457 {add = true} : memref<1024x32xf32, #tpu.memory_space<vmem>>[vector<16xi32>, vector<16xi32>], vector<16xf32>,
      %parallel_loop3A_458 = arith.constant 4 : i32
      %parallel_loop3A_459 = arith.addi %parallel_loop3A_266, %parallel_loop3A_458 : i32
      %parallel_loop3A_460 = arith.constant 1 : i32
      %parallel_loop3A_461 = arith.index_cast %parallel_loop3A_460 : i32 to index
      %parallel_loop3A_462 = arith.index_cast %parallel_loop3A_459 : i32 to index
      %parallel_loop3A_463 = arith.constant 16 : index
      %parallel_loop3A_464 = tpu.vector_load %arg8[%parallel_loop3A_461, %parallel_loop3A_462, %parallel_loop3A_463] {strides = array<i32>} : memref<2x1024x32xf32, #tpu.memory_space<vmem>>, vector<16xf32>,
      tpu.vector_store_idx %arg6[%parallel_loop3A_306, %add3A_255], %parallel_loop3A_464 {add = true} : memref<1024x32xf32, #tpu.memory_space<vmem>>[vector<16xi32>, vector<16xi32>], vector<16xf32>,
      %parallel_loop3A_465 = arith.constant 5 : i32
      %parallel_loop3A_466 = arith.addi %parallel_loop3A_266, %parallel_loop3A_465 : i32
      %parallel_loop3A_467 = arith.constant 1 : i32
      %parallel_loop3A_468 = arith.index_cast %parallel_loop3A_467 : i32 to index
      %parallel_loop3A_469 = arith.index_cast %parallel_loop3A_466 : i32 to index
      %parallel_loop3A_470 = arith.constant 0 : index
      %parallel_loop3A_471 = tpu.vector_load %arg8[%parallel_loop3A_468, %parallel_loop3A_469, %parallel_loop3A_470] {strides = array<i32>} : memref<2x1024x32xf32, #tpu.memory_space<vmem>>, vector<16xf32>,
      tpu.vector_store_idx %arg6[%parallel_loop3A_314, %add3A_251], %parallel_loop3A_471 {add = true} : memref<1024x32xf32, #tpu.memory_space<vmem>>[vector<16xi32>, vector<16xi32>], vector<16xf32>,
      %parallel_loop3A_472 = arith.constant 5 : i32
      %parallel_loop3A_473 = arith.addi %parallel_loop3A_266, %parallel_loop3A_472 : i32
      %parallel_loop3A_474 = arith.constant 1 : i32
      %parallel_loop3A_475 = arith.index_cast %parallel_loop3A_474 : i32 to index
      %parallel_loop3A_476 = arith.index_cast %parallel_loop3A_473 : i32 to index
      %parallel_loop3A_477 = arith.constant 16 : index
      %parallel_loop3A_478 = tpu.vector_load %arg8[%parallel_loop3A_475, %parallel_loop3A_476, %parallel_loop3A_477] {strides = array<i32>} : memref<2x1024x32xf32, #tpu.memory_space<vmem>>, vector<16xf32>,
      tpu.vector_store_idx %arg6[%parallel_loop3A_314, %add3A_255], %parallel_loop3A_478 {add = true} : memref<1024x32xf32, #tpu.memory_space<vmem>>[vector<16xi32>, vector<16xi32>], vector<16xf32>,
      %parallel_loop3A_479 = arith.constant 6 : i32
      %parallel_loop3A_480 = arith.addi %parallel_loop3A_266, %parallel_loop3A_479 : i32
      %parallel_loop3A_481 = arith.constant 1 : i32
      %parallel_loop3A_482 = arith.index_cast %parallel_loop3A_481 : i32 to index
      %parallel_loop3A_483 = arith.index_cast %parallel_loop3A_480 : i32 to index
      %parallel_loop3A_484 = arith.constant 0 : index
      %parallel_loop3A_485 = tpu.vector_load %arg8[%parallel_loop3A_482, %parallel_loop3A_483, %parallel_loop3A_484] {strides = array<i32>} : memref<2x1024x32xf32, #tpu.memory_space<vmem>>, vector<16xf32>,
      tpu.vector_store_idx %arg6[%parallel_loop3A_322, %add3A_251], %parallel_loop3A_485 {add = true} : memref<1024x32xf32, #tpu.memory_space<vmem>>[vector<16xi32>, vector<16xi32>], vector<16xf32>,
      %parallel_loop3A_486 = arith.constant 6 : i32
      %parallel_loop3A_487 = arith.addi %parallel_loop3A_266, %parallel_loop3A_486 : i32
      %parallel_loop3A_488 = arith.constant 1 : i32
      %parallel_loop3A_489 = arith.index_cast %parallel_loop3A_488 : i32 to index
      %parallel_loop3A_490 = arith.index_cast %parallel_loop3A_487 : i32 to index
      %parallel_loop3A_491 = arith.constant 16 : index
      %parallel_loop3A_492 = tpu.vector_load %arg8[%parallel_loop3A_489, %parallel_loop3A_490, %parallel_loop3A_491] {strides = array<i32>} : memref<2x1024x32xf32, #tpu.memory_space<vmem>>, vector<16xf32>,
      tpu.vector_store_idx %arg6[%parallel_loop3A_322, %add3A_255], %parallel_loop3A_492 {add = true} : memref<1024x32xf32, #tpu.memory_space<vmem>>[vector<16xi32>, vector<16xi32>], vector<16xf32>,
      %parallel_loop3A_493 = arith.constant 7 : i32
      %parallel_loop3A_494 = arith.addi %parallel_loop3A_266, %parallel_loop3A_493 : i32
      %parallel_loop3A_495 = arith.constant 1 : i32
      %parallel_loop3A_496 = arith.index_cast %parallel_loop3A_495 : i32 to index
      %parallel_loop3A_497 = arith.index_cast %parallel_loop3A_494 : i32 to index
      %parallel_loop3A_498 = arith.constant 0 : index
      %parallel_loop3A_499 = tpu.vector_load %arg8[%parallel_loop3A_496, %parallel_loop3A_497, %parallel_loop3A_498] {strides = array<i32>} : memref<2x1024x32xf32, #tpu.memory_space<vmem>>, vector<16xf32>,
      tpu.vector_store_idx %arg6[%parallel_loop3A_330, %add3A_251], %parallel_loop3A_499 {add = true} : memref<1024x32xf32, #tpu.memory_space<vmem>>[vector<16xi32>, vector<16xi32>], vector<16xf32>,
      %parallel_loop3A_500 = arith.constant 7 : i32
      %parallel_loop3A_501 = arith.addi %parallel_loop3A_266, %parallel_loop3A_500 : i32
      %parallel_loop3A_502 = arith.constant 1 : i32
      %parallel_loop3A_503 = arith.index_cast %parallel_loop3A_502 : i32 to index
      %parallel_loop3A_504 = arith.index_cast %parallel_loop3A_501 : i32 to index
      %parallel_loop3A_505 = arith.constant 16 : index
      %parallel_loop3A_506 = tpu.vector_load %arg8[%parallel_loop3A_503, %parallel_loop3A_504, %parallel_loop3A_505] {strides = array<i32>} : memref<2x1024x32xf32, #tpu.memory_space<vmem>>, vector<16xf32>,
      tpu.vector_store_idx %arg6[%parallel_loop3A_330, %add3A_255], %parallel_loop3A_506 {add = true} : memref<1024x32xf32, #tpu.memory_space<vmem>>[vector<16xi32>, vector<16xi32>], vector<16xf32>,
      %parallel_loop3A_507 = arith.constant 8 : i32
      %parallel_loop3A_508 = arith.addi %parallel_loop3A_266, %parallel_loop3A_507 : i32
      %parallel_loop3A_509 = arith.constant 1 : i32
      %parallel_loop3A_510 = arith.index_cast %parallel_loop3A_509 : i32 to index
      %parallel_loop3A_511 = arith.index_cast %parallel_loop3A_508 : i32 to index
      %parallel_loop3A_512 = arith.constant 0 : index
      %parallel_loop3A_513 = tpu.vector_load %arg8[%parallel_loop3A_510, %parallel_loop3A_511, %parallel_loop3A_512] {strides = array<i32>} : memref<2x1024x32xf32, #tpu.memory_space<vmem>>, vector<16xf32>,
      tpu.vector_store_idx %arg6[%parallel_loop3A_338, %add3A_251], %parallel_loop3A_513 {add = true} : memref<1024x32xf32, #tpu.memory_space<vmem>>[vector<16xi32>, vector<16xi32>], vector<16xf32>,
      %parallel_loop3A_514 = arith.constant 8 : i32
      %parallel_loop3A_515 = arith.addi %parallel_loop3A_266, %parallel_loop3A_514 : i32
      %parallel_loop3A_516 = arith.constant 1 : i32
      %parallel_loop3A_517 = arith.index_cast %parallel_loop3A_516 : i32 to index
      %parallel_loop3A_518 = arith.index_cast %parallel_loop3A_515 : i32 to index
      %parallel_loop3A_519 = arith.constant 16 : index
      %parallel_loop3A_520 = tpu.vector_load %arg8[%parallel_loop3A_517, %parallel_loop3A_518, %parallel_loop3A_519] {strides = array<i32>} : memref<2x1024x32xf32, #tpu.memory_space<vmem>>, vector<16xf32>,
      tpu.vector_store_idx %arg6[%parallel_loop3A_338, %add3A_255], %parallel_loop3A_520 {add = true} : memref<1024x32xf32, #tpu.memory_space<vmem>>[vector<16xi32>, vector<16xi32>], vector<16xf32>,
      %parallel_loop3A_521 = arith.constant 9 : i32
      %parallel_loop3A_522 = arith.addi %parallel_loop3A_266, %parallel_loop3A_521 : i32
      %parallel_loop3A_523 = arith.constant 1 : i32
      %parallel_loop3A_524 = arith.index_cast %parallel_loop3A_523 : i32 to index
      %parallel_loop3A_525 = arith.index_cast %parallel_loop3A_522 : i32 to index
      %parallel_loop3A_526 = arith.constant 0 : index
      %parallel_loop3A_527 = tpu.vector_load %arg8[%parallel_loop3A_524, %parallel_loop3A_525, %parallel_loop3A_526] {strides = array<i32>} : memref<2x1024x32xf32, #tpu.memory_space<vmem>>, vector<16xf32>,
      tpu.vector_store_idx %arg6[%parallel_loop3A_346, %add3A_251], %parallel_loop3A_527 {add = true} : memref<1024x32xf32, #tpu.memory_space<vmem>>[vector<16xi32>, vector<16xi32>], vector<16xf32>,
      %parallel_loop3A_528 = arith.constant 9 : i32
      %parallel_loop3A_529 = arith.addi %parallel_loop3A_266, %parallel_loop3A_528 : i32
      %parallel_loop3A_530 = arith.constant 1 : i32
      %parallel_loop3A_531 = arith.index_cast %parallel_loop3A_530 : i32 to index
      %parallel_loop3A_532 = arith.index_cast %parallel_loop3A_529 : i32 to index
      %parallel_loop3A_533 = arith.constant 16 : index
      %parallel_loop3A_534 = tpu.vector_load %arg8[%parallel_loop3A_531, %parallel_loop3A_532, %parallel_loop3A_533] {strides = array<i32>} : memref<2x1024x32xf32, #tpu.memory_space<vmem>>, vector<16xf32>,
      tpu.vector_store_idx %arg6[%parallel_loop3A_346, %add3A_255], %parallel_loop3A_534 {add = true} : memref<1024x32xf32, #tpu.memory_space<vmem>>[vector<16xi32>, vector<16xi32>], vector<16xf32>,
      %parallel_loop3A_535 = arith.constant 10 : i32
      %parallel_loop3A_536 = arith.addi %parallel_loop3A_266, %parallel_loop3A_535 : i32
      %parallel_loop3A_537 = arith.constant 1 : i32
      %parallel_loop3A_538 = arith.index_cast %parallel_loop3A_537 : i32 to index
      %parallel_loop3A_539 = arith.index_cast %parallel_loop3A_536 : i32 to index
      %parallel_loop3A_540 = arith.constant 0 : index
      %parallel_loop3A_541 = tpu.vector_load %arg8[%parallel_loop3A_538, %parallel_loop3A_539, %parallel_loop3A_540] {strides = array<i32>} : memref<2x1024x32xf32, #tpu.memory_space<vmem>>, vector<16xf32>,
      tpu.vector_store_idx %arg6[%parallel_loop3A_354, %add3A_251], %parallel_loop3A_541 {add = true} : memref<1024x32xf32, #tpu.memory_space<vmem>>[vector<16xi32>, vector<16xi32>], vector<16xf32>,
      %parallel_loop3A_542 = arith.constant 10 : i32
      %parallel_loop3A_543 = arith.addi %parallel_loop3A_266, %parallel_loop3A_542 : i32
      %parallel_loop3A_544 = arith.constant 1 : i32
      %parallel_loop3A_545 = arith.index_cast %parallel_loop3A_544 : i32 to index
      %parallel_loop3A_546 = arith.index_cast %parallel_loop3A_543 : i32 to index
      %parallel_loop3A_547 = arith.constant 16 : index
      %parallel_loop3A_548 = tpu.vector_load %arg8[%parallel_loop3A_545, %parallel_loop3A_546, %parallel_loop3A_547] {strides = array<i32>} : memref<2x1024x32xf32, #tpu.memory_space<vmem>>, vector<16xf32>,
      tpu.vector_store_idx %arg6[%parallel_loop3A_354, %add3A_255], %parallel_loop3A_548 {add = true} : memref<1024x32xf32, #tpu.memory_space<vmem>>[vector<16xi32>, vector<16xi32>], vector<16xf32>,
      %parallel_loop3A_549 = arith.constant 11 : i32
      %parallel_loop3A_550 = arith.addi %parallel_loop3A_266, %parallel_loop3A_549 : i32
      %parallel_loop3A_551 = arith.constant 1 : i32
      %parallel_loop3A_552 = arith.index_cast %parallel_loop3A_551 : i32 to index
      %parallel_loop3A_553 = arith.index_cast %parallel_loop3A_550 : i32 to index
      %parallel_loop3A_554 = arith.constant 0 : index
      %parallel_loop3A_555 = tpu.vector_load %arg8[%parallel_loop3A_552, %parallel_loop3A_553, %parallel_loop3A_554] {strides = array<i32>} : memref<2x1024x32xf32, #tpu.memory_space<vmem>>, vector<16xf32>,
      tpu.vector_store_idx %arg6[%parallel_loop3A_362, %add3A_251], %parallel_loop3A_555 {add = true} : memref<1024x32xf32, #tpu.memory_space<vmem>>[vector<16xi32>, vector<16xi32>], vector<16xf32>,
      %parallel_loop3A_556 = arith.constant 11 : i32
      %parallel_loop3A_557 = arith.addi %parallel_loop3A_266, %parallel_loop3A_556 : i32
      %parallel_loop3A_558 = arith.constant 1 : i32
      %parallel_loop3A_559 = arith.index_cast %parallel_loop3A_558 : i32 to index
      %parallel_loop3A_560 = arith.index_cast %parallel_loop3A_557 : i32 to index
      %parallel_loop3A_561 = arith.constant 16 : index
      %parallel_loop3A_562 = tpu.vector_load %arg8[%parallel_loop3A_559, %parallel_loop3A_560, %parallel_loop3A_561] {strides = array<i32>} : memref<2x1024x32xf32, #tpu.memory_space<vmem>>, vector<16xf32>,
      tpu.vector_store_idx %arg6[%parallel_loop3A_362, %add3A_255], %parallel_loop3A_562 {add = true} : memref<1024x32xf32, #tpu.memory_space<vmem>>[vector<16xi32>, vector<16xi32>], vector<16xf32>,
      %parallel_loop3A_563 = arith.constant 12 : i32
      %parallel_loop3A_564 = arith.addi %parallel_loop3A_266, %parallel_loop3A_563 : i32
      %parallel_loop3A_565 = arith.constant 1 : i32
      %parallel_loop3A_566 = arith.index_cast %parallel_loop3A_565 : i32 to index
      %parallel_loop3A_567 = arith.index_cast %parallel_loop3A_564 : i32 to index
      %parallel_loop3A_568 = arith.constant 0 : index
      %parallel_loop3A_569 = tpu.vector_load %arg8[%parallel_loop3A_566, %parallel_loop3A_567, %parallel_loop3A_568] {strides = array<i32>} : memref<2x1024x32xf32, #tpu.memory_space<vmem>>, vector<16xf32>,
      tpu.vector_store_idx %arg6[%parallel_loop3A_370, %add3A_251], %parallel_loop3A_569 {add = true} : memref<1024x32xf32, #tpu.memory_space<vmem>>[vector<16xi32>, vector<16xi32>], vector<16xf32>,
      %parallel_loop3A_570 = arith.constant 12 : i32
      %parallel_loop3A_571 = arith.addi %parallel_loop3A_266, %parallel_loop3A_570 : i32
      %parallel_loop3A_572 = arith.constant 1 : i32
      %parallel_loop3A_573 = arith.index_cast %parallel_loop3A_572 : i32 to index
      %parallel_loop3A_574 = arith.index_cast %parallel_loop3A_571 : i32 to index
      %parallel_loop3A_575 = arith.constant 16 : index
      %parallel_loop3A_576 = tpu.vector_load %arg8[%parallel_loop3A_573, %parallel_loop3A_574, %parallel_loop3A_575] {strides = array<i32>} : memref<2x1024x32xf32, #tpu.memory_space<vmem>>, vector<16xf32>,
      tpu.vector_store_idx %arg6[%parallel_loop3A_370, %add3A_255], %parallel_loop3A_576 {add = true} : memref<1024x32xf32, #tpu.memory_space<vmem>>[vector<16xi32>, vector<16xi32>], vector<16xf32>,
      %parallel_loop3A_577 = arith.constant 13 : i32
      %parallel_loop3A_578 = arith.addi %parallel_loop3A_266, %parallel_loop3A_577 : i32
      %parallel_loop3A_579 = arith.constant 1 : i32
      %parallel_loop3A_580 = arith.index_cast %parallel_loop3A_579 : i32 to index
      %parallel_loop3A_581 = arith.index_cast %parallel_loop3A_578 : i32 to index
      %parallel_loop3A_582 = arith.constant 0 : index
      %parallel_loop3A_583 = tpu.vector_load %arg8[%parallel_loop3A_580, %parallel_loop3A_581, %parallel_loop3A_582] {strides = array<i32>} : memref<2x1024x32xf32, #tpu.memory_space<vmem>>, vector<16xf32>,
      tpu.vector_store_idx %arg6[%parallel_loop3A_378, %add3A_251], %parallel_loop3A_583 {add = true} : memref<1024x32xf32, #tpu.memory_space<vmem>>[vector<16xi32>, vector<16xi32>], vector<16xf32>,
      %parallel_loop3A_584 = arith.constant 13 : i32
      %parallel_loop3A_585 = arith.addi %parallel_loop3A_266, %parallel_loop3A_584 : i32
      %parallel_loop3A_586 = arith.constant 1 : i32
      %parallel_loop3A_587 = arith.index_cast %parallel_loop3A_586 : i32 to index
      %parallel_loop3A_588 = arith.index_cast %parallel_loop3A_585 : i32 to index
      %parallel_loop3A_589 = arith.constant 16 : index
      %parallel_loop3A_590 = tpu.vector_load %arg8[%parallel_loop3A_587, %parallel_loop3A_588, %parallel_loop3A_589] {strides = array<i32>} : memref<2x1024x32xf32, #tpu.memory_space<vmem>>, vector<16xf32>,
      tpu.vector_store_idx %arg6[%parallel_loop3A_378, %add3A_255], %parallel_loop3A_590 {add = true} : memref<1024x32xf32, #tpu.memory_space<vmem>>[vector<16xi32>, vector<16xi32>], vector<16xf32>,
      %parallel_loop3A_591 = arith.constant 14 : i32
      %parallel_loop3A_592 = arith.addi %parallel_loop3A_266, %parallel_loop3A_591 : i32
      %parallel_loop3A_593 = arith.constant 1 : i32
      %parallel_loop3A_594 = arith.index_cast %parallel_loop3A_593 : i32 to index
      %parallel_loop3A_595 = arith.index_cast %parallel_loop3A_592 : i32 to index
      %parallel_loop3A_596 = arith.constant 0 : index
      %parallel_loop3A_597 = tpu.vector_load %arg8[%parallel_loop3A_594, %parallel_loop3A_595, %parallel_loop3A_596] {strides = array<i32>} : memref<2x1024x32xf32, #tpu.memory_space<vmem>>, vector<16xf32>,
      tpu.vector_store_idx %arg6[%parallel_loop3A_386, %add3A_251], %parallel_loop3A_597 {add = true} : memref<1024x32xf32, #tpu.memory_space<vmem>>[vector<16xi32>, vector<16xi32>], vector<16xf32>,
      %parallel_loop3A_598 = arith.constant 14 : i32
      %parallel_loop3A_599 = arith.addi %parallel_loop3A_266, %parallel_loop3A_598 : i32
      %parallel_loop3A_600 = arith.constant 1 : i32
      %parallel_loop3A_601 = arith.index_cast %parallel_loop3A_600 : i32 to index
      %parallel_loop3A_602 = arith.index_cast %parallel_loop3A_599 : i32 to index
      %parallel_loop3A_603 = arith.constant 16 : index
      %parallel_loop3A_604 = tpu.vector_load %arg8[%parallel_loop3A_601, %parallel_loop3A_602, %parallel_loop3A_603] {strides = array<i32>} : memref<2x1024x32xf32, #tpu.memory_space<vmem>>, vector<16xf32>,
      tpu.vector_store_idx %arg6[%parallel_loop3A_386, %add3A_255], %parallel_loop3A_604 {add = true} : memref<1024x32xf32, #tpu.memory_space<vmem>>[vector<16xi32>, vector<16xi32>], vector<16xf32>,
      %parallel_loop3A_605 = arith.constant 15 : i32
      %parallel_loop3A_606 = arith.addi %parallel_loop3A_266, %parallel_loop3A_605 : i32
      %parallel_loop3A_607 = arith.constant 1 : i32
      %parallel_loop3A_608 = arith.index_cast %parallel_loop3A_607 : i32 to index
      %parallel_loop3A_609 = arith.index_cast %parallel_loop3A_606 : i32 to index
      %parallel_loop3A_610 = arith.constant 0 : index
      %parallel_loop3A_611 = tpu.vector_load %arg8[%parallel_loop3A_608, %parallel_loop3A_609, %parallel_loop3A_610] {strides = array<i32>} : memref<2x1024x32xf32, #tpu.memory_space<vmem>>, vector<16xf32>,
      tpu.vector_store_idx %arg6[%parallel_loop3A_394, %add3A_251], %parallel_loop3A_611 {add = true} : memref<1024x32xf32, #tpu.memory_space<vmem>>[vector<16xi32>, vector<16xi32>], vector<16xf32>,
      %parallel_loop3A_612 = arith.constant 15 : i32
      %parallel_loop3A_613 = arith.addi %parallel_loop3A_266, %parallel_loop3A_612 : i32
      %parallel_loop3A_614 = arith.constant 1 : i32
      %parallel_loop3A_615 = arith.index_cast %parallel_loop3A_614 : i32 to index
      %parallel_loop3A_616 = arith.index_cast %parallel_loop3A_613 : i32 to index
      %parallel_loop3A_617 = arith.constant 16 : index
      %parallel_loop3A_618 = tpu.vector_load %arg8[%parallel_loop3A_615, %parallel_loop3A_616, %parallel_loop3A_617] {strides = array<i32>} : memref<2x1024x32xf32, #tpu.memory_space<vmem>>, vector<16xf32>,
      tpu.vector_store_idx %arg6[%parallel_loop3A_394, %add3A_255], %parallel_loop3A_618 {add = true} : memref<1024x32xf32, #tpu.memory_space<vmem>>[vector<16xi32>, vector<16xi32>], vector<16xf32>,
      %parallel_loop3A_619 = arith.constant 0 : i32
      %parallel_loop3A_620 = arith.cmpi eq, %select_n3A_9, %parallel_loop3A_619 : i32
      %parallel_loop3A_621 = arith.extui %parallel_loop3A_620 : i1 to i32
      %parallel_loop3A_622 = arith.constant 0 : i32
      %parallel_loop3A_623 = arith.cmpi ne, %parallel_loop3A_621, %parallel_loop3A_622 : i32
      scf.if %parallel_loop3A_623 {
        %parallel_loop3A_624 = arith.constant 1 : i32
        %parallel_loop3A_625 = arith.index_cast %parallel_loop3A_624 : i32 to index
        %parallel_loop3A_626 = arith.index_cast %parallel_loop3A_266 : i32 to index
        %parallel_loop3A_627 = tpu.vector_load %arg9[%parallel_loop3A_625, %parallel_loop3A_626] {strides = array<i32>} : memref<2x1024xi32, #tpu.memory_space<vmem>>, vector<16xi32>,
        tpu.vector_store_idx %arg7[%parallel_loop3A_627, %broadcast_in_dim3A_39], %broadcast_in_dim3A_37 {add = true} : memref<1024x16xf32, #tpu.memory_space<vmem>>[vector<16xi32>, vector<16xi32>], vector<16xf32>,
      } else {
      }
    } {sc.loop_unroll_factor = 4 : i64, sc.parallel_access}
    "tpu.region"() ({
      %run_scoped3A = tpu.sem_alloc : memref<!tpu.dma_semaphore, #tpu.memory_space<semaphore_mem>>
      %dma_start3A_264 = arith.constant 0 : i32
      %dma_start3A_265 = arith.constant 0 : i32
      %dma_start3A_266 = tpu.memref_slice %arg4[%select_n3A_30, %select_n3A_9, %dma_start3A_264, %dma_start3A_265] : memref<4x8x1024x32xf32, #tpu.memory_space<hbm>> -> memref<1x1x1024x32xf32, #tpu.memory_space<hbm>>
      %dma_start3A_267 = tpu.memref_squeeze %dma_start3A_266 : memref<1x1x1024x32xf32, #tpu.memory_space<hbm>> -> memref<1024x32xf32, #tpu.memory_space<hbm>>
      %dma_start3A_268 = arith.constant 0 : i32
      %dma_start3A_269 = arith.constant 0 : i32
      %dma_start3A_270 = tpu.memref_slice %arg4[%select_n3A_30, %select_n3A_9, %dma_start3A_268, %dma_start3A_269] : memref<4x8x1024x32xf32, #tpu.memory_space<hbm>> -> memref<1x1x1024x32xf32, #tpu.memory_space<hbm>>
      %dma_start3A_271 = tpu.memref_squeeze %dma_start3A_270 : memref<1x1x1024x32xf32, #tpu.memory_space<hbm>> -> memref<1024x32xf32, #tpu.memory_space<hbm>>
      tpu.enqueue_dma source(%arg6 : memref<1024x32xf32, #tpu.memory_space<vmem>>) target(%dma_start3A_271 : memref<1024x32xf32, #tpu.memory_space<hbm>>) target_semaphore(%run_scoped3A : memref<!tpu.dma_semaphore, #tpu.memory_space<semaphore_mem>>)
      %dma_wait3A_272 = arith.constant 0 : i32
      %dma_wait3A_273 = arith.constant 0 : i32
      %dma_wait3A_274 = tpu.memref_slice %arg4[%select_n3A_30, %select_n3A_9, %dma_wait3A_272, %dma_wait3A_273] : memref<4x8x1024x32xf32, #tpu.memory_space<hbm>> -> memref<1x1x1024x32xf32, #tpu.memory_space<hbm>>
      %dma_wait3A_275 = tpu.memref_squeeze %dma_wait3A_274 : memref<1x1x1024x32xf32, #tpu.memory_space<hbm>> -> memref<1024x32xf32, #tpu.memory_space<hbm>>
      %dma_wait3A_276 = arith.constant 0 : i32
      %dma_wait3A_277 = arith.constant 0 : i32
      %dma_wait3A_278 = tpu.memref_slice %arg4[%select_n3A_30, %select_n3A_9, %dma_wait3A_276, %dma_wait3A_277] : memref<4x8x1024x32xf32, #tpu.memory_space<hbm>> -> memref<1x1x1024x32xf32, #tpu.memory_space<hbm>>
      %dma_wait3A_279 = tpu.memref_squeeze %dma_wait3A_278 : memref<1x1x1024x32xf32, #tpu.memory_space<hbm>> -> memref<1024x32xf32, #tpu.memory_space<hbm>>
      tpu.wait_dma2 semaphore(%run_scoped3A : memref<!tpu.dma_semaphore, #tpu.memory_space<semaphore_mem>>) src(%arg6 : memref<1024x32xf32, #tpu.memory_space<vmem>>) dst(%dma_wait3A_279 : memref<1024x32xf32, #tpu.memory_space<hbm>>)
      tpu.yield
    }) : () -> ()
    %eq3A_259 = arith.constant 0 : i32
    %eq3A_260 = arith.cmpi eq, %select_n3A_9, %eq3A_259 : i32
    %convert_element_type3A_261 = arith.extui %eq3A_260 : i1 to i32
    %cond3A_262 = arith.constant 0 : i32
    %cond3A_263 = arith.cmpi ne, %convert_element_type3A_261, %cond3A_262 : i32
    scf.if %cond3A_263 {
      "tpu.region"() ({
        %run_scoped3A = tpu.sem_alloc : memref<!tpu.dma_semaphore, #tpu.memory_space<semaphore_mem>>
        %dma_start3A_264 = arith.constant 0 : i32
        %dma_start3A_265 = arith.constant 0 : i32
        %dma_start3A_266 = tpu.memref_slice %arg5[%select_n3A_30, %dma_start3A_264, %dma_start3A_265] : memref<4x1024x16xf32, #tpu.memory_space<hbm>> -> memref<1x1024x16xf32, #tpu.memory_space<hbm>>
        %dma_start3A_267 = tpu.memref_squeeze %dma_start3A_266 : memref<1x1024x16xf32, #tpu.memory_space<hbm>> -> memref<1024x16xf32, #tpu.memory_space<hbm>>
        %dma_start3A_268 = arith.constant 0 : i32
        %dma_start3A_269 = arith.constant 0 : i32
        %dma_start3A_270 = tpu.memref_slice %arg5[%select_n3A_30, %dma_start3A_268, %dma_start3A_269] : memref<4x1024x16xf32, #tpu.memory_space<hbm>> -> memref<1x1024x16xf32, #tpu.memory_space<hbm>>
        %dma_start3A_271 = tpu.memref_squeeze %dma_start3A_270 : memref<1x1024x16xf32, #tpu.memory_space<hbm>> -> memref<1024x16xf32, #tpu.memory_space<hbm>>
        tpu.enqueue_dma source(%arg7 : memref<1024x16xf32, #tpu.memory_space<vmem>>) target(%dma_start3A_271 : memref<1024x16xf32, #tpu.memory_space<hbm>>) target_semaphore(%run_scoped3A : memref<!tpu.dma_semaphore, #tpu.memory_space<semaphore_mem>>)
        %dma_wait3A_272 = arith.constant 0 : i32
        %dma_wait3A_273 = arith.constant 0 : i32
        %dma_wait3A_274 = tpu.memref_slice %arg5[%select_n3A_30, %dma_wait3A_272, %dma_wait3A_273] : memref<4x1024x16xf32, #tpu.memory_space<hbm>> -> memref<1x1024x16xf32, #tpu.memory_space<hbm>>
        %dma_wait3A_275 = tpu.memref_squeeze %dma_wait3A_274 : memref<1x1024x16xf32, #tpu.memory_space<hbm>> -> memref<1024x16xf32, #tpu.memory_space<hbm>>
        %dma_wait3A_276 = arith.constant 0 : i32
        %dma_wait3A_277 = arith.constant 0 : i32
        %dma_wait3A_278 = tpu.memref_slice %arg5[%select_n3A_30, %dma_wait3A_276, %dma_wait3A_277] : memref<4x1024x16xf32, #tpu.memory_space<hbm>> -> memref<1x1024x16xf32, #tpu.memory_space<hbm>>
        %dma_wait3A_279 = tpu.memref_squeeze %dma_wait3A_278 : memref<1x1024x16xf32, #tpu.memory_space<hbm>> -> memref<1024x16xf32, #tpu.memory_space<hbm>>
        tpu.wait_dma2 semaphore(%run_scoped3A : memref<!tpu.dma_semaphore, #tpu.memory_space<semaphore_mem>>) src(%arg7 : memref<1024x16xf32, #tpu.memory_space<vmem>>) dst(%dma_wait3A_279 : memref<1024x16xf32, #tpu.memory_space<hbm>>)
        tpu.yield
      }) : () -> ()
    } else {
    }
    return
  }
}

module attributes {stable_mosaic.version = 14 : i64} {
  func.func @_offsets_body(%arg0: i32, %arg1: memref<2048x256xf32, #tpu.memory_space<vmem>>, %arg2: memref<2048x256xf32, #tpu.memory_space<vmem>>, %arg3: memref<2048x256xf32, #tpu.memory_space<vmem>>) attributes {dimension_semantics = [#tpu.dimension_semantics<arbitrary>], iteration_bounds = array<i64: 8>, scalar_prefetch = 0 : i64, scratch_operands = 0 : i64, tpu.core_type = #tpu.core_type<tc>, window_params = [{transform_indices = @transform_0, window_bounds = array<i64: 2048, 256>}, {transform_indices = @transform_1, window_bounds = array<i64: 2048, 256>}, {transform_indices = @transform_2, window_bounds = array<i64: 2048, 256>}]} {
    %get3A = arith.constant 0 : index
    %get3A_0 = arith.constant 0 : index
    %get3A_1 = vector.load %arg1[%get3A, %get3A_0] : memref<2048x256xf32, #tpu.memory_space<vmem>>, vector<2048x256xf32>
    %get3A_2 = arith.constant 0 : index
    %get3A_3 = arith.constant 0 : index
    %get3A_4 = vector.load %arg2[%get3A_2, %get3A_3] : memref<2048x256xf32, #tpu.memory_space<vmem>>, vector<2048x256xf32>
    %mul3A = arith.mulf %get3A_1, %get3A_1 : vector<2048x256xf32>
    %reduce_sum3A = arith.constant dense<0.000000e+00> : vector<2048xf32>
    %reduce_sum3A_5 = vector.multi_reduction <add>, %mul3A, %reduce_sum3A [1] : vector<2048x256xf32> to vector<2048xf32>
    %broadcast_in_dim3A = vector.shape_cast %reduce_sum3A_5 : vector<2048xf32> to vector<2048x1xf32>
    %sqrt3A = math.sqrt %broadcast_in_dim3A : vector<2048x1xf32>
    %add3A = arith.constant 1.000000e-10 : f32
    %add3A_6 = vector.broadcast %add3A : f32 to vector<2048x1xf32>
    %add3A_7 = arith.addf %sqrt3A, %add3A_6 : vector<2048x1xf32>
    %div3A = vector.broadcast %add3A_7 : vector<2048x1xf32> to vector<2048x256xf32>
    %div3A_8 = arith.divf %get3A_1, %div3A : vector<2048x256xf32>
    %mul3A_9 = arith.mulf %get3A_4, %get3A_4 : vector<2048x256xf32>
    %reduce_sum3A_10 = arith.constant dense<0.000000e+00> : vector<2048xf32>
    %reduce_sum3A_11 = vector.multi_reduction <add>, %mul3A_9, %reduce_sum3A_10 [1] : vector<2048x256xf32> to vector<2048xf32>
    %broadcast_in_dim3A_12 = vector.shape_cast %reduce_sum3A_11 : vector<2048xf32> to vector<2048x1xf32>
    %sqrt3A_13 = math.sqrt %broadcast_in_dim3A_12 : vector<2048x1xf32>
    %add3A_14 = arith.constant 1.000000e-10 : f32
    %add3A_15 = vector.broadcast %add3A_14 : f32 to vector<2048x1xf32>
    %add3A_16 = arith.addf %sqrt3A_13, %add3A_15 : vector<2048x1xf32>
    %div3A_17 = vector.broadcast %add3A_16 : vector<2048x1xf32> to vector<2048x256xf32>
    %div3A_18 = arith.divf %get3A_4, %div3A_17 : vector<2048x256xf32>
    %sub3A = arith.subf %div3A_8, %div3A_18 : vector<2048x256xf32>
    %integer_pow3A = arith.mulf %sub3A, %sub3A : vector<2048x256xf32>
    %swap3A = arith.constant 0 : index
    %swap3A_19 = arith.constant 0 : index
    %swap3A_20 = vector.load %arg3[%swap3A, %swap3A_19] : memref<2048x256xf32, #tpu.memory_space<vmem>>, vector<2048x256xf32>
    tpu.vector_store %arg3[%swap3A, %swap3A_19], %integer_pow3A {strides = array<i32>} : memref<2048x256xf32, #tpu.memory_space<vmem>>, vector<2048x256xf32>,
    return
  }
  func.func @transform_0(%arg0: i32) -> (i32, i32) {
    %c0_i32 = arith.constant 0 : i32
    %c0_i32_0 = arith.constant 0 : i32
    return %arg0, %c0_i32 : i32, i32
  }
  func.func @transform_1(%arg0: i32) -> (i32, i32) {
    %c0_i32 = arith.constant 0 : i32
    %c0_i32_0 = arith.constant 0 : i32
    return %arg0, %c0_i32 : i32, i32
  }
  func.func @transform_2(%arg0: i32) -> (i32, i32) {
    %c0_i32 = arith.constant 0 : i32
    %c0_i32_0 = arith.constant 0 : i32
    return %arg0, %c0_i32 : i32, i32
  }
}

module attributes {stable_mosaic.version = 14 : i64} {
  func.func @_weights_body(%arg0: memref<4x8x1024x32xf32, #tpu.memory_space<vmem>>, %arg1: memref<4x1024x16xf32, #tpu.memory_space<vmem>>, %arg2: memref<1000x256xf32, #tpu.memory_space<vmem>>, %arg3: memref<1000x256xf32, #tpu.memory_space<vmem>>) attributes {dimension_semantics = [], scalar_prefetch = 0 : i64, scratch_operands = 0 : i64, tpu.core_type = #tpu.core_type<tc>} {
    %get3A = arith.constant 0 : index
    %get3A_0 = arith.constant 0 : index
    %get3A_1 = arith.constant 0 : index
    %get3A_2 = arith.constant 0 : index
    %get3A_3 = vector.load %arg0[%get3A, %get3A_0, %get3A_1, %get3A_2] : memref<4x8x1024x32xf32, #tpu.memory_space<vmem>>, vector<1x1x1024x32xf32>
    %get3A_4 = vector.shape_cast %get3A_3 : vector<1x1x1024x32xf32> to vector<1024x32xf32>
    %get3A_5 = arith.constant 1 : index
    %get3A_6 = arith.constant 0 : index
    %get3A_7 = arith.constant 0 : index
    %get3A_8 = arith.constant 0 : index
    %get3A_9 = vector.load %arg0[%get3A_5, %get3A_6, %get3A_7, %get3A_8] : memref<4x8x1024x32xf32, #tpu.memory_space<vmem>>, vector<1x1x1024x32xf32>
    %get3A_10 = vector.shape_cast %get3A_9 : vector<1x1x1024x32xf32> to vector<1024x32xf32>
    %add3A = arith.addf %get3A_4, %get3A_10 : vector<1024x32xf32>
    %get3A_11 = arith.constant 2 : index
    %get3A_12 = arith.constant 0 : index
    %get3A_13 = arith.constant 0 : index
    %get3A_14 = arith.constant 0 : index
    %get3A_15 = vector.load %arg0[%get3A_11, %get3A_12, %get3A_13, %get3A_14] : memref<4x8x1024x32xf32, #tpu.memory_space<vmem>>, vector<1x1x1024x32xf32>
    %get3A_16 = vector.shape_cast %get3A_15 : vector<1x1x1024x32xf32> to vector<1024x32xf32>
    %add3A_17 = arith.addf %add3A, %get3A_16 : vector<1024x32xf32>
    %get3A_18 = arith.constant 3 : index
    %get3A_19 = arith.constant 0 : index
    %get3A_20 = arith.constant 0 : index
    %get3A_21 = arith.constant 0 : index
    %get3A_22 = vector.load %arg0[%get3A_18, %get3A_19, %get3A_20, %get3A_21] : memref<4x8x1024x32xf32, #tpu.memory_space<vmem>>, vector<1x1x1024x32xf32>
    %get3A_23 = vector.shape_cast %get3A_22 : vector<1x1x1024x32xf32> to vector<1024x32xf32>
    %add3A_24 = arith.addf %add3A_17, %get3A_23 : vector<1024x32xf32>
    %get3A_25 = arith.constant 0 : index
    %get3A_26 = arith.constant 1 : index
    %get3A_27 = arith.constant 0 : index
    %get3A_28 = arith.constant 0 : index
    %get3A_29 = vector.load %arg0[%get3A_25, %get3A_26, %get3A_27, %get3A_28] : memref<4x8x1024x32xf32, #tpu.memory_space<vmem>>, vector<1x1x1024x32xf32>
    %get3A_30 = vector.shape_cast %get3A_29 : vector<1x1x1024x32xf32> to vector<1024x32xf32>
    %get3A_31 = arith.constant 1 : index
    %get3A_32 = arith.constant 1 : index
    %get3A_33 = arith.constant 0 : index
    %get3A_34 = arith.constant 0 : index
    %get3A_35 = vector.load %arg0[%get3A_31, %get3A_32, %get3A_33, %get3A_34] : memref<4x8x1024x32xf32, #tpu.memory_space<vmem>>, vector<1x1x1024x32xf32>
    %get3A_36 = vector.shape_cast %get3A_35 : vector<1x1x1024x32xf32> to vector<1024x32xf32>
    %add3A_37 = arith.addf %get3A_30, %get3A_36 : vector<1024x32xf32>
    %get3A_38 = arith.constant 2 : index
    %get3A_39 = arith.constant 1 : index
    %get3A_40 = arith.constant 0 : index
    %get3A_41 = arith.constant 0 : index
    %get3A_42 = vector.load %arg0[%get3A_38, %get3A_39, %get3A_40, %get3A_41] : memref<4x8x1024x32xf32, #tpu.memory_space<vmem>>, vector<1x1x1024x32xf32>
    %get3A_43 = vector.shape_cast %get3A_42 : vector<1x1x1024x32xf32> to vector<1024x32xf32>
    %add3A_44 = arith.addf %add3A_37, %get3A_43 : vector<1024x32xf32>
    %get3A_45 = arith.constant 3 : index
    %get3A_46 = arith.constant 1 : index
    %get3A_47 = arith.constant 0 : index
    %get3A_48 = arith.constant 0 : index
    %get3A_49 = vector.load %arg0[%get3A_45, %get3A_46, %get3A_47, %get3A_48] : memref<4x8x1024x32xf32, #tpu.memory_space<vmem>>, vector<1x1x1024x32xf32>
    %get3A_50 = vector.shape_cast %get3A_49 : vector<1x1x1024x32xf32> to vector<1024x32xf32>
    %add3A_51 = arith.addf %add3A_44, %get3A_50 : vector<1024x32xf32>
    %get3A_52 = arith.constant 0 : index
    %get3A_53 = arith.constant 2 : index
    %get3A_54 = arith.constant 0 : index
    %get3A_55 = arith.constant 0 : index
    %get3A_56 = vector.load %arg0[%get3A_52, %get3A_53, %get3A_54, %get3A_55] : memref<4x8x1024x32xf32, #tpu.memory_space<vmem>>, vector<1x1x1024x32xf32>
    %get3A_57 = vector.shape_cast %get3A_56 : vector<1x1x1024x32xf32> to vector<1024x32xf32>
    %get3A_58 = arith.constant 1 : index
    %get3A_59 = arith.constant 2 : index
    %get3A_60 = arith.constant 0 : index
    %get3A_61 = arith.constant 0 : index
    %get3A_62 = vector.load %arg0[%get3A_58, %get3A_59, %get3A_60, %get3A_61] : memref<4x8x1024x32xf32, #tpu.memory_space<vmem>>, vector<1x1x1024x32xf32>
    %get3A_63 = vector.shape_cast %get3A_62 : vector<1x1x1024x32xf32> to vector<1024x32xf32>
    %add3A_64 = arith.addf %get3A_57, %get3A_63 : vector<1024x32xf32>
    %get3A_65 = arith.constant 2 : index
    %get3A_66 = arith.constant 2 : index
    %get3A_67 = arith.constant 0 : index
    %get3A_68 = arith.constant 0 : index
    %get3A_69 = vector.load %arg0[%get3A_65, %get3A_66, %get3A_67, %get3A_68] : memref<4x8x1024x32xf32, #tpu.memory_space<vmem>>, vector<1x1x1024x32xf32>
    %get3A_70 = vector.shape_cast %get3A_69 : vector<1x1x1024x32xf32> to vector<1024x32xf32>
    %add3A_71 = arith.addf %add3A_64, %get3A_70 : vector<1024x32xf32>
    %get3A_72 = arith.constant 3 : index
    %get3A_73 = arith.constant 2 : index
    %get3A_74 = arith.constant 0 : index
    %get3A_75 = arith.constant 0 : index
    %get3A_76 = vector.load %arg0[%get3A_72, %get3A_73, %get3A_74, %get3A_75] : memref<4x8x1024x32xf32, #tpu.memory_space<vmem>>, vector<1x1x1024x32xf32>
    %get3A_77 = vector.shape_cast %get3A_76 : vector<1x1x1024x32xf32> to vector<1024x32xf32>
    %add3A_78 = arith.addf %add3A_71, %get3A_77 : vector<1024x32xf32>
    %get3A_79 = arith.constant 0 : index
    %get3A_80 = arith.constant 3 : index
    %get3A_81 = arith.constant 0 : index
    %get3A_82 = arith.constant 0 : index
    %get3A_83 = vector.load %arg0[%get3A_79, %get3A_80, %get3A_81, %get3A_82] : memref<4x8x1024x32xf32, #tpu.memory_space<vmem>>, vector<1x1x1024x32xf32>
    %get3A_84 = vector.shape_cast %get3A_83 : vector<1x1x1024x32xf32> to vector<1024x32xf32>
    %get3A_85 = arith.constant 1 : index
    %get3A_86 = arith.constant 3 : index
    %get3A_87 = arith.constant 0 : index
    %get3A_88 = arith.constant 0 : index
    %get3A_89 = vector.load %arg0[%get3A_85, %get3A_86, %get3A_87, %get3A_88] : memref<4x8x1024x32xf32, #tpu.memory_space<vmem>>, vector<1x1x1024x32xf32>
    %get3A_90 = vector.shape_cast %get3A_89 : vector<1x1x1024x32xf32> to vector<1024x32xf32>
    %add3A_91 = arith.addf %get3A_84, %get3A_90 : vector<1024x32xf32>
    %get3A_92 = arith.constant 2 : index
    %get3A_93 = arith.constant 3 : index
    %get3A_94 = arith.constant 0 : index
    %get3A_95 = arith.constant 0 : index
    %get3A_96 = vector.load %arg0[%get3A_92, %get3A_93, %get3A_94, %get3A_95] : memref<4x8x1024x32xf32, #tpu.memory_space<vmem>>, vector<1x1x1024x32xf32>
    %get3A_97 = vector.shape_cast %get3A_96 : vector<1x1x1024x32xf32> to vector<1024x32xf32>
    %add3A_98 = arith.addf %add3A_91, %get3A_97 : vector<1024x32xf32>
    %get3A_99 = arith.constant 3 : index
    %get3A_100 = arith.constant 3 : index
    %get3A_101 = arith.constant 0 : index
    %get3A_102 = arith.constant 0 : index
    %get3A_103 = vector.load %arg0[%get3A_99, %get3A_100, %get3A_101, %get3A_102] : memref<4x8x1024x32xf32, #tpu.memory_space<vmem>>, vector<1x1x1024x32xf32>
    %get3A_104 = vector.shape_cast %get3A_103 : vector<1x1x1024x32xf32> to vector<1024x32xf32>
    %add3A_105 = arith.addf %add3A_98, %get3A_104 : vector<1024x32xf32>
    %get3A_106 = arith.constant 0 : index
    %get3A_107 = arith.constant 4 : index
    %get3A_108 = arith.constant 0 : index
    %get3A_109 = arith.constant 0 : index
    %get3A_110 = vector.load %arg0[%get3A_106, %get3A_107, %get3A_108, %get3A_109] : memref<4x8x1024x32xf32, #tpu.memory_space<vmem>>, vector<1x1x1024x32xf32>
    %get3A_111 = vector.shape_cast %get3A_110 : vector<1x1x1024x32xf32> to vector<1024x32xf32>
    %get3A_112 = arith.constant 1 : index
    %get3A_113 = arith.constant 4 : index
    %get3A_114 = arith.constant 0 : index
    %get3A_115 = arith.constant 0 : index
    %get3A_116 = vector.load %arg0[%get3A_112, %get3A_113, %get3A_114, %get3A_115] : memref<4x8x1024x32xf32, #tpu.memory_space<vmem>>, vector<1x1x1024x32xf32>
    %get3A_117 = vector.shape_cast %get3A_116 : vector<1x1x1024x32xf32> to vector<1024x32xf32>
    %add3A_118 = arith.addf %get3A_111, %get3A_117 : vector<1024x32xf32>
    %get3A_119 = arith.constant 2 : index
    %get3A_120 = arith.constant 4 : index
    %get3A_121 = arith.constant 0 : index
    %get3A_122 = arith.constant 0 : index
    %get3A_123 = vector.load %arg0[%get3A_119, %get3A_120, %get3A_121, %get3A_122] : memref<4x8x1024x32xf32, #tpu.memory_space<vmem>>, vector<1x1x1024x32xf32>
    %get3A_124 = vector.shape_cast %get3A_123 : vector<1x1x1024x32xf32> to vector<1024x32xf32>
    %add3A_125 = arith.addf %add3A_118, %get3A_124 : vector<1024x32xf32>
    %get3A_126 = arith.constant 3 : index
    %get3A_127 = arith.constant 4 : index
    %get3A_128 = arith.constant 0 : index
    %get3A_129 = arith.constant 0 : index
    %get3A_130 = vector.load %arg0[%get3A_126, %get3A_127, %get3A_128, %get3A_129] : memref<4x8x1024x32xf32, #tpu.memory_space<vmem>>, vector<1x1x1024x32xf32>
    %get3A_131 = vector.shape_cast %get3A_130 : vector<1x1x1024x32xf32> to vector<1024x32xf32>
    %add3A_132 = arith.addf %add3A_125, %get3A_131 : vector<1024x32xf32>
    %get3A_133 = arith.constant 0 : index
    %get3A_134 = arith.constant 5 : index
    %get3A_135 = arith.constant 0 : index
    %get3A_136 = arith.constant 0 : index
    %get3A_137 = vector.load %arg0[%get3A_133, %get3A_134, %get3A_135, %get3A_136] : memref<4x8x1024x32xf32, #tpu.memory_space<vmem>>, vector<1x1x1024x32xf32>
    %get3A_138 = vector.shape_cast %get3A_137 : vector<1x1x1024x32xf32> to vector<1024x32xf32>
    %get3A_139 = arith.constant 1 : index
    %get3A_140 = arith.constant 5 : index
    %get3A_141 = arith.constant 0 : index
    %get3A_142 = arith.constant 0 : index
    %get3A_143 = vector.load %arg0[%get3A_139, %get3A_140, %get3A_141, %get3A_142] : memref<4x8x1024x32xf32, #tpu.memory_space<vmem>>, vector<1x1x1024x32xf32>
    %get3A_144 = vector.shape_cast %get3A_143 : vector<1x1x1024x32xf32> to vector<1024x32xf32>
    %add3A_145 = arith.addf %get3A_138, %get3A_144 : vector<1024x32xf32>
    %get3A_146 = arith.constant 2 : index
    %get3A_147 = arith.constant 5 : index
    %get3A_148 = arith.constant 0 : index
    %get3A_149 = arith.constant 0 : index
    %get3A_150 = vector.load %arg0[%get3A_146, %get3A_147, %get3A_148, %get3A_149] : memref<4x8x1024x32xf32, #tpu.memory_space<vmem>>, vector<1x1x1024x32xf32>
    %get3A_151 = vector.shape_cast %get3A_150 : vector<1x1x1024x32xf32> to vector<1024x32xf32>
    %add3A_152 = arith.addf %add3A_145, %get3A_151 : vector<1024x32xf32>
    %get3A_153 = arith.constant 3 : index
    %get3A_154 = arith.constant 5 : index
    %get3A_155 = arith.constant 0 : index
    %get3A_156 = arith.constant 0 : index
    %get3A_157 = vector.load %arg0[%get3A_153, %get3A_154, %get3A_155, %get3A_156] : memref<4x8x1024x32xf32, #tpu.memory_space<vmem>>, vector<1x1x1024x32xf32>
    %get3A_158 = vector.shape_cast %get3A_157 : vector<1x1x1024x32xf32> to vector<1024x32xf32>
    %add3A_159 = arith.addf %add3A_152, %get3A_158 : vector<1024x32xf32>
    %get3A_160 = arith.constant 0 : index
    %get3A_161 = arith.constant 6 : index
    %get3A_162 = arith.constant 0 : index
    %get3A_163 = arith.constant 0 : index
    %get3A_164 = vector.load %arg0[%get3A_160, %get3A_161, %get3A_162, %get3A_163] : memref<4x8x1024x32xf32, #tpu.memory_space<vmem>>, vector<1x1x1024x32xf32>
    %get3A_165 = vector.shape_cast %get3A_164 : vector<1x1x1024x32xf32> to vector<1024x32xf32>
    %get3A_166 = arith.constant 1 : index
    %get3A_167 = arith.constant 6 : index
    %get3A_168 = arith.constant 0 : index
    %get3A_169 = arith.constant 0 : index
    %get3A_170 = vector.load %arg0[%get3A_166, %get3A_167, %get3A_168, %get3A_169] : memref<4x8x1024x32xf32, #tpu.memory_space<vmem>>, vector<1x1x1024x32xf32>
    %get3A_171 = vector.shape_cast %get3A_170 : vector<1x1x1024x32xf32> to vector<1024x32xf32>
    %add3A_172 = arith.addf %get3A_165, %get3A_171 : vector<1024x32xf32>
    %get3A_173 = arith.constant 2 : index
    %get3A_174 = arith.constant 6 : index
    %get3A_175 = arith.constant 0 : index
    %get3A_176 = arith.constant 0 : index
    %get3A_177 = vector.load %arg0[%get3A_173, %get3A_174, %get3A_175, %get3A_176] : memref<4x8x1024x32xf32, #tpu.memory_space<vmem>>, vector<1x1x1024x32xf32>
    %get3A_178 = vector.shape_cast %get3A_177 : vector<1x1x1024x32xf32> to vector<1024x32xf32>
    %add3A_179 = arith.addf %add3A_172, %get3A_178 : vector<1024x32xf32>
    %get3A_180 = arith.constant 3 : index
    %get3A_181 = arith.constant 6 : index
    %get3A_182 = arith.constant 0 : index
    %get3A_183 = arith.constant 0 : index
    %get3A_184 = vector.load %arg0[%get3A_180, %get3A_181, %get3A_182, %get3A_183] : memref<4x8x1024x32xf32, #tpu.memory_space<vmem>>, vector<1x1x1024x32xf32>
    %get3A_185 = vector.shape_cast %get3A_184 : vector<1x1x1024x32xf32> to vector<1024x32xf32>
    %add3A_186 = arith.addf %add3A_179, %get3A_185 : vector<1024x32xf32>
    %get3A_187 = arith.constant 0 : index
    %get3A_188 = arith.constant 7 : index
    %get3A_189 = arith.constant 0 : index
    %get3A_190 = arith.constant 0 : index
    %get3A_191 = vector.load %arg0[%get3A_187, %get3A_188, %get3A_189, %get3A_190] : memref<4x8x1024x32xf32, #tpu.memory_space<vmem>>, vector<1x1x1024x32xf32>
    %get3A_192 = vector.shape_cast %get3A_191 : vector<1x1x1024x32xf32> to vector<1024x32xf32>
    %get3A_193 = arith.constant 1 : index
    %get3A_194 = arith.constant 7 : index
    %get3A_195 = arith.constant 0 : index
    %get3A_196 = arith.constant 0 : index
    %get3A_197 = vector.load %arg0[%get3A_193, %get3A_194, %get3A_195, %get3A_196] : memref<4x8x1024x32xf32, #tpu.memory_space<vmem>>, vector<1x1x1024x32xf32>
    %get3A_198 = vector.shape_cast %get3A_197 : vector<1x1x1024x32xf32> to vector<1024x32xf32>
    %add3A_199 = arith.addf %get3A_192, %get3A_198 : vector<1024x32xf32>
    %get3A_200 = arith.constant 2 : index
    %get3A_201 = arith.constant 7 : index
    %get3A_202 = arith.constant 0 : index
    %get3A_203 = arith.constant 0 : index
    %get3A_204 = vector.load %arg0[%get3A_200, %get3A_201, %get3A_202, %get3A_203] : memref<4x8x1024x32xf32, #tpu.memory_space<vmem>>, vector<1x1x1024x32xf32>
    %get3A_205 = vector.shape_cast %get3A_204 : vector<1x1x1024x32xf32> to vector<1024x32xf32>
    %add3A_206 = arith.addf %add3A_199, %get3A_205 : vector<1024x32xf32>
    %get3A_207 = arith.constant 3 : index
    %get3A_208 = arith.constant 7 : index
    %get3A_209 = arith.constant 0 : index
    %get3A_210 = arith.constant 0 : index
    %get3A_211 = vector.load %arg0[%get3A_207, %get3A_208, %get3A_209, %get3A_210] : memref<4x8x1024x32xf32, #tpu.memory_space<vmem>>, vector<1x1x1024x32xf32>
    %get3A_212 = vector.shape_cast %get3A_211 : vector<1x1x1024x32xf32> to vector<1024x32xf32>
    %add3A_213 = arith.addf %add3A_206, %get3A_212 : vector<1024x32xf32>
    %concatenate3A = tpu.concatenate %add3A_24, %add3A_51, %add3A_78, %add3A_105, %add3A_132, %add3A_159, %add3A_186, %add3A_213 in 1 : vector<1024x32xf32>, vector<1024x32xf32>, vector<1024x32xf32>, vector<1024x32xf32>, vector<1024x32xf32>, vector<1024x32xf32>, vector<1024x32xf32>, vector<1024x32xf32> -> vector<1024x256xf32>
    %get3A_214 = arith.constant 0 : index
    %get3A_215 = arith.constant 0 : index
    %get3A_216 = arith.constant 0 : index
    %get3A_217 = vector.load %arg1[%get3A_214, %get3A_215, %get3A_216] : memref<4x1024x16xf32, #tpu.memory_space<vmem>>, vector<1x1024x1xf32>
    %get3A_218 = vector.shape_cast %get3A_217 : vector<1x1024x1xf32> to vector<1024x1xf32>
    %get3A_219 = arith.constant 1 : index
    %get3A_220 = arith.constant 0 : index
    %get3A_221 = arith.constant 0 : index
    %get3A_222 = vector.load %arg1[%get3A_219, %get3A_220, %get3A_221] : memref<4x1024x16xf32, #tpu.memory_space<vmem>>, vector<1x1024x1xf32>
    %get3A_223 = vector.shape_cast %get3A_222 : vector<1x1024x1xf32> to vector<1024x1xf32>
    %add3A_224 = arith.addf %get3A_218, %get3A_223 : vector<1024x1xf32>
    %get3A_225 = arith.constant 2 : index
    %get3A_226 = arith.constant 0 : index
    %get3A_227 = arith.constant 0 : index
    %get3A_228 = vector.load %arg1[%get3A_225, %get3A_226, %get3A_227] : memref<4x1024x16xf32, #tpu.memory_space<vmem>>, vector<1x1024x1xf32>
    %get3A_229 = vector.shape_cast %get3A_228 : vector<1x1024x1xf32> to vector<1024x1xf32>
    %add3A_230 = arith.addf %add3A_224, %get3A_229 : vector<1024x1xf32>
    %get3A_231 = arith.constant 3 : index
    %get3A_232 = arith.constant 0 : index
    %get3A_233 = arith.constant 0 : index
    %get3A_234 = vector.load %arg1[%get3A_231, %get3A_232, %get3A_233] : memref<4x1024x16xf32, #tpu.memory_space<vmem>>, vector<1x1024x1xf32>
    %get3A_235 = vector.shape_cast %get3A_234 : vector<1x1024x1xf32> to vector<1024x1xf32>
    %add3A_236 = arith.addf %add3A_230, %get3A_235 : vector<1024x1xf32>
    %max3A = arith.constant 1.000000e+00 : f32
    %max3A_237 = vector.broadcast %max3A : f32 to vector<1024x1xf32>
    %max3A_238 = arith.maximumf %add3A_236, %max3A_237 : vector<1024x1xf32>
    %div3A = vector.broadcast %max3A_238 : vector<1024x1xf32> to vector<1024x256xf32>
    %div3A_239 = arith.divf %concatenate3A, %div3A : vector<1024x256xf32>
    %gt3A = arith.constant 0.000000e+00 : f32
    %gt3A_240 = vector.broadcast %gt3A : f32 to vector<1024x256xf32>
    %gt3A_241 = arith.cmpf ogt, %div3A_239, %gt3A_240 : vector<1024x256xf32>
    %jit3A = arith.constant 0x7F800000 : f32
    %broadcast_in_dim3A = vector.broadcast %jit3A : f32 to vector<1024x256xf32>
    %select_n3A = arith.select %gt3A_241, %div3A_239, %broadcast_in_dim3A : vector<1024x256xi1>, vector<1024x256xf32>
    %reduce_min3A = arith.constant dense<0x7F800000> : vector<1024xf32>
    %reduce_min3A_242 = vector.multi_reduction <minimumf>, %select_n3A, %reduce_min3A [1] : vector<1024x256xf32> to vector<1024xf32>
    %broadcast_in_dim3A_243 = vector.shape_cast %reduce_min3A_242 : vector<1024xf32> to vector<1024x1xf32>
    %reduce_min3A_244 = arith.constant dense<0x7F800000> : vector<256xf32>
    %reduce_min3A_245 = vector.multi_reduction <minimumf>, %select_n3A, %reduce_min3A_244 [0] : vector<1024x256xf32> to vector<256xf32>
    %broadcast_in_dim3A_246 = vector.shape_cast %reduce_min3A_245 : vector<256xf32> to vector<1x256xf32>
    %lt3A = arith.constant 0x7F800000 : f32
    %lt3A_247 = vector.broadcast %lt3A : f32 to vector<1024x1xf32>
    %lt3A_248 = arith.cmpf olt, %broadcast_in_dim3A_243, %lt3A_247 : vector<1024x1xf32>
    %jit3A_249 = arith.constant 1.000000e+00 : f32
    %broadcast_in_dim3A_250 = vector.broadcast %jit3A_249 : f32 to vector<1024x1xf32>
    %select_n3A_251 = arith.select %lt3A_248, %broadcast_in_dim3A_243, %broadcast_in_dim3A_250 : vector<1024x1xi1>, vector<1024x1xf32>
    %lt3A_252 = arith.constant 0x7F800000 : f32
    %lt3A_253 = vector.broadcast %lt3A_252 : f32 to vector<1x256xf32>
    %lt3A_254 = arith.cmpf olt, %broadcast_in_dim3A_246, %lt3A_253 : vector<1x256xf32>
    %jit3A_255 = arith.constant 1.000000e+00 : f32
    %broadcast_in_dim3A_256 = vector.broadcast %jit3A_255 : f32 to vector<1x256xf32>
    %select_n3A_257 = arith.select %lt3A_254, %broadcast_in_dim3A_246, %broadcast_in_dim3A_256 : vector<1x256xi1>, vector<1x256xf32>
    %jit3A_258 = arith.constant 1.000000e+00 : f32
    %broadcast_in_dim3A_259 = vector.broadcast %jit3A_258 : f32 to vector<1024x256xf32>
    %select_n3A_260 = arith.select %gt3A_241, %div3A_239, %broadcast_in_dim3A_259 : vector<1024x256xi1>, vector<1024x256xf32>
    %div3A_261 = vector.broadcast %select_n3A_257 : vector<1x256xf32> to vector<1024x256xf32>
    %div3A_262 = arith.divf %select_n3A_260, %div3A_261 : vector<1024x256xf32>
    %log3A = math.log %div3A_262 : vector<1024x256xf32>
    %add3A_263 = arith.constant 1.000000e+00 : f32
    %add3A_264 = vector.broadcast %add3A_263 : f32 to vector<1024x256xf32>
    %add3A_265 = arith.addf %log3A, %add3A_264 : vector<1024x256xf32>
    %div3A_266 = vector.broadcast %select_n3A_251 : vector<1024x1xf32> to vector<1024x256xf32>
    %div3A_267 = arith.divf %select_n3A_260, %div3A_266 : vector<1024x256xf32>
    %log3A_268 = math.log %div3A_267 : vector<1024x256xf32>
    %add3A_269 = arith.constant 1.000000e+00 : f32
    %add3A_270 = vector.broadcast %add3A_269 : f32 to vector<1024x256xf32>
    %add3A_271 = arith.addf %log3A_268, %add3A_270 : vector<1024x256xf32>
    %mul3A = arith.mulf %add3A_265, %add3A_271 : vector<1024x256xf32>
    %jit3A_272 = arith.constant 1.000000e+00 : f32
    %broadcast_in_dim3A_273 = vector.broadcast %jit3A_272 : f32 to vector<1024x256xf32>
    %select_n3A_274 = arith.select %gt3A_241, %mul3A, %broadcast_in_dim3A_273 : vector<1024x256xi1>, vector<1024x256xf32>
    %slice3A = vector.extract_strided_slice %div3A_239 {offsets = [0, 0], sizes = [1000, 256], strides = [1, 1]} : vector<1024x256xf32> to vector<1000x256xf32>
    %swap3A = arith.constant 0 : index
    %swap3A_275 = arith.constant 0 : index
    %swap3A_276 = vector.load %arg2[%swap3A, %swap3A_275] : memref<1000x256xf32, #tpu.memory_space<vmem>>, vector<1000x256xf32>
    tpu.vector_store %arg2[%swap3A, %swap3A_275], %slice3A {strides = array<i32>} : memref<1000x256xf32, #tpu.memory_space<vmem>>, vector<1000x256xf32>,
    %slice3A_277 = vector.extract_strided_slice %select_n3A_274 {offsets = [0, 0], sizes = [1000, 256], strides = [1, 1]} : vector<1024x256xf32> to vector<1000x256xf32>
    %swap3A_278 = arith.constant 0 : index
    %swap3A_279 = arith.constant 0 : index
    %swap3A_280 = vector.load %arg3[%swap3A_278, %swap3A_279] : memref<1000x256xf32, #tpu.memory_space<vmem>>, vector<1000x256xf32>
    tpu.vector_store %arg3[%swap3A_278, %swap3A_279], %slice3A_277 {strides = array<i32>} : memref<1000x256xf32, #tpu.memory_space<vmem>>, vector<1000x256xf32>,
    return
  }
}

</mosaic_0001>

<sc_bundles>
// kernel: kernel.5.cloned.1.call-start
scs
__scs_entry_jumppad:
0x0: {  	(pc) =	sbr.rel $0x88, $3  }
0x1: {  	(tag) =	ssettag $0x0;
	lr =	simm.s32 $0x1  }
0x2: {  	[smem:$0x3F9E] =	sst lr;
	_ =	strace $0xD0000000  }
0x3: {  	_ = 	snop  }
0x4: {  	_ = 	snop  }
0x5: {  	_ = 	snop  }
0x6: {  	_ = 	snop  }
0x7: {  	_ = 	snop  }
__scs_overlays_trampoline_lowered:
0x8: {  	[smem:$0x3FAD] =	sst s0  }
0x9: {  	[smem:$0x3FAE] =	sst s1  }
0xa: {  	[smem:$0x3FAF] =	sst s2  }
0xb: {  	[smem:$0x3FB0] =	sst s3  }
0xc: {  	[smem:$0x3FB1] =	sst s4  }
0xd: {  	[smem:$0x3FB2] =	sst s5  }
0xe: {  	[smem:$0x3FB3] =	sst s6  }
0xf: {  	[smem:$0x3FB4] =	sst s7  }
0x10: {  	[smem:$0x3FB5] =	sst s8  }
0x11: {  	[smem:$0x3FB6] =	sst s9;
	s0 =	simm.s32 @!p0 $0x0  }
0x12: {  	s1 =	sld [smem:$0x3F9C];
	s0 =	simm.s32 @p0 $0x1  }
0x13: {  	[smem:$0x3FB7] =	sst s0;
	s0 =	simm.s32 @!p1 $0x0  }
0x14: {  	s2 =	sld [smem:$0x3F9B];
	s0 =	simm.s32 @p1 $0x1  }
0x15: {  	[smem:$0x3FB8] =	sst s0;
	s0 =	simm.s32 @!p2 $0x0  }
0x16: {  	s3 =	sld [smem:$0x3FDB];
	s0 =	simm.s32 @p2 $0x1  }
0x17: {  	s4 =	simm.s32 $0x1BF5;
	[smem:$0x3FBA] =	sst s0  }
0x18: {  	s0 =	sld [smem:$0x3F9D];
	_ =	swait.ge [sflag:s4], $0x0  }
0x19: {  	s7 =	sld [smem:$0x3F9E]  }
0x1a: {  	s8 =	sadd.s32 $0xFFFFE003, lr  }
0x1b: {  	s9 =	sadd.s32 $0xFFFFFEF7, lr;
	s5 =	simm.s32 $0xFFFFFFFF;
	p2 =	slt.u32 s8, $0xFFFFF086  }
0x1c: {  	p1 =	slt.u32 s9, $0xF7A;
	s5 =	simm.s32 @!p2 $0x0  }
0x1d: {  	s5 =	simm.s32 @p1 $0x1;
	p0 =	seq.s32 s7, s2  }
0x1e: {  	s7 =	smul.u32 @!p0 $0xF7A, s2;
	p2 =	seq.s32 @!p0 s5, $0x0  }
0x1f: {  	s9 =	smul.u32 $0xF7A, s1;
	s8 =	simm.s32 @!p0 $0x1BF5;
	p2 =	por !p2, p0  }
0x20: {  	[sflag:s8] =	ssyncset.s32 @!p0 $0xFFFFF086;
	s6 =	sadd.s32 @!p0 s3, s7;
	s7 =	simm.s32 @!p0 $0x108  }
0x21: {  	s3 =	sadd.s32 s3, s9;
	s6 =	sadd.s32 @!p0 $0x88, s6;
	s7 =	simm.s32 @p2 $0x1082  }
0x22: {  	[simem:s7], [sflag:s8] =	dma.local @!p0 [hbm:s6], $0xF7A  }
0x23: {  	s9 =	sor.u32 $0xD0000000, s2;
	s6 =	simm.s32 $0x108;
	_ =	swait.ge @!p0 [sflag:s8], $0x0  }
0x24: {  	s3 =	sadd.s32 $0x88, s3;
	s6 =	simm.s32 @!p1 $0x1082;
	[sflag:s4] =	ssyncset.s32 $0xFFFFF086  }
0x25: {  	[simem:s6], [sflag:s4] =	dma.local [hbm:s3], $0xF7A  }
0x26: {  	[smem:$0x3F9E] =	sst s1;
	(tag) =	ssettag s2;
	_ =	strace s9  }
0x27: {  	s1 =	sld [smem:$0x3FAE]  }
0x28: {  	s2 =	sld [smem:$0x3FAF]  }
0x29: {  	s4 =	sld [smem:$0x3FB1]  }
0x2a: {  	p0 =	seq.s32 s5, $0x0;
	s5 =	sld [smem:$0x3FB2]  }
0x2b: {  	s6 =	sld [smem:$0x3FB3]  }
0x2c: {  	s7 =	sld [smem:$0x3FB4]  }
0x2d: {  	s3 =	simm.s32 $0x108;
	s8 =	sld [smem:$0x3FB5]  }
0x2e: {  	s3 =	simm.s32 @!p0 $0x1082;
	s9 =	sld [smem:$0x3FB6]  }
0x2f: {  	lr =	sadd.s32 s0, s3;
	s0 =	sld [smem:$0x3FAD]  }
0x30: {  	s3 =	sld [smem:$0x3FB0]  }
0x31: {  	[smem:$0x3FB9] =	sst s10  }
0x32: {  	s10 =	sld [smem:$0x3FB7];
	_ =	sdelay $0x3  }
0x33: {  	p0 =	seq.s32 s10, $0x1;
	s10 =	sld [smem:$0x3FB9];
	_ =	sdelay $0x3  }
0x34: {  	[smem:$0x3FB9] =	sst s10  }
0x35: {  	s10 =	sld [smem:$0x3FB8];
	_ =	sdelay $0x3  }
0x36: {  	p1 =	seq.s32 s10, $0x1;
	s10 =	sld [smem:$0x3FB9];
	_ =	sdelay $0x3  }
0x37: {  	[smem:$0x3FB9] =	sst s10  }
0x38: {  	s10 =	sld [smem:$0x3FBA]  }
0x39: {  	_ = 	snop;
	(pc) =	sbr.ind lr, $3  }
0x3a: {  	_ = 	snop  }
0x3b: {  	_ = 	snop  }
0x3c: {  	p2 =	seq.s32 s10, $0x1;
	s10 =	sld [smem:$0x3FB9]  }
0x3d: {  	_ =	shalt  }
0x3e: {  	_ =	shalt  }
0x3f: {  	_ =	shalt  }
0x40: {  	_ =	shalt  }
0x41: {  	_ =	shalt  }
0x42: {  	_ =	shalt  }
0x43: {  	_ =	shalt  }
0x44: {  	_ =	shalt  }
0x45: {  	_ =	shalt  }
0x46: {  	_ =	shalt  }
0x47: {  	_ =	shalt  }
0x48: {  	_ =	shalt  }
0x49: {  	_ =	shalt  }
0x4a: {  	_ =	shalt  }
0x4b: {  	_ =	shalt  }
0x4c: {  	_ =	shalt  }
0x4d: {  	_ =	shalt  }
0x4e: {  	_ =	shalt  }
0x4f: {  	_ =	shalt  }
0x50: {  	_ =	shalt  }
0x51: {  	_ =	shalt  }
0x52: {  	_ =	shalt  }
0x53: {  	_ =	shalt  }
0x54: {  	_ =	shalt  }
0x55: {  	_ =	shalt  }
0x56: {  	_ =	shalt  }
0x57: {  	_ =	shalt  }
0x58: {  	_ =	shalt  }
0x59: {  	_ =	shalt  }
0x5a: {  	_ =	shalt  }
0x5b: {  	_ =	shalt  }
0x5c: {  	_ =	shalt  }
0x5d: {  	_ =	shalt  }
0x5e: {  	_ =	shalt  }
0x5f: {  	_ =	shalt  }
0x60: {  	_ =	shalt  }
0x61: {  	_ =	shalt  }
0x62: {  	_ =	shalt  }
0x63: {  	_ =	shalt  }
0x64: {  	_ =	shalt  }
0x65: {  	_ =	shalt  }
0x66: {  	_ =	shalt  }
0x67: {  	_ =	shalt  }
0x68: {  	_ =	shalt  }
0x69: {  	_ =	shalt  }
0x6a: {  	_ =	shalt  }
0x6b: {  	_ =	shalt  }
0x6c: {  	_ =	shalt  }
0x6d: {  	_ =	shalt  }
0x6e: {  	_ =	shalt  }
0x6f: {  	_ =	shalt  }
0x70: {  	_ =	shalt  }
0x71: {  	_ =	shalt  }
0x72: {  	_ =	shalt  }
0x73: {  	_ =	shalt  }
0x74: {  	_ =	shalt  }
0x75: {  	_ =	shalt  }
0x76: {  	_ =	shalt  }
0x77: {  	_ =	shalt  }
0x78: {  	_ =	shalt  }
0x79: {  	_ =	shalt  }
0x7a: {  	_ =	shalt  }
0x7b: {  	_ =	shalt  }
0x7c: {  	_ =	shalt  }
0x7d: {  	_ =	shalt  }
0x7e: {  	_ =	shalt  }
0x7f: {  	_ =	shalt  }
0x80: {  	_ =	shalt  }
0x81: {  	_ =	shalt  }
0x82: {  	_ =	shalt  }
0x83: {  	_ =	shalt  }
0x84: {  	_ =	shalt  }
0x85: {  	_ =	shalt  }
0x86: {  	_ =	shalt  }
0x87: {  	_ =	shalt  }
.Lfunc_end0:
.L_simem_size_0:
called_computation_lowered:
.L_overlay_start_0:
0x88: {  	s2 =	sld [smem:$0x3FD9]  }
0x89: {  	s3 =	sld [smem:$0x3FFE];
	_ =	sdelay $0x1  }
0x8a: {  	s1 =	srdreg.scid  }
0x8b: {  	s0 =	sand.u32 $0x1, s1  }
0x8c: {  	s14 =	sshll.u32 s0, $0xA;
	s2 =	sadd.s32 s3, s2  }
0x8d: {  	s2 =	sadd.s32 s2, s14  }
0x8e: {  	[smem:$0x3FC5] =	sst s2  }
0x8f: {  	_ = 	snop  }
0x90: {  	s2 =	sld [smem:$0x3FD0];
	_ =	sdelay $0x2  }
0x91: {  	s4 =	simm.s32 $0xA;
	s5 =	simm.s32 $0x10;
	s15 =	sld [smem:$0x3FC7]  }
0x92: {  	[smem:s5], [sflag:s4] =	dma.local [hbm:s2], $0x1  }
0x93: {  	_ =	swait.eq [sflag:s4], $0x1  }
0x94: {  	[sflag:s4] =	ssyncset.done $0x0  }
0x95: {  	[sflag:s4] =	ssyncadd.s32 $0xFFFFFFFF  }
0x96: {  	s16 =	sld [smem:$0x11];
	(tm) =	ssettm $0x1  }
0x97: {  	s17 =	sld [smem:$0x3FFB];
	_ =	sdelay $0x3  }
0x98: {  	_ =	strace s17  }
0x99: {  	s4 =	sld [smem:$0x3FFC];
	_ =	sdelay $0x3  }
0x9a: {  	_ =	strace s4  }
0x9b: {  	s4 =	sld [smem:$0x3FFD];
	_ =	sdelay $0x3  }
0x9c: {  	_ =	strace s4  }
0x9d: {  	_ =	strace $0x8FFFFFFF  }
0x9e: {  	s18 =	sld [smem:$0x3FDB];
	_ =	sdelay $0x1  }
0x9f: {  	s19 =	simm.s32 $_scs_section_size  }
0xa0: {  	s6 =	simm.s32 $_size__tile_overlayer_lowered;
	s7 =	simm.s32 $_tile_overlayer_lowered  }
0xa1: {  	s22 =	simm.s32 $0x1BFF;
	s21 =	sshll.u32 s7, $0x1;
	s4 =	sadd.s32 s19, s18  }
0xa2: {  	s8 =	simm.s32 $0x0;
	s20 =	sshll.u32 s6, $0x1;
	s6 =	sadd.s32 s21, s4  }
0xa3: {  	[timem:s8], [sflag:s22] =	dma.local [hbm:s6], s20  }
0xa4: {  	_ =	swait.ge [sflag:s22], s20  }
0xa5: {  	s5 =	ssub.s32 $0x0, s20;
	[sflag:s22] =	ssyncset.done $0x0  }
0xa6: {  	[sflag:s22] =	ssyncadd.s32 s5;
	_ =	sdelay $0x1  }
0xa7: {  	s23 =	simm.s32 $0x1B8B  }
0xa8: {  	_ =	swait.ge [sflag:s23], $0x1  }
0xa9: {  	[sflag:s23] =	ssyncset.done $0x0  }
0xaa: {  	s25 =	simm.s32 $0x1B8E;
	s24 =	sld [smem:$0x3FFE];
	[sflag:s23] =	ssyncadd.s32 $0xFFFFFFFF  }
0xab: {  	s26 =	simm.s32 $execute0_lowered;
	[smem:$0x3FD2] =	sst s25  }
0xac: {  	s6 =	sshll.u32 s26, $0x1;
	_ =	strace $0x80000046;
	[dreg:$0x1] =	wrdreg $0xFFFFFFFF  }
0xad: {  	s28 =	simm.s32 $_size_execute0_lowered;
	s4 =	sadd.s32 s4, s6;
	[dreg:$0x0] =	wrdreg $0x0  }
0xae: {  	s6 =	sshll.u32 s28, $0x1;
	[dreg:$0x2] =	wrdreg s4  }
0xaf: {  	[dreg:$0x3] =	wrdreg s6  }
0xb0: {  	[dreg:$0x4] =	wrdreg $0xC0  }
0xb1: {  	_ =	task [dreg:s8], $0x5FFFF  }
0xb2: {  	[dreg:$0x1] =	wrdreg $0xFFFFFFFF  }
0xb3: {  	[dreg:$0x0] =	wrdreg $0x60  }
0xb4: {  	[dreg:$0x2] =	wrdreg s24  }
0xb5: {  	[dreg:$0x3] =	wrdreg s15  }
0xb6: {  	[dreg:$0x4] =	wrdreg s16  }
0xb7: {  	[dreg:$0x5] =	wrdreg $0x9  }
0xb8: {  	_ =	task.clear_ibuf [dreg:s8], $0x6FFFF;
	_ =	strace $0x90000046  }
0xb9: {  	s29 =	simm.s32 $0x9;
	_ =	strace $0x80000048  }
0xba: {  	_ =	swait.ge [sflag:s29], $0x1  }
0xbb: {  	[sflag:s29] =	ssyncadd.s32 $0xFFFFFFFF  }
0xbc: {  	_ =	strace $0x90000048  }
0xbd: {  	_ =	sfence  }
0xbe: {  	s30 =	sld [smem:$0x0];
	_ =	sdelay $0x2  }
0xbf: {  	s31 =	sshll.u32 s1, $0xD;
	s1 =	sshrl.u32 s1, $0x2  }
0xc0: {  	s3 =	sand.u32 $0x4000, s31;
	s1 =	sadd.s32 s1, s30  }
0xc1: {  	s0 =	sor.u32 s3, s0;
	s1 =	sshll.u32 s1, $0x11  }
0xc2: {  	s0 =	sor.u32 s1, s0  }
0xc3: {  	s0 =	sadd.s32 $0x8F2B, s0  }
0xc4: {  	[sflag:s0] =	ssyncadd.remote.s32 $0x1  }
0xc5: {  	_ =	sfence.sel $0xFFFF  }
0xc6: {  	[dreg:$0x0] =	wrdreg $0xFFFFFFFF;
	(pc) =	sbr.abs _section_cstart, $3  }
0xc7: {  	[dreg:$0x1] =	wrdreg $0xFFFFFFFF  }
0xc8: {  	_ =	task.clear_ibuf [dreg:s8], $0x2FFFF;
	_ =	strace $0x9FFFFFFF  }
0xc9: {  	(tm) =	ssettm $0x7FFFFFFF  }
tec
execute0_lowered:
.L_overlay_start_1:
0x0: {  	(tag) =	ssettag $0x1  }
0x1: {  	s0 =	srdreg.scid;
	s6 =	rddreg [dreg:$0x0]  }
0x2: {  	s11 =	rddreg [dreg:$0x1];
	s2 =	simm.s32 $0x1;
	s4 =	sand.u32 $0x1, s0  }
0x3: {  	s13 =	rddreg [dreg:$0x2];
	s0 =	stileid.u32;
	s1 =	sshll.u32 s4, $0x4  }
0x4: {  	s12 =	sadd.s32 $0x800, s6;
	s5 =	sand.u32 $0x7, s0;
	s1 =	sor.u32 s0, s1  }
0x5: {  	s4 =	ssub.s32 $0x2, s4;
	p0 =	sne.s32 s5, $0x0;
	p1 =	seq.s32 s1, $0x0  }
0x6: {  	s7 =	sshll.u32 s5, $0xF;
	s15 =	sshll.u32 s5, $0x5;
	p1 =	por !p0, !p1  }
0x7: {  	s19 =	sshrl.u32 s4, $0x1;
	s3 =	sshrl.u32 s1, $0x3;
	p1 =	por !p1, !p1  }
0x8: {  	s1 =	rddreg [dreg:$0x3];
	s16 =	ssub.s32 s4, s19;
	s2 =	simm.s32 @!p1 $0x0  }
0x9: {  	s19 =	simm.s32 $0x14000;
	s10 =	ssub.s32 s3, s2;
	s2 =	simm.s32 $0x0  }
0xa: {  	s3 =	sshll.u32 s10, $0x12;
	[smem:$0x7FF] =	sst s2;
	s8 =	sshll.u32 s10, $0xC  }
0xb: {  	s18 =	sshll.u32 s10, $0x14;
	s30 =	sshll.u32 s10, $0xB;
	s3 =	sor.u32 s7, s3  }
0xc: {  	_ =	strace $0x80000047;
	s5 =	sor.u32 s15, s18;
	s20 =	sor.u32 $0x400, s8  }
0xd: {  	s23 =	sshrl.u32 s8, $0x3;
	s25 =	sor.u32 $0x800, s8;
	s18 =	sor.u32 $0xC00, s8  }
0xe: {  	s31 =	sand.u32 $0x1FFFF800, s30;
	s7 =	sshrl.u32 s3, $0x3;
	s3 =	simm.s32 $0x1  }
0xf: {  	s21 =	sshrl.u32 s5, $0x3;
	s22 =	sshll.u32 s20, $0x8;
	s5 =	sadd.s32 s11, s23  }
0x10: {  	s17 =	sshll.u32 s25, $0x8;
	s28 =	sshll.u32 s18, $0x8;
	s29 =	sshrl.u32 s18, $0x3  }
0x11: {  	s13 =	sadd.s32 s13, s31;
	s18 =	simm.s32 $0x100;
	s23 =	simm.s32 $0x0  }
0x12: {  	s14 =	sadd.s32 s7, s6;
	s4 =	sadd.s32 s12, s21;
	s9 =	sor.u32 s15, s22  }
0x13: {  	s7 =	sshrl.u32 s20, $0x3;
	s17 =	sor.u32 s15, s17;
	s15 =	sor.u32 s15, s28  }
0x14: {  	s20 =	simm.s32 $0x1C400;
	s21 =	simm.s32 $0x2;
	s22 =	simm.s32 $0x3  }
0x15: {  	s24 =	sshrl.u32 s9, $0x3;
	s7 =	sadd.s32 s11, s7;
	s26 =	sshrl.u32 s17, $0x3  }
0x16: {  	s9 =	sshrl.u32 s25, $0x3;
	s15 =	sshrl.u32 s15, $0x3;
	s17 =	simm.s32 $0x1C000  }
0x17: {  	s6 =	sadd.s32 s12, s24;
	s8 =	sadd.s32 s12, s26;
	s9 =	sadd.s32 s11, s9  }
0x18: {  	v2 =	vimm.s32 $0x0;
	vm0 =	vcmask $0x300;
	v0 =	vlaneseq.u32;
	s10 =	sadd.s32 s12, s15;
	s11 =	sadd.s32 s11, s29;
	s12 =	sadd.s32 $0x80800, s14  }
0x19: {  	v1 =	vimm.f32 $0.0e+00;
	v2 =	vsel vm0, $0x3, v2;
	v3 =	vor.u32 $0x10, v0;
	s14 =	smax.u32 s16, $0x1;
	s15 =	simm.s32 $0x20;
	s16 =	simm.s32 $0xC000  }
.LBB2_1:
0x1a: {  	[tilespmem:s16], [sflag:$0x1] =	stream.strided.gather [hbm4b:s4+s15], $0x8000, s18, s15, $0x38;
	[tilespmem:$0x1C800] =	vst v63  }
0x1b: {  	_ = 	snop  }
0x1c: {  	[tilespmem:s17], [sflag:$0x2] =	stream.linear.gather [hbm4b:s5+s2], $0x400, $0x38;
	[tilespmem:$0x1C800] =	vst v63  }
0x1d: {  	[tilespmem:s18+$0xFFFFFF00] =	vst v1  }
0x1e: {  	[tilespmem:s18+$0xF0] =	vst v1  }
0x1f: {  	[tilespmem:s18+$0xE0] =	vst v1  }
0x20: {  	[tilespmem:s18+$0xD0] =	vst v1  }
0x21: {  	[tilespmem:s18+$0xC0] =	vst v1  }
0x22: {  	[tilespmem:s18+$0xB0] =	vst v1  }
0x23: {  	[tilespmem:s18+$0xA0] =	vst v1  }
0x24: {  	[tilespmem:s18+$0x90] =	vst v1  }
0x25: {  	[tilespmem:s18+$0x80] =	vst v1  }
0x26: {  	[tilespmem:s18+$0x70] =	vst v1  }
0x27: {  	[tilespmem:s18+$0x60] =	vst v1  }
0x28: {  	[tilespmem:s18+$0x50] =	vst v1  }
0x29: {  	[tilespmem:s18+$0x40] =	vst v1  }
0x2a: {  	[tilespmem:s18+$0x30] =	vst v1  }
0x2b: {  	[tilespmem:s18+$0x20] =	vst v1  }
0x2c: {  	[tilespmem:s18+$0x10] =	vst v1  }
0x2d: {  	[tilespmem:s18+$0x0] =	vst v1  }
0x2e: {  	[tilespmem:s18+$0xFFFFFFF0] =	vst v1  }
0x2f: {  	[tilespmem:s18+$0xFFFFFFE0] =	vst v1  }
0x30: {  	[tilespmem:s18+$0xFFFFFFD0] =	vst v1  }
0x31: {  	[tilespmem:s18+$0xFFFFFFC0] =	vst v1  }
0x32: {  	[tilespmem:s18+$0xFFFFFFB0] =	vst v1  }
0x33: {  	[tilespmem:s18+$0xFFFFFFA0] =	vst v1  }
0x34: {  	[tilespmem:s18+$0xFFFFFF90] =	vst v1  }
0x35: {  	[tilespmem:s18+$0xFFFFFF80] =	vst v1  }
0x36: {  	[tilespmem:s18+$0xFFFFFF70] =	vst v1  }
0x37: {  	[tilespmem:s18+$0xFFFFFF60] =	vst v1  }
0x38: {  	[tilespmem:s18+$0xFFFFFF50] =	vst v1  }
0x39: {  	[tilespmem:s18+$0xFFFFFF40] =	vst v1  }
0x3a: {  	[tilespmem:s18+$0xFFFFFF30] =	vst v1  }
0x3b: {  	s24 =	simm.s32 $0x0;
	s25 =	simm.s32 $0x100;
	[tilespmem:s18+$0xFFFFFF20] =	vst v1  }
.LBB2_2:
0x3c: {  	s24 =	sadd.s32 $0x10, s24;
	[tilespmem:s25+$0xFFFFFF10] =	vst v1;
	s25 =	sadd.s32 $0x200, s25  }
0x3d: {  	[tilespmem:s25+$0xFFFFFF00] =	vst v1;
	p1 =	slt.u32 s24, $0x3F0  }
0x3e: {  	[tilespmem:s25+$0xF0] =	vst v1  }
0x3f: {  	[tilespmem:s25+$0xE0] =	vst v1  }
0x40: {  	[tilespmem:s25+$0xD0] =	vst v1  }
0x41: {  	[tilespmem:s25+$0xC0] =	vst v1  }
0x42: {  	[tilespmem:s25+$0xB0] =	vst v1  }
0x43: {  	[tilespmem:s25+$0xA0] =	vst v1  }
0x44: {  	[tilespmem:s25+$0x90] =	vst v1  }
0x45: {  	[tilespmem:s25+$0x80] =	vst v1  }
0x46: {  	[tilespmem:s25+$0x70] =	vst v1  }
0x47: {  	[tilespmem:s25+$0x60] =	vst v1  }
0x48: {  	[tilespmem:s25+$0x50] =	vst v1  }
0x49: {  	[tilespmem:s25+$0x40] =	vst v1  }
0x4a: {  	[tilespmem:s25+$0x30] =	vst v1  }
0x4b: {  	[tilespmem:s25+$0x20] =	vst v1  }
0x4c: {  	[tilespmem:s25+$0x10] =	vst v1  }
0x4d: {  	[tilespmem:s25+$0x0] =	vst v1  }
0x4e: {  	[tilespmem:s25+$0xFFFFFFF0] =	vst v1  }
0x4f: {  	[tilespmem:s25+$0xFFFFFFE0] =	vst v1  }
0x50: {  	[tilespmem:s25+$0xFFFFFFD0] =	vst v1  }
0x51: {  	[tilespmem:s25+$0xFFFFFFC0] =	vst v1  }
0x52: {  	[tilespmem:s25+$0xFFFFFFB0] =	vst v1  }
0x53: {  	[tilespmem:s25+$0xFFFFFFA0] =	vst v1  }
0x54: {  	[tilespmem:s25+$0xFFFFFF90] =	vst v1  }
0x55: {  	[tilespmem:s25+$0xFFFFFF80] =	vst v1  }
0x56: {  	[tilespmem:s25+$0xFFFFFF70] =	vst v1  }
.Ltmp0:
0x57: {  	[tilespmem:s25+$0xFFFFFF60] =	vst v1;
	(pc) =	sbr.rel @p1 .LBB2_2-.Ltmp0, $4  }
0x58: {  	[tilespmem:s25+$0xFFFFFF50] =	vst v1  }
0x59: {  	[tilespmem:s25+$0xFFFFFF40] =	vst v1  }
0x5a: {  	[tilespmem:s25+$0xFFFFFF30] =	vst v1  }
0x5b: {  	[tilespmem:s25+$0xFFFFFF20] =	vst v1  }
.Ltmp1:
0x5c: {  	(pc) =	sbr.rel @p0 .LBB2_7-.Ltmp1, $2  }
0x5d: {  	_ =	sdelay $0x2  }
0x5e: {  	[tilespmem:s25+$0xFFFFFF10] =	vst v1  }
0x5f: {  	s24 =	simm.s32 $0x8080  }
0x60: {  	[tilespmem:s24+$0xFFFFFF80] =	vst v1  }
0x61: {  	[tilespmem:s24+$0x70] =	vst v1  }
0x62: {  	[tilespmem:s24+$0x60] =	vst v1  }
0x63: {  	[tilespmem:s24+$0x50] =	vst v1  }
0x64: {  	[tilespmem:s24+$0x40] =	vst v1  }
0x65: {  	[tilespmem:s24+$0x30] =	vst v1  }
0x66: {  	[tilespmem:s24+$0x20] =	vst v1  }
0x67: {  	[tilespmem:s24+$0x10] =	vst v1  }
0x68: {  	[tilespmem:s24+$0x0] =	vst v1  }
0x69: {  	[tilespmem:s24+$0xFFFFFFF0] =	vst v1  }
0x6a: {  	[tilespmem:s24+$0xFFFFFFE0] =	vst v1  }
0x6b: {  	[tilespmem:s24+$0xFFFFFFD0] =	vst v1  }
0x6c: {  	[tilespmem:s24+$0xFFFFFFC0] =	vst v1  }
0x6d: {  	[tilespmem:s24+$0xFFFFFFB0] =	vst v1  }
0x6e: {  	s25 =	simm.s32 $0x0;
	[tilespmem:s24+$0xFFFFFFA0] =	vst v1  }
.LBB2_5:
0x6f: {  	s25 =	sadd.s32 $0x10, s25;
	[tilespmem:s24+$0xFFFFFF90] =	vst v1;
	s24 =	sadd.s32 $0x100, s24  }
0x70: {  	[tilespmem:s24+$0xFFFFFF80] =	vst v1;
	p1 =	slt.u32 s25, $0x3F0  }
0x71: {  	[tilespmem:s24+$0x70] =	vst v1  }
0x72: {  	[tilespmem:s24+$0x60] =	vst v1  }
0x73: {  	[tilespmem:s24+$0x50] =	vst v1  }
0x74: {  	[tilespmem:s24+$0x40] =	vst v1  }
0x75: {  	[tilespmem:s24+$0x30] =	vst v1  }
0x76: {  	[tilespmem:s24+$0x20] =	vst v1  }
0x77: {  	[tilespmem:s24+$0x10] =	vst v1  }
0x78: {  	[tilespmem:s24+$0x0] =	vst v1  }
0x79: {  	[tilespmem:s24+$0xFFFFFFF0] =	vst v1  }
.Ltmp2:
0x7a: {  	[tilespmem:s24+$0xFFFFFFE0] =	vst v1;
	(pc) =	sbr.rel @p1 .LBB2_5-.Ltmp2, $4  }
0x7b: {  	[tilespmem:s24+$0xFFFFFFD0] =	vst v1  }
0x7c: {  	[tilespmem:s24+$0xFFFFFFC0] =	vst v1  }
0x7d: {  	[tilespmem:s24+$0xFFFFFFB0] =	vst v1  }
0x7e: {  	[tilespmem:s24+$0xFFFFFFA0] =	vst v1  }
0x7f: {  	[tilespmem:s24+$0xFFFFFF90] =	vst v1  }
.LBB2_7:
0x80: {  	[tilespmem:s19], [sflag:$0x1] =	stream.strided.gather [hbm4b:s6+s15], $0x8000, s18, s15, $0x38;
	[tilespmem:$0x1C800] =	vst v63  }
0x81: {  	_ = 	snop  }
0x82: {  	[tilespmem:s20], [sflag:$0x2] =	stream.linear.gather [hbm4b:s7+s2], $0x400, $0x38;
	[tilespmem:$0x1C800] =	vst v63  }
0x83: {  	_ =	swait.ge [sflag:s3], $0x8000  }
0x84: {  	[sflag:s3] =	ssyncset.done $0x0  }
0x85: {  	[sflag:s3] =	ssyncadd.s32 $0xFFFF8000  }
0x86: {  	_ =	swait.ge [sflag:s21], $0x400  }
0x87: {  	s24 =	simm.s32 $0xFFFFFFFC;
	s25 =	simm.s32 $0x3F;
	[sflag:s21] =	ssyncset.done $0x0  }
0x88: {  	s26 =	simm.s32 $0xC400;
	s28 =	simm.s32 $0x1C020;
	[sflag:s21] =	ssyncadd.s32 $0xFFFFFC00  }
.LBB2_8:
0x89: {  	s29 =	sadd.s32 $0xFFFFFFC1, s25;
	s30 =	sadd.s32 $0xFFFFFFC2, s25;
	s31 =	sadd.s32 $0xFFFFFFC3, s25  }
0x8a: {  	v4 =	vmov s29;
	v5 =	vmov s30;
	s30 =	sadd.s32 $0xFFFFFFC4, s25;
	v6 =	vmov s31  }
0x8b: {  	s29 =	sadd.s32 $0xFFFFFFC6, s25;
	s31 =	sadd.s32 $0xFFFFFFC7, s25;
	v4 =	vshrl.u32 v4, $0x3;
	v5 =	vshrl.u32 v5, $0x3;
	v7 =	vmov s30  }
0x8c: {  	v6 =	vshrl.u32 v6, $0x3;
	v9 =	vmov s29;
	v10 =	vmov s31  }
0x8d: {  	s30 =	sadd.s32 $0xFFFFFFC5, s25;
	v4 =	vshll.u32 v4, v2;
	v5 =	vshll.u32 v5, v2;
	v7 =	vshrl.u32 v7, $0x3  }
0x8e: {  	s29 =	sadd.s32 $0xFFFFFFC9, s25;
	s31 =	sadd.s32 $0xFFFFFFCA, s25;
	v6 =	vshll.u32 v6, v2;
	v8 =	vmov s30;
	v9 =	vshrl.u32 v9, $0x3  }
0x8f: {  	v10 =	vshrl.u32 v10, $0x3;
	v12 =	vmov s29;
	v13 =	vmov s31  }
0x90: {  	v4 =	vbroadcast v4, $0x0;
	v5 =	vadd.s32 $0x1, v5;
	v7 =	vshll.u32 v7, v2  }
0x91: {  	s30 =	sadd.s32 $0xFFFFFFC8, s25;
	v6 =	vadd.s32 $0x2, v6;
	v8 =	vshrl.u32 v8, $0x3;
	v9 =	vshll.u32 v9, v2  }
0x92: {  	s31 =	sadd.s32 $0xFFFFFFCB, s25;
	v10 =	vshll.u32 v10, v2;
	v11 =	vmov s30;
	v12 =	vshrl.u32 v12, $0x3  }
0x93: {  	v13 =	vshrl.u32 v13, $0x3;
	v14 =	vmov s31;
	v5 =	vbroadcast v5, $0x0  }
0x94: {  	v7 =	vadd.s32 $0x3, v7;
	v6 =	vbroadcast v6, $0x0;
	v8 =	vshll.u32 v8, v2  }
0x95: {  	v9 =	vadd.s32 $0x5, v9;
	v10 =	vadd.s32 $0x6, v10;
	v11 =	vshrl.u32 v11, $0x3  }
0x96: {  	s30 =	sadd.s32 $0xFFFFFFCC, s25;
	s31 =	sadd.s32 $0xFFFFFFCD, s25;
	v12 =	vshll.u32 v12, v2;
	v13 =	vshll.u32 v13, v2;
	v14 =	vshrl.u32 v14, $0x3  }
0x97: {  	v15 =	vmov s30;
	v22 =	vmov s31;
	v7 =	vbroadcast v7, $0x0  }
0x98: {  	v8 =	vadd.s32 $0x4, v8;
	v9 =	vbroadcast v9, $0x0;
	v10 =	vbroadcast v10, $0x0  }
0x99: {  	s30 =	sadd.s32 $0xFFFFFFCE, s25;
	v11 =	vshll.u32 v11, v2;
	v12 =	vbroadcast v12, $0x0;
	v13 =	vadd.s32 $0x1, v13  }
0x9a: {  	v34 =	vld [tilespmem:s26+$0xFFFFFC00];
	s31 =	sadd.s32 $0xFFFFFFCF, s25;
	v21 =	vshrl.u32 v15, $0x3;
	v24 =	vshrl.u32 v22, $0x3;
	v18 =	vmov s30  }
0x9b: {  	v29 =	vmov s31;
	v8 =	vbroadcast v8, $0x0;
	v11 =	vadd.s32 $0x7, v11;
	v4 =	vld.idx.msk [tilespmem:v4+s17+$0x0], $0xffff  }
0x9c: {  	v13 =	vbroadcast v13, $0x0;
	v23 =	vshll.u32 v21, v2;
	v11 =	vbroadcast v11, $0x0;
	v16 =	vld.idx.msk [tilespmem:v5+s17+$0x0], $0xffff  }
0x9d: {  	s30 =	sadd.s32 $0xFFFFFFD0, s25;
	v26 =	vshll.u32 v24, v2;
	v28 =	vshrl.u32 v18, $0x3;
	v30 =	vshrl.u32 v29, $0x3;
	v17 =	vld.idx.msk [tilespmem:v6+s17+$0x0], $0xffff  }
0x9e: {  	v31 =	vmov s30;
	v5 =	vshll.u32 v14, v2;
	v6 =	vadd.s32 $0x4, v26;
	v7 =	vld.idx.msk [tilespmem:v7+s17+$0x0], $0xffff  }
0x9f: {  	v32 =	vshrl.u32 v31, $0x3;
	v5 =	vadd.s32 $0x2, v5;
	v6 =	vbroadcast v6, $0x0;
	v20 =	vld.idx.msk [tilespmem:v12+s17+$0x0], $0xffff  }
0xa0: {  	v25 =	vbroadcast v5, $0x0;
	v5 =	vadd.s32 $0x3, v23;
	v23 =	vld.idx.msk [tilespmem:v10+s17+$0x0], $0xffff;
	v10 =	vshll.u32 v30, v2  }
0xa1: {  	v27 =	vbroadcast v5, $0x0;
	v5 =	vld.idx.msk [tilespmem:v9+s17+$0x0], $0xffff;
	v9 =	vshll.u32 v28, v2;
	v10 =	vadd.s32 $0x6, v10  }
0xa2: {  	v22 =	vld.idx.msk [tilespmem:v11+s17+$0x0], $0xffff;
	v11 =	vshll.u32 v32, v2;
	v9 =	vadd.s32 $0x5, v9;
	v10 =	vbroadcast v10, $0x0  }
0xa3: {  	v8 =	vld.idx.msk [tilespmem:v8+s17+$0x0], $0xffff;
	v11 =	vadd.s32 $0x7, v11;
	v9 =	vbroadcast v9, $0x0  }
0xa4: {  	v18 =	vld.idx.msk [tilespmem:v13+s17+$0x0], $0xffff;
	v11 =	vbroadcast v11, $0x0  }
0xa5: {  	v33 =	vshll.u32 v4, $0x5;
	v12 =	vld.idx.msk [tilespmem:v6+s17+$0x0], $0xffff  }
0xa6: {  	v21 =	vor.u32 v0, v33;
	v19 =	vld.idx.msk [tilespmem:v25+s17+$0x0], $0xffff  }
0xa7: {  	v14 =	vld.idx.msk [tilespmem:v27+s17+$0x0], $0xffff  }
0xa8: {  	v6 =	vld.idx.msk [tilespmem:v10+s17+$0x0], $0xffff  }
0xa9: {  	v9 =	vld.idx.msk [tilespmem:v9+s17+$0x0], $0xffff  }
0xaa: {  	v4 =	vld.idx.msk [tilespmem:v11+s17+$0x0], $0xffff  }
0xab: {  	[tilespmem:v21+s2+$0x0] =	vst.idx.add.f32.msk $0xffff, v34  }
0xac: {  	v36 =	vor.u32 v3, v33;
	v35 =	vld [tilespmem:s26+$0xFFFFFC10];
	_ =	sdelay $0x4  }
0xad: {  	v37 =	vshll.u32 v16, $0x5;
	[tilespmem:v36+s2+$0x0] =	vst.idx.add.f32.msk $0xffff, v35  }
0xae: {  	v38 =	vor.u32 v0, v37;
	v11 =	vld [tilespmem:s26+$0xFFFFFC20];
	_ =	sdelay $0x4  }
0xaf: {  	[tilespmem:v38+s2+$0x0] =	vst.idx.add.f32.msk $0xffff, v11  }
0xb0: {  	v10 =	vor.u32 v3, v37;
	v11 =	vld [tilespmem:s26+$0xFFFFFC30];
	_ =	sdelay $0x4  }
0xb1: {  	v39 =	vshll.u32 v17, $0x5;
	[tilespmem:v10+s2+$0x0] =	vst.idx.add.f32.msk $0xffff, v11  }
0xb2: {  	v40 =	vor.u32 v0, v39;
	v11 =	vld [tilespmem:s26+$0xFFFFFC40];
	_ =	sdelay $0x4  }
0xb3: {  	s29 =	sadd.s32 $0xFFFFFFD3, s25;
	[tilespmem:v40+s2+$0x0] =	vst.idx.add.f32.msk $0xffff, v11  }
0xb4: {  	v46 =	vmov s29;
	s29 =	sadd.s32 $0xFFFFFFD6, s25;
	v10 =	vor.u32 v3, v39;
	v11 =	vld [tilespmem:s26+$0xFFFFFC50]  }
0xb5: {  	v50 =	vmov s29;
	s31 =	sadd.s32 $0xFFFFFFD1, s25;
	s30 =	sadd.s32 $0xFFFFFFD2, s25  }
0xb6: {  	v52 =	vshrl.u32 v50, $0x3;
	v42 =	vmov s31;
	s31 =	sadd.s32 $0xFFFFFFD4, s25;
	v44 =	vmov s30;
	s30 =	sadd.s32 $0xFFFFFFD5, s25  }
0xb7: {  	v47 =	vmov s31;
	s31 =	sadd.s32 $0xFFFFFFD7, s25;
	v15 =	vshrl.u32 v44, $0x3;
	v49 =	vmov s30  }
0xb8: {  	v24 =	vmov s31;
	s30 =	sadd.s32 $0xFFFFFFD8, s25;
	v45 =	vshll.u32 v15, v2;
	v15 =	vshrl.u32 v47, $0x3  }
0xb9: {  	v53 =	vshrl.u32 v24, $0x3;
	v55 =	vmov s30;
	v7 =	vshll.u32 v7, $0x5;
	[tilespmem:v10+s2+$0x0] =	vst.idx.add.f32.msk $0xffff, v11  }
0xba: {  	v17 =	vshrl.u32 v49, $0x3;
	v16 =	vshll.u32 v52, v2;
	v41 =	vor.u32 v0, v7;
	v10 =	vld [tilespmem:s26+$0xFFFFFC60]  }
0xbb: {  	v15 =	vshll.u32 v15, v2;
	v17 =	vshll.u32 v17, v2;
	v16 =	vadd.s32 $0x5, v16  }
0xbc: {  	v51 =	vadd.s32 $0x4, v17;
	v17 =	vshll.u32 v53, v2;
	v16 =	vbroadcast v16, $0x0  }
0xbd: {  	s31 =	sadd.s32 $0xFFFFFFDA, s25;
	v24 =	vshrl.u32 v55, $0x3;
	v13 =	vbroadcast v51, $0x0;
	v17 =	vadd.s32 $0x6, v17  }
0xbe: {  	s29 =	sadd.s32 $0xFFFFFFD9, s25;
	v26 =	vmov s31;
	v15 =	vadd.s32 $0x3, v15;
	v17 =	vbroadcast v17, $0x0  }
0xbf: {  	v24 =	vshll.u32 v24, v2;
	v26 =	vshrl.u32 v26, $0x3;
	v25 =	vmov s29;
	[tilespmem:v41+s2+$0x0] =	vst.idx.add.f32.msk $0xffff, v10  }
0xc0: {  	s31 =	sadd.s32 $0xFFFFFFDB, s25;
	v24 =	vadd.s32 $0x7, v24;
	v7 =	vor.u32 v3, v7;
	v25 =	vshrl.u32 v25, $0x3;
	v10 =	vld [tilespmem:s26+$0xFFFFFC70]  }
0xc1: {  	s30 =	sadd.s32 $0xFFFFFFDC, s25;
	v62 =	vmov s31;
	v56 =	vbroadcast v24, $0x0;
	v57 =	vshll.u32 v25, v2  }
0xc2: {  	v58 =	vshll.u32 v26, v2;
	v60 =	vbroadcast v57, $0x0;
	v32 =	vld.idx.msk [tilespmem:v16+s17+$0x0], $0xffff;
	v35 =	vmov s30;
	s30 =	sadd.s32 $0xFFFFFFDE, s25  }
0xc3: {  	v15 =	vbroadcast v15, $0x0;
	v61 =	vadd.s32 $0x1, v58;
	v31 =	vld.idx.msk [tilespmem:v13+s17+$0x0], $0xffff;
	v44 =	vmov s30;
	s30 =	sadd.s32 $0xFFFFFFE0, s25  }
0xc4: {  	v63 =	vbroadcast v61, $0x0;
	v8 =	vshll.u32 v8, $0x5;
	v21 =	vld.idx.msk [tilespmem:v17+s17+$0x0], $0xffff;
	v47 =	vmov s30  }
0xc5: {  	v43 =	vor.u32 v0, v8;
	v34 =	vshrl.u32 v62, $0x3;
	v50 =	vshrl.u32 v47, $0x3;
	[tilespmem:v7+s2+$0x0] =	vst.idx.add.f32.msk $0xffff, v10  }
0xc6: {  	v11 =	vshrl.u32 v42, $0x3;
	v7 =	vadd.s32 $0x1, v45;
	v10 =	vshrl.u32 v46, $0x3;
	v48 =	vld [tilespmem:s26+$0xFFFFFC80]  }
0xc7: {  	v17 =	vld.idx.msk [tilespmem:v56+s17+$0x0], $0xffff;
	v11 =	vshll.u32 v11, v2;
	v7 =	vbroadcast v7, $0x0;
	v10 =	vshll.u32 v10, v2  }
0xc8: {  	v16 =	vld.idx.msk [tilespmem:v60+s17+$0x0], $0xffff;
	v51 =	vshll.u32 v50, v2;
	v11 =	vbroadcast v11, $0x0;
	v10 =	vadd.s32 $0x2, v10  }
0xc9: {  	s31 =	sadd.s32 $0xFFFFFFDD, s25;
	v36 =	vshll.u32 v34, v2;
	v34 =	vld [tilespmem:s26+$0xFFFFFE00];
	v52 =	vadd.s32 $0x7, v51;
	v10 =	vbroadcast v10, $0x0  }
0xca: {  	v37 =	vshrl.u32 v35, $0x3;
	v38 =	vmov s31;
	s31 =	sadd.s32 $0xFFFFFFDF, s25;
	v26 =	vbroadcast v52, $0x0;
	v41 =	vld.idx.msk [tilespmem:v15+s17+$0x0], $0xffff  }
0xcb: {  	v8 =	vor.u32 v3, v8;
	v39 =	vshll.u32 v37, v2;
	v46 =	vmov s31;
	[tilespmem:v43+s2+$0x0] =	vst.idx.add.f32.msk $0xffff, v48  }
0xcc: {  	v40 =	vshrl.u32 v38, $0x3;
	v45 =	vshrl.u32 v44, $0x3;
	v15 =	vshrl.u32 v46, $0x3;
	v54 =	vld [tilespmem:s26+$0xFFFFFC90]  }
0xcd: {  	v13 =	vshll.u32 v45, v2;
	v49 =	vshll.u32 v15, v2;
	v28 =	vld.idx.msk [tilespmem:v7+s17+$0x0], $0xffff;
	v7 =	vadd.s32 $0x2, v36  }
0xce: {  	v27 =	vld.idx.msk [tilespmem:v11+s17+$0x0], $0xffff;
	v48 =	vadd.s32 $0x5, v13;
	v13 =	vadd.s32 $0x6, v49;
	v7 =	vbroadcast v7, $0x0  }
0xcf: {  	v42 =	vshll.u32 v40, v2;
	v33 =	vbroadcast v13, $0x0;
	v29 =	vld.idx.msk [tilespmem:v10+s17+$0x0], $0xffff;
	v10 =	vadd.s32 $0x3, v39  }
0xd0: {  	v53 =	vshll.u32 v5, $0x5;
	v5 =	vld.idx.msk [tilespmem:v26+s17+$0x0], $0xffff;
	v43 =	vadd.s32 $0x4, v42;
	v10 =	vbroadcast v10, $0x0  }
0xd1: {  	v15 =	vld.idx.msk [tilespmem:v63+s17+$0x0], $0xffff;
	v30 =	vbroadcast v43, $0x0  }
0xd2: {  	[tilespmem:v8+s2+$0x0] =	vst.idx.add.f32.msk $0xffff, v54;
	v8 =	vbroadcast v48, $0x0  }
0xd3: {  	v27 =	vshll.u32 v27, $0x5;
	v59 =	vld [tilespmem:s26+$0xFFFFFCA0]  }
0xd4: {  	v35 =	vor.u32 v0, v27;
	v13 =	vld.idx.msk [tilespmem:v7+s17+$0x0], $0xffff  }
0xd5: {  	v36 =	vor.u32 v0, v53;
	v7 =	vld.idx.msk [tilespmem:v33+s17+$0x0], $0xffff  }
0xd6: {  	v11 =	vld.idx.msk [tilespmem:v10+s17+$0x0], $0xffff  }
0xd7: {  	v10 =	vld.idx.msk [tilespmem:v30+s17+$0x0], $0xffff  }
0xd8: {  	v8 =	vld.idx.msk [tilespmem:v8+s17+$0x0], $0xffff  }
0xd9: {  	[tilespmem:v35+s2+$0x0] =	vst.idx.add.f32.msk $0xffff, v34  }
0xda: {  	[tilespmem:v36+s2+$0x0] =	vst.idx.add.f32.msk $0xffff, v59  }
0xdb: {  	v27 =	vor.u32 v3, v27;
	v54 =	vld [tilespmem:s26+$0xFFFFFE10]  }
0xdc: {  	v30 =	vor.u32 v3, v53;
	v25 =	vld [tilespmem:s26+$0xFFFFFCB0];
	_ =	sdelay $0x3  }
0xdd: {  	[tilespmem:v27+s2+$0x0] =	vst.idx.add.f32.msk $0xffff, v54  }
0xde: {  	v55 =	vshll.u32 v28, $0x5;
	[tilespmem:v30+s2+$0x0] =	vst.idx.add.f32.msk $0xffff, v25  }
0xdf: {  	v23 =	vshll.u32 v23, $0x5;
	v28 =	vor.u32 v0, v55;
	v27 =	vld [tilespmem:s26+$0xFFFFFE20]  }
0xe0: {  	v56 =	vor.u32 v0, v23;
	v25 =	vld [tilespmem:s26+$0xFFFFFCC0];
	_ =	sdelay $0x3  }
0xe1: {  	[tilespmem:v28+s2+$0x0] =	vst.idx.add.f32.msk $0xffff, v27  }
0xe2: {  	[tilespmem:v56+s2+$0x0] =	vst.idx.add.f32.msk $0xffff, v25  }
0xe3: {  	v26 =	vor.u32 v3, v55;
	v27 =	vld [tilespmem:s26+$0xFFFFFE30]  }
0xe4: {  	v23 =	vor.u32 v3, v23;
	v25 =	vld [tilespmem:s26+$0xFFFFFCD0];
	_ =	sdelay $0x3  }
0xe5: {  	[tilespmem:v26+s2+$0x0] =	vst.idx.add.f32.msk $0xffff, v27  }
0xe6: {  	v57 =	vshll.u32 v29, $0x5;
	[tilespmem:v23+s2+$0x0] =	vst.idx.add.f32.msk $0xffff, v25  }
0xe7: {  	v22 =	vshll.u32 v22, $0x5;
	v58 =	vor.u32 v0, v57;
	v27 =	vld [tilespmem:s26+$0xFFFFFE40]  }
0xe8: {  	v59 =	vor.u32 v0, v22;
	v23 =	vld [tilespmem:s26+$0xFFFFFCE0];
	_ =	sdelay $0x3  }
0xe9: {  	[tilespmem:v58+s2+$0x0] =	vst.idx.add.f32.msk $0xffff, v27  }
0xea: {  	[tilespmem:v59+s2+$0x0] =	vst.idx.add.f32.msk $0xffff, v23  }
0xeb: {  	v26 =	vor.u32 v3, v57;
	v27 =	vld [tilespmem:s26+$0xFFFFFE50]  }
0xec: {  	v22 =	vor.u32 v3, v22;
	v23 =	vld [tilespmem:s26+$0xFFFFFCF0];
	_ =	sdelay $0x3  }
0xed: {  	[tilespmem:v26+s2+$0x0] =	vst.idx.add.f32.msk $0xffff, v27  }
0xee: {  	v24 =	vshll.u32 v41, $0x5;
	[tilespmem:v22+s2+$0x0] =	vst.idx.add.f32.msk $0xffff, v23  }
0xef: {  	v20 =	vshll.u32 v20, $0x5;
	v61 =	vor.u32 v0, v24;
	v60 =	vld [tilespmem:s26+$0xFFFFFE60]  }
0xf0: {  	v62 =	vor.u32 v0, v20;
	v22 =	vld [tilespmem:s26+$0xFFFFFD00];
	_ =	sdelay $0x2  }
0xf1: {  	s30 =	sadd.s32 $0xFFFFFFE2, s25  }
0xf2: {  	v18 =	vshll.u32 v18, $0x5;
	v20 =	vor.u32 v3, v20;
	v41 =	vmov s30;
	s31 =	sadd.s32 $0xFFFFFFE1, s25;
	[tilespmem:v61+s2+$0x0] =	vst.idx.add.f32.msk $0xffff, v60  }
0xf3: {  	s30 =	sadd.s32 $0xFFFFFFE4, s25;
	v24 =	vor.u32 v3, v24;
	v39 =	vmov s31;
	s31 =	sadd.s32 $0xFFFFFFE3, s25;
	v29 =	vshrl.u32 v41, $0x3;
	[tilespmem:v62+s2+$0x0] =	vst.idx.add.f32.msk $0xffff, v22  }
0xf4: {  	v46 =	vmov s30;
	v43 =	vmov s31;
	s31 =	sadd.s32 $0xFFFFFFE5, s25;
	v29 =	vshll.u32 v29, v2;
	v25 =	vld [tilespmem:s26+$0xFFFFFE70]  }
0xf5: {  	v48 =	vmov s31;
	v44 =	vadd.s32 $0x1, v29;
	v29 =	vshrl.u32 v46, $0x3;
	v23 =	vld [tilespmem:s26+$0xFFFFFD10]  }
0xf6: {  	v38 =	vshll.u32 v32, $0x5;
	v50 =	vshrl.u32 v48, $0x3;
	v29 =	vshll.u32 v29, v2  }
0xf7: {  	s30 =	sadd.s32 $0xFFFFFFE6, s25;
	v63 =	vor.u32 v0, v18;
	v49 =	vadd.s32 $0x3, v29;
	v29 =	vshll.u32 v50, v2  }
0xf8: {  	v18 =	vor.u32 v3, v18;
	v51 =	vmov s30;
	v29 =	vadd.s32 $0x4, v29  }
0xf9: {  	v40 =	vshrl.u32 v39, $0x3;
	v45 =	vshrl.u32 v43, $0x3;
	s31 =	sadd.s32 $0xFFFFFFE7, s25;
	v22 =	vbroadcast v29, $0x0;
	[tilespmem:v24+s2+$0x0] =	vst.idx.add.f32.msk $0xffff, v25  }
0xfa: {  	v52 =	vmov s31;
	v33 =	vshrl.u32 v51, $0x3;
	v36 =	vshll.u32 v31, $0x5;
	[tilespmem:v20+s2+$0x0] =	vst.idx.add.f32.msk $0xffff, v23  }
0xfb: {  	v53 =	vshll.u32 v33, v2;
	v37 =	vor.u32 v0, v36;
	v54 =	vshrl.u32 v52, $0x3;
	v42 =	vld [tilespmem:s26+$0xFFFFFE80]  }
0xfc: {  	v30 =	vshll.u32 v19, $0x5;
	v19 =	vor.u32 v3, v36;
	v32 =	vshll.u32 v54, v2;
	v47 =	vld [tilespmem:s26+$0xFFFFFD20]  }
0xfd: {  	v32 =	vadd.s32 $0x6, v32;
	v25 =	vshll.u32 v40, v2;
	v23 =	vshll.u32 v45, v2  }
0xfe: {  	s29 =	sadd.s32 $0xFFFFFFEA, s25;
	v28 =	vor.u32 v3, v38;
	v25 =	vbroadcast v25, $0x0;
	v23 =	vadd.s32 $0x2, v23  }
0xff: {  	s31 =	sadd.s32 $0xFFFFFFE9, s25;
	v58 =	vmov s29;
	s29 =	sadd.s32 $0xFFFFFFEC, s25;
	v24 =	vor.u32 v0, v38;
	v38 =	vld.idx.msk [tilespmem:v22+s17+$0x0], $0xffff;
	v23 =	vbroadcast v23, $0x0  }
0x100: {  	v41 =	vmov s29;
	s29 =	sadd.s32 $0xFFFFFFEF, s25;
	v29 =	vadd.s32 $0x5, v53;
	v60 =	vmov s31;
	[tilespmem:v37+s2+$0x0] =	vst.idx.add.f32.msk $0xffff, v42  }
0x101: {  	s30 =	sadd.s32 $0xFFFFFFE8, s25;
	v48 =	vmov s29;
	v29 =	vbroadcast v29, $0x0;
	v35 =	vshrl.u32 v60, $0x3;
	[tilespmem:v63+s2+$0x0] =	vst.idx.add.f32.msk $0xffff, v47  }
0x102: {  	v56 =	vmov s30;
	v61 =	vshll.u32 v35, v2;
	v35 =	vshrl.u32 v48, $0x3;
	v31 =	vld [tilespmem:s26+$0xFFFFFE90]  }
0x103: {  	v34 =	vshrl.u32 v56, $0x3;
	v27 =	vbroadcast v49, $0x0;
	s31 =	sadd.s32 $0xFFFFFFED, s25;
	v50 =	vshll.u32 v35, v2;
	v55 =	vld [tilespmem:s26+$0xFFFFFD30]  }
0x104: {  	v52 =	vadd.s32 $0x6, v50;
	v20 =	vbroadcast v44, $0x0;
	v42 =	vmov s31;
	s31 =	sadd.s32 $0xFFFFFFF0, s25;
	v25 =	vld.idx.msk [tilespmem:v25+s17+$0x0], $0xffff  }
0x105: {  	v44 =	vshrl.u32 v41, $0x3;
	v45 =	vshrl.u32 v42, $0x3;
	v49 =	vmov s31;
	v41 =	vld.idx.msk [tilespmem:v23+s17+$0x0], $0xffff  }
0x106: {  	s30 =	sadd.s32 $0xFFFFFFEB, s25;
	v33 =	vshll.u32 v45, v2;
	v36 =	vshrl.u32 v49, $0x3;
	v23 =	vbroadcast v52, $0x0;
	v52 =	vld [tilespmem:s26+$0x0]  }
0x107: {  	v62 =	vmov s30;
	s30 =	sadd.s32 $0xFFFFFFEE, s25;
	v33 =	vadd.s32 $0x4, v33;
	v51 =	vshll.u32 v36, v2;
	v36 =	vld.idx.msk [tilespmem:v29+s17+$0x0], $0xffff  }
0x108: {  	v57 =	vshll.u32 v34, v2;
	v46 =	vmov s30;
	s30 =	sadd.s32 $0xFFFFFFF2, s25;
	v33 =	vbroadcast v33, $0x0;
	[tilespmem:v19+s2+$0x0] =	vst.idx.add.f32.msk $0xffff, v31  }
0x109: {  	v56 =	vmov s30;
	s30 =	sadd.s32 $0xFFFFFFF5, s25;
	v19 =	vbroadcast v32, $0x0;
	v32 =	vshrl.u32 v58, $0x3;
	[tilespmem:v18+s2+$0x0] =	vst.idx.add.f32.msk $0xffff, v55  }
0x10a: {  	v26 =	vor.u32 v0, v30;
	v48 =	vmov s30;
	v59 =	vld [tilespmem:s26+$0xFFFFFEA0];
	v32 =	vshll.u32 v32, v2  }
0x10b: {  	v40 =	vshrl.u32 v62, $0x3;
	v47 =	vshrl.u32 v46, $0x3;
	v63 =	vld [tilespmem:s26+$0xFFFFFD40];
	v32 =	vadd.s32 $0x1, v32  }
0x10c: {  	s31 =	sadd.s32 $0xFFFFFFF1, s25;
	v18 =	vbroadcast v61, $0x0;
	v37 =	vbroadcast v32, $0x0;
	v32 =	vshll.u32 v40, v2;
	v40 =	vld.idx.msk [tilespmem:v27+s17+$0x0], $0xffff  }
0x10d: {  	v54 =	vmov s31;
	v43 =	vadd.s32 $0x2, v32;
	v32 =	vshll.u32 v44, v2;
	v44 =	vld.idx.msk [tilespmem:v20+s17+$0x0], $0xffff  }
0x10e: {  	v49 =	vshrl.u32 v48, $0x3;
	v53 =	vadd.s32 $0x7, v51;
	v31 =	vadd.s32 $0x7, v57;
	v22 =	vld.idx.msk [tilespmem:v33+s17+$0x0], $0xffff  }
0x10f: {  	s29 =	sadd.s32 $0xFFFFFFF3, s25;
	v55 =	vshrl.u32 v54, $0x3;
	v46 =	vshll.u32 v25, $0x5;
	v57 =	vshrl.u32 v56, $0x3;
	[tilespmem:v24+s2+$0x0] =	vst.idx.add.f32.msk $0xffff, v59  }
0x110: {  	v58 =	vmov s29;
	v31 =	vbroadcast v31, $0x0;
	v20 =	vshll.u32 v55, v2;
	v34 =	vld [tilespmem:s26+$0xFFFFFEB0]  }
0x111: {  	s31 =	sadd.s32 $0xFFFFFFF4, s25;
	v61 =	vshrl.u32 v58, $0x3;
	v32 =	vadd.s32 $0x3, v32;
	v42 =	vbroadcast v20, $0x0;
	[tilespmem:v26+s2+$0x0] =	vst.idx.add.f32.msk $0xffff, v63  }
0x112: {  	v20 =	vshll.u32 v57, v2;
	v24 =	vbroadcast v43, $0x0;
	v59 =	vmov s31;
	v29 =	vld.idx.msk [tilespmem:v18+s17+$0x0], $0xffff  }
0x113: {  	v26 =	vbroadcast v32, $0x0;
	v32 =	vshll.u32 v47, v2;
	v43 =	vld [tilespmem:s26+$0xFFFFFD50];
	v62 =	vshrl.u32 v59, $0x3  }
0x114: {  	v63 =	vshll.u32 v61, v2;
	v18 =	vshll.u32 v49, v2;
	v25 =	vshll.u32 v62, v2;
	v27 =	vld.idx.msk [tilespmem:v37+s17+$0x0], $0xffff  }
0x115: {  	v32 =	vadd.s32 $0x5, v32;
	v45 =	vadd.s32 $0x2, v63;
	v47 =	vadd.s32 $0x3, v25;
	[tilespmem:v28+s2+$0x0] =	vst.idx.add.f32.msk $0xffff, v34  }
0x116: {  	s31 =	sadd.s32 $0xFFFFFFF7, s25;
	v18 =	vadd.s32 $0x4, v18;
	v37 =	vbroadcast v45, $0x0;
	v45 =	vbroadcast v47, $0x0;
	v34 =	vld.idx.msk [tilespmem:v19+s17+$0x0], $0xffff  }
0x117: {  	s29 =	sadd.s32 $0xFFFFFFF6, s25;
	v51 =	vmov s31;
	v47 =	vbroadcast v18, $0x0;
	v28 =	vbroadcast v32, $0x0;
	v32 =	vld.idx.msk [tilespmem:v31+s17+$0x0], $0xffff  }
0x118: {  	v50 =	vmov s29;
	v60 =	vadd.s32 $0x1, v20;
	v20 =	vshrl.u32 v51, $0x3;
	v25 =	vld.idx.msk [tilespmem:v24+s17+$0x0], $0xffff  }
0x119: {  	v35 =	vbroadcast v53, $0x0;
	v54 =	vshll.u32 v20, v2;
	v24 =	vld.idx.msk [tilespmem:v26+s17+$0x0], $0xffff;
	v19 =	vshrl.u32 v50, $0x3  }
0x11a: {  	v39 =	vor.u32 v0, v46;
	s29 =	sadd.s32 $0xFFFFFFF9, s25;
	v50 =	vld.idx.msk [tilespmem:v42+s17+$0x0], $0xffff;
	v53 =	vshll.u32 v19, v2;
	v19 =	vadd.s32 $0x6, v54  }
0x11b: {  	v58 =	vmov s29;
	v31 =	vbroadcast v60, $0x0;
	v48 =	vbroadcast v19, $0x0;
	v19 =	vld.idx.msk [tilespmem:v23+s17+$0x0], $0xffff  }
0x11c: {  	v33 =	vshrl.u32 v58, $0x3;
	s31 =	sadd.s32 $0xFFFFFFFA, s25;
	v18 =	vadd.s32 $0x5, v53;
	v53 =	vld.idx.msk [tilespmem:v45+s17+$0x0], $0xffff  }
0x11d: {  	s30 =	sadd.s32 $0xFFFFFFF8, s25;
	v46 =	vor.u32 v3, v46;
	v49 =	vmov s31;
	v60 =	vshll.u32 v33, v2;
	v47 =	vld.idx.msk [tilespmem:v47+s17+$0x0], $0xffff  }
0x11e: {  	v55 =	vmov s30;
	v59 =	vshrl.u32 v49, $0x3;
	v26 =	vbroadcast v60, $0x0;
	v20 =	vld.idx.msk [tilespmem:v28+s17+$0x0], $0xffff  }
0x11f: {  	v56 =	vshrl.u32 v55, $0x3;
	s31 =	sadd.s32 $0xFFFFFFFB, s25;
	v61 =	vshll.u32 v59, v2;
	v28 =	vbroadcast v18, $0x0;
	v18 =	vld.idx.msk [tilespmem:v35+s17+$0x0], $0xffff  }
0x120: {  	v57 =	vshll.u32 v56, v2;
	v62 =	vmov s31;
	s31 =	sadd.s32 $0xFFFFFFFD, s25;
	v33 =	vadd.s32 $0x1, v61;
	[tilespmem:v39+s2+$0x0] =	vst.idx.add.f32.msk $0xffff, v52  }
0x121: {  	s30 =	sadd.s32 $0xFFFFFFFC, s25;
	v33 =	vbroadcast v33, $0x0;
	v23 =	vadd.s32 $0x7, v57;
	v57 =	vmov s31;
	v51 =	vld.idx.msk [tilespmem:v31+s17+$0x0], $0xffff  }
0x122: {  	v63 =	vmov s30;
	v23 =	vbroadcast v23, $0x0;
	v58 =	vshrl.u32 v57, $0x3;
	v52 =	vld.idx.msk [tilespmem:v37+s17+$0x0], $0xffff  }
0x123: {  	v56 =	vshrl.u32 v63, $0x3;
	s31 =	sadd.s32 $0xFFFFFFFF, s25;
	v35 =	vshrl.u32 v62, $0x3;
	v37 =	vshll.u32 v58, v2;
	v49 =	vld [tilespmem:s26+$0x10]  }
0x124: {  	v62 =	vmov s31;
	v42 =	vshll.u32 v35, v2;
	v35 =	vshll.u32 v56, v2;
	v39 =	vld.idx.msk [tilespmem:v26+s17+$0x0], $0xffff  }
0x125: {  	v59 =	vadd.s32 $0x4, v37;
	v37 =	vshrl.u32 v62, $0x3;
	v62 =	vld [tilespmem:s26+$0x200];
	v31 =	vadd.s32 $0x2, v42  }
0x126: {  	s30 =	sadd.s32 $0xFFFFFFFE, s25;
	v35 =	vadd.s32 $0x3, v35;
	v45 =	vld.idx.msk [tilespmem:v48+s17+$0x0], $0xffff;
	v31 =	vbroadcast v31, $0x0  }
0x127: {  	v60 =	vmov s30;
	v56 =	vshll.u32 v37, v2;
	v37 =	vld.idx.msk [tilespmem:v33+s17+$0x0], $0xffff;
	v54 =	vbroadcast v35, $0x0  }
0x128: {  	v63 =	vmov s25;
	v61 =	vshrl.u32 v60, $0x3;
	v42 =	vld.idx.msk [tilespmem:v23+s17+$0x0], $0xffff;
	v58 =	vadd.s32 $0x6, v56  }
0x129: {  	v57 =	vshrl.u32 v63, $0x3;
	v35 =	vshll.u32 v61, v2;
	v26 =	vbroadcast v58, $0x0;
	v55 =	vld.idx.msk [tilespmem:v28+s17+$0x0], $0xffff  }
0x12a: {  	v48 =	vadd.s32 $0x5, v35;
	v28 =	vbroadcast v59, $0x0;
	v59 =	vshll.u32 v57, v2;
	[tilespmem:v46+s2+$0x0] =	vst.idx.add.f32.msk $0xffff, v49  }
0x12b: {  	v23 =	vbroadcast v48, $0x0;
	v60 =	vadd.s32 $0x7, v59;
	v46 =	vld [tilespmem:s26+$0x20]  }
0x12c: {  	v61 =	vbroadcast v60, $0x0;
	v35 =	vld.idx.msk [tilespmem:v31+s17+$0x0], $0xffff  }
0x12d: {  	v50 =	vshll.u32 v50, $0x5;
	v33 =	vld.idx.msk [tilespmem:v54+s17+$0x0], $0xffff  }
0x12e: {  	v56 =	vor.u32 v0, v50;
	v54 =	vld [tilespmem:s26+$0xFFFFFEC0]  }
0x12f: {  	v26 =	vld.idx.msk [tilespmem:v26+s17+$0x0], $0xffff  }
0x130: {  	v30 =	vor.u32 v3, v30;
	v44 =	vshll.u32 v44, $0x5;
	v31 =	vld.idx.msk [tilespmem:v28+s17+$0x0], $0xffff  }
0x131: {  	v60 =	vor.u32 v0, v44;
	v28 =	vld.idx.msk [tilespmem:v23+s17+$0x0], $0xffff  }
0x132: {  	v21 =	vshll.u32 v21, $0x5;
	v23 =	vld.idx.msk [tilespmem:v61+s17+$0x0], $0xffff  }
0x133: {  	[tilespmem:v56+s2+$0x0] =	vst.idx.add.f32.msk $0xffff, v62;
	v56 =	vor.u32 v0, v21  }
0x134: {  	v50 =	vor.u32 v3, v50;
	v63 =	vld [tilespmem:s26+$0x210]  }
0x135: {  	[tilespmem:v30+s2+$0x0] =	vst.idx.add.f32.msk $0xffff, v43  }
0x136: {  	[tilespmem:v60+s2+$0x0] =	vst.idx.add.f32.msk $0xffff, v46  }
0x137: {  	v44 =	vor.u32 v3, v44;
	v46 =	vld [tilespmem:s26+$0x30]  }
0x138: {  	[tilespmem:v56+s2+$0x0] =	vst.idx.add.f32.msk $0xffff, v54  }
0x139: {  	v61 =	vshll.u32 v51, $0x5;
	[tilespmem:v50+s2+$0x0] =	vst.idx.add.f32.msk $0xffff, v63  }
0x13a: {  	v63 =	vor.u32 v0, v61;
	v62 =	vld [tilespmem:s26+$0x220]  }
0x13b: {  	v14 =	vshll.u32 v14, $0x5;
	v56 =	vld [tilespmem:s26+$0xFFFFFD60]  }
0x13c: {  	v41 =	vshll.u32 v41, $0x5;
	v57 =	vor.u32 v0, v14;
	[tilespmem:v44+s2+$0x0] =	vst.idx.add.f32.msk $0xffff, v46  }
0x13d: {  	v59 =	vor.u32 v0, v41;
	v44 =	vld [tilespmem:s26+$0x40]  }
0x13e: {  	v58 =	vld [tilespmem:s26+$0xFFFFFED0]  }
0x13f: {  	[tilespmem:v63+s2+$0x0] =	vst.idx.add.f32.msk $0xffff, v62  }
0x140: {  	v30 =	vor.u32 v3, v61;
	v43 =	vld [tilespmem:s26+$0x230]  }
0x141: {  	[tilespmem:v57+s2+$0x0] =	vst.idx.add.f32.msk $0xffff, v56  }
0x142: {  	v21 =	vor.u32 v3, v21;
	[tilespmem:v59+s2+$0x0] =	vst.idx.add.f32.msk $0xffff, v44  }
0x143: {  	v62 =	vld [tilespmem:s26+$0x50]  }
0x144: {  	v41 =	vor.u32 v3, v41;
	v63 =	vld [tilespmem:s26+$0xFFFFFD70]  }
0x145: {  	v14 =	vor.u32 v3, v14;
	v60 =	vshll.u32 v52, $0x5;
	[tilespmem:v30+s2+$0x0] =	vst.idx.add.f32.msk $0xffff, v43  }
0x146: {  	v61 =	vor.u32 v0, v60;
	v43 =	vld [tilespmem:s26+$0x240]  }
0x147: {  	v17 =	vshll.u32 v17, $0x5;
	[tilespmem:v21+s2+$0x0] =	vst.idx.add.f32.msk $0xffff, v58  }
0x148: {  	v54 =	vor.u32 v0, v17;
	v52 =	vld [tilespmem:s26+$0xFFFFFEE0]  }
0x149: {  	[tilespmem:v41+s2+$0x0] =	vst.idx.add.f32.msk $0xffff, v62  }
0x14a: {  	[tilespmem:v14+s2+$0x0] =	vst.idx.add.f32.msk $0xffff, v63  }
0x14b: {  	[tilespmem:v61+s2+$0x0] =	vst.idx.add.f32.msk $0xffff, v43  }
0x14c: {  	v30 =	vor.u32 v3, v60;
	v43 =	vld [tilespmem:s26+$0x250]  }
0x14d: {  	v56 =	vshll.u32 v40, $0x5;
	[tilespmem:v54+s2+$0x0] =	vst.idx.add.f32.msk $0xffff, v52  }
0x14e: {  	v58 =	vor.u32 v0, v56;
	v57 =	vld [tilespmem:s26+$0x60]  }
0x14f: {  	v17 =	vor.u32 v3, v17;
	v63 =	vld [tilespmem:s26+$0xFFFFFEF0];
	_ =	sdelay $0x1  }
0x150: {  	v59 =	vshll.u32 v53, $0x5;
	[tilespmem:v30+s2+$0x0] =	vst.idx.add.f32.msk $0xffff, v43  }
0x151: {  	v60 =	vor.u32 v0, v59;
	v30 =	vld [tilespmem:s26+$0x260]  }
0x152: {  	[tilespmem:v58+s2+$0x0] =	vst.idx.add.f32.msk $0xffff, v57  }
0x153: {  	[tilespmem:v17+s2+$0x0] =	vst.idx.add.f32.msk $0xffff, v63  }
0x154: {  	v12 =	vshll.u32 v12, $0x5;
	v21 =	vor.u32 v3, v56;
	v40 =	vld [tilespmem:s26+$0x70]  }
0x155: {  	v62 =	vor.u32 v0, v12;
	v61 =	vld [tilespmem:s26+$0xFFFFFD80]  }
0x156: {  	[tilespmem:v60+s2+$0x0] =	vst.idx.add.f32.msk $0xffff, v30  }
0x157: {  	v14 =	vor.u32 v3, v59;
	v30 =	vld [tilespmem:s26+$0x270]  }
0x158: {  	v16 =	vshll.u32 v16, $0x5;
	v54 =	vld [tilespmem:s26+$0xFFFFFF00]  }
0x159: {  	v56 =	vor.u32 v0, v16;
	[tilespmem:v21+s2+$0x0] =	vst.idx.add.f32.msk $0xffff, v40  }
0x15a: {  	v46 =	vshll.u32 v38, $0x5;
	[tilespmem:v62+s2+$0x0] =	vst.idx.add.f32.msk $0xffff, v61  }
0x15b: {  	v49 =	vor.u32 v0, v46;
	v48 =	vld [tilespmem:s26+$0x80]  }
0x15c: {  	v50 =	vshll.u32 v47, $0x5;
	[tilespmem:v14+s2+$0x0] =	vst.idx.add.f32.msk $0xffff, v30  }
0x15d: {  	v51 =	vor.u32 v0, v50;
	v30 =	vld [tilespmem:s26+$0x280]  }
0x15e: {  	[tilespmem:v56+s2+$0x0] =	vst.idx.add.f32.msk $0xffff, v54  }
0x15f: {  	v53 =	vld [tilespmem:s26+$0xFFFFFD90]  }
0x160: {  	v12 =	vor.u32 v3, v12;
	[tilespmem:v49+s2+$0x0] =	vst.idx.add.f32.msk $0xffff, v48  }
0x161: {  	v21 =	vor.u32 v3, v46;
	v52 =	vld [tilespmem:s26+$0x90]  }
0x162: {  	[tilespmem:v51+s2+$0x0] =	vst.idx.add.f32.msk $0xffff, v30  }
0x163: {  	v14 =	vor.u32 v3, v50;
	v30 =	vld [tilespmem:s26+$0x290]  }
0x164: {  	v62 =	vld [tilespmem:s26+$0xFFFFFF10]  }
0x165: {  	v16 =	vor.u32 v3, v16;
	[tilespmem:v12+s2+$0x0] =	vst.idx.add.f32.msk $0xffff, v53  }
0x166: {  	v57 =	vshll.u32 v36, $0x5;
	[tilespmem:v21+s2+$0x0] =	vst.idx.add.f32.msk $0xffff, v52  }
0x167: {  	v36 =	vor.u32 v0, v57;
	v21 =	vld [tilespmem:s26+$0xA0]  }
0x168: {  	v58 =	vshll.u32 v55, $0x5;
	[tilespmem:v14+s2+$0x0] =	vst.idx.add.f32.msk $0xffff, v30  }
0x169: {  	v59 =	vor.u32 v0, v58;
	v14 =	vld [tilespmem:s26+$0x2A0]  }
0x16a: {  	v9 =	vshll.u32 v9, $0x5;
	[tilespmem:v16+s2+$0x0] =	vst.idx.add.f32.msk $0xffff, v62  }
0x16b: {  	v61 =	vor.u32 v0, v9;
	v60 =	vld [tilespmem:s26+$0xFFFFFDA0]  }
0x16c: {  	[tilespmem:v36+s2+$0x0] =	vst.idx.add.f32.msk $0xffff, v21  }
0x16d: {  	v17 =	vor.u32 v3, v57;
	v21 =	vld [tilespmem:s26+$0xB0]  }
0x16e: {  	[tilespmem:v59+s2+$0x0] =	vst.idx.add.f32.msk $0xffff, v14  }
0x16f: {  	v12 =	vor.u32 v3, v58;
	v14 =	vld [tilespmem:s26+$0x2B0]  }
0x170: {  	[tilespmem:v61+s2+$0x0] =	vst.idx.add.f32.msk $0xffff, v60  }
0x171: {  	v9 =	vor.u32 v3, v9;
	v44 =	vld [tilespmem:s26+$0xFFFFFDB0]  }
0x172: {  	v63 =	vshll.u32 v34, $0x5;
	[tilespmem:v17+s2+$0x0] =	vst.idx.add.f32.msk $0xffff, v21  }
0x173: {  	v34 =	vor.u32 v0, v63;
	v21 =	vld [tilespmem:s26+$0xC0]  }
0x174: {  	v40 =	vshll.u32 v45, $0x5;
	[tilespmem:v12+s2+$0x0] =	vst.idx.add.f32.msk $0xffff, v14  }
0x175: {  	v41 =	vor.u32 v0, v40;
	v14 =	vld [tilespmem:s26+$0x2C0]  }
0x176: {  	v15 =	vshll.u32 v15, $0x5;
	[tilespmem:v9+s2+$0x0] =	vst.idx.add.f32.msk $0xffff, v44  }
0x177: {  	v45 =	vor.u32 v0, v15;
	v30 =	vld [tilespmem:s26+$0xFFFFFF20]  }
0x178: {  	[tilespmem:v34+s2+$0x0] =	vst.idx.add.f32.msk $0xffff, v21  }
0x179: {  	v17 =	vor.u32 v3, v63;
	v43 =	vld [tilespmem:s26+$0xD0]  }
0x17a: {  	[tilespmem:v41+s2+$0x0] =	vst.idx.add.f32.msk $0xffff, v14  }
0x17b: {  	v12 =	vor.u32 v3, v40;
	v14 =	vld [tilespmem:s26+$0x2D0]  }
0x17c: {  	[tilespmem:v45+s2+$0x0] =	vst.idx.add.f32.msk $0xffff, v30  }
0x17d: {  	v6 =	vshll.u32 v6, $0x5;
	v21 =	vld [tilespmem:s26+$0xFFFFFDC0]  }
0x17e: {  	v46 =	vshll.u32 v32, $0x5;
	v49 =	vor.u32 v0, v6;
	[tilespmem:v17+s2+$0x0] =	vst.idx.add.f32.msk $0xffff, v43  }
0x17f: {  	v32 =	vor.u32 v0, v46;
	v17 =	vld [tilespmem:s26+$0xE0]  }
0x180: {  	v47 =	vshll.u32 v42, $0x5;
	[tilespmem:v12+s2+$0x0] =	vst.idx.add.f32.msk $0xffff, v14  }
0x181: {  	v48 =	vor.u32 v0, v47;
	v12 =	vld [tilespmem:s26+$0x2E0]  }
0x182: {  	v50 =	vld [tilespmem:s26+$0xFFFFFF30]  }
0x183: {  	v15 =	vor.u32 v3, v15;
	[tilespmem:v49+s2+$0x0] =	vst.idx.add.f32.msk $0xffff, v21  }
0x184: {  	[tilespmem:v32+s2+$0x0] =	vst.idx.add.f32.msk $0xffff, v17  }
0x185: {  	v16 =	vor.u32 v3, v46;
	v17 =	vld [tilespmem:s26+$0xF0]  }
0x186: {  	[tilespmem:v48+s2+$0x0] =	vst.idx.add.f32.msk $0xffff, v12  }
0x187: {  	v9 =	vor.u32 v3, v47;
	v12 =	vld [tilespmem:s26+$0x2F0]  }
0x188: {  	[tilespmem:v15+s2+$0x0] =	vst.idx.add.f32.msk $0xffff, v50  }
0x189: {  	v56 =	vld [tilespmem:s26+$0xFFFFFDD0]  }
0x18a: {  	v6 =	vor.u32 v3, v6;
	v51 =	vshll.u32 v29, $0x5;
	[tilespmem:v16+s2+$0x0] =	vst.idx.add.f32.msk $0xffff, v17  }
0x18b: {  	v29 =	vor.u32 v0, v51;
	v17 =	vld [tilespmem:s26+$0x100]  }
0x18c: {  	v52 =	vshll.u32 v39, $0x5;
	[tilespmem:v9+s2+$0x0] =	vst.idx.add.f32.msk $0xffff, v12  }
0x18d: {  	v53 =	vor.u32 v0, v52;
	v12 =	vld [tilespmem:s26+$0x300]  }
0x18e: {  	v13 =	vshll.u32 v13, $0x5;
	v57 =	vld [tilespmem:s26+$0xFFFFFF40]  }
0x18f: {  	v58 =	vor.u32 v0, v13;
	[tilespmem:v6+s2+$0x0] =	vst.idx.add.f32.msk $0xffff, v56  }
0x190: {  	[tilespmem:v29+s2+$0x0] =	vst.idx.add.f32.msk $0xffff, v17  }
0x191: {  	v55 =	vor.u32 v3, v51;
	v54 =	vld [tilespmem:s26+$0x110]  }
0x192: {  	[tilespmem:v53+s2+$0x0] =	vst.idx.add.f32.msk $0xffff, v12  }
0x193: {  	v9 =	vor.u32 v3, v52;
	v12 =	vld [tilespmem:s26+$0x310]  }
0x194: {  	[tilespmem:v58+s2+$0x0] =	vst.idx.add.f32.msk $0xffff, v57  }
0x195: {  	v63 =	vld [tilespmem:s26+$0xFFFFFF50]  }
0x196: {  	v13 =	vor.u32 v3, v13;
	v59 =	vshll.u32 v27, $0x5;
	[tilespmem:v55+s2+$0x0] =	vst.idx.add.f32.msk $0xffff, v54  }
0x197: {  	v27 =	vor.u32 v0, v59;
	v15 =	vld [tilespmem:s26+$0x120]  }
0x198: {  	v60 =	vshll.u32 v37, $0x5;
	[tilespmem:v9+s2+$0x0] =	vst.idx.add.f32.msk $0xffff, v12  }
0x199: {  	v61 =	vor.u32 v0, v60;
	v9 =	vld [tilespmem:s26+$0x320]  }
0x19a: {  	v16 =	vld [tilespmem:s26+$0xFFFFFDE0]  }
0x19b: {  	v4 =	vshll.u32 v4, $0x5;
	[tilespmem:v13+s2+$0x0] =	vst.idx.add.f32.msk $0xffff, v63  }
0x19c: {  	v62 =	vor.u32 v0, v4;
	[tilespmem:v27+s2+$0x0] =	vst.idx.add.f32.msk $0xffff, v15  }
0x19d: {  	v14 =	vor.u32 v3, v59;
	v15 =	vld [tilespmem:s26+$0x130]  }
0x19e: {  	[tilespmem:v61+s2+$0x0] =	vst.idx.add.f32.msk $0xffff, v9  }
0x19f: {  	v6 =	vor.u32 v3, v60;
	v9 =	vld [tilespmem:s26+$0x330]  }
0x1a0: {  	v37 =	vld [tilespmem:s26+$0xFFFFFF60]  }
0x1a1: {  	v11 =	vshll.u32 v11, $0x5;
	[tilespmem:v62+s2+$0x0] =	vst.idx.add.f32.msk $0xffff, v16  }
0x1a2: {  	v38 =	vor.u32 v0, v11;
	v27 =	vshll.u32 v25, $0x5;
	[tilespmem:v14+s2+$0x0] =	vst.idx.add.f32.msk $0xffff, v15  }
0x1a3: {  	v29 =	vor.u32 v0, v27;
	v15 =	vld [tilespmem:s26+$0x140]  }
0x1a4: {  	v30 =	vshll.u32 v35, $0x5;
	[tilespmem:v6+s2+$0x0] =	vst.idx.add.f32.msk $0xffff, v9  }
0x1a5: {  	v32 =	vor.u32 v0, v30;
	v9 =	vld [tilespmem:s26+$0x340]  }
0x1a6: {  	v36 =	vld [tilespmem:s26+$0xFFFFFDF0]  }
0x1a7: {  	[tilespmem:v38+s2+$0x0] =	vst.idx.add.f32.msk $0xffff, v37  }
0x1a8: {  	v4 =	vor.u32 v3, v4;
	[tilespmem:v29+s2+$0x0] =	vst.idx.add.f32.msk $0xffff, v15  }
0x1a9: {  	v35 =	vor.u32 v3, v27;
	v34 =	vld [tilespmem:s26+$0x150]  }
0x1aa: {  	[tilespmem:v32+s2+$0x0] =	vst.idx.add.f32.msk $0xffff, v9  }
0x1ab: {  	v6 =	vor.u32 v3, v30;
	v9 =	vld [tilespmem:s26+$0x350]  }
0x1ac: {  	v42 =	vld [tilespmem:s26+$0xFFFFFF70]  }
0x1ad: {  	v11 =	vor.u32 v3, v11;
	[tilespmem:v4+s2+$0x0] =	vst.idx.add.f32.msk $0xffff, v36  }
0x1ae: {  	v39 =	vshll.u32 v24, $0x5;
	[tilespmem:v35+s2+$0x0] =	vst.idx.add.f32.msk $0xffff, v34  }
0x1af: {  	v40 =	vor.u32 v0, v39;
	v13 =	vld [tilespmem:s26+$0x160]  }
0x1b0: {  	v4 =	vshll.u32 v33, $0x5;
	[tilespmem:v6+s2+$0x0] =	vst.idx.add.f32.msk $0xffff, v9  }
0x1b1: {  	v41 =	vor.u32 v0, v4;
	v6 =	vld [tilespmem:s26+$0x360]  }
0x1b2: {  	v10 =	vshll.u32 v10, $0x5;
	[tilespmem:v11+s2+$0x0] =	vst.idx.add.f32.msk $0xffff, v42  }
0x1b3: {  	v44 =	vor.u32 v0, v10;
	v11 =	vld [tilespmem:s26+$0xFFFFFF80]  }
0x1b4: {  	[tilespmem:v40+s2+$0x0] =	vst.idx.add.f32.msk $0xffff, v13  }
0x1b5: {  	v12 =	vor.u32 v3, v39;
	v43 =	vld [tilespmem:s26+$0x170]  }
0x1b6: {  	[tilespmem:v41+s2+$0x0] =	vst.idx.add.f32.msk $0xffff, v6  }
0x1b7: {  	v4 =	vor.u32 v3, v4;
	v9 =	vld [tilespmem:s26+$0x370]  }
0x1b8: {  	[tilespmem:v44+s2+$0x0] =	vst.idx.add.f32.msk $0xffff, v11  }
0x1b9: {  	v10 =	vor.u32 v3, v10;
	v11 =	vld [tilespmem:s26+$0xFFFFFF90]  }
0x1ba: {  	v45 =	vshll.u32 v22, $0x5;
	[tilespmem:v12+s2+$0x0] =	vst.idx.add.f32.msk $0xffff, v43  }
0x1bb: {  	v46 =	vor.u32 v0, v45;
	v14 =	vld [tilespmem:s26+$0x180]  }
0x1bc: {  	[tilespmem:v4+s2+$0x0] =	vst.idx.add.f32.msk $0xffff, v9;
	v4 =	vshll.u32 v31, $0x5  }
0x1bd: {  	v9 =	vld [tilespmem:s26+$0x380];
	v47 =	vor.u32 v0, v4  }
0x1be: {  	v8 =	vshll.u32 v8, $0x5;
	[tilespmem:v10+s2+$0x0] =	vst.idx.add.f32.msk $0xffff, v11  }
0x1bf: {  	v49 =	vor.u32 v0, v8;
	v10 =	vld [tilespmem:s26+$0xFFFFFFA0]  }
0x1c0: {  	[tilespmem:v46+s2+$0x0] =	vst.idx.add.f32.msk $0xffff, v14  }
0x1c1: {  	v12 =	vor.u32 v3, v45;
	v48 =	vld [tilespmem:s26+$0x190]  }
0x1c2: {  	[tilespmem:v47+s2+$0x0] =	vst.idx.add.f32.msk $0xffff, v9  }
0x1c3: {  	v4 =	vor.u32 v3, v4;
	v9 =	vld [tilespmem:s26+$0x390]  }
0x1c4: {  	[tilespmem:v49+s2+$0x0] =	vst.idx.add.f32.msk $0xffff, v10  }
0x1c5: {  	v8 =	vor.u32 v3, v8;
	v10 =	vld [tilespmem:s26+$0xFFFFFFB0]  }
0x1c6: {  	v50 =	vshll.u32 v20, $0x5;
	[tilespmem:v12+s2+$0x0] =	vst.idx.add.f32.msk $0xffff, v48  }
0x1c7: {  	v51 =	vor.u32 v0, v50;
	v13 =	vld [tilespmem:s26+$0x1A0]  }
0x1c8: {  	[tilespmem:v4+s2+$0x0] =	vst.idx.add.f32.msk $0xffff, v9;
	v4 =	vshll.u32 v28, $0x5  }
0x1c9: {  	v9 =	vld [tilespmem:s26+$0x3A0];
	v52 =	vor.u32 v0, v4  }
0x1ca: {  	v7 =	vshll.u32 v7, $0x5;
	[tilespmem:v8+s2+$0x0] =	vst.idx.add.f32.msk $0xffff, v10  }
0x1cb: {  	v54 =	vor.u32 v0, v7;
	v8 =	vld [tilespmem:s26+$0xFFFFFFC0]  }
0x1cc: {  	[tilespmem:v51+s2+$0x0] =	vst.idx.add.f32.msk $0xffff, v13  }
0x1cd: {  	v12 =	vor.u32 v3, v50;
	v53 =	vld [tilespmem:s26+$0x1B0]  }
0x1ce: {  	[tilespmem:v52+s2+$0x0] =	vst.idx.add.f32.msk $0xffff, v9  }
0x1cf: {  	v4 =	vor.u32 v3, v4;
	v9 =	vld [tilespmem:s26+$0x3B0]  }
0x1d0: {  	[tilespmem:v54+s2+$0x0] =	vst.idx.add.f32.msk $0xffff, v8  }
0x1d1: {  	v7 =	vor.u32 v3, v7;
	v8 =	vld [tilespmem:s26+$0xFFFFFFD0]  }
0x1d2: {  	v55 =	vshll.u32 v19, $0x5;
	[tilespmem:v12+s2+$0x0] =	vst.idx.add.f32.msk $0xffff, v53  }
0x1d3: {  	v56 =	vor.u32 v0, v55;
	v12 =	vld [tilespmem:s26+$0x1C0]  }
0x1d4: {  	[tilespmem:v4+s2+$0x0] =	vst.idx.add.f32.msk $0xffff, v9;
	v4 =	vshll.u32 v26, $0x5  }
0x1d5: {  	v9 =	vld [tilespmem:s26+$0x3C0];
	v57 =	vor.u32 v0, v4  }
0x1d6: {  	[tilespmem:v7+s2+$0x0] =	vst.idx.add.f32.msk $0xffff, v8  }
0x1d7: {  	v5 =	vshll.u32 v5, $0x5;
	v7 =	vld [tilespmem:s26+$0xFFFFFFE0]  }
0x1d8: {  	v59 =	vor.u32 v0, v5;
	[tilespmem:v56+s2+$0x0] =	vst.idx.add.f32.msk $0xffff, v12  }
0x1d9: {  	v11 =	vor.u32 v3, v55;
	v58 =	vld [tilespmem:s26+$0x1D0]  }
0x1da: {  	[tilespmem:v57+s2+$0x0] =	vst.idx.add.f32.msk $0xffff, v9  }
0x1db: {  	v4 =	vor.u32 v3, v4;
	v9 =	vld [tilespmem:s26+$0x3D0];
	_ =	sdelay $0x1  }
0x1dc: {  	[tilespmem:v59+s2+$0x0] =	vst.idx.add.f32.msk $0xffff, v7  }
0x1dd: {  	v60 =	vshll.u32 v18, $0x5;
	[tilespmem:v11+s2+$0x0] =	vst.idx.add.f32.msk $0xffff, v58  }
0x1de: {  	v61 =	vor.u32 v0, v60;
	v11 =	vld [tilespmem:s26+$0x1E0]  }
0x1df: {  	[tilespmem:v4+s2+$0x0] =	vst.idx.add.f32.msk $0xffff, v9;
	v4 =	vshll.u32 v23, $0x5  }
0x1e0: {  	v9 =	vld [tilespmem:s26+$0x3E0];
	v62 =	vor.u32 v0, v4  }
0x1e1: {  	v6 =	vld @!p0 [tilespmem:s28+$0xFFFFFFE0]  }
0x1e2: {  	v5 =	vor.u32 v3, v5;
	v7 =	vld [tilespmem:s26+$0xFFFFFFF0]  }
0x1e3: {  	[tilespmem:v61+s2+$0x0] =	vst.idx.add.f32.msk $0xffff, v11  }
0x1e4: {  	v10 =	vor.u32 v3, v60;
	v63 =	vld [tilespmem:s26+$0x1F0]  }
0x1e5: {  	[tilespmem:v62+s2+$0x0] =	vst.idx.add.f32.msk $0xffff, v9  }
0x1e6: {  	v4 =	vor.u32 v3, v4;
	v9 =	vld [tilespmem:s26+$0x3F0]  }
0x1e7: {  	[tilespmem:v5+s2+$0x0] =	vst.idx.add.f32.msk $0xffff, v7  }
0x1e8: {  	v5 =	vld @!p0 [tilespmem:s28+$0xFFFFFFF0]  }
0x1e9: {  	[tilespmem:v10+s2+$0x0] =	vst.idx.add.f32.msk $0xffff, v63  }
0x1ea: {  	v7 =	vld @!p0 [tilespmem:s28+$0x0]  }
0x1eb: {  	[tilespmem:v4+s2+$0x0] =	vst.idx.add.f32.msk $0xffff, v9  }
0x1ec: {  	v4 =	vld @!p0 [tilespmem:s28+$0x10];
	_ =	sdelay $0x1  }
0x1ed: {  	v6 =	vshll.u32 @!p0 v6, $0x4  }
0x1ee: {  	v5 =	vshll.u32 @!p0 v5, $0x4  }
0x1ef: {  	s24 =	sadd.s32 $0x4, s24;
	v7 =	vshll.u32 @!p0 v7, $0x4  }
0x1f0: {  	p1 =	slt.u32 s24, $0x3C;
	v4 =	vshll.u32 @!p0 v4, $0x4  }
.Ltmp3:
0x1f1: {  	s29 =	simm.s32 @!p0 $0x8000;
	v8 =	vimm.f32 @!p0 $1.000000000e+00;
	(pc) =	sbr.rel @p1 .LBB2_8-.Ltmp3, $4  }
0x1f2: {  	[tilespmem:v6+s29+$0x0] =	vst.idx.add.f32.msk @!p0 $0xffff, v8  }
0x1f3: {  	[tilespmem:v5+s29+$0x0] =	vst.idx.add.f32.msk @!p0 $0xffff, v8  }
0x1f4: {  	[tilespmem:v7+s29+$0x0] =	vst.idx.add.f32.msk @!p0 $0xffff, v8  }
0x1f5: {  	s25 =	sadd.s32 $0x40, s25;
	s26 =	sadd.s32 $0x800, s26;
	s28 =	sadd.s32 $0x40, s28;
	[tilespmem:v4+s29+$0x0] =	vst.idx.add.f32.msk @!p0 $0xffff, v8  }
0x1f6: {  	[tilespmem:s16], [sflag:$0x1] =	stream.strided.gather [hbm4b:s8+s15], $0x8000, s18, s15, $0x38;
	[tilespmem:$0x1C800] =	vst v63  }
0x1f7: {  	_ = 	snop  }
0x1f8: {  	[tilespmem:s17], [sflag:$0x2] =	stream.linear.gather [hbm4b:s9+s2], $0x400, $0x38;
	[tilespmem:$0x1C800] =	vst v63  }
0x1f9: {  	_ =	swait.ge [sflag:s3], $0x8000  }
0x1fa: {  	[sflag:s3] =	ssyncset.done $0x0  }
0x1fb: {  	[sflag:s3] =	ssyncadd.s32 $0xFFFF8000  }
0x1fc: {  	_ =	swait.ge [sflag:s21], $0x400  }
0x1fd: {  	s24 =	simm.s32 $0xFFFFFFFC;
	s25 =	simm.s32 $0x147F0;
	[sflag:s21] =	ssyncset.done $0x0  }
0x1fe: {  	s26 =	simm.s32 $0x3F;
	s28 =	simm.s32 $0x1C430;
	[sflag:s21] =	ssyncadd.s32 $0xFFFFFC00  }
.LBB2_10:
0x1ff: {  	s29 =	sadd.s32 $0xFFFFFFC1, s26;
	s30 =	sadd.s32 $0xFFFFFFC2, s26;
	s31 =	sadd.s32 $0xFFFFFFC3, s26  }
0x200: {  	v4 =	vmov s29;
	v5 =	vmov s30;
	s30 =	sadd.s32 $0xFFFFFFC4, s26;
	v6 =	vmov s31  }
0x201: {  	s29 =	sadd.s32 $0xFFFFFFC6, s26;
	s31 =	sadd.s32 $0xFFFFFFC7, s26;
	v4 =	vshrl.u32 v4, $0x3;
	v5 =	vshrl.u32 v5, $0x3;
	v7 =	vmov s30  }
0x202: {  	v6 =	vshrl.u32 v6, $0x3;
	v9 =	vmov s29;
	v10 =	vmov s31  }
0x203: {  	s30 =	sadd.s32 $0xFFFFFFC5, s26;
	v4 =	vshll.u32 v4, v2;
	v5 =	vshll.u32 v5, v2;
	v7 =	vshrl.u32 v7, $0x3  }
0x204: {  	s29 =	sadd.s32 $0xFFFFFFC9, s26;
	s31 =	sadd.s32 $0xFFFFFFCA, s26;
	v6 =	vshll.u32 v6, v2;
	v8 =	vmov s30;
	v9 =	vshrl.u32 v9, $0x3  }
0x205: {  	v10 =	vshrl.u32 v10, $0x3;
	v12 =	vmov s29;
	v13 =	vmov s31  }
0x206: {  	v4 =	vbroadcast v4, $0x0;
	v5 =	vadd.s32 $0x1, v5;
	v7 =	vshll.u32 v7, v2  }
0x207: {  	s30 =	sadd.s32 $0xFFFFFFC8, s26;
	v6 =	vadd.s32 $0x2, v6;
	v8 =	vshrl.u32 v8, $0x3;
	v9 =	vshll.u32 v9, v2  }
0x208: {  	s31 =	sadd.s32 $0xFFFFFFCB, s26;
	v10 =	vshll.u32 v10, v2;
	v11 =	vmov s30;
	v12 =	vshrl.u32 v12, $0x3  }
0x209: {  	v13 =	vshrl.u32 v13, $0x3;
	v14 =	vmov s31;
	v5 =	vbroadcast v5, $0x0  }
0x20a: {  	v7 =	vadd.s32 $0x3, v7;
	v6 =	vbroadcast v6, $0x0;
	v8 =	vshll.u32 v8, v2  }
0x20b: {  	v9 =	vadd.s32 $0x5, v9;
	v10 =	vadd.s32 $0x6, v10;
	v11 =	vshrl.u32 v11, $0x3  }
0x20c: {  	s30 =	sadd.s32 $0xFFFFFFCC, s26;
	s31 =	sadd.s32 $0xFFFFFFCD, s26;
	v12 =	vshll.u32 v12, v2;
	v13 =	vshll.u32 v13, v2;
	v14 =	vshrl.u32 v14, $0x3  }
0x20d: {  	v15 =	vmov s30;
	v22 =	vmov s31;
	v7 =	vbroadcast v7, $0x0  }
0x20e: {  	v8 =	vadd.s32 $0x4, v8;
	v9 =	vbroadcast v9, $0x0;
	v10 =	vbroadcast v10, $0x0  }
0x20f: {  	s30 =	sadd.s32 $0xFFFFFFCE, s26;
	v11 =	vshll.u32 v11, v2;
	v12 =	vbroadcast v12, $0x0;
	v13 =	vadd.s32 $0x1, v13  }
0x210: {  	v34 =	vld [tilespmem:s25+$0xFFFFF810];
	s31 =	sadd.s32 $0xFFFFFFCF, s26;
	v21 =	vshrl.u32 v15, $0x3;
	v24 =	vshrl.u32 v22, $0x3;
	v18 =	vmov s30  }
0x211: {  	v29 =	vmov s31;
	v8 =	vbroadcast v8, $0x0;
	v11 =	vadd.s32 $0x7, v11;
	v4 =	vld.idx.msk [tilespmem:v4+s20+$0x0], $0xffff  }
0x212: {  	v13 =	vbroadcast v13, $0x0;
	v23 =	vshll.u32 v21, v2;
	v11 =	vbroadcast v11, $0x0;
	v16 =	vld.idx.msk [tilespmem:v5+s20+$0x0], $0xffff  }
0x213: {  	s30 =	sadd.s32 $0xFFFFFFD0, s26;
	v26 =	vshll.u32 v24, v2;
	v28 =	vshrl.u32 v18, $0x3;
	v30 =	vshrl.u32 v29, $0x3;
	v17 =	vld.idx.msk [tilespmem:v6+s20+$0x0], $0xffff  }
0x214: {  	v31 =	vmov s30;
	v5 =	vshll.u32 v14, v2;
	v6 =	vadd.s32 $0x4, v26;
	v7 =	vld.idx.msk [tilespmem:v7+s20+$0x0], $0xffff  }
0x215: {  	v32 =	vshrl.u32 v31, $0x3;
	v5 =	vadd.s32 $0x2, v5;
	v6 =	vbroadcast v6, $0x0;
	v20 =	vld.idx.msk [tilespmem:v12+s20+$0x0], $0xffff  }
0x216: {  	v25 =	vbroadcast v5, $0x0;
	v5 =	vadd.s32 $0x3, v23;
	v23 =	vld.idx.msk [tilespmem:v10+s20+$0x0], $0xffff;
	v10 =	vshll.u32 v30, v2  }
0x217: {  	v27 =	vbroadcast v5, $0x0;
	v5 =	vld.idx.msk [tilespmem:v9+s20+$0x0], $0xffff;
	v9 =	vshll.u32 v28, v2;
	v10 =	vadd.s32 $0x6, v10  }
0x218: {  	v22 =	vld.idx.msk [tilespmem:v11+s20+$0x0], $0xffff;
	v11 =	vshll.u32 v32, v2;
	v9 =	vadd.s32 $0x5, v9;
	v10 =	vbroadcast v10, $0x0  }
0x219: {  	v8 =	vld.idx.msk [tilespmem:v8+s20+$0x0], $0xffff;
	v11 =	vadd.s32 $0x7, v11;
	v9 =	vbroadcast v9, $0x0  }
0x21a: {  	v18 =	vld.idx.msk [tilespmem:v13+s20+$0x0], $0xffff;
	v11 =	vbroadcast v11, $0x0  }
0x21b: {  	v33 =	vshll.u32 v4, $0x5;
	v12 =	vld.idx.msk [tilespmem:v6+s20+$0x0], $0xffff  }
0x21c: {  	v21 =	vor.u32 v0, v33;
	v19 =	vld.idx.msk [tilespmem:v25+s20+$0x0], $0xffff  }
0x21d: {  	v14 =	vld.idx.msk [tilespmem:v27+s20+$0x0], $0xffff  }
0x21e: {  	v6 =	vld.idx.msk [tilespmem:v10+s20+$0x0], $0xffff  }
0x21f: {  	v9 =	vld.idx.msk [tilespmem:v9+s20+$0x0], $0xffff  }
0x220: {  	v4 =	vld.idx.msk [tilespmem:v11+s20+$0x0], $0xffff  }
0x221: {  	[tilespmem:v21+s2+$0x0] =	vst.idx.add.f32.msk $0xffff, v34  }
0x222: {  	v36 =	vor.u32 v3, v33;
	v35 =	vld [tilespmem:s25+$0xFFFFF820];
	_ =	sdelay $0x4  }
0x223: {  	v37 =	vshll.u32 v16, $0x5;
	[tilespmem:v36+s2+$0x0] =	vst.idx.add.f32.msk $0xffff, v35  }
0x224: {  	v38 =	vor.u32 v0, v37;
	v11 =	vld [tilespmem:s25+$0xFFFFF830];
	_ =	sdelay $0x4  }
0x225: {  	[tilespmem:v38+s2+$0x0] =	vst.idx.add.f32.msk $0xffff, v11  }
0x226: {  	v10 =	vor.u32 v3, v37;
	v11 =	vld [tilespmem:s25+$0xFFFFF840];
	_ =	sdelay $0x4  }
0x227: {  	v39 =	vshll.u32 v17, $0x5;
	[tilespmem:v10+s2+$0x0] =	vst.idx.add.f32.msk $0xffff, v11  }
0x228: {  	v40 =	vor.u32 v0, v39;
	v11 =	vld [tilespmem:s25+$0xFFFFF850];
	_ =	sdelay $0x4  }
0x229: {  	s29 =	sadd.s32 $0xFFFFFFD3, s26;
	[tilespmem:v40+s2+$0x0] =	vst.idx.add.f32.msk $0xffff, v11  }
0x22a: {  	v46 =	vmov s29;
	s29 =	sadd.s32 $0xFFFFFFD6, s26;
	v10 =	vor.u32 v3, v39;
	v11 =	vld [tilespmem:s25+$0xFFFFF860]  }
0x22b: {  	v50 =	vmov s29;
	s31 =	sadd.s32 $0xFFFFFFD1, s26;
	s30 =	sadd.s32 $0xFFFFFFD2, s26  }
0x22c: {  	v52 =	vshrl.u32 v50, $0x3;
	v42 =	vmov s31;
	s31 =	sadd.s32 $0xFFFFFFD4, s26;
	v44 =	vmov s30;
	s30 =	sadd.s32 $0xFFFFFFD5, s26  }
0x22d: {  	v47 =	vmov s31;
	s31 =	sadd.s32 $0xFFFFFFD7, s26;
	v15 =	vshrl.u32 v44, $0x3;
	v49 =	vmov s30  }
0x22e: {  	v24 =	vmov s31;
	s30 =	sadd.s32 $0xFFFFFFD8, s26;
	v45 =	vshll.u32 v15, v2;
	v15 =	vshrl.u32 v47, $0x3  }
0x22f: {  	v53 =	vshrl.u32 v24, $0x3;
	v55 =	vmov s30;
	v7 =	vshll.u32 v7, $0x5;
	[tilespmem:v10+s2+$0x0] =	vst.idx.add.f32.msk $0xffff, v11  }
0x230: {  	v17 =	vshrl.u32 v49, $0x3;
	v16 =	vshll.u32 v52, v2;
	v41 =	vor.u32 v0, v7;
	v10 =	vld [tilespmem:s25+$0xFFFFF870]  }
0x231: {  	v15 =	vshll.u32 v15, v2;
	v17 =	vshll.u32 v17, v2;
	v16 =	vadd.s32 $0x5, v16  }
0x232: {  	v51 =	vadd.s32 $0x4, v17;
	v17 =	vshll.u32 v53, v2;
	v16 =	vbroadcast v16, $0x0  }
0x233: {  	s31 =	sadd.s32 $0xFFFFFFDA, s26;
	v24 =	vshrl.u32 v55, $0x3;
	v13 =	vbroadcast v51, $0x0;
	v17 =	vadd.s32 $0x6, v17  }
0x234: {  	s29 =	sadd.s32 $0xFFFFFFD9, s26;
	v26 =	vmov s31;
	v15 =	vadd.s32 $0x3, v15;
	v17 =	vbroadcast v17, $0x0  }
0x235: {  	v24 =	vshll.u32 v24, v2;
	v26 =	vshrl.u32 v26, $0x3;
	v25 =	vmov s29;
	[tilespmem:v41+s2+$0x0] =	vst.idx.add.f32.msk $0xffff, v10  }
0x236: {  	s31 =	sadd.s32 $0xFFFFFFDB, s26;
	v24 =	vadd.s32 $0x7, v24;
	v7 =	vor.u32 v3, v7;
	v25 =	vshrl.u32 v25, $0x3;
	v10 =	vld [tilespmem:s25+$0xFFFFF880]  }
0x237: {  	s30 =	sadd.s32 $0xFFFFFFDC, s26;
	v62 =	vmov s31;
	v56 =	vbroadcast v24, $0x0;
	v57 =	vshll.u32 v25, v2  }
0x238: {  	v58 =	vshll.u32 v26, v2;
	v60 =	vbroadcast v57, $0x0;
	v32 =	vld.idx.msk [tilespmem:v16+s20+$0x0], $0xffff;
	v35 =	vmov s30;
	s30 =	sadd.s32 $0xFFFFFFDE, s26  }
0x239: {  	v15 =	vbroadcast v15, $0x0;
	v61 =	vadd.s32 $0x1, v58;
	v31 =	vld.idx.msk [tilespmem:v13+s20+$0x0], $0xffff;
	v44 =	vmov s30;
	s30 =	sadd.s32 $0xFFFFFFE0, s26  }
0x23a: {  	v63 =	vbroadcast v61, $0x0;
	v8 =	vshll.u32 v8, $0x5;
	v21 =	vld.idx.msk [tilespmem:v17+s20+$0x0], $0xffff;
	v47 =	vmov s30  }
0x23b: {  	v43 =	vor.u32 v0, v8;
	v34 =	vshrl.u32 v62, $0x3;
	v50 =	vshrl.u32 v47, $0x3;
	[tilespmem:v7+s2+$0x0] =	vst.idx.add.f32.msk $0xffff, v10  }
0x23c: {  	v11 =	vshrl.u32 v42, $0x3;
	v7 =	vadd.s32 $0x1, v45;
	v10 =	vshrl.u32 v46, $0x3;
	v48 =	vld [tilespmem:s25+$0xFFFFF890]  }
0x23d: {  	v17 =	vld.idx.msk [tilespmem:v56+s20+$0x0], $0xffff;
	v11 =	vshll.u32 v11, v2;
	v7 =	vbroadcast v7, $0x0;
	v10 =	vshll.u32 v10, v2  }
0x23e: {  	v16 =	vld.idx.msk [tilespmem:v60+s20+$0x0], $0xffff;
	v51 =	vshll.u32 v50, v2;
	v11 =	vbroadcast v11, $0x0;
	v10 =	vadd.s32 $0x2, v10  }
0x23f: {  	s31 =	sadd.s32 $0xFFFFFFDD, s26;
	v36 =	vshll.u32 v34, v2;
	v34 =	vld [tilespmem:s25+$0xFFFFFA10];
	v52 =	vadd.s32 $0x7, v51;
	v10 =	vbroadcast v10, $0x0  }
0x240: {  	v37 =	vshrl.u32 v35, $0x3;
	v38 =	vmov s31;
	s31 =	sadd.s32 $0xFFFFFFDF, s26;
	v26 =	vbroadcast v52, $0x0;
	v41 =	vld.idx.msk [tilespmem:v15+s20+$0x0], $0xffff  }
0x241: {  	v8 =	vor.u32 v3, v8;
	v39 =	vshll.u32 v37, v2;
	v46 =	vmov s31;
	[tilespmem:v43+s2+$0x0] =	vst.idx.add.f32.msk $0xffff, v48  }
0x242: {  	v40 =	vshrl.u32 v38, $0x3;
	v45 =	vshrl.u32 v44, $0x3;
	v15 =	vshrl.u32 v46, $0x3;
	v54 =	vld [tilespmem:s25+$0xFFFFF8A0]  }
0x243: {  	v13 =	vshll.u32 v45, v2;
	v49 =	vshll.u32 v15, v2;
	v28 =	vld.idx.msk [tilespmem:v7+s20+$0x0], $0xffff;
	v7 =	vadd.s32 $0x2, v36  }
0x244: {  	v27 =	vld.idx.msk [tilespmem:v11+s20+$0x0], $0xffff;
	v48 =	vadd.s32 $0x5, v13;
	v13 =	vadd.s32 $0x6, v49;
	v7 =	vbroadcast v7, $0x0  }
0x245: {  	v42 =	vshll.u32 v40, v2;
	v33 =	vbroadcast v13, $0x0;
	v29 =	vld.idx.msk [tilespmem:v10+s20+$0x0], $0xffff;
	v10 =	vadd.s32 $0x3, v39  }
0x246: {  	v53 =	vshll.u32 v5, $0x5;
	v5 =	vld.idx.msk [tilespmem:v26+s20+$0x0], $0xffff;
	v43 =	vadd.s32 $0x4, v42;
	v10 =	vbroadcast v10, $0x0  }
0x247: {  	v15 =	vld.idx.msk [tilespmem:v63+s20+$0x0], $0xffff;
	v30 =	vbroadcast v43, $0x0  }
0x248: {  	[tilespmem:v8+s2+$0x0] =	vst.idx.add.f32.msk $0xffff, v54;
	v8 =	vbroadcast v48, $0x0  }
0x249: {  	v27 =	vshll.u32 v27, $0x5;
	v59 =	vld [tilespmem:s25+$0xFFFFF8B0]  }
0x24a: {  	v35 =	vor.u32 v0, v27;
	v13 =	vld.idx.msk [tilespmem:v7+s20+$0x0], $0xffff  }
0x24b: {  	v36 =	vor.u32 v0, v53;
	v7 =	vld.idx.msk [tilespmem:v33+s20+$0x0], $0xffff  }
0x24c: {  	v11 =	vld.idx.msk [tilespmem:v10+s20+$0x0], $0xffff  }
0x24d: {  	v10 =	vld.idx.msk [tilespmem:v30+s20+$0x0], $0xffff  }
0x24e: {  	v8 =	vld.idx.msk [tilespmem:v8+s20+$0x0], $0xffff  }
0x24f: {  	[tilespmem:v35+s2+$0x0] =	vst.idx.add.f32.msk $0xffff, v34  }
0x250: {  	[tilespmem:v36+s2+$0x0] =	vst.idx.add.f32.msk $0xffff, v59  }
0x251: {  	v27 =	vor.u32 v3, v27;
	v54 =	vld [tilespmem:s25+$0xFFFFFA20]  }
0x252: {  	v30 =	vor.u32 v3, v53;
	v25 =	vld [tilespmem:s25+$0xFFFFF8C0];
	_ =	sdelay $0x3  }
0x253: {  	[tilespmem:v27+s2+$0x0] =	vst.idx.add.f32.msk $0xffff, v54  }
0x254: {  	v55 =	vshll.u32 v28, $0x5;
	[tilespmem:v30+s2+$0x0] =	vst.idx.add.f32.msk $0xffff, v25  }
0x255: {  	v23 =	vshll.u32 v23, $0x5;
	v28 =	vor.u32 v0, v55;
	v27 =	vld [tilespmem:s25+$0xFFFFFA30]  }
0x256: {  	v56 =	vor.u32 v0, v23;
	v25 =	vld [tilespmem:s25+$0xFFFFF8D0];
	_ =	sdelay $0x3  }
0x257: {  	[tilespmem:v28+s2+$0x0] =	vst.idx.add.f32.msk $0xffff, v27  }
0x258: {  	[tilespmem:v56+s2+$0x0] =	vst.idx.add.f32.msk $0xffff, v25  }
0x259: {  	v26 =	vor.u32 v3, v55;
	v27 =	vld [tilespmem:s25+$0xFFFFFA40]  }
0x25a: {  	v23 =	vor.u32 v3, v23;
	v25 =	vld [tilespmem:s25+$0xFFFFF8E0];
	_ =	sdelay $0x3  }
0x25b: {  	[tilespmem:v26+s2+$0x0] =	vst.idx.add.f32.msk $0xffff, v27  }
0x25c: {  	v57 =	vshll.u32 v29, $0x5;
	[tilespmem:v23+s2+$0x0] =	vst.idx.add.f32.msk $0xffff, v25  }
0x25d: {  	v22 =	vshll.u32 v22, $0x5;
	v58 =	vor.u32 v0, v57;
	v27 =	vld [tilespmem:s25+$0xFFFFFA50]  }
0x25e: {  	v59 =	vor.u32 v0, v22;
	v23 =	vld [tilespmem:s25+$0xFFFFF8F0];
	_ =	sdelay $0x3  }
0x25f: {  	[tilespmem:v58+s2+$0x0] =	vst.idx.add.f32.msk $0xffff, v27  }
0x260: {  	[tilespmem:v59+s2+$0x0] =	vst.idx.add.f32.msk $0xffff, v23  }
0x261: {  	v26 =	vor.u32 v3, v57;
	v27 =	vld [tilespmem:s25+$0xFFFFFA60]  }
0x262: {  	v22 =	vor.u32 v3, v22;
	v23 =	vld [tilespmem:s25+$0xFFFFF900];
	_ =	sdelay $0x3  }
0x263: {  	[tilespmem:v26+s2+$0x0] =	vst.idx.add.f32.msk $0xffff, v27  }
0x264: {  	v24 =	vshll.u32 v41, $0x5;
	[tilespmem:v22+s2+$0x0] =	vst.idx.add.f32.msk $0xffff, v23  }
0x265: {  	v20 =	vshll.u32 v20, $0x5;
	v61 =	vor.u32 v0, v24;
	v60 =	vld [tilespmem:s25+$0xFFFFFA70]  }
0x266: {  	v62 =	vor.u32 v0, v20;
	v22 =	vld [tilespmem:s25+$0xFFFFF910];
	_ =	sdelay $0x2  }
0x267: {  	s30 =	sadd.s32 $0xFFFFFFE2, s26  }
0x268: {  	v18 =	vshll.u32 v18, $0x5;
	v20 =	vor.u32 v3, v20;
	v41 =	vmov s30;
	s31 =	sadd.s32 $0xFFFFFFE1, s26;
	[tilespmem:v61+s2+$0x0] =	vst.idx.add.f32.msk $0xffff, v60  }
0x269: {  	s30 =	sadd.s32 $0xFFFFFFE4, s26;
	v24 =	vor.u32 v3, v24;
	v39 =	vmov s31;
	s31 =	sadd.s32 $0xFFFFFFE3, s26;
	v29 =	vshrl.u32 v41, $0x3;
	[tilespmem:v62+s2+$0x0] =	vst.idx.add.f32.msk $0xffff, v22  }
0x26a: {  	v46 =	vmov s30;
	v43 =	vmov s31;
	s31 =	sadd.s32 $0xFFFFFFE5, s26;
	v29 =	vshll.u32 v29, v2;
	v25 =	vld [tilespmem:s25+$0xFFFFFA80]  }
0x26b: {  	v48 =	vmov s31;
	v44 =	vadd.s32 $0x1, v29;
	v29 =	vshrl.u32 v46, $0x3;
	v23 =	vld [tilespmem:s25+$0xFFFFF920]  }
0x26c: {  	v38 =	vshll.u32 v32, $0x5;
	v50 =	vshrl.u32 v48, $0x3;
	v29 =	vshll.u32 v29, v2  }
0x26d: {  	s30 =	sadd.s32 $0xFFFFFFE6, s26;
	v63 =	vor.u32 v0, v18;
	v49 =	vadd.s32 $0x3, v29;
	v29 =	vshll.u32 v50, v2  }
0x26e: {  	v18 =	vor.u32 v3, v18;
	v51 =	vmov s30;
	v29 =	vadd.s32 $0x4, v29  }
0x26f: {  	v40 =	vshrl.u32 v39, $0x3;
	v45 =	vshrl.u32 v43, $0x3;
	s31 =	sadd.s32 $0xFFFFFFE7, s26;
	v22 =	vbroadcast v29, $0x0;
	[tilespmem:v24+s2+$0x0] =	vst.idx.add.f32.msk $0xffff, v25  }
0x270: {  	v52 =	vmov s31;
	v33 =	vshrl.u32 v51, $0x3;
	v36 =	vshll.u32 v31, $0x5;
	[tilespmem:v20+s2+$0x0] =	vst.idx.add.f32.msk $0xffff, v23  }
0x271: {  	v53 =	vshll.u32 v33, v2;
	v37 =	vor.u32 v0, v36;
	v54 =	vshrl.u32 v52, $0x3;
	v42 =	vld [tilespmem:s25+$0xFFFFFA90]  }
0x272: {  	v30 =	vshll.u32 v19, $0x5;
	v19 =	vor.u32 v3, v36;
	v32 =	vshll.u32 v54, v2;
	v47 =	vld [tilespmem:s25+$0xFFFFF930]  }
0x273: {  	v32 =	vadd.s32 $0x6, v32;
	v25 =	vshll.u32 v40, v2;
	v23 =	vshll.u32 v45, v2  }
0x274: {  	s29 =	sadd.s32 $0xFFFFFFEA, s26;
	v28 =	vor.u32 v3, v38;
	v25 =	vbroadcast v25, $0x0;
	v23 =	vadd.s32 $0x2, v23  }
0x275: {  	s31 =	sadd.s32 $0xFFFFFFE9, s26;
	v58 =	vmov s29;
	s29 =	sadd.s32 $0xFFFFFFEC, s26;
	v24 =	vor.u32 v0, v38;
	v38 =	vld.idx.msk [tilespmem:v22+s20+$0x0], $0xffff;
	v23 =	vbroadcast v23, $0x0  }
0x276: {  	v41 =	vmov s29;
	s29 =	sadd.s32 $0xFFFFFFEF, s26;
	v29 =	vadd.s32 $0x5, v53;
	v60 =	vmov s31;
	[tilespmem:v37+s2+$0x0] =	vst.idx.add.f32.msk $0xffff, v42  }
0x277: {  	s30 =	sadd.s32 $0xFFFFFFE8, s26;
	v48 =	vmov s29;
	v29 =	vbroadcast v29, $0x0;
	v35 =	vshrl.u32 v60, $0x3;
	[tilespmem:v63+s2+$0x0] =	vst.idx.add.f32.msk $0xffff, v47  }
0x278: {  	v56 =	vmov s30;
	v61 =	vshll.u32 v35, v2;
	v35 =	vshrl.u32 v48, $0x3;
	v31 =	vld [tilespmem:s25+$0xFFFFFAA0]  }
0x279: {  	v34 =	vshrl.u32 v56, $0x3;
	v27 =	vbroadcast v49, $0x0;
	s31 =	sadd.s32 $0xFFFFFFED, s26;
	v50 =	vshll.u32 v35, v2;
	v55 =	vld [tilespmem:s25+$0xFFFFF940]  }
0x27a: {  	v52 =	vadd.s32 $0x6, v50;
	v20 =	vbroadcast v44, $0x0;
	v42 =	vmov s31;
	s31 =	sadd.s32 $0xFFFFFFF0, s26;
	v25 =	vld.idx.msk [tilespmem:v25+s20+$0x0], $0xffff  }
0x27b: {  	v44 =	vshrl.u32 v41, $0x3;
	v45 =	vshrl.u32 v42, $0x3;
	v49 =	vmov s31;
	v41 =	vld.idx.msk [tilespmem:v23+s20+$0x0], $0xffff  }
0x27c: {  	s30 =	sadd.s32 $0xFFFFFFEB, s26;
	v33 =	vshll.u32 v45, v2;
	v36 =	vshrl.u32 v49, $0x3;
	v23 =	vbroadcast v52, $0x0;
	v52 =	vld [tilespmem:s25+$0xFFFFFC10]  }
0x27d: {  	v62 =	vmov s30;
	s30 =	sadd.s32 $0xFFFFFFEE, s26;
	v33 =	vadd.s32 $0x4, v33;
	v51 =	vshll.u32 v36, v2;
	v36 =	vld.idx.msk [tilespmem:v29+s20+$0x0], $0xffff  }
0x27e: {  	v57 =	vshll.u32 v34, v2;
	v46 =	vmov s30;
	s30 =	sadd.s32 $0xFFFFFFF2, s26;
	v33 =	vbroadcast v33, $0x0;
	[tilespmem:v19+s2+$0x0] =	vst.idx.add.f32.msk $0xffff, v31  }
0x27f: {  	v56 =	vmov s30;
	s30 =	sadd.s32 $0xFFFFFFF5, s26;
	v19 =	vbroadcast v32, $0x0;
	v32 =	vshrl.u32 v58, $0x3;
	[tilespmem:v18+s2+$0x0] =	vst.idx.add.f32.msk $0xffff, v55  }
0x280: {  	v26 =	vor.u32 v0, v30;
	v48 =	vmov s30;
	v59 =	vld [tilespmem:s25+$0xFFFFFAB0];
	v32 =	vshll.u32 v32, v2  }
0x281: {  	v40 =	vshrl.u32 v62, $0x3;
	v47 =	vshrl.u32 v46, $0x3;
	v63 =	vld [tilespmem:s25+$0xFFFFF950];
	v32 =	vadd.s32 $0x1, v32  }
0x282: {  	s31 =	sadd.s32 $0xFFFFFFF1, s26;
	v18 =	vbroadcast v61, $0x0;
	v37 =	vbroadcast v32, $0x0;
	v32 =	vshll.u32 v40, v2;
	v40 =	vld.idx.msk [tilespmem:v27+s20+$0x0], $0xffff  }
0x283: {  	v54 =	vmov s31;
	v43 =	vadd.s32 $0x2, v32;
	v32 =	vshll.u32 v44, v2;
	v44 =	vld.idx.msk [tilespmem:v20+s20+$0x0], $0xffff  }
0x284: {  	v49 =	vshrl.u32 v48, $0x3;
	v53 =	vadd.s32 $0x7, v51;
	v31 =	vadd.s32 $0x7, v57;
	v22 =	vld.idx.msk [tilespmem:v33+s20+$0x0], $0xffff  }
0x285: {  	s29 =	sadd.s32 $0xFFFFFFF3, s26;
	v55 =	vshrl.u32 v54, $0x3;
	v46 =	vshll.u32 v25, $0x5;
	v57 =	vshrl.u32 v56, $0x3;
	[tilespmem:v24+s2+$0x0] =	vst.idx.add.f32.msk $0xffff, v59  }
0x286: {  	v58 =	vmov s29;
	v31 =	vbroadcast v31, $0x0;
	v20 =	vshll.u32 v55, v2;
	v34 =	vld [tilespmem:s25+$0xFFFFFAC0]  }
0x287: {  	s31 =	sadd.s32 $0xFFFFFFF4, s26;
	v61 =	vshrl.u32 v58, $0x3;
	v32 =	vadd.s32 $0x3, v32;
	v42 =	vbroadcast v20, $0x0;
	[tilespmem:v26+s2+$0x0] =	vst.idx.add.f32.msk $0xffff, v63  }
0x288: {  	v20 =	vshll.u32 v57, v2;
	v24 =	vbroadcast v43, $0x0;
	v59 =	vmov s31;
	v29 =	vld.idx.msk [tilespmem:v18+s20+$0x0], $0xffff  }
0x289: {  	v26 =	vbroadcast v32, $0x0;
	v32 =	vshll.u32 v47, v2;
	v43 =	vld [tilespmem:s25+$0xFFFFF960];
	v62 =	vshrl.u32 v59, $0x3  }
0x28a: {  	v63 =	vshll.u32 v61, v2;
	v18 =	vshll.u32 v49, v2;
	v25 =	vshll.u32 v62, v2;
	v27 =	vld.idx.msk [tilespmem:v37+s20+$0x0], $0xffff  }
0x28b: {  	v32 =	vadd.s32 $0x5, v32;
	v45 =	vadd.s32 $0x2, v63;
	v47 =	vadd.s32 $0x3, v25;
	[tilespmem:v28+s2+$0x0] =	vst.idx.add.f32.msk $0xffff, v34  }
0x28c: {  	s31 =	sadd.s32 $0xFFFFFFF7, s26;
	v18 =	vadd.s32 $0x4, v18;
	v37 =	vbroadcast v45, $0x0;
	v45 =	vbroadcast v47, $0x0;
	v34 =	vld.idx.msk [tilespmem:v19+s20+$0x0], $0xffff  }
0x28d: {  	s29 =	sadd.s32 $0xFFFFFFF6, s26;
	v51 =	vmov s31;
	v47 =	vbroadcast v18, $0x0;
	v28 =	vbroadcast v32, $0x0;
	v32 =	vld.idx.msk [tilespmem:v31+s20+$0x0], $0xffff  }
0x28e: {  	v50 =	vmov s29;
	v60 =	vadd.s32 $0x1, v20;
	v20 =	vshrl.u32 v51, $0x3;
	v25 =	vld.idx.msk [tilespmem:v24+s20+$0x0], $0xffff  }
0x28f: {  	v35 =	vbroadcast v53, $0x0;
	v54 =	vshll.u32 v20, v2;
	v24 =	vld.idx.msk [tilespmem:v26+s20+$0x0], $0xffff;
	v19 =	vshrl.u32 v50, $0x3  }
0x290: {  	v39 =	vor.u32 v0, v46;
	s29 =	sadd.s32 $0xFFFFFFF9, s26;
	v50 =	vld.idx.msk [tilespmem:v42+s20+$0x0], $0xffff;
	v53 =	vshll.u32 v19, v2;
	v19 =	vadd.s32 $0x6, v54  }
0x291: {  	v58 =	vmov s29;
	v31 =	vbroadcast v60, $0x0;
	v48 =	vbroadcast v19, $0x0;
	v19 =	vld.idx.msk [tilespmem:v23+s20+$0x0], $0xffff  }
0x292: {  	v33 =	vshrl.u32 v58, $0x3;
	s31 =	sadd.s32 $0xFFFFFFFA, s26;
	v18 =	vadd.s32 $0x5, v53;
	v53 =	vld.idx.msk [tilespmem:v45+s20+$0x0], $0xffff  }
0x293: {  	s30 =	sadd.s32 $0xFFFFFFF8, s26;
	v46 =	vor.u32 v3, v46;
	v49 =	vmov s31;
	v60 =	vshll.u32 v33, v2;
	v47 =	vld.idx.msk [tilespmem:v47+s20+$0x0], $0xffff  }
0x294: {  	v55 =	vmov s30;
	v59 =	vshrl.u32 v49, $0x3;
	v26 =	vbroadcast v60, $0x0;
	v20 =	vld.idx.msk [tilespmem:v28+s20+$0x0], $0xffff  }
0x295: {  	v56 =	vshrl.u32 v55, $0x3;
	s31 =	sadd.s32 $0xFFFFFFFB, s26;
	v61 =	vshll.u32 v59, v2;
	v28 =	vbroadcast v18, $0x0;
	v18 =	vld.idx.msk [tilespmem:v35+s20+$0x0], $0xffff  }
0x296: {  	v57 =	vshll.u32 v56, v2;
	v62 =	vmov s31;
	s31 =	sadd.s32 $0xFFFFFFFD, s26;
	v33 =	vadd.s32 $0x1, v61;
	[tilespmem:v39+s2+$0x0] =	vst.idx.add.f32.msk $0xffff, v52  }
0x297: {  	s30 =	sadd.s32 $0xFFFFFFFC, s26;
	v33 =	vbroadcast v33, $0x0;
	v23 =	vadd.s32 $0x7, v57;
	v57 =	vmov s31;
	v51 =	vld.idx.msk [tilespmem:v31+s20+$0x0], $0xffff  }
0x298: {  	v63 =	vmov s30;
	v23 =	vbroadcast v23, $0x0;
	v58 =	vshrl.u32 v57, $0x3;
	v52 =	vld.idx.msk [tilespmem:v37+s20+$0x0], $0xffff  }
0x299: {  	v56 =	vshrl.u32 v63, $0x3;
	s31 =	sadd.s32 $0xFFFFFFFF, s26;
	v35 =	vshrl.u32 v62, $0x3;
	v37 =	vshll.u32 v58, v2;
	v49 =	vld [tilespmem:s25+$0xFFFFFC20]  }
0x29a: {  	v62 =	vmov s31;
	v42 =	vshll.u32 v35, v2;
	v35 =	vshll.u32 v56, v2;
	v39 =	vld.idx.msk [tilespmem:v26+s20+$0x0], $0xffff  }
0x29b: {  	v59 =	vadd.s32 $0x4, v37;
	v37 =	vshrl.u32 v62, $0x3;
	v62 =	vld [tilespmem:s25+$0xFFFFFE10];
	v31 =	vadd.s32 $0x2, v42  }
0x29c: {  	s30 =	sadd.s32 $0xFFFFFFFE, s26;
	v35 =	vadd.s32 $0x3, v35;
	v45 =	vld.idx.msk [tilespmem:v48+s20+$0x0], $0xffff;
	v31 =	vbroadcast v31, $0x0  }
0x29d: {  	v60 =	vmov s30;
	v56 =	vshll.u32 v37, v2;
	v37 =	vld.idx.msk [tilespmem:v33+s20+$0x0], $0xffff;
	v54 =	vbroadcast v35, $0x0  }
0x29e: {  	v63 =	vmov s26;
	v61 =	vshrl.u32 v60, $0x3;
	v42 =	vld.idx.msk [tilespmem:v23+s20+$0x0], $0xffff;
	v58 =	vadd.s32 $0x6, v56  }
0x29f: {  	v57 =	vshrl.u32 v63, $0x3;
	v35 =	vshll.u32 v61, v2;
	v26 =	vbroadcast v58, $0x0;
	v55 =	vld.idx.msk [tilespmem:v28+s20+$0x0], $0xffff  }
0x2a0: {  	v48 =	vadd.s32 $0x5, v35;
	v28 =	vbroadcast v59, $0x0;
	v59 =	vshll.u32 v57, v2;
	[tilespmem:v46+s2+$0x0] =	vst.idx.add.f32.msk $0xffff, v49  }
0x2a1: {  	v23 =	vbroadcast v48, $0x0;
	v60 =	vadd.s32 $0x7, v59;
	v46 =	vld [tilespmem:s25+$0xFFFFFC30]  }
0x2a2: {  	v61 =	vbroadcast v60, $0x0;
	v35 =	vld.idx.msk [tilespmem:v31+s20+$0x0], $0xffff  }
0x2a3: {  	v50 =	vshll.u32 v50, $0x5;
	v33 =	vld.idx.msk [tilespmem:v54+s20+$0x0], $0xffff  }
0x2a4: {  	v56 =	vor.u32 v0, v50;
	v54 =	vld [tilespmem:s25+$0xFFFFFAD0]  }
0x2a5: {  	v26 =	vld.idx.msk [tilespmem:v26+s20+$0x0], $0xffff  }
0x2a6: {  	v30 =	vor.u32 v3, v30;
	v44 =	vshll.u32 v44, $0x5;
	v31 =	vld.idx.msk [tilespmem:v28+s20+$0x0], $0xffff  }
0x2a7: {  	v60 =	vor.u32 v0, v44;
	v28 =	vld.idx.msk [tilespmem:v23+s20+$0x0], $0xffff  }
0x2a8: {  	v21 =	vshll.u32 v21, $0x5;
	v23 =	vld.idx.msk [tilespmem:v61+s20+$0x0], $0xffff  }
0x2a9: {  	[tilespmem:v56+s2+$0x0] =	vst.idx.add.f32.msk $0xffff, v62;
	v56 =	vor.u32 v0, v21  }
0x2aa: {  	v50 =	vor.u32 v3, v50;
	v63 =	vld [tilespmem:s25+$0xFFFFFE20]  }
0x2ab: {  	[tilespmem:v30+s2+$0x0] =	vst.idx.add.f32.msk $0xffff, v43  }
0x2ac: {  	[tilespmem:v60+s2+$0x0] =	vst.idx.add.f32.msk $0xffff, v46  }
0x2ad: {  	v44 =	vor.u32 v3, v44;
	v46 =	vld [tilespmem:s25+$0xFFFFFC40]  }
0x2ae: {  	[tilespmem:v56+s2+$0x0] =	vst.idx.add.f32.msk $0xffff, v54  }
0x2af: {  	v61 =	vshll.u32 v51, $0x5;
	[tilespmem:v50+s2+$0x0] =	vst.idx.add.f32.msk $0xffff, v63  }
0x2b0: {  	v63 =	vor.u32 v0, v61;
	v62 =	vld [tilespmem:s25+$0xFFFFFE30]  }
0x2b1: {  	v14 =	vshll.u32 v14, $0x5;
	v56 =	vld [tilespmem:s25+$0xFFFFF970]  }
0x2b2: {  	v41 =	vshll.u32 v41, $0x5;
	v57 =	vor.u32 v0, v14;
	[tilespmem:v44+s2+$0x0] =	vst.idx.add.f32.msk $0xffff, v46  }
0x2b3: {  	v59 =	vor.u32 v0, v41;
	v44 =	vld [tilespmem:s25+$0xFFFFFC50]  }
0x2b4: {  	v58 =	vld [tilespmem:s25+$0xFFFFFAE0]  }
0x2b5: {  	[tilespmem:v63+s2+$0x0] =	vst.idx.add.f32.msk $0xffff, v62  }
0x2b6: {  	v30 =	vor.u32 v3, v61;
	v43 =	vld [tilespmem:s25+$0xFFFFFE40]  }
0x2b7: {  	[tilespmem:v57+s2+$0x0] =	vst.idx.add.f32.msk $0xffff, v56  }
0x2b8: {  	v21 =	vor.u32 v3, v21;
	[tilespmem:v59+s2+$0x0] =	vst.idx.add.f32.msk $0xffff, v44  }
0x2b9: {  	v62 =	vld [tilespmem:s25+$0xFFFFFC60]  }
0x2ba: {  	v41 =	vor.u32 v3, v41;
	v63 =	vld [tilespmem:s25+$0xFFFFF980]  }
0x2bb: {  	v14 =	vor.u32 v3, v14;
	v60 =	vshll.u32 v52, $0x5;
	[tilespmem:v30+s2+$0x0] =	vst.idx.add.f32.msk $0xffff, v43  }
0x2bc: {  	v61 =	vor.u32 v0, v60;
	v43 =	vld [tilespmem:s25+$0xFFFFFE50]  }
0x2bd: {  	v17 =	vshll.u32 v17, $0x5;
	[tilespmem:v21+s2+$0x0] =	vst.idx.add.f32.msk $0xffff, v58  }
0x2be: {  	v54 =	vor.u32 v0, v17;
	v52 =	vld [tilespmem:s25+$0xFFFFFAF0]  }
0x2bf: {  	[tilespmem:v41+s2+$0x0] =	vst.idx.add.f32.msk $0xffff, v62  }
0x2c0: {  	[tilespmem:v14+s2+$0x0] =	vst.idx.add.f32.msk $0xffff, v63  }
0x2c1: {  	[tilespmem:v61+s2+$0x0] =	vst.idx.add.f32.msk $0xffff, v43  }
0x2c2: {  	v30 =	vor.u32 v3, v60;
	v43 =	vld [tilespmem:s25+$0xFFFFFE60]  }
0x2c3: {  	v56 =	vshll.u32 v40, $0x5;
	[tilespmem:v54+s2+$0x0] =	vst.idx.add.f32.msk $0xffff, v52  }
0x2c4: {  	v58 =	vor.u32 v0, v56;
	v57 =	vld [tilespmem:s25+$0xFFFFFC70]  }
0x2c5: {  	v17 =	vor.u32 v3, v17;
	v63 =	vld [tilespmem:s25+$0xFFFFFB00];
	_ =	sdelay $0x1  }
0x2c6: {  	v59 =	vshll.u32 v53, $0x5;
	[tilespmem:v30+s2+$0x0] =	vst.idx.add.f32.msk $0xffff, v43  }
0x2c7: {  	v60 =	vor.u32 v0, v59;
	v30 =	vld [tilespmem:s25+$0xFFFFFE70]  }
0x2c8: {  	[tilespmem:v58+s2+$0x0] =	vst.idx.add.f32.msk $0xffff, v57  }
0x2c9: {  	[tilespmem:v17+s2+$0x0] =	vst.idx.add.f32.msk $0xffff, v63  }
0x2ca: {  	v12 =	vshll.u32 v12, $0x5;
	v21 =	vor.u32 v3, v56;
	v40 =	vld [tilespmem:s25+$0xFFFFFC80]  }
0x2cb: {  	v62 =	vor.u32 v0, v12;
	v61 =	vld [tilespmem:s25+$0xFFFFF990]  }
0x2cc: {  	[tilespmem:v60+s2+$0x0] =	vst.idx.add.f32.msk $0xffff, v30  }
0x2cd: {  	v14 =	vor.u32 v3, v59;
	v30 =	vld [tilespmem:s25+$0xFFFFFE80]  }
0x2ce: {  	v16 =	vshll.u32 v16, $0x5;
	v54 =	vld [tilespmem:s25+$0xFFFFFB10]  }
0x2cf: {  	v56 =	vor.u32 v0, v16;
	[tilespmem:v21+s2+$0x0] =	vst.idx.add.f32.msk $0xffff, v40  }
0x2d0: {  	v46 =	vshll.u32 v38, $0x5;
	[tilespmem:v62+s2+$0x0] =	vst.idx.add.f32.msk $0xffff, v61  }
0x2d1: {  	v49 =	vor.u32 v0, v46;
	v48 =	vld [tilespmem:s25+$0xFFFFFC90]  }
0x2d2: {  	v50 =	vshll.u32 v47, $0x5;
	[tilespmem:v14+s2+$0x0] =	vst.idx.add.f32.msk $0xffff, v30  }
0x2d3: {  	v51 =	vor.u32 v0, v50;
	v30 =	vld [tilespmem:s25+$0xFFFFFE90]  }
0x2d4: {  	[tilespmem:v56+s2+$0x0] =	vst.idx.add.f32.msk $0xffff, v54  }
0x2d5: {  	v53 =	vld [tilespmem:s25+$0xFFFFF9A0]  }
0x2d6: {  	v12 =	vor.u32 v3, v12;
	[tilespmem:v49+s2+$0x0] =	vst.idx.add.f32.msk $0xffff, v48  }
0x2d7: {  	v21 =	vor.u32 v3, v46;
	v52 =	vld [tilespmem:s25+$0xFFFFFCA0]  }
0x2d8: {  	[tilespmem:v51+s2+$0x0] =	vst.idx.add.f32.msk $0xffff, v30  }
0x2d9: {  	v14 =	vor.u32 v3, v50;
	v30 =	vld [tilespmem:s25+$0xFFFFFEA0]  }
0x2da: {  	v62 =	vld [tilespmem:s25+$0xFFFFFB20]  }
0x2db: {  	v16 =	vor.u32 v3, v16;
	[tilespmem:v12+s2+$0x0] =	vst.idx.add.f32.msk $0xffff, v53  }
0x2dc: {  	v57 =	vshll.u32 v36, $0x5;
	[tilespmem:v21+s2+$0x0] =	vst.idx.add.f32.msk $0xffff, v52  }
0x2dd: {  	v36 =	vor.u32 v0, v57;
	v21 =	vld [tilespmem:s25+$0xFFFFFCB0]  }
0x2de: {  	v58 =	vshll.u32 v55, $0x5;
	[tilespmem:v14+s2+$0x0] =	vst.idx.add.f32.msk $0xffff, v30  }
0x2df: {  	v59 =	vor.u32 v0, v58;
	v14 =	vld [tilespmem:s25+$0xFFFFFEB0]  }
0x2e0: {  	v9 =	vshll.u32 v9, $0x5;
	[tilespmem:v16+s2+$0x0] =	vst.idx.add.f32.msk $0xffff, v62  }
0x2e1: {  	v61 =	vor.u32 v0, v9;
	v60 =	vld [tilespmem:s25+$0xFFFFF9B0]  }
0x2e2: {  	[tilespmem:v36+s2+$0x0] =	vst.idx.add.f32.msk $0xffff, v21  }
0x2e3: {  	v17 =	vor.u32 v3, v57;
	v21 =	vld [tilespmem:s25+$0xFFFFFCC0]  }
0x2e4: {  	[tilespmem:v59+s2+$0x0] =	vst.idx.add.f32.msk $0xffff, v14  }
0x2e5: {  	v12 =	vor.u32 v3, v58;
	v14 =	vld [tilespmem:s25+$0xFFFFFEC0]  }
0x2e6: {  	[tilespmem:v61+s2+$0x0] =	vst.idx.add.f32.msk $0xffff, v60  }
0x2e7: {  	v9 =	vor.u32 v3, v9;
	v44 =	vld [tilespmem:s25+$0xFFFFF9C0]  }
0x2e8: {  	v63 =	vshll.u32 v34, $0x5;
	[tilespmem:v17+s2+$0x0] =	vst.idx.add.f32.msk $0xffff, v21  }
0x2e9: {  	v34 =	vor.u32 v0, v63;
	v21 =	vld [tilespmem:s25+$0xFFFFFCD0]  }
0x2ea: {  	v40 =	vshll.u32 v45, $0x5;
	[tilespmem:v12+s2+$0x0] =	vst.idx.add.f32.msk $0xffff, v14  }
0x2eb: {  	v41 =	vor.u32 v0, v40;
	v14 =	vld [tilespmem:s25+$0xFFFFFED0]  }
0x2ec: {  	v15 =	vshll.u32 v15, $0x5;
	[tilespmem:v9+s2+$0x0] =	vst.idx.add.f32.msk $0xffff, v44  }
0x2ed: {  	v45 =	vor.u32 v0, v15;
	v30 =	vld [tilespmem:s25+$0xFFFFFB30]  }
0x2ee: {  	[tilespmem:v34+s2+$0x0] =	vst.idx.add.f32.msk $0xffff, v21  }
0x2ef: {  	v17 =	vor.u32 v3, v63;
	v43 =	vld [tilespmem:s25+$0xFFFFFCE0]  }
0x2f0: {  	[tilespmem:v41+s2+$0x0] =	vst.idx.add.f32.msk $0xffff, v14  }
0x2f1: {  	v12 =	vor.u32 v3, v40;
	v14 =	vld [tilespmem:s25+$0xFFFFFEE0]  }
0x2f2: {  	[tilespmem:v45+s2+$0x0] =	vst.idx.add.f32.msk $0xffff, v30  }
0x2f3: {  	v6 =	vshll.u32 v6, $0x5;
	v21 =	vld [tilespmem:s25+$0xFFFFF9D0]  }
0x2f4: {  	v46 =	vshll.u32 v32, $0x5;
	v49 =	vor.u32 v0, v6;
	[tilespmem:v17+s2+$0x0] =	vst.idx.add.f32.msk $0xffff, v43  }
0x2f5: {  	v32 =	vor.u32 v0, v46;
	v17 =	vld [tilespmem:s25+$0xFFFFFCF0]  }
0x2f6: {  	v47 =	vshll.u32 v42, $0x5;
	[tilespmem:v12+s2+$0x0] =	vst.idx.add.f32.msk $0xffff, v14  }
0x2f7: {  	v48 =	vor.u32 v0, v47;
	v12 =	vld [tilespmem:s25+$0xFFFFFEF0]  }
0x2f8: {  	v50 =	vld [tilespmem:s25+$0xFFFFFB40]  }
0x2f9: {  	v15 =	vor.u32 v3, v15;
	[tilespmem:v49+s2+$0x0] =	vst.idx.add.f32.msk $0xffff, v21  }
0x2fa: {  	[tilespmem:v32+s2+$0x0] =	vst.idx.add.f32.msk $0xffff, v17  }
0x2fb: {  	v16 =	vor.u32 v3, v46;
	v17 =	vld [tilespmem:s25+$0xFFFFFD00]  }
0x2fc: {  	[tilespmem:v48+s2+$0x0] =	vst.idx.add.f32.msk $0xffff, v12  }
0x2fd: {  	v9 =	vor.u32 v3, v47;
	v12 =	vld [tilespmem:s25+$0xFFFFFF00]  }
0x2fe: {  	[tilespmem:v15+s2+$0x0] =	vst.idx.add.f32.msk $0xffff, v50  }
0x2ff: {  	v56 =	vld [tilespmem:s25+$0xFFFFF9E0]  }
0x300: {  	v6 =	vor.u32 v3, v6;
	v51 =	vshll.u32 v29, $0x5;
	[tilespmem:v16+s2+$0x0] =	vst.idx.add.f32.msk $0xffff, v17  }
0x301: {  	v29 =	vor.u32 v0, v51;
	v17 =	vld [tilespmem:s25+$0xFFFFFD10]  }
0x302: {  	v52 =	vshll.u32 v39, $0x5;
	[tilespmem:v9+s2+$0x0] =	vst.idx.add.f32.msk $0xffff, v12  }
0x303: {  	v53 =	vor.u32 v0, v52;
	v12 =	vld [tilespmem:s25+$0xFFFFFF10]  }
0x304: {  	v13 =	vshll.u32 v13, $0x5;
	v57 =	vld [tilespmem:s25+$0xFFFFFB50]  }
0x305: {  	v58 =	vor.u32 v0, v13;
	[tilespmem:v6+s2+$0x0] =	vst.idx.add.f32.msk $0xffff, v56  }
0x306: {  	[tilespmem:v29+s2+$0x0] =	vst.idx.add.f32.msk $0xffff, v17  }
0x307: {  	v55 =	vor.u32 v3, v51;
	v54 =	vld [tilespmem:s25+$0xFFFFFD20]  }
0x308: {  	[tilespmem:v53+s2+$0x0] =	vst.idx.add.f32.msk $0xffff, v12  }
0x309: {  	v9 =	vor.u32 v3, v52;
	v12 =	vld [tilespmem:s25+$0xFFFFFF20]  }
0x30a: {  	[tilespmem:v58+s2+$0x0] =	vst.idx.add.f32.msk $0xffff, v57  }
0x30b: {  	v63 =	vld [tilespmem:s25+$0xFFFFFB60]  }
0x30c: {  	v13 =	vor.u32 v3, v13;
	v59 =	vshll.u32 v27, $0x5;
	[tilespmem:v55+s2+$0x0] =	vst.idx.add.f32.msk $0xffff, v54  }
0x30d: {  	v27 =	vor.u32 v0, v59;
	v15 =	vld [tilespmem:s25+$0xFFFFFD30]  }
0x30e: {  	v60 =	vshll.u32 v37, $0x5;
	[tilespmem:v9+s2+$0x0] =	vst.idx.add.f32.msk $0xffff, v12  }
0x30f: {  	v61 =	vor.u32 v0, v60;
	v9 =	vld [tilespmem:s25+$0xFFFFFF30]  }
0x310: {  	v16 =	vld [tilespmem:s25+$0xFFFFF9F0]  }
0x311: {  	v4 =	vshll.u32 v4, $0x5;
	[tilespmem:v13+s2+$0x0] =	vst.idx.add.f32.msk $0xffff, v63  }
0x312: {  	v62 =	vor.u32 v0, v4;
	[tilespmem:v27+s2+$0x0] =	vst.idx.add.f32.msk $0xffff, v15  }
0x313: {  	v14 =	vor.u32 v3, v59;
	v15 =	vld [tilespmem:s25+$0xFFFFFD40]  }
0x314: {  	[tilespmem:v61+s2+$0x0] =	vst.idx.add.f32.msk $0xffff, v9  }
0x315: {  	v6 =	vor.u32 v3, v60;
	v9 =	vld [tilespmem:s25+$0xFFFFFF40]  }
0x316: {  	v37 =	vld [tilespmem:s25+$0xFFFFFB70]  }
0x317: {  	v11 =	vshll.u32 v11, $0x5;
	[tilespmem:v62+s2+$0x0] =	vst.idx.add.f32.msk $0xffff, v16  }
0x318: {  	v38 =	vor.u32 v0, v11;
	v27 =	vshll.u32 v25, $0x5;
	[tilespmem:v14+s2+$0x0] =	vst.idx.add.f32.msk $0xffff, v15  }
0x319: {  	v29 =	vor.u32 v0, v27;
	v15 =	vld [tilespmem:s25+$0xFFFFFD50]  }
0x31a: {  	v30 =	vshll.u32 v35, $0x5;
	[tilespmem:v6+s2+$0x0] =	vst.idx.add.f32.msk $0xffff, v9  }
0x31b: {  	v32 =	vor.u32 v0, v30;
	v9 =	vld [tilespmem:s25+$0xFFFFFF50]  }
0x31c: {  	v36 =	vld [tilespmem:s25+$0xFFFFFA00]  }
0x31d: {  	[tilespmem:v38+s2+$0x0] =	vst.idx.add.f32.msk $0xffff, v37  }
0x31e: {  	v4 =	vor.u32 v3, v4;
	[tilespmem:v29+s2+$0x0] =	vst.idx.add.f32.msk $0xffff, v15  }
0x31f: {  	v35 =	vor.u32 v3, v27;
	v34 =	vld [tilespmem:s25+$0xFFFFFD60]  }
0x320: {  	[tilespmem:v32+s2+$0x0] =	vst.idx.add.f32.msk $0xffff, v9  }
0x321: {  	v6 =	vor.u32 v3, v30;
	v9 =	vld [tilespmem:s25+$0xFFFFFF60]  }
0x322: {  	v42 =	vld [tilespmem:s25+$0xFFFFFB80]  }
0x323: {  	v11 =	vor.u32 v3, v11;
	[tilespmem:v4+s2+$0x0] =	vst.idx.add.f32.msk $0xffff, v36  }
0x324: {  	v39 =	vshll.u32 v24, $0x5;
	[tilespmem:v35+s2+$0x0] =	vst.idx.add.f32.msk $0xffff, v34  }
0x325: {  	v40 =	vor.u32 v0, v39;
	v13 =	vld [tilespmem:s25+$0xFFFFFD70]  }
0x326: {  	v4 =	vshll.u32 v33, $0x5;
	[tilespmem:v6+s2+$0x0] =	vst.idx.add.f32.msk $0xffff, v9  }
0x327: {  	v41 =	vor.u32 v0, v4;
	v6 =	vld [tilespmem:s25+$0xFFFFFF70]  }
0x328: {  	v10 =	vshll.u32 v10, $0x5;
	[tilespmem:v11+s2+$0x0] =	vst.idx.add.f32.msk $0xffff, v42  }
0x329: {  	v44 =	vor.u32 v0, v10;
	v11 =	vld [tilespmem:s25+$0xFFFFFB90]  }
0x32a: {  	[tilespmem:v40+s2+$0x0] =	vst.idx.add.f32.msk $0xffff, v13  }
0x32b: {  	v12 =	vor.u32 v3, v39;
	v43 =	vld [tilespmem:s25+$0xFFFFFD80]  }
0x32c: {  	[tilespmem:v41+s2+$0x0] =	vst.idx.add.f32.msk $0xffff, v6  }
0x32d: {  	v4 =	vor.u32 v3, v4;
	v9 =	vld [tilespmem:s25+$0xFFFFFF80]  }
0x32e: {  	[tilespmem:v44+s2+$0x0] =	vst.idx.add.f32.msk $0xffff, v11  }
0x32f: {  	v10 =	vor.u32 v3, v10;
	v11 =	vld [tilespmem:s25+$0xFFFFFBA0]  }
0x330: {  	v45 =	vshll.u32 v22, $0x5;
	[tilespmem:v12+s2+$0x0] =	vst.idx.add.f32.msk $0xffff, v43  }
0x331: {  	v46 =	vor.u32 v0, v45;
	v14 =	vld [tilespmem:s25+$0xFFFFFD90]  }
0x332: {  	[tilespmem:v4+s2+$0x0] =	vst.idx.add.f32.msk $0xffff, v9;
	v4 =	vshll.u32 v31, $0x5  }
0x333: {  	v9 =	vld [tilespmem:s25+$0xFFFFFF90];
	v47 =	vor.u32 v0, v4  }
0x334: {  	v8 =	vshll.u32 v8, $0x5;
	[tilespmem:v10+s2+$0x0] =	vst.idx.add.f32.msk $0xffff, v11  }
0x335: {  	v49 =	vor.u32 v0, v8;
	v10 =	vld [tilespmem:s25+$0xFFFFFBB0]  }
0x336: {  	[tilespmem:v46+s2+$0x0] =	vst.idx.add.f32.msk $0xffff, v14  }
0x337: {  	v12 =	vor.u32 v3, v45;
	v48 =	vld [tilespmem:s25+$0xFFFFFDA0]  }
0x338: {  	[tilespmem:v47+s2+$0x0] =	vst.idx.add.f32.msk $0xffff, v9  }
0x339: {  	v4 =	vor.u32 v3, v4;
	v9 =	vld [tilespmem:s25+$0xFFFFFFA0]  }
0x33a: {  	[tilespmem:v49+s2+$0x0] =	vst.idx.add.f32.msk $0xffff, v10  }
0x33b: {  	v8 =	vor.u32 v3, v8;
	v10 =	vld [tilespmem:s25+$0xFFFFFBC0]  }
0x33c: {  	v50 =	vshll.u32 v20, $0x5;
	[tilespmem:v12+s2+$0x0] =	vst.idx.add.f32.msk $0xffff, v48  }
0x33d: {  	v51 =	vor.u32 v0, v50;
	v13 =	vld [tilespmem:s25+$0xFFFFFDB0]  }
0x33e: {  	[tilespmem:v4+s2+$0x0] =	vst.idx.add.f32.msk $0xffff, v9;
	v4 =	vshll.u32 v28, $0x5  }
0x33f: {  	v9 =	vld [tilespmem:s25+$0xFFFFFFB0];
	v52 =	vor.u32 v0, v4  }
0x340: {  	v7 =	vshll.u32 v7, $0x5;
	[tilespmem:v8+s2+$0x0] =	vst.idx.add.f32.msk $0xffff, v10  }
0x341: {  	v54 =	vor.u32 v0, v7;
	v8 =	vld [tilespmem:s25+$0xFFFFFBD0]  }
0x342: {  	[tilespmem:v51+s2+$0x0] =	vst.idx.add.f32.msk $0xffff, v13  }
0x343: {  	v12 =	vor.u32 v3, v50;
	v53 =	vld [tilespmem:s25+$0xFFFFFDC0]  }
0x344: {  	[tilespmem:v52+s2+$0x0] =	vst.idx.add.f32.msk $0xffff, v9  }
0x345: {  	v4 =	vor.u32 v3, v4;
	v9 =	vld [tilespmem:s25+$0xFFFFFFC0]  }
0x346: {  	[tilespmem:v54+s2+$0x0] =	vst.idx.add.f32.msk $0xffff, v8  }
0x347: {  	v7 =	vor.u32 v3, v7;
	v8 =	vld [tilespmem:s25+$0xFFFFFBE0]  }
0x348: {  	v55 =	vshll.u32 v19, $0x5;
	[tilespmem:v12+s2+$0x0] =	vst.idx.add.f32.msk $0xffff, v53  }
0x349: {  	v56 =	vor.u32 v0, v55;
	v12 =	vld [tilespmem:s25+$0xFFFFFDD0]  }
0x34a: {  	[tilespmem:v4+s2+$0x0] =	vst.idx.add.f32.msk $0xffff, v9;
	v4 =	vshll.u32 v26, $0x5  }
0x34b: {  	v9 =	vld [tilespmem:s25+$0xFFFFFFD0];
	v57 =	vor.u32 v0, v4  }
0x34c: {  	[tilespmem:v7+s2+$0x0] =	vst.idx.add.f32.msk $0xffff, v8  }
0x34d: {  	v5 =	vshll.u32 v5, $0x5;
	v7 =	vld [tilespmem:s25+$0xFFFFFBF0]  }
0x34e: {  	v59 =	vor.u32 v0, v5;
	[tilespmem:v56+s2+$0x0] =	vst.idx.add.f32.msk $0xffff, v12  }
0x34f: {  	v11 =	vor.u32 v3, v55;
	v58 =	vld [tilespmem:s25+$0xFFFFFDE0]  }
0x350: {  	[tilespmem:v57+s2+$0x0] =	vst.idx.add.f32.msk $0xffff, v9  }
0x351: {  	v4 =	vor.u32 v3, v4;
	v9 =	vld [tilespmem:s25+$0xFFFFFFE0];
	_ =	sdelay $0x1  }
0x352: {  	[tilespmem:v59+s2+$0x0] =	vst.idx.add.f32.msk $0xffff, v7  }
0x353: {  	v60 =	vshll.u32 v18, $0x5;
	[tilespmem:v11+s2+$0x0] =	vst.idx.add.f32.msk $0xffff, v58  }
0x354: {  	v61 =	vor.u32 v0, v60;
	v11 =	vld [tilespmem:s25+$0xFFFFFDF0]  }
0x355: {  	[tilespmem:v4+s2+$0x0] =	vst.idx.add.f32.msk $0xffff, v9;
	v4 =	vshll.u32 v23, $0x5  }
0x356: {  	v9 =	vld [tilespmem:s25+$0xFFFFFFF0];
	v62 =	vor.u32 v0, v4  }
0x357: {  	v6 =	vld @!p0 [tilespmem:s28+$0xFFFFFFD0]  }
0x358: {  	v5 =	vor.u32 v3, v5;
	v7 =	vld [tilespmem:s25+$0xFFFFFC00]  }
0x359: {  	[tilespmem:v61+s2+$0x0] =	vst.idx.add.f32.msk $0xffff, v11  }
0x35a: {  	v10 =	vor.u32 v3, v60;
	v63 =	vld [tilespmem:s25+$0xFFFFFE00]  }
0x35b: {  	[tilespmem:v62+s2+$0x0] =	vst.idx.add.f32.msk $0xffff, v9  }
0x35c: {  	v4 =	vor.u32 v3, v4;
	v9 =	vld [tilespmem:s25+$0x0]  }
0x35d: {  	[tilespmem:v5+s2+$0x0] =	vst.idx.add.f32.msk $0xffff, v7  }
0x35e: {  	v5 =	vld @!p0 [tilespmem:s28+$0xFFFFFFE0]  }
0x35f: {  	[tilespmem:v10+s2+$0x0] =	vst.idx.add.f32.msk $0xffff, v63  }
0x360: {  	v7 =	vld @!p0 [tilespmem:s28+$0xFFFFFFF0]  }
0x361: {  	[tilespmem:v4+s2+$0x0] =	vst.idx.add.f32.msk $0xffff, v9  }
0x362: {  	v4 =	vld @!p0 [tilespmem:s28+$0x0];
	_ =	sdelay $0x1  }
0x363: {  	v6 =	vshll.u32 @!p0 v6, $0x4  }
0x364: {  	v5 =	vshll.u32 @!p0 v5, $0x4  }
0x365: {  	s24 =	sadd.s32 $0x4, s24;
	v7 =	vshll.u32 @!p0 v7, $0x4  }
0x366: {  	p1 =	slt.u32 s24, $0x3C;
	v4 =	vshll.u32 @!p0 v4, $0x4  }
.Ltmp4:
0x367: {  	s29 =	simm.s32 @!p0 $0x8000;
	v8 =	vimm.f32 @!p0 $1.000000000e+00;
	(pc) =	sbr.rel @p1 .LBB2_10-.Ltmp4, $4  }
0x368: {  	[tilespmem:v6+s29+$0x0] =	vst.idx.add.f32.msk @!p0 $0xffff, v8  }
0x369: {  	[tilespmem:v5+s29+$0x0] =	vst.idx.add.f32.msk @!p0 $0xffff, v8  }
0x36a: {  	[tilespmem:v7+s29+$0x0] =	vst.idx.add.f32.msk @!p0 $0xffff, v8  }
0x36b: {  	s26 =	sadd.s32 $0x40, s26;
	s25 =	sadd.s32 $0x800, s25;
	s28 =	sadd.s32 $0x40, s28;
	[tilespmem:v4+s29+$0x0] =	vst.idx.add.f32.msk @!p0 $0xffff, v8  }
0x36c: {  	[tilespmem:s19], [sflag:$0x1] =	stream.strided.gather [hbm4b:s10+s15], $0x8000, s18, s15, $0x38;
	[tilespmem:$0x1C800] =	vst v63  }
0x36d: {  	_ = 	snop  }
0x36e: {  	[tilespmem:s20], [sflag:$0x2] =	stream.linear.gather [hbm4b:s11+s2], $0x400, $0x38;
	[tilespmem:$0x1C800] =	vst v63  }
0x36f: {  	_ =	swait.ge [sflag:s3], $0x8000  }
0x370: {  	[sflag:s3] =	ssyncset.done $0x0  }
0x371: {  	[sflag:s3] =	ssyncadd.s32 $0xFFFF8000  }
0x372: {  	_ =	swait.ge [sflag:s21], $0x400  }
0x373: {  	s24 =	simm.s32 $0xFFFFFFFC;
	s25 =	simm.s32 $0x3F;
	[sflag:s21] =	ssyncset.done $0x0  }
0x374: {  	s26 =	simm.s32 $0xC400;
	s28 =	simm.s32 $0x1C020;
	[sflag:s21] =	ssyncadd.s32 $0xFFFFFC00  }
.LBB2_12:
0x375: {  	s29 =	sadd.s32 $0xFFFFFFC1, s25;
	s30 =	sadd.s32 $0xFFFFFFC2, s25;
	s31 =	sadd.s32 $0xFFFFFFC3, s25  }
0x376: {  	v4 =	vmov s29;
	v5 =	vmov s30;
	s30 =	sadd.s32 $0xFFFFFFC4, s25;
	v6 =	vmov s31  }
0x377: {  	s29 =	sadd.s32 $0xFFFFFFC6, s25;
	s31 =	sadd.s32 $0xFFFFFFC7, s25;
	v4 =	vshrl.u32 v4, $0x3;
	v5 =	vshrl.u32 v5, $0x3;
	v7 =	vmov s30  }
0x378: {  	v6 =	vshrl.u32 v6, $0x3;
	v9 =	vmov s29;
	v10 =	vmov s31  }
0x379: {  	s30 =	sadd.s32 $0xFFFFFFC5, s25;
	v4 =	vshll.u32 v4, v2;
	v5 =	vshll.u32 v5, v2;
	v7 =	vshrl.u32 v7, $0x3  }
0x37a: {  	s29 =	sadd.s32 $0xFFFFFFC9, s25;
	s31 =	sadd.s32 $0xFFFFFFCA, s25;
	v6 =	vshll.u32 v6, v2;
	v8 =	vmov s30;
	v9 =	vshrl.u32 v9, $0x3  }
0x37b: {  	v10 =	vshrl.u32 v10, $0x3;
	v12 =	vmov s29;
	v13 =	vmov s31  }
0x37c: {  	v4 =	vbroadcast v4, $0x0;
	v5 =	vadd.s32 $0x1, v5;
	v7 =	vshll.u32 v7, v2  }
0x37d: {  	s30 =	sadd.s32 $0xFFFFFFC8, s25;
	v6 =	vadd.s32 $0x2, v6;
	v8 =	vshrl.u32 v8, $0x3;
	v9 =	vshll.u32 v9, v2  }
0x37e: {  	s31 =	sadd.s32 $0xFFFFFFCB, s25;
	v10 =	vshll.u32 v10, v2;
	v11 =	vmov s30;
	v12 =	vshrl.u32 v12, $0x3  }
0x37f: {  	v13 =	vshrl.u32 v13, $0x3;
	v14 =	vmov s31;
	v5 =	vbroadcast v5, $0x0  }
0x380: {  	v7 =	vadd.s32 $0x3, v7;
	v6 =	vbroadcast v6, $0x0;
	v8 =	vshll.u32 v8, v2  }
0x381: {  	v9 =	vadd.s32 $0x5, v9;
	v10 =	vadd.s32 $0x6, v10;
	v11 =	vshrl.u32 v11, $0x3  }
0x382: {  	s30 =	sadd.s32 $0xFFFFFFCC, s25;
	s31 =	sadd.s32 $0xFFFFFFCD, s25;
	v12 =	vshll.u32 v12, v2;
	v13 =	vshll.u32 v13, v2;
	v14 =	vshrl.u32 v14, $0x3  }
0x383: {  	v15 =	vmov s30;
	v22 =	vmov s31;
	v7 =	vbroadcast v7, $0x0  }
0x384: {  	v8 =	vadd.s32 $0x4, v8;
	v9 =	vbroadcast v9, $0x0;
	v10 =	vbroadcast v10, $0x0  }
0x385: {  	s30 =	sadd.s32 $0xFFFFFFCE, s25;
	v11 =	vshll.u32 v11, v2;
	v12 =	vbroadcast v12, $0x0;
	v13 =	vadd.s32 $0x1, v13  }
0x386: {  	v34 =	vld [tilespmem:s26+$0xFFFFFC00];
	s31 =	sadd.s32 $0xFFFFFFCF, s25;
	v21 =	vshrl.u32 v15, $0x3;
	v24 =	vshrl.u32 v22, $0x3;
	v18 =	vmov s30  }
0x387: {  	v29 =	vmov s31;
	v8 =	vbroadcast v8, $0x0;
	v11 =	vadd.s32 $0x7, v11;
	v4 =	vld.idx.msk [tilespmem:v4+s17+$0x0], $0xffff  }
0x388: {  	v13 =	vbroadcast v13, $0x0;
	v23 =	vshll.u32 v21, v2;
	v11 =	vbroadcast v11, $0x0;
	v16 =	vld.idx.msk [tilespmem:v5+s17+$0x0], $0xffff  }
0x389: {  	s30 =	sadd.s32 $0xFFFFFFD0, s25;
	v26 =	vshll.u32 v24, v2;
	v28 =	vshrl.u32 v18, $0x3;
	v30 =	vshrl.u32 v29, $0x3;
	v17 =	vld.idx.msk [tilespmem:v6+s17+$0x0], $0xffff  }
0x38a: {  	v31 =	vmov s30;
	v5 =	vshll.u32 v14, v2;
	v6 =	vadd.s32 $0x4, v26;
	v7 =	vld.idx.msk [tilespmem:v7+s17+$0x0], $0xffff  }
0x38b: {  	v32 =	vshrl.u32 v31, $0x3;
	v5 =	vadd.s32 $0x2, v5;
	v6 =	vbroadcast v6, $0x0;
	v20 =	vld.idx.msk [tilespmem:v12+s17+$0x0], $0xffff  }
0x38c: {  	v25 =	vbroadcast v5, $0x0;
	v5 =	vadd.s32 $0x3, v23;
	v23 =	vld.idx.msk [tilespmem:v10+s17+$0x0], $0xffff;
	v10 =	vshll.u32 v30, v2  }
0x38d: {  	v27 =	vbroadcast v5, $0x0;
	v5 =	vld.idx.msk [tilespmem:v9+s17+$0x0], $0xffff;
	v9 =	vshll.u32 v28, v2;
	v10 =	vadd.s32 $0x6, v10  }
0x38e: {  	v22 =	vld.idx.msk [tilespmem:v11+s17+$0x0], $0xffff;
	v11 =	vshll.u32 v32, v2;
	v9 =	vadd.s32 $0x5, v9;
	v10 =	vbroadcast v10, $0x0  }
0x38f: {  	v8 =	vld.idx.msk [tilespmem:v8+s17+$0x0], $0xffff;
	v11 =	vadd.s32 $0x7, v11;
	v9 =	vbroadcast v9, $0x0  }
0x390: {  	v18 =	vld.idx.msk [tilespmem:v13+s17+$0x0], $0xffff;
	v11 =	vbroadcast v11, $0x0  }
0x391: {  	v33 =	vshll.u32 v4, $0x5;
	v12 =	vld.idx.msk [tilespmem:v6+s17+$0x0], $0xffff  }
0x392: {  	v21 =	vor.u32 v0, v33;
	v19 =	vld.idx.msk [tilespmem:v25+s17+$0x0], $0xffff  }
0x393: {  	v14 =	vld.idx.msk [tilespmem:v27+s17+$0x0], $0xffff  }
0x394: {  	v6 =	vld.idx.msk [tilespmem:v10+s17+$0x0], $0xffff  }
0x395: {  	v9 =	vld.idx.msk [tilespmem:v9+s17+$0x0], $0xffff  }
0x396: {  	v4 =	vld.idx.msk [tilespmem:v11+s17+$0x0], $0xffff  }
0x397: {  	[tilespmem:v21+s2+$0x0] =	vst.idx.add.f32.msk $0xffff, v34  }
0x398: {  	v36 =	vor.u32 v3, v33;
	v35 =	vld [tilespmem:s26+$0xFFFFFC10];
	_ =	sdelay $0x4  }
0x399: {  	v37 =	vshll.u32 v16, $0x5;
	[tilespmem:v36+s2+$0x0] =	vst.idx.add.f32.msk $0xffff, v35  }
0x39a: {  	v38 =	vor.u32 v0, v37;
	v11 =	vld [tilespmem:s26+$0xFFFFFC20];
	_ =	sdelay $0x4  }
0x39b: {  	[tilespmem:v38+s2+$0x0] =	vst.idx.add.f32.msk $0xffff, v11  }
0x39c: {  	v10 =	vor.u32 v3, v37;
	v11 =	vld [tilespmem:s26+$0xFFFFFC30];
	_ =	sdelay $0x4  }
0x39d: {  	v39 =	vshll.u32 v17, $0x5;
	[tilespmem:v10+s2+$0x0] =	vst.idx.add.f32.msk $0xffff, v11  }
0x39e: {  	v40 =	vor.u32 v0, v39;
	v11 =	vld [tilespmem:s26+$0xFFFFFC40];
	_ =	sdelay $0x4  }
0x39f: {  	s29 =	sadd.s32 $0xFFFFFFD3, s25;
	[tilespmem:v40+s2+$0x0] =	vst.idx.add.f32.msk $0xffff, v11  }
0x3a0: {  	v46 =	vmov s29;
	s29 =	sadd.s32 $0xFFFFFFD6, s25;
	v10 =	vor.u32 v3, v39;
	v11 =	vld [tilespmem:s26+$0xFFFFFC50]  }
0x3a1: {  	v50 =	vmov s29;
	s31 =	sadd.s32 $0xFFFFFFD1, s25;
	s30 =	sadd.s32 $0xFFFFFFD2, s25  }
0x3a2: {  	v52 =	vshrl.u32 v50, $0x3;
	v42 =	vmov s31;
	s31 =	sadd.s32 $0xFFFFFFD4, s25;
	v44 =	vmov s30;
	s30 =	sadd.s32 $0xFFFFFFD5, s25  }
0x3a3: {  	v47 =	vmov s31;
	s31 =	sadd.s32 $0xFFFFFFD7, s25;
	v15 =	vshrl.u32 v44, $0x3;
	v49 =	vmov s30  }
0x3a4: {  	v24 =	vmov s31;
	s30 =	sadd.s32 $0xFFFFFFD8, s25;
	v45 =	vshll.u32 v15, v2;
	v15 =	vshrl.u32 v47, $0x3  }
0x3a5: {  	v53 =	vshrl.u32 v24, $0x3;
	v55 =	vmov s30;
	v7 =	vshll.u32 v7, $0x5;
	[tilespmem:v10+s2+$0x0] =	vst.idx.add.f32.msk $0xffff, v11  }
0x3a6: {  	v17 =	vshrl.u32 v49, $0x3;
	v16 =	vshll.u32 v52, v2;
	v41 =	vor.u32 v0, v7;
	v10 =	vld [tilespmem:s26+$0xFFFFFC60]  }
0x3a7: {  	v15 =	vshll.u32 v15, v2;
	v17 =	vshll.u32 v17, v2;
	v16 =	vadd.s32 $0x5, v16  }
0x3a8: {  	v51 =	vadd.s32 $0x4, v17;
	v17 =	vshll.u32 v53, v2;
	v16 =	vbroadcast v16, $0x0  }
0x3a9: {  	s31 =	sadd.s32 $0xFFFFFFDA, s25;
	v24 =	vshrl.u32 v55, $0x3;
	v13 =	vbroadcast v51, $0x0;
	v17 =	vadd.s32 $0x6, v17  }
0x3aa: {  	s29 =	sadd.s32 $0xFFFFFFD9, s25;
	v26 =	vmov s31;
	v15 =	vadd.s32 $0x3, v15;
	v17 =	vbroadcast v17, $0x0  }
0x3ab: {  	v24 =	vshll.u32 v24, v2;
	v26 =	vshrl.u32 v26, $0x3;
	v25 =	vmov s29;
	[tilespmem:v41+s2+$0x0] =	vst.idx.add.f32.msk $0xffff, v10  }
0x3ac: {  	s31 =	sadd.s32 $0xFFFFFFDB, s25;
	v24 =	vadd.s32 $0x7, v24;
	v7 =	vor.u32 v3, v7;
	v25 =	vshrl.u32 v25, $0x3;
	v10 =	vld [tilespmem:s26+$0xFFFFFC70]  }
0x3ad: {  	s30 =	sadd.s32 $0xFFFFFFDC, s25;
	v62 =	vmov s31;
	v56 =	vbroadcast v24, $0x0;
	v57 =	vshll.u32 v25, v2  }
0x3ae: {  	v58 =	vshll.u32 v26, v2;
	v60 =	vbroadcast v57, $0x0;
	v32 =	vld.idx.msk [tilespmem:v16+s17+$0x0], $0xffff;
	v35 =	vmov s30;
	s30 =	sadd.s32 $0xFFFFFFDE, s25  }
0x3af: {  	v15 =	vbroadcast v15, $0x0;
	v61 =	vadd.s32 $0x1, v58;
	v31 =	vld.idx.msk [tilespmem:v13+s17+$0x0], $0xffff;
	v44 =	vmov s30;
	s30 =	sadd.s32 $0xFFFFFFE0, s25  }
0x3b0: {  	v63 =	vbroadcast v61, $0x0;
	v8 =	vshll.u32 v8, $0x5;
	v21 =	vld.idx.msk [tilespmem:v17+s17+$0x0], $0xffff;
	v47 =	vmov s30  }
0x3b1: {  	v43 =	vor.u32 v0, v8;
	v34 =	vshrl.u32 v62, $0x3;
	v50 =	vshrl.u32 v47, $0x3;
	[tilespmem:v7+s2+$0x0] =	vst.idx.add.f32.msk $0xffff, v10  }
0x3b2: {  	v11 =	vshrl.u32 v42, $0x3;
	v7 =	vadd.s32 $0x1, v45;
	v10 =	vshrl.u32 v46, $0x3;
	v48 =	vld [tilespmem:s26+$0xFFFFFC80]  }
0x3b3: {  	v17 =	vld.idx.msk [tilespmem:v56+s17+$0x0], $0xffff;
	v11 =	vshll.u32 v11, v2;
	v7 =	vbroadcast v7, $0x0;
	v10 =	vshll.u32 v10, v2  }
0x3b4: {  	v16 =	vld.idx.msk [tilespmem:v60+s17+$0x0], $0xffff;
	v51 =	vshll.u32 v50, v2;
	v11 =	vbroadcast v11, $0x0;
	v10 =	vadd.s32 $0x2, v10  }
0x3b5: {  	s31 =	sadd.s32 $0xFFFFFFDD, s25;
	v36 =	vshll.u32 v34, v2;
	v34 =	vld [tilespmem:s26+$0xFFFFFE00];
	v52 =	vadd.s32 $0x7, v51;
	v10 =	vbroadcast v10, $0x0  }
0x3b6: {  	v37 =	vshrl.u32 v35, $0x3;
	v38 =	vmov s31;
	s31 =	sadd.s32 $0xFFFFFFDF, s25;
	v26 =	vbroadcast v52, $0x0;
	v41 =	vld.idx.msk [tilespmem:v15+s17+$0x0], $0xffff  }
0x3b7: {  	v8 =	vor.u32 v3, v8;
	v39 =	vshll.u32 v37, v2;
	v46 =	vmov s31;
	[tilespmem:v43+s2+$0x0] =	vst.idx.add.f32.msk $0xffff, v48  }
0x3b8: {  	v40 =	vshrl.u32 v38, $0x3;
	v45 =	vshrl.u32 v44, $0x3;
	v15 =	vshrl.u32 v46, $0x3;
	v54 =	vld [tilespmem:s26+$0xFFFFFC90]  }
0x3b9: {  	v13 =	vshll.u32 v45, v2;
	v49 =	vshll.u32 v15, v2;
	v28 =	vld.idx.msk [tilespmem:v7+s17+$0x0], $0xffff;
	v7 =	vadd.s32 $0x2, v36  }
0x3ba: {  	v27 =	vld.idx.msk [tilespmem:v11+s17+$0x0], $0xffff;
	v48 =	vadd.s32 $0x5, v13;
	v13 =	vadd.s32 $0x6, v49;
	v7 =	vbroadcast v7, $0x0  }
0x3bb: {  	v42 =	vshll.u32 v40, v2;
	v33 =	vbroadcast v13, $0x0;
	v29 =	vld.idx.msk [tilespmem:v10+s17+$0x0], $0xffff;
	v10 =	vadd.s32 $0x3, v39  }
0x3bc: {  	v53 =	vshll.u32 v5, $0x5;
	v5 =	vld.idx.msk [tilespmem:v26+s17+$0x0], $0xffff;
	v43 =	vadd.s32 $0x4, v42;
	v10 =	vbroadcast v10, $0x0  }
0x3bd: {  	v15 =	vld.idx.msk [tilespmem:v63+s17+$0x0], $0xffff;
	v30 =	vbroadcast v43, $0x0  }
0x3be: {  	[tilespmem:v8+s2+$0x0] =	vst.idx.add.f32.msk $0xffff, v54;
	v8 =	vbroadcast v48, $0x0  }
0x3bf: {  	v27 =	vshll.u32 v27, $0x5;
	v59 =	vld [tilespmem:s26+$0xFFFFFCA0]  }
0x3c0: {  	v35 =	vor.u32 v0, v27;
	v13 =	vld.idx.msk [tilespmem:v7+s17+$0x0], $0xffff  }
0x3c1: {  	v36 =	vor.u32 v0, v53;
	v7 =	vld.idx.msk [tilespmem:v33+s17+$0x0], $0xffff  }
0x3c2: {  	v11 =	vld.idx.msk [tilespmem:v10+s17+$0x0], $0xffff  }
0x3c3: {  	v10 =	vld.idx.msk [tilespmem:v30+s17+$0x0], $0xffff  }
0x3c4: {  	v8 =	vld.idx.msk [tilespmem:v8+s17+$0x0], $0xffff  }
0x3c5: {  	[tilespmem:v35+s2+$0x0] =	vst.idx.add.f32.msk $0xffff, v34  }
0x3c6: {  	[tilespmem:v36+s2+$0x0] =	vst.idx.add.f32.msk $0xffff, v59  }
0x3c7: {  	v27 =	vor.u32 v3, v27;
	v54 =	vld [tilespmem:s26+$0xFFFFFE10]  }
0x3c8: {  	v30 =	vor.u32 v3, v53;
	v25 =	vld [tilespmem:s26+$0xFFFFFCB0];
	_ =	sdelay $0x3  }
0x3c9: {  	[tilespmem:v27+s2+$0x0] =	vst.idx.add.f32.msk $0xffff, v54  }
0x3ca: {  	v55 =	vshll.u32 v28, $0x5;
	[tilespmem:v30+s2+$0x0] =	vst.idx.add.f32.msk $0xffff, v25  }
0x3cb: {  	v23 =	vshll.u32 v23, $0x5;
	v28 =	vor.u32 v0, v55;
	v27 =	vld [tilespmem:s26+$0xFFFFFE20]  }
0x3cc: {  	v56 =	vor.u32 v0, v23;
	v25 =	vld [tilespmem:s26+$0xFFFFFCC0];
	_ =	sdelay $0x3  }
0x3cd: {  	[tilespmem:v28+s2+$0x0] =	vst.idx.add.f32.msk $0xffff, v27  }
0x3ce: {  	[tilespmem:v56+s2+$0x0] =	vst.idx.add.f32.msk $0xffff, v25  }
0x3cf: {  	v26 =	vor.u32 v3, v55;
	v27 =	vld [tilespmem:s26+$0xFFFFFE30]  }
0x3d0: {  	v23 =	vor.u32 v3, v23;
	v25 =	vld [tilespmem:s26+$0xFFFFFCD0];
	_ =	sdelay $0x3  }
0x3d1: {  	[tilespmem:v26+s2+$0x0] =	vst.idx.add.f32.msk $0xffff, v27  }
0x3d2: {  	v57 =	vshll.u32 v29, $0x5;
	[tilespmem:v23+s2+$0x0] =	vst.idx.add.f32.msk $0xffff, v25  }
0x3d3: {  	v22 =	vshll.u32 v22, $0x5;
	v58 =	vor.u32 v0, v57;
	v27 =	vld [tilespmem:s26+$0xFFFFFE40]  }
0x3d4: {  	v59 =	vor.u32 v0, v22;
	v23 =	vld [tilespmem:s26+$0xFFFFFCE0];
	_ =	sdelay $0x3  }
0x3d5: {  	[tilespmem:v58+s2+$0x0] =	vst.idx.add.f32.msk $0xffff, v27  }
0x3d6: {  	[tilespmem:v59+s2+$0x0] =	vst.idx.add.f32.msk $0xffff, v23  }
0x3d7: {  	v26 =	vor.u32 v3, v57;
	v27 =	vld [tilespmem:s26+$0xFFFFFE50]  }
0x3d8: {  	v22 =	vor.u32 v3, v22;
	v23 =	vld [tilespmem:s26+$0xFFFFFCF0];
	_ =	sdelay $0x3  }
0x3d9: {  	[tilespmem:v26+s2+$0x0] =	vst.idx.add.f32.msk $0xffff, v27  }
0x3da: {  	v24 =	vshll.u32 v41, $0x5;
	[tilespmem:v22+s2+$0x0] =	vst.idx.add.f32.msk $0xffff, v23  }
0x3db: {  	v20 =	vshll.u32 v20, $0x5;
	v61 =	vor.u32 v0, v24;
	v60 =	vld [tilespmem:s26+$0xFFFFFE60]  }
0x3dc: {  	v62 =	vor.u32 v0, v20;
	v22 =	vld [tilespmem:s26+$0xFFFFFD00];
	_ =	sdelay $0x2  }
0x3dd: {  	s30 =	sadd.s32 $0xFFFFFFE2, s25  }
0x3de: {  	v18 =	vshll.u32 v18, $0x5;
	v20 =	vor.u32 v3, v20;
	v41 =	vmov s30;
	s31 =	sadd.s32 $0xFFFFFFE1, s25;
	[tilespmem:v61+s2+$0x0] =	vst.idx.add.f32.msk $0xffff, v60  }
0x3df: {  	s30 =	sadd.s32 $0xFFFFFFE4, s25;
	v24 =	vor.u32 v3, v24;
	v39 =	vmov s31;
	s31 =	sadd.s32 $0xFFFFFFE3, s25;
	v29 =	vshrl.u32 v41, $0x3;
	[tilespmem:v62+s2+$0x0] =	vst.idx.add.f32.msk $0xffff, v22  }
0x3e0: {  	v46 =	vmov s30;
	v43 =	vmov s31;
	s31 =	sadd.s32 $0xFFFFFFE5, s25;
	v29 =	vshll.u32 v29, v2;
	v25 =	vld [tilespmem:s26+$0xFFFFFE70]  }
0x3e1: {  	v48 =	vmov s31;
	v44 =	vadd.s32 $0x1, v29;
	v29 =	vshrl.u32 v46, $0x3;
	v23 =	vld [tilespmem:s26+$0xFFFFFD10]  }
0x3e2: {  	v38 =	vshll.u32 v32, $0x5;
	v50 =	vshrl.u32 v48, $0x3;
	v29 =	vshll.u32 v29, v2  }
0x3e3: {  	s30 =	sadd.s32 $0xFFFFFFE6, s25;
	v63 =	vor.u32 v0, v18;
	v49 =	vadd.s32 $0x3, v29;
	v29 =	vshll.u32 v50, v2  }
0x3e4: {  	v18 =	vor.u32 v3, v18;
	v51 =	vmov s30;
	v29 =	vadd.s32 $0x4, v29  }
0x3e5: {  	v40 =	vshrl.u32 v39, $0x3;
	v45 =	vshrl.u32 v43, $0x3;
	s31 =	sadd.s32 $0xFFFFFFE7, s25;
	v22 =	vbroadcast v29, $0x0;
	[tilespmem:v24+s2+$0x0] =	vst.idx.add.f32.msk $0xffff, v25  }
0x3e6: {  	v52 =	vmov s31;
	v33 =	vshrl.u32 v51, $0x3;
	v36 =	vshll.u32 v31, $0x5;
	[tilespmem:v20+s2+$0x0] =	vst.idx.add.f32.msk $0xffff, v23  }
0x3e7: {  	v53 =	vshll.u32 v33, v2;
	v37 =	vor.u32 v0, v36;
	v54 =	vshrl.u32 v52, $0x3;
	v42 =	vld [tilespmem:s26+$0xFFFFFE80]  }
0x3e8: {  	v30 =	vshll.u32 v19, $0x5;
	v19 =	vor.u32 v3, v36;
	v32 =	vshll.u32 v54, v2;
	v47 =	vld [tilespmem:s26+$0xFFFFFD20]  }
0x3e9: {  	v32 =	vadd.s32 $0x6, v32;
	v25 =	vshll.u32 v40, v2;
	v23 =	vshll.u32 v45, v2  }
0x3ea: {  	s29 =	sadd.s32 $0xFFFFFFEA, s25;
	v28 =	vor.u32 v3, v38;
	v25 =	vbroadcast v25, $0x0;
	v23 =	vadd.s32 $0x2, v23  }
0x3eb: {  	s31 =	sadd.s32 $0xFFFFFFE9, s25;
	v58 =	vmov s29;
	s29 =	sadd.s32 $0xFFFFFFEC, s25;
	v24 =	vor.u32 v0, v38;
	v38 =	vld.idx.msk [tilespmem:v22+s17+$0x0], $0xffff;
	v23 =	vbroadcast v23, $0x0  }
0x3ec: {  	v41 =	vmov s29;
	s29 =	sadd.s32 $0xFFFFFFEF, s25;
	v29 =	vadd.s32 $0x5, v53;
	v60 =	vmov s31;
	[tilespmem:v37+s2+$0x0] =	vst.idx.add.f32.msk $0xffff, v42  }
0x3ed: {  	s30 =	sadd.s32 $0xFFFFFFE8, s25;
	v48 =	vmov s29;
	v29 =	vbroadcast v29, $0x0;
	v35 =	vshrl.u32 v60, $0x3;
	[tilespmem:v63+s2+$0x0] =	vst.idx.add.f32.msk $0xffff, v47  }
0x3ee: {  	v56 =	vmov s30;
	v61 =	vshll.u32 v35, v2;
	v35 =	vshrl.u32 v48, $0x3;
	v31 =	vld [tilespmem:s26+$0xFFFFFE90]  }
0x3ef: {  	v34 =	vshrl.u32 v56, $0x3;
	v27 =	vbroadcast v49, $0x0;
	s31 =	sadd.s32 $0xFFFFFFED, s25;
	v50 =	vshll.u32 v35, v2;
	v55 =	vld [tilespmem:s26+$0xFFFFFD30]  }
0x3f0: {  	v52 =	vadd.s32 $0x6, v50;
	v20 =	vbroadcast v44, $0x0;
	v42 =	vmov s31;
	s31 =	sadd.s32 $0xFFFFFFF0, s25;
	v25 =	vld.idx.msk [tilespmem:v25+s17+$0x0], $0xffff  }
0x3f1: {  	v44 =	vshrl.u32 v41, $0x3;
	v45 =	vshrl.u32 v42, $0x3;
	v49 =	vmov s31;
	v41 =	vld.idx.msk [tilespmem:v23+s17+$0x0], $0xffff  }
0x3f2: {  	s30 =	sadd.s32 $0xFFFFFFEB, s25;
	v33 =	vshll.u32 v45, v2;
	v36 =	vshrl.u32 v49, $0x3;
	v23 =	vbroadcast v52, $0x0;
	v52 =	vld [tilespmem:s26+$0x0]  }
0x3f3: {  	v62 =	vmov s30;
	s30 =	sadd.s32 $0xFFFFFFEE, s25;
	v33 =	vadd.s32 $0x4, v33;
	v51 =	vshll.u32 v36, v2;
	v36 =	vld.idx.msk [tilespmem:v29+s17+$0x0], $0xffff  }
0x3f4: {  	v57 =	vshll.u32 v34, v2;
	v46 =	vmov s30;
	s30 =	sadd.s32 $0xFFFFFFF2, s25;
	v33 =	vbroadcast v33, $0x0;
	[tilespmem:v19+s2+$0x0] =	vst.idx.add.f32.msk $0xffff, v31  }
0x3f5: {  	v56 =	vmov s30;
	s30 =	sadd.s32 $0xFFFFFFF5, s25;
	v19 =	vbroadcast v32, $0x0;
	v32 =	vshrl.u32 v58, $0x3;
	[tilespmem:v18+s2+$0x0] =	vst.idx.add.f32.msk $0xffff, v55  }
0x3f6: {  	v26 =	vor.u32 v0, v30;
	v48 =	vmov s30;
	v59 =	vld [tilespmem:s26+$0xFFFFFEA0];
	v32 =	vshll.u32 v32, v2  }
0x3f7: {  	v40 =	vshrl.u32 v62, $0x3;
	v47 =	vshrl.u32 v46, $0x3;
	v63 =	vld [tilespmem:s26+$0xFFFFFD40];
	v32 =	vadd.s32 $0x1, v32  }
0x3f8: {  	s31 =	sadd.s32 $0xFFFFFFF1, s25;
	v18 =	vbroadcast v61, $0x0;
	v37 =	vbroadcast v32, $0x0;
	v32 =	vshll.u32 v40, v2;
	v40 =	vld.idx.msk [tilespmem:v27+s17+$0x0], $0xffff  }
0x3f9: {  	v54 =	vmov s31;
	v43 =	vadd.s32 $0x2, v32;
	v32 =	vshll.u32 v44, v2;
	v44 =	vld.idx.msk [tilespmem:v20+s17+$0x0], $0xffff  }
0x3fa: {  	v49 =	vshrl.u32 v48, $0x3;
	v53 =	vadd.s32 $0x7, v51;
	v31 =	vadd.s32 $0x7, v57;
	v22 =	vld.idx.msk [tilespmem:v33+s17+$0x0], $0xffff  }
0x3fb: {  	s29 =	sadd.s32 $0xFFFFFFF3, s25;
	v55 =	vshrl.u32 v54, $0x3;
	v46 =	vshll.u32 v25, $0x5;
	v57 =	vshrl.u32 v56, $0x3;
	[tilespmem:v24+s2+$0x0] =	vst.idx.add.f32.msk $0xffff, v59  }
0x3fc: {  	v58 =	vmov s29;
	v31 =	vbroadcast v31, $0x0;
	v20 =	vshll.u32 v55, v2;
	v34 =	vld [tilespmem:s26+$0xFFFFFEB0]  }
0x3fd: {  	s31 =	sadd.s32 $0xFFFFFFF4, s25;
	v61 =	vshrl.u32 v58, $0x3;
	v32 =	vadd.s32 $0x3, v32;
	v42 =	vbroadcast v20, $0x0;
	[tilespmem:v26+s2+$0x0] =	vst.idx.add.f32.msk $0xffff, v63  }
0x3fe: {  	v20 =	vshll.u32 v57, v2;
	v24 =	vbroadcast v43, $0x0;
	v59 =	vmov s31;
	v29 =	vld.idx.msk [tilespmem:v18+s17+$0x0], $0xffff  }
0x3ff: {  	v26 =	vbroadcast v32, $0x0;
	v32 =	vshll.u32 v47, v2;
	v43 =	vld [tilespmem:s26+$0xFFFFFD50];
	v62 =	vshrl.u32 v59, $0x3  }
0x400: {  	v63 =	vshll.u32 v61, v2;
	v18 =	vshll.u32 v49, v2;
	v25 =	vshll.u32 v62, v2;
	v27 =	vld.idx.msk [tilespmem:v37+s17+$0x0], $0xffff  }
0x401: {  	v32 =	vadd.s32 $0x5, v32;
	v45 =	vadd.s32 $0x2, v63;
	v47 =	vadd.s32 $0x3, v25;
	[tilespmem:v28+s2+$0x0] =	vst.idx.add.f32.msk $0xffff, v34  }
0x402: {  	s31 =	sadd.s32 $0xFFFFFFF7, s25;
	v18 =	vadd.s32 $0x4, v18;
	v37 =	vbroadcast v45, $0x0;
	v45 =	vbroadcast v47, $0x0;
	v34 =	vld.idx.msk [tilespmem:v19+s17+$0x0], $0xffff  }
0x403: {  	s29 =	sadd.s32 $0xFFFFFFF6, s25;
	v51 =	vmov s31;
	v47 =	vbroadcast v18, $0x0;
	v28 =	vbroadcast v32, $0x0;
	v32 =	vld.idx.msk [tilespmem:v31+s17+$0x0], $0xffff  }
0x404: {  	v50 =	vmov s29;
	v60 =	vadd.s32 $0x1, v20;
	v20 =	vshrl.u32 v51, $0x3;
	v25 =	vld.idx.msk [tilespmem:v24+s17+$0x0], $0xffff  }
0x405: {  	v35 =	vbroadcast v53, $0x0;
	v54 =	vshll.u32 v20, v2;
	v24 =	vld.idx.msk [tilespmem:v26+s17+$0x0], $0xffff;
	v19 =	vshrl.u32 v50, $0x3  }
0x406: {  	v39 =	vor.u32 v0, v46;
	s29 =	sadd.s32 $0xFFFFFFF9, s25;
	v50 =	vld.idx.msk [tilespmem:v42+s17+$0x0], $0xffff;
	v53 =	vshll.u32 v19, v2;
	v19 =	vadd.s32 $0x6, v54  }
0x407: {  	v58 =	vmov s29;
	v31 =	vbroadcast v60, $0x0;
	v48 =	vbroadcast v19, $0x0;
	v19 =	vld.idx.msk [tilespmem:v23+s17+$0x0], $0xffff  }
0x408: {  	v33 =	vshrl.u32 v58, $0x3;
	s31 =	sadd.s32 $0xFFFFFFFA, s25;
	v18 =	vadd.s32 $0x5, v53;
	v53 =	vld.idx.msk [tilespmem:v45+s17+$0x0], $0xffff  }
0x409: {  	s30 =	sadd.s32 $0xFFFFFFF8, s25;
	v46 =	vor.u32 v3, v46;
	v49 =	vmov s31;
	v60 =	vshll.u32 v33, v2;
	v47 =	vld.idx.msk [tilespmem:v47+s17+$0x0], $0xffff  }
0x40a: {  	v55 =	vmov s30;
	v59 =	vshrl.u32 v49, $0x3;
	v26 =	vbroadcast v60, $0x0;
	v20 =	vld.idx.msk [tilespmem:v28+s17+$0x0], $0xffff  }
0x40b: {  	v56 =	vshrl.u32 v55, $0x3;
	s31 =	sadd.s32 $0xFFFFFFFB, s25;
	v61 =	vshll.u32 v59, v2;
	v28 =	vbroadcast v18, $0x0;
	v18 =	vld.idx.msk [tilespmem:v35+s17+$0x0], $0xffff  }
0x40c: {  	v57 =	vshll.u32 v56, v2;
	v62 =	vmov s31;
	s31 =	sadd.s32 $0xFFFFFFFD, s25;
	v33 =	vadd.s32 $0x1, v61;
	[tilespmem:v39+s2+$0x0] =	vst.idx.add.f32.msk $0xffff, v52  }
0x40d: {  	s30 =	sadd.s32 $0xFFFFFFFC, s25;
	v33 =	vbroadcast v33, $0x0;
	v23 =	vadd.s32 $0x7, v57;
	v57 =	vmov s31;
	v51 =	vld.idx.msk [tilespmem:v31+s17+$0x0], $0xffff  }
0x40e: {  	v63 =	vmov s30;
	v23 =	vbroadcast v23, $0x0;
	v58 =	vshrl.u32 v57, $0x3;
	v52 =	vld.idx.msk [tilespmem:v37+s17+$0x0], $0xffff  }
0x40f: {  	v56 =	vshrl.u32 v63, $0x3;
	s31 =	sadd.s32 $0xFFFFFFFF, s25;
	v35 =	vshrl.u32 v62, $0x3;
	v37 =	vshll.u32 v58, v2;
	v49 =	vld [tilespmem:s26+$0x10]  }
0x410: {  	v62 =	vmov s31;
	v42 =	vshll.u32 v35, v2;
	v35 =	vshll.u32 v56, v2;
	v39 =	vld.idx.msk [tilespmem:v26+s17+$0x0], $0xffff  }
0x411: {  	v59 =	vadd.s32 $0x4, v37;
	v37 =	vshrl.u32 v62, $0x3;
	v62 =	vld [tilespmem:s26+$0x200];
	v31 =	vadd.s32 $0x2, v42  }
0x412: {  	s30 =	sadd.s32 $0xFFFFFFFE, s25;
	v35 =	vadd.s32 $0x3, v35;
	v45 =	vld.idx.msk [tilespmem:v48+s17+$0x0], $0xffff;
	v31 =	vbroadcast v31, $0x0  }
0x413: {  	v60 =	vmov s30;
	v56 =	vshll.u32 v37, v2;
	v37 =	vld.idx.msk [tilespmem:v33+s17+$0x0], $0xffff;
	v54 =	vbroadcast v35, $0x0  }
0x414: {  	v63 =	vmov s25;
	v61 =	vshrl.u32 v60, $0x3;
	v42 =	vld.idx.msk [tilespmem:v23+s17+$0x0], $0xffff;
	v58 =	vadd.s32 $0x6, v56  }
0x415: {  	v57 =	vshrl.u32 v63, $0x3;
	v35 =	vshll.u32 v61, v2;
	v26 =	vbroadcast v58, $0x0;
	v55 =	vld.idx.msk [tilespmem:v28+s17+$0x0], $0xffff  }
0x416: {  	v48 =	vadd.s32 $0x5, v35;
	v28 =	vbroadcast v59, $0x0;
	v59 =	vshll.u32 v57, v2;
	[tilespmem:v46+s2+$0x0] =	vst.idx.add.f32.msk $0xffff, v49  }
0x417: {  	v23 =	vbroadcast v48, $0x0;
	v60 =	vadd.s32 $0x7, v59;
	v46 =	vld [tilespmem:s26+$0x20]  }
0x418: {  	v61 =	vbroadcast v60, $0x0;
	v35 =	vld.idx.msk [tilespmem:v31+s17+$0x0], $0xffff  }
0x419: {  	v50 =	vshll.u32 v50, $0x5;
	v33 =	vld.idx.msk [tilespmem:v54+s17+$0x0], $0xffff  }
0x41a: {  	v56 =	vor.u32 v0, v50;
	v54 =	vld [tilespmem:s26+$0xFFFFFEC0]  }
0x41b: {  	v26 =	vld.idx.msk [tilespmem:v26+s17+$0x0], $0xffff  }
0x41c: {  	v30 =	vor.u32 v3, v30;
	v44 =	vshll.u32 v44, $0x5;
	v31 =	vld.idx.msk [tilespmem:v28+s17+$0x0], $0xffff  }
0x41d: {  	v60 =	vor.u32 v0, v44;
	v28 =	vld.idx.msk [tilespmem:v23+s17+$0x0], $0xffff  }
0x41e: {  	v21 =	vshll.u32 v21, $0x5;
	v23 =	vld.idx.msk [tilespmem:v61+s17+$0x0], $0xffff  }
0x41f: {  	[tilespmem:v56+s2+$0x0] =	vst.idx.add.f32.msk $0xffff, v62;
	v56 =	vor.u32 v0, v21  }
0x420: {  	v50 =	vor.u32 v3, v50;
	v63 =	vld [tilespmem:s26+$0x210]  }
0x421: {  	[tilespmem:v30+s2+$0x0] =	vst.idx.add.f32.msk $0xffff, v43  }
0x422: {  	[tilespmem:v60+s2+$0x0] =	vst.idx.add.f32.msk $0xffff, v46  }
0x423: {  	v44 =	vor.u32 v3, v44;
	v46 =	vld [tilespmem:s26+$0x30]  }
0x424: {  	[tilespmem:v56+s2+$0x0] =	vst.idx.add.f32.msk $0xffff, v54  }
0x425: {  	v61 =	vshll.u32 v51, $0x5;
	[tilespmem:v50+s2+$0x0] =	vst.idx.add.f32.msk $0xffff, v63  }
0x426: {  	v63 =	vor.u32 v0, v61;
	v62 =	vld [tilespmem:s26+$0x220]  }
0x427: {  	v14 =	vshll.u32 v14, $0x5;
	v56 =	vld [tilespmem:s26+$0xFFFFFD60]  }
0x428: {  	v41 =	vshll.u32 v41, $0x5;
	v57 =	vor.u32 v0, v14;
	[tilespmem:v44+s2+$0x0] =	vst.idx.add.f32.msk $0xffff, v46  }
0x429: {  	v59 =	vor.u32 v0, v41;
	v44 =	vld [tilespmem:s26+$0x40]  }
0x42a: {  	v58 =	vld [tilespmem:s26+$0xFFFFFED0]  }
0x42b: {  	[tilespmem:v63+s2+$0x0] =	vst.idx.add.f32.msk $0xffff, v62  }
0x42c: {  	v30 =	vor.u32 v3, v61;
	v43 =	vld [tilespmem:s26+$0x230]  }
0x42d: {  	[tilespmem:v57+s2+$0x0] =	vst.idx.add.f32.msk $0xffff, v56  }
0x42e: {  	v21 =	vor.u32 v3, v21;
	[tilespmem:v59+s2+$0x0] =	vst.idx.add.f32.msk $0xffff, v44  }
0x42f: {  	v62 =	vld [tilespmem:s26+$0x50]  }
0x430: {  	v41 =	vor.u32 v3, v41;
	v63 =	vld [tilespmem:s26+$0xFFFFFD70]  }
0x431: {  	v14 =	vor.u32 v3, v14;
	v60 =	vshll.u32 v52, $0x5;
	[tilespmem:v30+s2+$0x0] =	vst.idx.add.f32.msk $0xffff, v43  }
0x432: {  	v61 =	vor.u32 v0, v60;
	v43 =	vld [tilespmem:s26+$0x240]  }
0x433: {  	v17 =	vshll.u32 v17, $0x5;
	[tilespmem:v21+s2+$0x0] =	vst.idx.add.f32.msk $0xffff, v58  }
0x434: {  	v54 =	vor.u32 v0, v17;
	v52 =	vld [tilespmem:s26+$0xFFFFFEE0]  }
0x435: {  	[tilespmem:v41+s2+$0x0] =	vst.idx.add.f32.msk $0xffff, v62  }
0x436: {  	[tilespmem:v14+s2+$0x0] =	vst.idx.add.f32.msk $0xffff, v63  }
0x437: {  	[tilespmem:v61+s2+$0x0] =	vst.idx.add.f32.msk $0xffff, v43  }
0x438: {  	v30 =	vor.u32 v3, v60;
	v43 =	vld [tilespmem:s26+$0x250]  }
0x439: {  	v56 =	vshll.u32 v40, $0x5;
	[tilespmem:v54+s2+$0x0] =	vst.idx.add.f32.msk $0xffff, v52  }
0x43a: {  	v58 =	vor.u32 v0, v56;
	v57 =	vld [tilespmem:s26+$0x60]  }
0x43b: {  	v17 =	vor.u32 v3, v17;
	v63 =	vld [tilespmem:s26+$0xFFFFFEF0];
	_ =	sdelay $0x1  }
0x43c: {  	v59 =	vshll.u32 v53, $0x5;
	[tilespmem:v30+s2+$0x0] =	vst.idx.add.f32.msk $0xffff, v43  }
0x43d: {  	v60 =	vor.u32 v0, v59;
	v30 =	vld [tilespmem:s26+$0x260]  }
0x43e: {  	[tilespmem:v58+s2+$0x0] =	vst.idx.add.f32.msk $0xffff, v57  }
0x43f: {  	[tilespmem:v17+s2+$0x0] =	vst.idx.add.f32.msk $0xffff, v63  }
0x440: {  	v12 =	vshll.u32 v12, $0x5;
	v21 =	vor.u32 v3, v56;
	v40 =	vld [tilespmem:s26+$0x70]  }
0x441: {  	v62 =	vor.u32 v0, v12;
	v61 =	vld [tilespmem:s26+$0xFFFFFD80]  }
0x442: {  	[tilespmem:v60+s2+$0x0] =	vst.idx.add.f32.msk $0xffff, v30  }
0x443: {  	v14 =	vor.u32 v3, v59;
	v30 =	vld [tilespmem:s26+$0x270]  }
0x444: {  	v16 =	vshll.u32 v16, $0x5;
	v54 =	vld [tilespmem:s26+$0xFFFFFF00]  }
0x445: {  	v56 =	vor.u32 v0, v16;
	[tilespmem:v21+s2+$0x0] =	vst.idx.add.f32.msk $0xffff, v40  }
0x446: {  	v46 =	vshll.u32 v38, $0x5;
	[tilespmem:v62+s2+$0x0] =	vst.idx.add.f32.msk $0xffff, v61  }
0x447: {  	v49 =	vor.u32 v0, v46;
	v48 =	vld [tilespmem:s26+$0x80]  }
0x448: {  	v50 =	vshll.u32 v47, $0x5;
	[tilespmem:v14+s2+$0x0] =	vst.idx.add.f32.msk $0xffff, v30  }
0x449: {  	v51 =	vor.u32 v0, v50;
	v30 =	vld [tilespmem:s26+$0x280]  }
0x44a: {  	[tilespmem:v56+s2+$0x0] =	vst.idx.add.f32.msk $0xffff, v54  }
0x44b: {  	v53 =	vld [tilespmem:s26+$0xFFFFFD90]  }
0x44c: {  	v12 =	vor.u32 v3, v12;
	[tilespmem:v49+s2+$0x0] =	vst.idx.add.f32.msk $0xffff, v48  }
0x44d: {  	v21 =	vor.u32 v3, v46;
	v52 =	vld [tilespmem:s26+$0x90]  }
0x44e: {  	[tilespmem:v51+s2+$0x0] =	vst.idx.add.f32.msk $0xffff, v30  }
0x44f: {  	v14 =	vor.u32 v3, v50;
	v30 =	vld [tilespmem:s26+$0x290]  }
0x450: {  	v62 =	vld [tilespmem:s26+$0xFFFFFF10]  }
0x451: {  	v16 =	vor.u32 v3, v16;
	[tilespmem:v12+s2+$0x0] =	vst.idx.add.f32.msk $0xffff, v53  }
0x452: {  	v57 =	vshll.u32 v36, $0x5;
	[tilespmem:v21+s2+$0x0] =	vst.idx.add.f32.msk $0xffff, v52  }
0x453: {  	v36 =	vor.u32 v0, v57;
	v21 =	vld [tilespmem:s26+$0xA0]  }
0x454: {  	v58 =	vshll.u32 v55, $0x5;
	[tilespmem:v14+s2+$0x0] =	vst.idx.add.f32.msk $0xffff, v30  }
0x455: {  	v59 =	vor.u32 v0, v58;
	v14 =	vld [tilespmem:s26+$0x2A0]  }
0x456: {  	v9 =	vshll.u32 v9, $0x5;
	[tilespmem:v16+s2+$0x0] =	vst.idx.add.f32.msk $0xffff, v62  }
0x457: {  	v61 =	vor.u32 v0, v9;
	v60 =	vld [tilespmem:s26+$0xFFFFFDA0]  }
0x458: {  	[tilespmem:v36+s2+$0x0] =	vst.idx.add.f32.msk $0xffff, v21  }
0x459: {  	v17 =	vor.u32 v3, v57;
	v21 =	vld [tilespmem:s26+$0xB0]  }
0x45a: {  	[tilespmem:v59+s2+$0x0] =	vst.idx.add.f32.msk $0xffff, v14  }
0x45b: {  	v12 =	vor.u32 v3, v58;
	v14 =	vld [tilespmem:s26+$0x2B0]  }
0x45c: {  	[tilespmem:v61+s2+$0x0] =	vst.idx.add.f32.msk $0xffff, v60  }
0x45d: {  	v9 =	vor.u32 v3, v9;
	v44 =	vld [tilespmem:s26+$0xFFFFFDB0]  }
0x45e: {  	v63 =	vshll.u32 v34, $0x5;
	[tilespmem:v17+s2+$0x0] =	vst.idx.add.f32.msk $0xffff, v21  }
0x45f: {  	v34 =	vor.u32 v0, v63;
	v21 =	vld [tilespmem:s26+$0xC0]  }
0x460: {  	v40 =	vshll.u32 v45, $0x5;
	[tilespmem:v12+s2+$0x0] =	vst.idx.add.f32.msk $0xffff, v14  }
0x461: {  	v41 =	vor.u32 v0, v40;
	v14 =	vld [tilespmem:s26+$0x2C0]  }
0x462: {  	v15 =	vshll.u32 v15, $0x5;
	[tilespmem:v9+s2+$0x0] =	vst.idx.add.f32.msk $0xffff, v44  }
0x463: {  	v45 =	vor.u32 v0, v15;
	v30 =	vld [tilespmem:s26+$0xFFFFFF20]  }
0x464: {  	[tilespmem:v34+s2+$0x0] =	vst.idx.add.f32.msk $0xffff, v21  }
0x465: {  	v17 =	vor.u32 v3, v63;
	v43 =	vld [tilespmem:s26+$0xD0]  }
0x466: {  	[tilespmem:v41+s2+$0x0] =	vst.idx.add.f32.msk $0xffff, v14  }
0x467: {  	v12 =	vor.u32 v3, v40;
	v14 =	vld [tilespmem:s26+$0x2D0]  }
0x468: {  	[tilespmem:v45+s2+$0x0] =	vst.idx.add.f32.msk $0xffff, v30  }
0x469: {  	v6 =	vshll.u32 v6, $0x5;
	v21 =	vld [tilespmem:s26+$0xFFFFFDC0]  }
0x46a: {  	v46 =	vshll.u32 v32, $0x5;
	v49 =	vor.u32 v0, v6;
	[tilespmem:v17+s2+$0x0] =	vst.idx.add.f32.msk $0xffff, v43  }
0x46b: {  	v32 =	vor.u32 v0, v46;
	v17 =	vld [tilespmem:s26+$0xE0]  }
0x46c: {  	v47 =	vshll.u32 v42, $0x5;
	[tilespmem:v12+s2+$0x0] =	vst.idx.add.f32.msk $0xffff, v14  }
0x46d: {  	v48 =	vor.u32 v0, v47;
	v12 =	vld [tilespmem:s26+$0x2E0]  }
0x46e: {  	v50 =	vld [tilespmem:s26+$0xFFFFFF30]  }
0x46f: {  	v15 =	vor.u32 v3, v15;
	[tilespmem:v49+s2+$0x0] =	vst.idx.add.f32.msk $0xffff, v21  }
0x470: {  	[tilespmem:v32+s2+$0x0] =	vst.idx.add.f32.msk $0xffff, v17  }
0x471: {  	v16 =	vor.u32 v3, v46;
	v17 =	vld [tilespmem:s26+$0xF0]  }
0x472: {  	[tilespmem:v48+s2+$0x0] =	vst.idx.add.f32.msk $0xffff, v12  }
0x473: {  	v9 =	vor.u32 v3, v47;
	v12 =	vld [tilespmem:s26+$0x2F0]  }
0x474: {  	[tilespmem:v15+s2+$0x0] =	vst.idx.add.f32.msk $0xffff, v50  }
0x475: {  	v56 =	vld [tilespmem:s26+$0xFFFFFDD0]  }
0x476: {  	v6 =	vor.u32 v3, v6;
	v51 =	vshll.u32 v29, $0x5;
	[tilespmem:v16+s2+$0x0] =	vst.idx.add.f32.msk $0xffff, v17  }
0x477: {  	v29 =	vor.u32 v0, v51;
	v17 =	vld [tilespmem:s26+$0x100]  }
0x478: {  	v52 =	vshll.u32 v39, $0x5;
	[tilespmem:v9+s2+$0x0] =	vst.idx.add.f32.msk $0xffff, v12  }
0x479: {  	v53 =	vor.u32 v0, v52;
	v12 =	vld [tilespmem:s26+$0x300]  }
0x47a: {  	v13 =	vshll.u32 v13, $0x5;
	v57 =	vld [tilespmem:s26+$0xFFFFFF40]  }
0x47b: {  	v58 =	vor.u32 v0, v13;
	[tilespmem:v6+s2+$0x0] =	vst.idx.add.f32.msk $0xffff, v56  }
0x47c: {  	[tilespmem:v29+s2+$0x0] =	vst.idx.add.f32.msk $0xffff, v17  }
0x47d: {  	v55 =	vor.u32 v3, v51;
	v54 =	vld [tilespmem:s26+$0x110]  }
0x47e: {  	[tilespmem:v53+s2+$0x0] =	vst.idx.add.f32.msk $0xffff, v12  }
0x47f: {  	v9 =	vor.u32 v3, v52;
	v12 =	vld [tilespmem:s26+$0x310]  }
0x480: {  	[tilespmem:v58+s2+$0x0] =	vst.idx.add.f32.msk $0xffff, v57  }
0x481: {  	v63 =	vld [tilespmem:s26+$0xFFFFFF50]  }
0x482: {  	v13 =	vor.u32 v3, v13;
	v59 =	vshll.u32 v27, $0x5;
	[tilespmem:v55+s2+$0x0] =	vst.idx.add.f32.msk $0xffff, v54  }
0x483: {  	v27 =	vor.u32 v0, v59;
	v15 =	vld [tilespmem:s26+$0x120]  }
0x484: {  	v60 =	vshll.u32 v37, $0x5;
	[tilespmem:v9+s2+$0x0] =	vst.idx.add.f32.msk $0xffff, v12  }
0x485: {  	v61 =	vor.u32 v0, v60;
	v9 =	vld [tilespmem:s26+$0x320]  }
0x486: {  	v16 =	vld [tilespmem:s26+$0xFFFFFDE0]  }
0x487: {  	v4 =	vshll.u32 v4, $0x5;
	[tilespmem:v13+s2+$0x0] =	vst.idx.add.f32.msk $0xffff, v63  }
0x488: {  	v62 =	vor.u32 v0, v4;
	[tilespmem:v27+s2+$0x0] =	vst.idx.add.f32.msk $0xffff, v15  }
0x489: {  	v14 =	vor.u32 v3, v59;
	v15 =	vld [tilespmem:s26+$0x130]  }
0x48a: {  	[tilespmem:v61+s2+$0x0] =	vst.idx.add.f32.msk $0xffff, v9  }
0x48b: {  	v6 =	vor.u32 v3, v60;
	v9 =	vld [tilespmem:s26+$0x330]  }
0x48c: {  	v37 =	vld [tilespmem:s26+$0xFFFFFF60]  }
0x48d: {  	v11 =	vshll.u32 v11, $0x5;
	[tilespmem:v62+s2+$0x0] =	vst.idx.add.f32.msk $0xffff, v16  }
0x48e: {  	v38 =	vor.u32 v0, v11;
	v27 =	vshll.u32 v25, $0x5;
	[tilespmem:v14+s2+$0x0] =	vst.idx.add.f32.msk $0xffff, v15  }
0x48f: {  	v29 =	vor.u32 v0, v27;
	v15 =	vld [tilespmem:s26+$0x140]  }
0x490: {  	v30 =	vshll.u32 v35, $0x5;
	[tilespmem:v6+s2+$0x0] =	vst.idx.add.f32.msk $0xffff, v9  }
0x491: {  	v32 =	vor.u32 v0, v30;
	v9 =	vld [tilespmem:s26+$0x340]  }
0x492: {  	v36 =	vld [tilespmem:s26+$0xFFFFFDF0]  }
0x493: {  	[tilespmem:v38+s2+$0x0] =	vst.idx.add.f32.msk $0xffff, v37  }
0x494: {  	v4 =	vor.u32 v3, v4;
	[tilespmem:v29+s2+$0x0] =	vst.idx.add.f32.msk $0xffff, v15  }
0x495: {  	v35 =	vor.u32 v3, v27;
	v34 =	vld [tilespmem:s26+$0x150]  }
0x496: {  	[tilespmem:v32+s2+$0x0] =	vst.idx.add.f32.msk $0xffff, v9  }
0x497: {  	v6 =	vor.u32 v3, v30;
	v9 =	vld [tilespmem:s26+$0x350]  }
0x498: {  	v42 =	vld [tilespmem:s26+$0xFFFFFF70]  }
0x499: {  	v11 =	vor.u32 v3, v11;
	[tilespmem:v4+s2+$0x0] =	vst.idx.add.f32.msk $0xffff, v36  }
0x49a: {  	v39 =	vshll.u32 v24, $0x5;
	[tilespmem:v35+s2+$0x0] =	vst.idx.add.f32.msk $0xffff, v34  }
0x49b: {  	v40 =	vor.u32 v0, v39;
	v13 =	vld [tilespmem:s26+$0x160]  }
0x49c: {  	v4 =	vshll.u32 v33, $0x5;
	[tilespmem:v6+s2+$0x0] =	vst.idx.add.f32.msk $0xffff, v9  }
0x49d: {  	v41 =	vor.u32 v0, v4;
	v6 =	vld [tilespmem:s26+$0x360]  }
0x49e: {  	v10 =	vshll.u32 v10, $0x5;
	[tilespmem:v11+s2+$0x0] =	vst.idx.add.f32.msk $0xffff, v42  }
0x49f: {  	v44 =	vor.u32 v0, v10;
	v11 =	vld [tilespmem:s26+$0xFFFFFF80]  }
0x4a0: {  	[tilespmem:v40+s2+$0x0] =	vst.idx.add.f32.msk $0xffff, v13  }
0x4a1: {  	v12 =	vor.u32 v3, v39;
	v43 =	vld [tilespmem:s26+$0x170]  }
0x4a2: {  	[tilespmem:v41+s2+$0x0] =	vst.idx.add.f32.msk $0xffff, v6  }
0x4a3: {  	v4 =	vor.u32 v3, v4;
	v9 =	vld [tilespmem:s26+$0x370]  }
0x4a4: {  	[tilespmem:v44+s2+$0x0] =	vst.idx.add.f32.msk $0xffff, v11  }
0x4a5: {  	v10 =	vor.u32 v3, v10;
	v11 =	vld [tilespmem:s26+$0xFFFFFF90]  }
0x4a6: {  	v45 =	vshll.u32 v22, $0x5;
	[tilespmem:v12+s2+$0x0] =	vst.idx.add.f32.msk $0xffff, v43  }
0x4a7: {  	v46 =	vor.u32 v0, v45;
	v14 =	vld [tilespmem:s26+$0x180]  }
0x4a8: {  	[tilespmem:v4+s2+$0x0] =	vst.idx.add.f32.msk $0xffff, v9;
	v4 =	vshll.u32 v31, $0x5  }
0x4a9: {  	v9 =	vld [tilespmem:s26+$0x380];
	v47 =	vor.u32 v0, v4  }
0x4aa: {  	v8 =	vshll.u32 v8, $0x5;
	[tilespmem:v10+s2+$0x0] =	vst.idx.add.f32.msk $0xffff, v11  }
0x4ab: {  	v49 =	vor.u32 v0, v8;
	v10 =	vld [tilespmem:s26+$0xFFFFFFA0]  }
0x4ac: {  	[tilespmem:v46+s2+$0x0] =	vst.idx.add.f32.msk $0xffff, v14  }
0x4ad: {  	v12 =	vor.u32 v3, v45;
	v48 =	vld [tilespmem:s26+$0x190]  }
0x4ae: {  	[tilespmem:v47+s2+$0x0] =	vst.idx.add.f32.msk $0xffff, v9  }
0x4af: {  	v4 =	vor.u32 v3, v4;
	v9 =	vld [tilespmem:s26+$0x390]  }
0x4b0: {  	[tilespmem:v49+s2+$0x0] =	vst.idx.add.f32.msk $0xffff, v10  }
0x4b1: {  	v8 =	vor.u32 v3, v8;
	v10 =	vld [tilespmem:s26+$0xFFFFFFB0]  }
0x4b2: {  	v50 =	vshll.u32 v20, $0x5;
	[tilespmem:v12+s2+$0x0] =	vst.idx.add.f32.msk $0xffff, v48  }
0x4b3: {  	v51 =	vor.u32 v0, v50;
	v13 =	vld [tilespmem:s26+$0x1A0]  }
0x4b4: {  	[tilespmem:v4+s2+$0x0] =	vst.idx.add.f32.msk $0xffff, v9;
	v4 =	vshll.u32 v28, $0x5  }
0x4b5: {  	v9 =	vld [tilespmem:s26+$0x3A0];
	v52 =	vor.u32 v0, v4  }
0x4b6: {  	v7 =	vshll.u32 v7, $0x5;
	[tilespmem:v8+s2+$0x0] =	vst.idx.add.f32.msk $0xffff, v10  }
0x4b7: {  	v54 =	vor.u32 v0, v7;
	v8 =	vld [tilespmem:s26+$0xFFFFFFC0]  }
0x4b8: {  	[tilespmem:v51+s2+$0x0] =	vst.idx.add.f32.msk $0xffff, v13  }
0x4b9: {  	v12 =	vor.u32 v3, v50;
	v53 =	vld [tilespmem:s26+$0x1B0]  }
0x4ba: {  	[tilespmem:v52+s2+$0x0] =	vst.idx.add.f32.msk $0xffff, v9  }
0x4bb: {  	v4 =	vor.u32 v3, v4;
	v9 =	vld [tilespmem:s26+$0x3B0]  }
0x4bc: {  	[tilespmem:v54+s2+$0x0] =	vst.idx.add.f32.msk $0xffff, v8  }
0x4bd: {  	v7 =	vor.u32 v3, v7;
	v8 =	vld [tilespmem:s26+$0xFFFFFFD0]  }
0x4be: {  	v55 =	vshll.u32 v19, $0x5;
	[tilespmem:v12+s2+$0x0] =	vst.idx.add.f32.msk $0xffff, v53  }
0x4bf: {  	v56 =	vor.u32 v0, v55;
	v12 =	vld [tilespmem:s26+$0x1C0]  }
0x4c0: {  	[tilespmem:v4+s2+$0x0] =	vst.idx.add.f32.msk $0xffff, v9;
	v4 =	vshll.u32 v26, $0x5  }
0x4c1: {  	v9 =	vld [tilespmem:s26+$0x3C0];
	v57 =	vor.u32 v0, v4  }
0x4c2: {  	[tilespmem:v7+s2+$0x0] =	vst.idx.add.f32.msk $0xffff, v8  }
0x4c3: {  	v5 =	vshll.u32 v5, $0x5;
	v7 =	vld [tilespmem:s26+$0xFFFFFFE0]  }
0x4c4: {  	v59 =	vor.u32 v0, v5;
	[tilespmem:v56+s2+$0x0] =	vst.idx.add.f32.msk $0xffff, v12  }
0x4c5: {  	v11 =	vor.u32 v3, v55;
	v58 =	vld [tilespmem:s26+$0x1D0]  }
0x4c6: {  	[tilespmem:v57+s2+$0x0] =	vst.idx.add.f32.msk $0xffff, v9  }
0x4c7: {  	v4 =	vor.u32 v3, v4;
	v9 =	vld [tilespmem:s26+$0x3D0];
	_ =	sdelay $0x1  }
0x4c8: {  	[tilespmem:v59+s2+$0x0] =	vst.idx.add.f32.msk $0xffff, v7  }
0x4c9: {  	v60 =	vshll.u32 v18, $0x5;
	[tilespmem:v11+s2+$0x0] =	vst.idx.add.f32.msk $0xffff, v58  }
0x4ca: {  	v61 =	vor.u32 v0, v60;
	v11 =	vld [tilespmem:s26+$0x1E0]  }
0x4cb: {  	[tilespmem:v4+s2+$0x0] =	vst.idx.add.f32.msk $0xffff, v9;
	v4 =	vshll.u32 v23, $0x5  }
0x4cc: {  	v9 =	vld [tilespmem:s26+$0x3E0];
	v62 =	vor.u32 v0, v4  }
0x4cd: {  	v6 =	vld @!p0 [tilespmem:s28+$0xFFFFFFE0]  }
0x4ce: {  	v5 =	vor.u32 v3, v5;
	v7 =	vld [tilespmem:s26+$0xFFFFFFF0]  }
0x4cf: {  	[tilespmem:v61+s2+$0x0] =	vst.idx.add.f32.msk $0xffff, v11  }
0x4d0: {  	v10 =	vor.u32 v3, v60;
	v63 =	vld [tilespmem:s26+$0x1F0]  }
0x4d1: {  	[tilespmem:v62+s2+$0x0] =	vst.idx.add.f32.msk $0xffff, v9  }
0x4d2: {  	v4 =	vor.u32 v3, v4;
	v9 =	vld [tilespmem:s26+$0x3F0]  }
0x4d3: {  	[tilespmem:v5+s2+$0x0] =	vst.idx.add.f32.msk $0xffff, v7  }
0x4d4: {  	v5 =	vld @!p0 [tilespmem:s28+$0xFFFFFFF0]  }
0x4d5: {  	[tilespmem:v10+s2+$0x0] =	vst.idx.add.f32.msk $0xffff, v63  }
0x4d6: {  	v7 =	vld @!p0 [tilespmem:s28+$0x0]  }
0x4d7: {  	[tilespmem:v4+s2+$0x0] =	vst.idx.add.f32.msk $0xffff, v9  }
0x4d8: {  	v4 =	vld @!p0 [tilespmem:s28+$0x10];
	_ =	sdelay $0x1  }
0x4d9: {  	v6 =	vshll.u32 @!p0 v6, $0x4  }
0x4da: {  	v5 =	vshll.u32 @!p0 v5, $0x4  }
0x4db: {  	s24 =	sadd.s32 $0x4, s24;
	v7 =	vshll.u32 @!p0 v7, $0x4  }
0x4dc: {  	p1 =	slt.u32 s24, $0x3C;
	v4 =	vshll.u32 @!p0 v4, $0x4  }
.Ltmp5:
0x4dd: {  	s29 =	simm.s32 @!p0 $0x8000;
	v8 =	vimm.f32 @!p0 $1.000000000e+00;
	(pc) =	sbr.rel @p1 .LBB2_12-.Ltmp5, $4  }
0x4de: {  	[tilespmem:v6+s29+$0x0] =	vst.idx.add.f32.msk @!p0 $0xffff, v8  }
0x4df: {  	[tilespmem:v5+s29+$0x0] =	vst.idx.add.f32.msk @!p0 $0xffff, v8  }
0x4e0: {  	[tilespmem:v7+s29+$0x0] =	vst.idx.add.f32.msk @!p0 $0xffff, v8  }
0x4e1: {  	s25 =	sadd.s32 $0x40, s25;
	s26 =	sadd.s32 $0x800, s26;
	s28 =	sadd.s32 $0x40, s28;
	[tilespmem:v4+s29+$0x0] =	vst.idx.add.f32.msk @!p0 $0xffff, v8  }
0x4e2: {  	_ =	swait.ge [sflag:s3], $0x8000  }
0x4e3: {  	[sflag:s3] =	ssyncset.done $0x0  }
0x4e4: {  	[sflag:s3] =	ssyncadd.s32 $0xFFFF8000  }
0x4e5: {  	_ =	swait.ge [sflag:s21], $0x400  }
0x4e6: {  	s24 =	simm.s32 $0xFFFFFFFC;
	s25 =	simm.s32 $0x147F0;
	[sflag:s21] =	ssyncset.done $0x0  }
0x4e7: {  	s26 =	simm.s32 $0x3F;
	s28 =	simm.s32 $0x1C430;
	[sflag:s21] =	ssyncadd.s32 $0xFFFFFC00  }
.LBB2_14:
0x4e8: {  	s29 =	sadd.s32 $0xFFFFFFC1, s26;
	s30 =	sadd.s32 $0xFFFFFFC4, s26;
	s31 =	sadd.s32 $0xFFFFFFC7, s26  }
0x4e9: {  	v4 =	vmov s29;
	s29 =	sadd.s32 $0xFFFFFFC2, s26;
	v7 =	vmov s30;
	v10 =	vmov s31  }
0x4ea: {  	s31 =	sadd.s32 $0xFFFFFFCA, s26;
	v4 =	vshrl.u32 v4, $0x3;
	v5 =	vmov s29;
	v7 =	vshrl.u32 v7, $0x3  }
0x4eb: {  	s29 =	sadd.s32 $0xFFFFFFC3, s26;
	v10 =	vshrl.u32 v10, $0x3;
	v13 =	vmov s31;
	v4 =	vshll.u32 v4, v2  }
0x4ec: {  	v5 =	vshrl.u32 v5, $0x3;
	v6 =	vmov s29;
	v7 =	vshll.u32 v7, v2  }
0x4ed: {  	v10 =	vshll.u32 v10, v2;
	v13 =	vshrl.u32 v13, $0x3;
	v4 =	vbroadcast v4, $0x0  }
0x4ee: {  	s29 =	sadd.s32 $0xFFFFFFC5, s26;
	v5 =	vshll.u32 v5, v2;
	v6 =	vshrl.u32 v6, $0x3;
	v7 =	vadd.s32 $0x3, v7  }
0x4ef: {  	v8 =	vmov s29;
	v10 =	vadd.s32 $0x6, v10;
	v13 =	vshll.u32 v13, v2  }
0x4f0: {  	s29 =	sadd.s32 $0xFFFFFFC6, s26;
	v5 =	vadd.s32 $0x1, v5;
	v6 =	vshll.u32 v6, v2;
	v7 =	vbroadcast v7, $0x0  }
0x4f1: {  	v8 =	vshrl.u32 v8, $0x3;
	v9 =	vmov s29;
	v10 =	vbroadcast v10, $0x0  }
0x4f2: {  	s29 =	sadd.s32 $0xFFFFFFC8, s26;
	v13 =	vadd.s32 $0x1, v13;
	v5 =	vbroadcast v5, $0x0;
	v6 =	vadd.s32 $0x2, v6  }
0x4f3: {  	v8 =	vshll.u32 v8, v2;
	v9 =	vshrl.u32 v9, $0x3;
	v11 =	vmov s29  }
0x4f4: {  	s29 =	sadd.s32 $0xFFFFFFC9, s26;
	v13 =	vbroadcast v13, $0x0;
	v6 =	vbroadcast v6, $0x0;
	v8 =	vadd.s32 $0x4, v8  }
0x4f5: {  	v9 =	vshll.u32 v9, v2;
	v11 =	vshrl.u32 v11, $0x3;
	v12 =	vmov s29  }
0x4f6: {  	s29 =	sadd.s32 $0xFFFFFFCB, s26;
	v8 =	vbroadcast v8, $0x0;
	v9 =	vadd.s32 $0x5, v9;
	v11 =	vshll.u32 v11, v2  }
0x4f7: {  	v12 =	vshrl.u32 v12, $0x3;
	v14 =	vmov s29;
	s29 =	sadd.s32 $0xFFFFFFCC, s26;
	v9 =	vbroadcast v9, $0x0  }
0x4f8: {  	v11 =	vadd.s32 $0x7, v11;
	v12 =	vshll.u32 v12, v2;
	v15 =	vmov s29  }
0x4f9: {  	v34 =	vld [tilespmem:s25+$0xFFFFF810];
	v14 =	vshrl.u32 v14, $0x3;
	s29 =	sadd.s32 $0xFFFFFFCD, s26;
	v11 =	vbroadcast v11, $0x0;
	v21 =	vshrl.u32 v15, $0x3  }
0x4fa: {  	v12 =	vbroadcast v12, $0x0;
	v4 =	vld.idx.msk [tilespmem:v4+s20+$0x0], $0xffff;
	v22 =	vmov s29;
	s29 =	sadd.s32 $0xFFFFFFCE, s26;
	v23 =	vshll.u32 v21, v2  }
0x4fb: {  	v24 =	vshrl.u32 v22, $0x3;
	v18 =	vmov s29;
	s29 =	sadd.s32 $0xFFFFFFCF, s26;
	v16 =	vld.idx.msk [tilespmem:v5+s20+$0x0], $0xffff;
	v5 =	vshll.u32 v14, v2  }
0x4fc: {  	v7 =	vld.idx.msk [tilespmem:v7+s20+$0x0], $0xffff;
	v26 =	vshll.u32 v24, v2;
	v28 =	vshrl.u32 v18, $0x3;
	v29 =	vmov s29  }
0x4fd: {  	s29 =	sadd.s32 $0xFFFFFFD0, s26;
	v17 =	vld.idx.msk [tilespmem:v6+s20+$0x0], $0xffff;
	v5 =	vadd.s32 $0x2, v5;
	v6 =	vadd.s32 $0x4, v26;
	v30 =	vshrl.u32 v29, $0x3  }
0x4fe: {  	v18 =	vld.idx.msk [tilespmem:v13+s20+$0x0], $0xffff;
	v31 =	vmov s29;
	v25 =	vbroadcast v5, $0x0;
	v5 =	vadd.s32 $0x3, v23  }
0x4ff: {  	v6 =	vbroadcast v6, $0x0;
	v23 =	vld.idx.msk [tilespmem:v10+s20+$0x0], $0xffff;
	v10 =	vshll.u32 v30, v2;
	v32 =	vshrl.u32 v31, $0x3  }
0x500: {  	v27 =	vbroadcast v5, $0x0;
	v5 =	vld.idx.msk [tilespmem:v9+s20+$0x0], $0xffff;
	v9 =	vshll.u32 v28, v2;
	v10 =	vadd.s32 $0x6, v10  }
0x501: {  	v22 =	vld.idx.msk [tilespmem:v11+s20+$0x0], $0xffff;
	v9 =	vadd.s32 $0x5, v9;
	v11 =	vshll.u32 v32, v2;
	v10 =	vbroadcast v10, $0x0  }
0x502: {  	v8 =	vld.idx.msk [tilespmem:v8+s20+$0x0], $0xffff;
	v9 =	vbroadcast v9, $0x0;
	v11 =	vadd.s32 $0x7, v11  }
0x503: {  	v20 =	vld.idx.msk [tilespmem:v12+s20+$0x0], $0xffff;
	v11 =	vbroadcast v11, $0x0  }
0x504: {  	v33 =	vshll.u32 v4, $0x5;
	v19 =	vld.idx.msk [tilespmem:v25+s20+$0x0], $0xffff  }
0x505: {  	v21 =	vor.u32 v0, v33;
	v12 =	vld.idx.msk [tilespmem:v6+s20+$0x0], $0xffff  }
0x506: {  	v14 =	vld.idx.msk [tilespmem:v27+s20+$0x0], $0xffff  }
0x507: {  	v6 =	vld.idx.msk [tilespmem:v10+s20+$0x0], $0xffff  }
0x508: {  	v9 =	vld.idx.msk [tilespmem:v9+s20+$0x0], $0xffff  }
0x509: {  	v4 =	vld.idx.msk [tilespmem:v11+s20+$0x0], $0xffff  }
0x50a: {  	[tilespmem:v21+s2+$0x0] =	vst.idx.add.f32.msk $0xffff, v34  }
0x50b: {  	v36 =	vor.u32 v3, v33;
	v35 =	vld [tilespmem:s25+$0xFFFFF820];
	_ =	sdelay $0x4  }
0x50c: {  	v37 =	vshll.u32 v16, $0x5;
	[tilespmem:v36+s2+$0x0] =	vst.idx.add.f32.msk $0xffff, v35  }
0x50d: {  	v38 =	vor.u32 v0, v37;
	v11 =	vld [tilespmem:s25+$0xFFFFF830];
	_ =	sdelay $0x4  }
0x50e: {  	[tilespmem:v38+s2+$0x0] =	vst.idx.add.f32.msk $0xffff, v11  }
0x50f: {  	v10 =	vor.u32 v3, v37;
	v11 =	vld [tilespmem:s25+$0xFFFFF840];
	_ =	sdelay $0x4  }
0x510: {  	v39 =	vshll.u32 v17, $0x5;
	[tilespmem:v10+s2+$0x0] =	vst.idx.add.f32.msk $0xffff, v11  }
0x511: {  	v40 =	vor.u32 v0, v39;
	v11 =	vld [tilespmem:s25+$0xFFFFF850];
	_ =	sdelay $0x4  }
0x512: {  	s31 =	sadd.s32 $0xFFFFFFD4, s26;
	[tilespmem:v40+s2+$0x0] =	vst.idx.add.f32.msk $0xffff, v11  }
0x513: {  	v47 =	vmov s31;
	s31 =	sadd.s32 $0xFFFFFFD7, s26;
	s29 =	sadd.s32 $0xFFFFFFD1, s26;
	v10 =	vor.u32 v3, v39;
	v11 =	vld [tilespmem:s25+$0xFFFFF860]  }
0x514: {  	v24 =	vmov s31;
	s31 =	sadd.s32 $0xFFFFFFDA, s26;
	v42 =	vmov s29;
	s29 =	sadd.s32 $0xFFFFFFD2, s26  }
0x515: {  	v26 =	vmov s31;
	v44 =	vmov s29;
	s29 =	sadd.s32 $0xFFFFFFD3, s26  }
0x516: {  	v53 =	vshrl.u32 v24, $0x3;
	v26 =	vshrl.u32 v26, $0x3;
	v46 =	vmov s29;
	s29 =	sadd.s32 $0xFFFFFFD5, s26  }
0x517: {  	v58 =	vshll.u32 v26, v2;
	v7 =	vshll.u32 v7, $0x5;
	v49 =	vmov s29;
	s29 =	sadd.s32 $0xFFFFFFD6, s26  }
0x518: {  	v15 =	vshrl.u32 v44, $0x3;
	v17 =	vshrl.u32 v49, $0x3;
	v50 =	vmov s29;
	[tilespmem:v10+s2+$0x0] =	vst.idx.add.f32.msk $0xffff, v11  }
0x519: {  	v41 =	vor.u32 v0, v7;
	v17 =	vshll.u32 v17, v2;
	v52 =	vshrl.u32 v50, $0x3;
	v10 =	vld [tilespmem:s25+$0xFFFFF870]  }
0x51a: {  	v61 =	vadd.s32 $0x1, v58;
	v51 =	vadd.s32 $0x4, v17;
	v16 =	vshll.u32 v52, v2  }
0x51b: {  	s29 =	sadd.s32 $0xFFFFFFD8, s26;
	v17 =	vshll.u32 v53, v2;
	v13 =	vbroadcast v51, $0x0;
	v16 =	vadd.s32 $0x5, v16  }
0x51c: {  	v55 =	vmov s29;
	v17 =	vadd.s32 $0x6, v17;
	v16 =	vbroadcast v16, $0x0  }
0x51d: {  	v7 =	vor.u32 v3, v7;
	s29 =	sadd.s32 $0xFFFFFFD9, s26;
	v24 =	vshrl.u32 v55, $0x3;
	v17 =	vbroadcast v17, $0x0  }
0x51e: {  	v45 =	vshll.u32 v15, v2;
	v25 =	vmov s29;
	v24 =	vshll.u32 v24, v2;
	[tilespmem:v41+s2+$0x0] =	vst.idx.add.f32.msk $0xffff, v10  }
0x51f: {  	v15 =	vshrl.u32 v47, $0x3;
	v25 =	vshrl.u32 v25, $0x3;
	v24 =	vadd.s32 $0x7, v24;
	v10 =	vld [tilespmem:s25+$0xFFFFF880]  }
0x520: {  	v15 =	vshll.u32 v15, v2;
	s29 =	sadd.s32 $0xFFFFFFDB, s26;
	v57 =	vshll.u32 v25, v2;
	v56 =	vbroadcast v24, $0x0  }
0x521: {  	v8 =	vshll.u32 v8, $0x5;
	v62 =	vmov s29;
	s29 =	sadd.s32 $0xFFFFFFDC, s26;
	v60 =	vbroadcast v57, $0x0;
	v31 =	vld.idx.msk [tilespmem:v13+s20+$0x0], $0xffff  }
0x522: {  	v15 =	vadd.s32 $0x3, v15;
	v43 =	vor.u32 v0, v8;
	v32 =	vld.idx.msk [tilespmem:v16+s20+$0x0], $0xffff;
	v35 =	vmov s29;
	s29 =	sadd.s32 $0xFFFFFFDD, s26  }
0x523: {  	v15 =	vbroadcast v15, $0x0;
	v21 =	vld.idx.msk [tilespmem:v17+s20+$0x0], $0xffff;
	v38 =	vmov s29;
	s29 =	sadd.s32 $0xFFFFFFDE, s26;
	v11 =	vshrl.u32 v42, $0x3  }
0x524: {  	v34 =	vshrl.u32 v62, $0x3;
	v44 =	vmov s29;
	s29 =	sadd.s32 $0xFFFFFFDF, s26;
	v11 =	vshll.u32 v11, v2;
	[tilespmem:v7+s2+$0x0] =	vst.idx.add.f32.msk $0xffff, v10  }
0x525: {  	v7 =	vadd.s32 $0x1, v45;
	v10 =	vshrl.u32 v46, $0x3;
	v46 =	vmov s29;
	s29 =	sadd.s32 $0xFFFFFFE0, s26;
	v48 =	vld [tilespmem:s25+$0xFFFFF890]  }
0x526: {  	v17 =	vld.idx.msk [tilespmem:v56+s20+$0x0], $0xffff;
	v7 =	vbroadcast v7, $0x0;
	v10 =	vshll.u32 v10, v2;
	v47 =	vmov s29  }
0x527: {  	v16 =	vld.idx.msk [tilespmem:v60+s20+$0x0], $0xffff;
	v11 =	vbroadcast v11, $0x0;
	v10 =	vadd.s32 $0x2, v10;
	v50 =	vshrl.u32 v47, $0x3  }
0x528: {  	v36 =	vshll.u32 v34, v2;
	v34 =	vld [tilespmem:s25+$0xFFFFFA10];
	v10 =	vbroadcast v10, $0x0;
	v51 =	vshll.u32 v50, v2  }
0x529: {  	v63 =	vbroadcast v61, $0x0;
	v37 =	vshrl.u32 v35, $0x3;
	v41 =	vld.idx.msk [tilespmem:v15+s20+$0x0], $0xffff;
	v52 =	vadd.s32 $0x7, v51  }
0x52a: {  	v8 =	vor.u32 v3, v8;
	v39 =	vshll.u32 v37, v2;
	v26 =	vbroadcast v52, $0x0;
	[tilespmem:v43+s2+$0x0] =	vst.idx.add.f32.msk $0xffff, v48  }
0x52b: {  	v40 =	vshrl.u32 v38, $0x3;
	v45 =	vshrl.u32 v44, $0x3;
	v15 =	vshrl.u32 v46, $0x3;
	v54 =	vld [tilespmem:s25+$0xFFFFF8A0]  }
0x52c: {  	v13 =	vshll.u32 v45, v2;
	v49 =	vshll.u32 v15, v2;
	v28 =	vld.idx.msk [tilespmem:v7+s20+$0x0], $0xffff;
	v7 =	vadd.s32 $0x2, v36  }
0x52d: {  	v27 =	vld.idx.msk [tilespmem:v11+s20+$0x0], $0xffff;
	v48 =	vadd.s32 $0x5, v13;
	v13 =	vadd.s32 $0x6, v49;
	v7 =	vbroadcast v7, $0x0  }
0x52e: {  	v42 =	vshll.u32 v40, v2;
	v33 =	vbroadcast v13, $0x0;
	v29 =	vld.idx.msk [tilespmem:v10+s20+$0x0], $0xffff;
	v10 =	vadd.s32 $0x3, v39  }
0x52f: {  	v15 =	vld.idx.msk [tilespmem:v63+s20+$0x0], $0xffff;
	v43 =	vadd.s32 $0x4, v42;
	v10 =	vbroadcast v10, $0x0  }
0x530: {  	v53 =	vshll.u32 v5, $0x5;
	v30 =	vbroadcast v43, $0x0;
	v5 =	vld.idx.msk [tilespmem:v26+s20+$0x0], $0xffff  }
0x531: {  	[tilespmem:v8+s2+$0x0] =	vst.idx.add.f32.msk $0xffff, v54;
	v8 =	vbroadcast v48, $0x0  }
0x532: {  	v27 =	vshll.u32 v27, $0x5;
	v59 =	vld [tilespmem:s25+$0xFFFFF8B0]  }
0x533: {  	v35 =	vor.u32 v0, v27;
	v13 =	vld.idx.msk [tilespmem:v7+s20+$0x0], $0xffff  }
0x534: {  	v36 =	vor.u32 v0, v53;
	v7 =	vld.idx.msk [tilespmem:v33+s20+$0x0], $0xffff  }
0x535: {  	v11 =	vld.idx.msk [tilespmem:v10+s20+$0x0], $0xffff  }
0x536: {  	v10 =	vld.idx.msk [tilespmem:v30+s20+$0x0], $0xffff  }
0x537: {  	v8 =	vld.idx.msk [tilespmem:v8+s20+$0x0], $0xffff  }
0x538: {  	[tilespmem:v35+s2+$0x0] =	vst.idx.add.f32.msk $0xffff, v34  }
0x539: {  	[tilespmem:v36+s2+$0x0] =	vst.idx.add.f32.msk $0xffff, v59  }
0x53a: {  	v27 =	vor.u32 v3, v27;
	v54 =	vld [tilespmem:s25+$0xFFFFFA20]  }
0x53b: {  	v30 =	vor.u32 v3, v53;
	v25 =	vld [tilespmem:s25+$0xFFFFF8C0];
	_ =	sdelay $0x3  }
0x53c: {  	[tilespmem:v27+s2+$0x0] =	vst.idx.add.f32.msk $0xffff, v54  }
0x53d: {  	v55 =	vshll.u32 v28, $0x5;
	[tilespmem:v30+s2+$0x0] =	vst.idx.add.f32.msk $0xffff, v25  }
0x53e: {  	v23 =	vshll.u32 v23, $0x5;
	v28 =	vor.u32 v0, v55;
	v27 =	vld [tilespmem:s25+$0xFFFFFA30]  }
0x53f: {  	v56 =	vor.u32 v0, v23;
	v25 =	vld [tilespmem:s25+$0xFFFFF8D0];
	_ =	sdelay $0x3  }
0x540: {  	[tilespmem:v28+s2+$0x0] =	vst.idx.add.f32.msk $0xffff, v27  }
0x541: {  	[tilespmem:v56+s2+$0x0] =	vst.idx.add.f32.msk $0xffff, v25  }
0x542: {  	v26 =	vor.u32 v3, v55;
	v27 =	vld [tilespmem:s25+$0xFFFFFA40]  }
0x543: {  	v23 =	vor.u32 v3, v23;
	v25 =	vld [tilespmem:s25+$0xFFFFF8E0];
	_ =	sdelay $0x3  }
0x544: {  	[tilespmem:v26+s2+$0x0] =	vst.idx.add.f32.msk $0xffff, v27  }
0x545: {  	v57 =	vshll.u32 v29, $0x5;
	[tilespmem:v23+s2+$0x0] =	vst.idx.add.f32.msk $0xffff, v25  }
0x546: {  	v22 =	vshll.u32 v22, $0x5;
	v58 =	vor.u32 v0, v57;
	v27 =	vld [tilespmem:s25+$0xFFFFFA50]  }
0x547: {  	v59 =	vor.u32 v0, v22;
	v23 =	vld [tilespmem:s25+$0xFFFFF8F0];
	_ =	sdelay $0x3  }
0x548: {  	[tilespmem:v58+s2+$0x0] =	vst.idx.add.f32.msk $0xffff, v27  }
0x549: {  	[tilespmem:v59+s2+$0x0] =	vst.idx.add.f32.msk $0xffff, v23  }
0x54a: {  	v26 =	vor.u32 v3, v57;
	v27 =	vld [tilespmem:s25+$0xFFFFFA60]  }
0x54b: {  	v22 =	vor.u32 v3, v22;
	v23 =	vld [tilespmem:s25+$0xFFFFF900];
	_ =	sdelay $0x3  }
0x54c: {  	[tilespmem:v26+s2+$0x0] =	vst.idx.add.f32.msk $0xffff, v27  }
0x54d: {  	v24 =	vshll.u32 v41, $0x5;
	[tilespmem:v22+s2+$0x0] =	vst.idx.add.f32.msk $0xffff, v23  }
0x54e: {  	v20 =	vshll.u32 v20, $0x5;
	v61 =	vor.u32 v0, v24;
	v60 =	vld [tilespmem:s25+$0xFFFFFA70]  }
0x54f: {  	v62 =	vor.u32 v0, v20;
	v22 =	vld [tilespmem:s25+$0xFFFFF910];
	_ =	sdelay $0x1  }
0x550: {  	s29 =	sadd.s32 $0xFFFFFFE1, s26  }
0x551: {  	v39 =	vmov s29;
	s29 =	sadd.s32 $0xFFFFFFE2, s26  }
0x552: {  	v18 =	vshll.u32 v18, $0x5;
	v20 =	vor.u32 v3, v20;
	v41 =	vmov s29;
	s29 =	sadd.s32 $0xFFFFFFE3, s26;
	[tilespmem:v61+s2+$0x0] =	vst.idx.add.f32.msk $0xffff, v60  }
0x553: {  	v38 =	vshll.u32 v32, $0x5;
	v43 =	vmov s29;
	s29 =	sadd.s32 $0xFFFFFFE4, s26;
	v29 =	vshrl.u32 v41, $0x3;
	[tilespmem:v62+s2+$0x0] =	vst.idx.add.f32.msk $0xffff, v22  }
0x554: {  	v24 =	vor.u32 v3, v24;
	v46 =	vmov s29;
	s29 =	sadd.s32 $0xFFFFFFE5, s26;
	v29 =	vshll.u32 v29, v2;
	v25 =	vld [tilespmem:s25+$0xFFFFFA80]  }
0x555: {  	v48 =	vmov s29;
	v44 =	vadd.s32 $0x1, v29;
	v29 =	vshrl.u32 v46, $0x3;
	v23 =	vld [tilespmem:s25+$0xFFFFF920]  }
0x556: {  	v63 =	vor.u32 v0, v18;
	v50 =	vshrl.u32 v48, $0x3;
	v29 =	vshll.u32 v29, v2  }
0x557: {  	v18 =	vor.u32 v3, v18;
	s29 =	sadd.s32 $0xFFFFFFE6, s26;
	v49 =	vadd.s32 $0x3, v29;
	v29 =	vshll.u32 v50, v2  }
0x558: {  	v40 =	vshrl.u32 v39, $0x3;
	v51 =	vmov s29;
	v29 =	vadd.s32 $0x4, v29  }
0x559: {  	v45 =	vshrl.u32 v43, $0x3;
	s29 =	sadd.s32 $0xFFFFFFE7, s26;
	v33 =	vshrl.u32 v51, $0x3;
	v22 =	vbroadcast v29, $0x0;
	[tilespmem:v24+s2+$0x0] =	vst.idx.add.f32.msk $0xffff, v25  }
0x55a: {  	v52 =	vmov s29;
	v53 =	vshll.u32 v33, v2;
	v36 =	vshll.u32 v31, $0x5;
	[tilespmem:v20+s2+$0x0] =	vst.idx.add.f32.msk $0xffff, v23  }
0x55b: {  	s29 =	sadd.s32 $0xFFFFFFE8, s26;
	v37 =	vor.u32 v0, v36;
	v30 =	vshll.u32 v19, $0x5;
	v19 =	vor.u32 v3, v36;
	v42 =	vld [tilespmem:s25+$0xFFFFFA90]  }
0x55c: {  	v54 =	vshrl.u32 v52, $0x3;
	v28 =	vor.u32 v3, v38;
	v56 =	vmov s29;
	s29 =	sadd.s32 $0xFFFFFFEA, s26;
	v47 =	vld [tilespmem:s25+$0xFFFFF930]  }
0x55d: {  	v58 =	vmov s29;
	s29 =	sadd.s32 $0xFFFFFFEB, s26;
	v25 =	vshll.u32 v40, v2;
	v23 =	vshll.u32 v45, v2  }
0x55e: {  	v62 =	vmov s29;
	s29 =	sadd.s32 $0xFFFFFFEC, s26;
	v25 =	vbroadcast v25, $0x0;
	v23 =	vadd.s32 $0x2, v23  }
0x55f: {  	s31 =	sadd.s32 $0xFFFFFFE9, s26;
	v41 =	vmov s29;
	s29 =	sadd.s32 $0xFFFFFFEE, s26;
	v24 =	vor.u32 v0, v38;
	v38 =	vld.idx.msk [tilespmem:v22+s20+$0x0], $0xffff;
	v23 =	vbroadcast v23, $0x0  }
0x560: {  	v29 =	vadd.s32 $0x5, v53;
	v60 =	vmov s31;
	v46 =	vmov s29;
	s29 =	sadd.s32 $0xFFFFFFEF, s26;
	[tilespmem:v37+s2+$0x0] =	vst.idx.add.f32.msk $0xffff, v42  }
0x561: {  	v29 =	vbroadcast v29, $0x0;
	v35 =	vshrl.u32 v60, $0x3;
	v48 =	vmov s29;
	[tilespmem:v63+s2+$0x0] =	vst.idx.add.f32.msk $0xffff, v47  }
0x562: {  	v32 =	vshll.u32 v54, v2;
	v61 =	vshll.u32 v35, v2;
	v35 =	vshrl.u32 v48, $0x3;
	v31 =	vld [tilespmem:s25+$0xFFFFFAA0]  }
0x563: {  	v32 =	vadd.s32 $0x6, v32;
	v27 =	vbroadcast v49, $0x0;
	s31 =	sadd.s32 $0xFFFFFFED, s26;
	v50 =	vshll.u32 v35, v2;
	v55 =	vld [tilespmem:s25+$0xFFFFF940]  }
0x564: {  	v20 =	vbroadcast v44, $0x0;
	v44 =	vshrl.u32 v41, $0x3;
	v42 =	vmov s31;
	s31 =	sadd.s32 $0xFFFFFFF0, s26;
	v25 =	vld.idx.msk [tilespmem:v25+s20+$0x0], $0xffff  }
0x565: {  	v52 =	vadd.s32 $0x6, v50;
	v45 =	vshrl.u32 v42, $0x3;
	v49 =	vmov s31;
	v41 =	vld.idx.msk [tilespmem:v23+s20+$0x0], $0xffff  }
0x566: {  	v33 =	vshll.u32 v45, v2;
	v36 =	vshrl.u32 v49, $0x3;
	v23 =	vbroadcast v52, $0x0;
	v52 =	vld [tilespmem:s25+$0xFFFFFC10]  }
0x567: {  	v34 =	vshrl.u32 v56, $0x3;
	v33 =	vadd.s32 $0x4, v33;
	v51 =	vshll.u32 v36, v2;
	v36 =	vld.idx.msk [tilespmem:v29+s20+$0x0], $0xffff  }
0x568: {  	v57 =	vshll.u32 v34, v2;
	v26 =	vor.u32 v0, v30;
	s29 =	sadd.s32 $0xFFFFFFF1, s26;
	v33 =	vbroadcast v33, $0x0;
	[tilespmem:v19+s2+$0x0] =	vst.idx.add.f32.msk $0xffff, v31  }
0x569: {  	v54 =	vmov s29;
	s29 =	sadd.s32 $0xFFFFFFF2, s26;
	v19 =	vbroadcast v32, $0x0;
	v32 =	vshrl.u32 v58, $0x3;
	[tilespmem:v18+s2+$0x0] =	vst.idx.add.f32.msk $0xffff, v55  }
0x56a: {  	v56 =	vmov s29;
	v40 =	vshrl.u32 v62, $0x3;
	v59 =	vld [tilespmem:s25+$0xFFFFFAB0];
	v32 =	vshll.u32 v32, v2  }
0x56b: {  	v47 =	vshrl.u32 v46, $0x3;
	v53 =	vadd.s32 $0x7, v51;
	v63 =	vld [tilespmem:s25+$0xFFFFF950];
	v32 =	vadd.s32 $0x1, v32  }
0x56c: {  	v18 =	vbroadcast v61, $0x0;
	v37 =	vbroadcast v32, $0x0;
	v32 =	vshll.u32 v40, v2;
	v40 =	vld.idx.msk [tilespmem:v27+s20+$0x0], $0xffff  }
0x56d: {  	v35 =	vbroadcast v53, $0x0;
	v43 =	vadd.s32 $0x2, v32;
	v32 =	vshll.u32 v44, v2;
	v44 =	vld.idx.msk [tilespmem:v20+s20+$0x0], $0xffff  }
0x56e: {  	s29 =	sadd.s32 $0xFFFFFFF3, s26;
	v31 =	vadd.s32 $0x7, v57;
	v55 =	vshrl.u32 v54, $0x3;
	v46 =	vshll.u32 v25, $0x5;
	v22 =	vld.idx.msk [tilespmem:v33+s20+$0x0], $0xffff  }
0x56f: {  	v57 =	vshrl.u32 v56, $0x3;
	v58 =	vmov s29;
	s29 =	sadd.s32 $0xFFFFFFF5, s26;
	v31 =	vbroadcast v31, $0x0;
	[tilespmem:v24+s2+$0x0] =	vst.idx.add.f32.msk $0xffff, v59  }
0x570: {  	v61 =	vshrl.u32 v58, $0x3;
	v48 =	vmov s29;
	v20 =	vshll.u32 v55, v2;
	v34 =	vld [tilespmem:s25+$0xFFFFFAC0]  }
0x571: {  	s31 =	sadd.s32 $0xFFFFFFF4, s26;
	v49 =	vshrl.u32 v48, $0x3;
	v32 =	vadd.s32 $0x3, v32;
	v42 =	vbroadcast v20, $0x0;
	[tilespmem:v26+s2+$0x0] =	vst.idx.add.f32.msk $0xffff, v63  }
0x572: {  	v20 =	vshll.u32 v57, v2;
	v24 =	vbroadcast v43, $0x0;
	v59 =	vmov s31;
	v29 =	vld.idx.msk [tilespmem:v18+s20+$0x0], $0xffff  }
0x573: {  	v26 =	vbroadcast v32, $0x0;
	v32 =	vshll.u32 v47, v2;
	v43 =	vld [tilespmem:s25+$0xFFFFF960];
	v62 =	vshrl.u32 v59, $0x3  }
0x574: {  	v63 =	vshll.u32 v61, v2;
	v18 =	vshll.u32 v49, v2;
	v25 =	vshll.u32 v62, v2;
	v27 =	vld.idx.msk [tilespmem:v37+s20+$0x0], $0xffff  }
0x575: {  	v32 =	vadd.s32 $0x5, v32;
	v45 =	vadd.s32 $0x2, v63;
	v47 =	vadd.s32 $0x3, v25;
	[tilespmem:v28+s2+$0x0] =	vst.idx.add.f32.msk $0xffff, v34  }
0x576: {  	s31 =	sadd.s32 $0xFFFFFFF7, s26;
	v18 =	vadd.s32 $0x4, v18;
	v37 =	vbroadcast v45, $0x0;
	v45 =	vbroadcast v47, $0x0;
	v34 =	vld.idx.msk [tilespmem:v19+s20+$0x0], $0xffff  }
0x577: {  	s29 =	sadd.s32 $0xFFFFFFF6, s26;
	v51 =	vmov s31;
	v47 =	vbroadcast v18, $0x0;
	v28 =	vbroadcast v32, $0x0;
	v32 =	vld.idx.msk [tilespmem:v31+s20+$0x0], $0xffff  }
0x578: {  	v50 =	vmov s29;
	v60 =	vadd.s32 $0x1, v20;
	v20 =	vshrl.u32 v51, $0x3;
	v25 =	vld.idx.msk [tilespmem:v24+s20+$0x0], $0xffff  }
0x579: {  	v39 =	vor.u32 v0, v46;
	s29 =	sadd.s32 $0xFFFFFFF8, s26;
	v54 =	vshll.u32 v20, v2;
	v24 =	vld.idx.msk [tilespmem:v26+s20+$0x0], $0xffff;
	v19 =	vshrl.u32 v50, $0x3  }
0x57a: {  	v55 =	vmov s29;
	s29 =	sadd.s32 $0xFFFFFFF9, s26;
	v50 =	vld.idx.msk [tilespmem:v42+s20+$0x0], $0xffff;
	v53 =	vshll.u32 v19, v2;
	v19 =	vadd.s32 $0x6, v54  }
0x57b: {  	v58 =	vmov s29;
	v31 =	vbroadcast v60, $0x0;
	v48 =	vbroadcast v19, $0x0;
	v19 =	vld.idx.msk [tilespmem:v23+s20+$0x0], $0xffff  }
0x57c: {  	v33 =	vshrl.u32 v58, $0x3;
	s31 =	sadd.s32 $0xFFFFFFFA, s26;
	v18 =	vadd.s32 $0x5, v53;
	v53 =	vld.idx.msk [tilespmem:v45+s20+$0x0], $0xffff  }
0x57d: {  	v46 =	vor.u32 v3, v46;
	v49 =	vmov s31;
	v60 =	vshll.u32 v33, v2;
	v47 =	vld.idx.msk [tilespmem:v47+s20+$0x0], $0xffff  }
0x57e: {  	v56 =	vshrl.u32 v55, $0x3;
	s29 =	sadd.s32 $0xFFFFFFFB, s26;
	v59 =	vshrl.u32 v49, $0x3;
	v26 =	vbroadcast v60, $0x0;
	v20 =	vld.idx.msk [tilespmem:v28+s20+$0x0], $0xffff  }
0x57f: {  	v62 =	vmov s29;
	s29 =	sadd.s32 $0xFFFFFFFC, s26;
	v61 =	vshll.u32 v59, v2;
	v28 =	vbroadcast v18, $0x0;
	v18 =	vld.idx.msk [tilespmem:v35+s20+$0x0], $0xffff  }
0x580: {  	v57 =	vshll.u32 v56, v2;
	v63 =	vmov s29;
	s29 =	sadd.s32 $0xFFFFFFFD, s26;
	v33 =	vadd.s32 $0x1, v61;
	[tilespmem:v39+s2+$0x0] =	vst.idx.add.f32.msk $0xffff, v52  }
0x581: {  	v33 =	vbroadcast v33, $0x0;
	v23 =	vadd.s32 $0x7, v57;
	v57 =	vmov s29;
	v51 =	vld.idx.msk [tilespmem:v31+s20+$0x0], $0xffff  }
0x582: {  	v56 =	vshrl.u32 v63, $0x3;
	s29 =	sadd.s32 $0xFFFFFFFE, s26;
	v23 =	vbroadcast v23, $0x0;
	v58 =	vshrl.u32 v57, $0x3;
	v52 =	vld.idx.msk [tilespmem:v37+s20+$0x0], $0xffff  }
0x583: {  	v60 =	vmov s29;
	s29 =	sadd.s32 $0xFFFFFFFF, s26;
	v35 =	vshrl.u32 v62, $0x3;
	v37 =	vshll.u32 v58, v2;
	v49 =	vld [tilespmem:s25+$0xFFFFFC20]  }
0x584: {  	v62 =	vmov s29;
	v42 =	vshll.u32 v35, v2;
	v35 =	vshll.u32 v56, v2;
	v39 =	vld.idx.msk [tilespmem:v26+s20+$0x0], $0xffff  }
0x585: {  	v59 =	vadd.s32 $0x4, v37;
	v37 =	vshrl.u32 v62, $0x3;
	v62 =	vld [tilespmem:s25+$0xFFFFFE10];
	v31 =	vadd.s32 $0x2, v42  }
0x586: {  	v35 =	vadd.s32 $0x3, v35;
	v45 =	vld.idx.msk [tilespmem:v48+s20+$0x0], $0xffff;
	v31 =	vbroadcast v31, $0x0  }
0x587: {  	v56 =	vshll.u32 v37, v2;
	v37 =	vld.idx.msk [tilespmem:v33+s20+$0x0], $0xffff;
	v54 =	vbroadcast v35, $0x0  }
0x588: {  	v63 =	vmov s26;
	v61 =	vshrl.u32 v60, $0x3;
	v42 =	vld.idx.msk [tilespmem:v23+s20+$0x0], $0xffff;
	v58 =	vadd.s32 $0x6, v56  }
0x589: {  	v57 =	vshrl.u32 v63, $0x3;
	v35 =	vshll.u32 v61, v2;
	v26 =	vbroadcast v58, $0x0;
	v55 =	vld.idx.msk [tilespmem:v28+s20+$0x0], $0xffff  }
0x58a: {  	v48 =	vadd.s32 $0x5, v35;
	v28 =	vbroadcast v59, $0x0;
	v59 =	vshll.u32 v57, v2;
	[tilespmem:v46+s2+$0x0] =	vst.idx.add.f32.msk $0xffff, v49  }
0x58b: {  	v23 =	vbroadcast v48, $0x0;
	v60 =	vadd.s32 $0x7, v59;
	v46 =	vld [tilespmem:s25+$0xFFFFFC30]  }
0x58c: {  	v61 =	vbroadcast v60, $0x0;
	v35 =	vld.idx.msk [tilespmem:v31+s20+$0x0], $0xffff  }
0x58d: {  	v50 =	vshll.u32 v50, $0x5;
	v33 =	vld.idx.msk [tilespmem:v54+s20+$0x0], $0xffff  }
0x58e: {  	v56 =	vor.u32 v0, v50;
	v54 =	vld [tilespmem:s25+$0xFFFFFAD0]  }
0x58f: {  	v26 =	vld.idx.msk [tilespmem:v26+s20+$0x0], $0xffff  }
0x590: {  	v30 =	vor.u32 v3, v30;
	v44 =	vshll.u32 v44, $0x5;
	v31 =	vld.idx.msk [tilespmem:v28+s20+$0x0], $0xffff  }
0x591: {  	v60 =	vor.u32 v0, v44;
	v28 =	vld.idx.msk [tilespmem:v23+s20+$0x0], $0xffff  }
0x592: {  	v21 =	vshll.u32 v21, $0x5;
	v23 =	vld.idx.msk [tilespmem:v61+s20+$0x0], $0xffff  }
0x593: {  	[tilespmem:v56+s2+$0x0] =	vst.idx.add.f32.msk $0xffff, v62;
	v56 =	vor.u32 v0, v21  }
0x594: {  	v50 =	vor.u32 v3, v50;
	v63 =	vld [tilespmem:s25+$0xFFFFFE20]  }
0x595: {  	[tilespmem:v30+s2+$0x0] =	vst.idx.add.f32.msk $0xffff, v43  }
0x596: {  	[tilespmem:v60+s2+$0x0] =	vst.idx.add.f32.msk $0xffff, v46  }
0x597: {  	v44 =	vor.u32 v3, v44;
	v46 =	vld [tilespmem:s25+$0xFFFFFC40]  }
0x598: {  	[tilespmem:v56+s2+$0x0] =	vst.idx.add.f32.msk $0xffff, v54  }
0x599: {  	v61 =	vshll.u32 v51, $0x5;
	[tilespmem:v50+s2+$0x0] =	vst.idx.add.f32.msk $0xffff, v63  }
0x59a: {  	v63 =	vor.u32 v0, v61;
	v62 =	vld [tilespmem:s25+$0xFFFFFE30]  }
0x59b: {  	v14 =	vshll.u32 v14, $0x5;
	v56 =	vld [tilespmem:s25+$0xFFFFF970]  }
0x59c: {  	v41 =	vshll.u32 v41, $0x5;
	v57 =	vor.u32 v0, v14;
	[tilespmem:v44+s2+$0x0] =	vst.idx.add.f32.msk $0xffff, v46  }
0x59d: {  	v59 =	vor.u32 v0, v41;
	v44 =	vld [tilespmem:s25+$0xFFFFFC50]  }
0x59e: {  	v58 =	vld [tilespmem:s25+$0xFFFFFAE0]  }
0x59f: {  	[tilespmem:v63+s2+$0x0] =	vst.idx.add.f32.msk $0xffff, v62  }
0x5a0: {  	v30 =	vor.u32 v3, v61;
	v43 =	vld [tilespmem:s25+$0xFFFFFE40]  }
0x5a1: {  	[tilespmem:v57+s2+$0x0] =	vst.idx.add.f32.msk $0xffff, v56  }
0x5a2: {  	v21 =	vor.u32 v3, v21;
	[tilespmem:v59+s2+$0x0] =	vst.idx.add.f32.msk $0xffff, v44  }
0x5a3: {  	v62 =	vld [tilespmem:s25+$0xFFFFFC60]  }
0x5a4: {  	v41 =	vor.u32 v3, v41;
	v63 =	vld [tilespmem:s25+$0xFFFFF980]  }
0x5a5: {  	v14 =	vor.u32 v3, v14;
	v60 =	vshll.u32 v52, $0x5;
	[tilespmem:v30+s2+$0x0] =	vst.idx.add.f32.msk $0xffff, v43  }
0x5a6: {  	v61 =	vor.u32 v0, v60;
	v43 =	vld [tilespmem:s25+$0xFFFFFE50]  }
0x5a7: {  	v17 =	vshll.u32 v17, $0x5;
	[tilespmem:v21+s2+$0x0] =	vst.idx.add.f32.msk $0xffff, v58  }
0x5a8: {  	v54 =	vor.u32 v0, v17;
	v52 =	vld [tilespmem:s25+$0xFFFFFAF0]  }
0x5a9: {  	[tilespmem:v41+s2+$0x0] =	vst.idx.add.f32.msk $0xffff, v62  }
0x5aa: {  	[tilespmem:v14+s2+$0x0] =	vst.idx.add.f32.msk $0xffff, v63  }
0x5ab: {  	[tilespmem:v61+s2+$0x0] =	vst.idx.add.f32.msk $0xffff, v43  }
0x5ac: {  	v30 =	vor.u32 v3, v60;
	v43 =	vld [tilespmem:s25+$0xFFFFFE60]  }
0x5ad: {  	v56 =	vshll.u32 v40, $0x5;
	[tilespmem:v54+s2+$0x0] =	vst.idx.add.f32.msk $0xffff, v52  }
0x5ae: {  	v58 =	vor.u32 v0, v56;
	v57 =	vld [tilespmem:s25+$0xFFFFFC70]  }
0x5af: {  	v17 =	vor.u32 v3, v17;
	v63 =	vld [tilespmem:s25+$0xFFFFFB00];
	_ =	sdelay $0x1  }
0x5b0: {  	v59 =	vshll.u32 v53, $0x5;
	[tilespmem:v30+s2+$0x0] =	vst.idx.add.f32.msk $0xffff, v43  }
0x5b1: {  	v60 =	vor.u32 v0, v59;
	v30 =	vld [tilespmem:s25+$0xFFFFFE70]  }
0x5b2: {  	[tilespmem:v58+s2+$0x0] =	vst.idx.add.f32.msk $0xffff, v57  }
0x5b3: {  	[tilespmem:v17+s2+$0x0] =	vst.idx.add.f32.msk $0xffff, v63  }
0x5b4: {  	v12 =	vshll.u32 v12, $0x5;
	v21 =	vor.u32 v3, v56;
	v40 =	vld [tilespmem:s25+$0xFFFFFC80]  }
0x5b5: {  	v62 =	vor.u32 v0, v12;
	v61 =	vld [tilespmem:s25+$0xFFFFF990]  }
0x5b6: {  	[tilespmem:v60+s2+$0x0] =	vst.idx.add.f32.msk $0xffff, v30  }
0x5b7: {  	v14 =	vor.u32 v3, v59;
	v30 =	vld [tilespmem:s25+$0xFFFFFE80]  }
0x5b8: {  	v16 =	vshll.u32 v16, $0x5;
	v54 =	vld [tilespmem:s25+$0xFFFFFB10]  }
0x5b9: {  	v56 =	vor.u32 v0, v16;
	[tilespmem:v21+s2+$0x0] =	vst.idx.add.f32.msk $0xffff, v40  }
0x5ba: {  	v46 =	vshll.u32 v38, $0x5;
	[tilespmem:v62+s2+$0x0] =	vst.idx.add.f32.msk $0xffff, v61  }
0x5bb: {  	v49 =	vor.u32 v0, v46;
	v48 =	vld [tilespmem:s25+$0xFFFFFC90]  }
0x5bc: {  	v50 =	vshll.u32 v47, $0x5;
	[tilespmem:v14+s2+$0x0] =	vst.idx.add.f32.msk $0xffff, v30  }
0x5bd: {  	v51 =	vor.u32 v0, v50;
	v30 =	vld [tilespmem:s25+$0xFFFFFE90]  }
0x5be: {  	[tilespmem:v56+s2+$0x0] =	vst.idx.add.f32.msk $0xffff, v54  }
0x5bf: {  	v53 =	vld [tilespmem:s25+$0xFFFFF9A0]  }
0x5c0: {  	v12 =	vor.u32 v3, v12;
	[tilespmem:v49+s2+$0x0] =	vst.idx.add.f32.msk $0xffff, v48  }
0x5c1: {  	v21 =	vor.u32 v3, v46;
	v52 =	vld [tilespmem:s25+$0xFFFFFCA0]  }
0x5c2: {  	[tilespmem:v51+s2+$0x0] =	vst.idx.add.f32.msk $0xffff, v30  }
0x5c3: {  	v14 =	vor.u32 v3, v50;
	v30 =	vld [tilespmem:s25+$0xFFFFFEA0]  }
0x5c4: {  	v62 =	vld [tilespmem:s25+$0xFFFFFB20]  }
0x5c5: {  	v16 =	vor.u32 v3, v16;
	[tilespmem:v12+s2+$0x0] =	vst.idx.add.f32.msk $0xffff, v53  }
0x5c6: {  	v57 =	vshll.u32 v36, $0x5;
	[tilespmem:v21+s2+$0x0] =	vst.idx.add.f32.msk $0xffff, v52  }
0x5c7: {  	v36 =	vor.u32 v0, v57;
	v21 =	vld [tilespmem:s25+$0xFFFFFCB0]  }
0x5c8: {  	v58 =	vshll.u32 v55, $0x5;
	[tilespmem:v14+s2+$0x0] =	vst.idx.add.f32.msk $0xffff, v30  }
0x5c9: {  	v59 =	vor.u32 v0, v58;
	v14 =	vld [tilespmem:s25+$0xFFFFFEB0]  }
0x5ca: {  	v9 =	vshll.u32 v9, $0x5;
	[tilespmem:v16+s2+$0x0] =	vst.idx.add.f32.msk $0xffff, v62  }
0x5cb: {  	v61 =	vor.u32 v0, v9;
	v60 =	vld [tilespmem:s25+$0xFFFFF9B0]  }
0x5cc: {  	[tilespmem:v36+s2+$0x0] =	vst.idx.add.f32.msk $0xffff, v21  }
0x5cd: {  	v17 =	vor.u32 v3, v57;
	v21 =	vld [tilespmem:s25+$0xFFFFFCC0]  }
0x5ce: {  	[tilespmem:v59+s2+$0x0] =	vst.idx.add.f32.msk $0xffff, v14  }
0x5cf: {  	v12 =	vor.u32 v3, v58;
	v14 =	vld [tilespmem:s25+$0xFFFFFEC0]  }
0x5d0: {  	[tilespmem:v61+s2+$0x0] =	vst.idx.add.f32.msk $0xffff, v60  }
0x5d1: {  	v9 =	vor.u32 v3, v9;
	v44 =	vld [tilespmem:s25+$0xFFFFF9C0]  }
0x5d2: {  	v63 =	vshll.u32 v34, $0x5;
	[tilespmem:v17+s2+$0x0] =	vst.idx.add.f32.msk $0xffff, v21  }
0x5d3: {  	v34 =	vor.u32 v0, v63;
	v21 =	vld [tilespmem:s25+$0xFFFFFCD0]  }
0x5d4: {  	v40 =	vshll.u32 v45, $0x5;
	[tilespmem:v12+s2+$0x0] =	vst.idx.add.f32.msk $0xffff, v14  }
0x5d5: {  	v41 =	vor.u32 v0, v40;
	v14 =	vld [tilespmem:s25+$0xFFFFFED0]  }
0x5d6: {  	v15 =	vshll.u32 v15, $0x5;
	[tilespmem:v9+s2+$0x0] =	vst.idx.add.f32.msk $0xffff, v44  }
0x5d7: {  	v45 =	vor.u32 v0, v15;
	v30 =	vld [tilespmem:s25+$0xFFFFFB30]  }
0x5d8: {  	[tilespmem:v34+s2+$0x0] =	vst.idx.add.f32.msk $0xffff, v21  }
0x5d9: {  	v17 =	vor.u32 v3, v63;
	v43 =	vld [tilespmem:s25+$0xFFFFFCE0]  }
0x5da: {  	[tilespmem:v41+s2+$0x0] =	vst.idx.add.f32.msk $0xffff, v14  }
0x5db: {  	v12 =	vor.u32 v3, v40;
	v14 =	vld [tilespmem:s25+$0xFFFFFEE0]  }
0x5dc: {  	[tilespmem:v45+s2+$0x0] =	vst.idx.add.f32.msk $0xffff, v30  }
0x5dd: {  	v6 =	vshll.u32 v6, $0x5;
	v21 =	vld [tilespmem:s25+$0xFFFFF9D0]  }
0x5de: {  	v46 =	vshll.u32 v32, $0x5;
	v49 =	vor.u32 v0, v6;
	[tilespmem:v17+s2+$0x0] =	vst.idx.add.f32.msk $0xffff, v43  }
0x5df: {  	v32 =	vor.u32 v0, v46;
	v17 =	vld [tilespmem:s25+$0xFFFFFCF0]  }
0x5e0: {  	v47 =	vshll.u32 v42, $0x5;
	[tilespmem:v12+s2+$0x0] =	vst.idx.add.f32.msk $0xffff, v14  }
0x5e1: {  	v48 =	vor.u32 v0, v47;
	v12 =	vld [tilespmem:s25+$0xFFFFFEF0]  }
0x5e2: {  	v50 =	vld [tilespmem:s25+$0xFFFFFB40]  }
0x5e3: {  	v15 =	vor.u32 v3, v15;
	[tilespmem:v49+s2+$0x0] =	vst.idx.add.f32.msk $0xffff, v21  }
0x5e4: {  	[tilespmem:v32+s2+$0x0] =	vst.idx.add.f32.msk $0xffff, v17  }
0x5e5: {  	v16 =	vor.u32 v3, v46;
	v17 =	vld [tilespmem:s25+$0xFFFFFD00]  }
0x5e6: {  	[tilespmem:v48+s2+$0x0] =	vst.idx.add.f32.msk $0xffff, v12  }
0x5e7: {  	v9 =	vor.u32 v3, v47;
	v12 =	vld [tilespmem:s25+$0xFFFFFF00]  }
0x5e8: {  	[tilespmem:v15+s2+$0x0] =	vst.idx.add.f32.msk $0xffff, v50  }
0x5e9: {  	v56 =	vld [tilespmem:s25+$0xFFFFF9E0]  }
0x5ea: {  	v6 =	vor.u32 v3, v6;
	v51 =	vshll.u32 v29, $0x5;
	[tilespmem:v16+s2+$0x0] =	vst.idx.add.f32.msk $0xffff, v17  }
0x5eb: {  	v29 =	vor.u32 v0, v51;
	v17 =	vld [tilespmem:s25+$0xFFFFFD10]  }
0x5ec: {  	v52 =	vshll.u32 v39, $0x5;
	[tilespmem:v9+s2+$0x0] =	vst.idx.add.f32.msk $0xffff, v12  }
0x5ed: {  	v53 =	vor.u32 v0, v52;
	v12 =	vld [tilespmem:s25+$0xFFFFFF10]  }
0x5ee: {  	v13 =	vshll.u32 v13, $0x5;
	v57 =	vld [tilespmem:s25+$0xFFFFFB50]  }
0x5ef: {  	v58 =	vor.u32 v0, v13;
	[tilespmem:v6+s2+$0x0] =	vst.idx.add.f32.msk $0xffff, v56  }
0x5f0: {  	[tilespmem:v29+s2+$0x0] =	vst.idx.add.f32.msk $0xffff, v17  }
0x5f1: {  	v55 =	vor.u32 v3, v51;
	v54 =	vld [tilespmem:s25+$0xFFFFFD20]  }
0x5f2: {  	[tilespmem:v53+s2+$0x0] =	vst.idx.add.f32.msk $0xffff, v12  }
0x5f3: {  	v9 =	vor.u32 v3, v52;
	v12 =	vld [tilespmem:s25+$0xFFFFFF20]  }
0x5f4: {  	[tilespmem:v58+s2+$0x0] =	vst.idx.add.f32.msk $0xffff, v57  }
0x5f5: {  	v63 =	vld [tilespmem:s25+$0xFFFFFB60]  }
0x5f6: {  	v13 =	vor.u32 v3, v13;
	v59 =	vshll.u32 v27, $0x5;
	[tilespmem:v55+s2+$0x0] =	vst.idx.add.f32.msk $0xffff, v54  }
0x5f7: {  	v27 =	vor.u32 v0, v59;
	v15 =	vld [tilespmem:s25+$0xFFFFFD30]  }
0x5f8: {  	v60 =	vshll.u32 v37, $0x5;
	[tilespmem:v9+s2+$0x0] =	vst.idx.add.f32.msk $0xffff, v12  }
0x5f9: {  	v61 =	vor.u32 v0, v60;
	v9 =	vld [tilespmem:s25+$0xFFFFFF30]  }
0x5fa: {  	v16 =	vld [tilespmem:s25+$0xFFFFF9F0]  }
0x5fb: {  	v4 =	vshll.u32 v4, $0x5;
	[tilespmem:v13+s2+$0x0] =	vst.idx.add.f32.msk $0xffff, v63  }
0x5fc: {  	v62 =	vor.u32 v0, v4;
	[tilespmem:v27+s2+$0x0] =	vst.idx.add.f32.msk $0xffff, v15  }
0x5fd: {  	v14 =	vor.u32 v3, v59;
	v15 =	vld [tilespmem:s25+$0xFFFFFD40]  }
0x5fe: {  	[tilespmem:v61+s2+$0x0] =	vst.idx.add.f32.msk $0xffff, v9  }
0x5ff: {  	v6 =	vor.u32 v3, v60;
	v9 =	vld [tilespmem:s25+$0xFFFFFF40]  }
0x600: {  	v37 =	vld [tilespmem:s25+$0xFFFFFB70]  }
0x601: {  	v11 =	vshll.u32 v11, $0x5;
	[tilespmem:v62+s2+$0x0] =	vst.idx.add.f32.msk $0xffff, v16  }
0x602: {  	v38 =	vor.u32 v0, v11;
	v27 =	vshll.u32 v25, $0x5;
	[tilespmem:v14+s2+$0x0] =	vst.idx.add.f32.msk $0xffff, v15  }
0x603: {  	v29 =	vor.u32 v0, v27;
	v15 =	vld [tilespmem:s25+$0xFFFFFD50]  }
0x604: {  	v30 =	vshll.u32 v35, $0x5;
	[tilespmem:v6+s2+$0x0] =	vst.idx.add.f32.msk $0xffff, v9  }
0x605: {  	v32 =	vor.u32 v0, v30;
	v9 =	vld [tilespmem:s25+$0xFFFFFF50]  }
0x606: {  	v36 =	vld [tilespmem:s25+$0xFFFFFA00]  }
0x607: {  	[tilespmem:v38+s2+$0x0] =	vst.idx.add.f32.msk $0xffff, v37  }
0x608: {  	v4 =	vor.u32 v3, v4;
	[tilespmem:v29+s2+$0x0] =	vst.idx.add.f32.msk $0xffff, v15  }
0x609: {  	v35 =	vor.u32 v3, v27;
	v34 =	vld [tilespmem:s25+$0xFFFFFD60]  }
0x60a: {  	[tilespmem:v32+s2+$0x0] =	vst.idx.add.f32.msk $0xffff, v9  }
0x60b: {  	v6 =	vor.u32 v3, v30;
	v9 =	vld [tilespmem:s25+$0xFFFFFF60]  }
0x60c: {  	v42 =	vld [tilespmem:s25+$0xFFFFFB80]  }
0x60d: {  	v11 =	vor.u32 v3, v11;
	[tilespmem:v4+s2+$0x0] =	vst.idx.add.f32.msk $0xffff, v36  }
0x60e: {  	v39 =	vshll.u32 v24, $0x5;
	[tilespmem:v35+s2+$0x0] =	vst.idx.add.f32.msk $0xffff, v34  }
0x60f: {  	v40 =	vor.u32 v0, v39;
	v13 =	vld [tilespmem:s25+$0xFFFFFD70]  }
0x610: {  	v4 =	vshll.u32 v33, $0x5;
	[tilespmem:v6+s2+$0x0] =	vst.idx.add.f32.msk $0xffff, v9  }
0x611: {  	v41 =	vor.u32 v0, v4;
	v6 =	vld [tilespmem:s25+$0xFFFFFF70]  }
0x612: {  	v10 =	vshll.u32 v10, $0x5;
	[tilespmem:v11+s2+$0x0] =	vst.idx.add.f32.msk $0xffff, v42  }
0x613: {  	v44 =	vor.u32 v0, v10;
	v11 =	vld [tilespmem:s25+$0xFFFFFB90]  }
0x614: {  	[tilespmem:v40+s2+$0x0] =	vst.idx.add.f32.msk $0xffff, v13  }
0x615: {  	v12 =	vor.u32 v3, v39;
	v43 =	vld [tilespmem:s25+$0xFFFFFD80]  }
0x616: {  	[tilespmem:v41+s2+$0x0] =	vst.idx.add.f32.msk $0xffff, v6  }
0x617: {  	v4 =	vor.u32 v3, v4;
	v9 =	vld [tilespmem:s25+$0xFFFFFF80]  }
0x618: {  	[tilespmem:v44+s2+$0x0] =	vst.idx.add.f32.msk $0xffff, v11  }
0x619: {  	v10 =	vor.u32 v3, v10;
	v11 =	vld [tilespmem:s25+$0xFFFFFBA0]  }
0x61a: {  	v45 =	vshll.u32 v22, $0x5;
	[tilespmem:v12+s2+$0x0] =	vst.idx.add.f32.msk $0xffff, v43  }
0x61b: {  	v46 =	vor.u32 v0, v45;
	v14 =	vld [tilespmem:s25+$0xFFFFFD90]  }
0x61c: {  	[tilespmem:v4+s2+$0x0] =	vst.idx.add.f32.msk $0xffff, v9;
	v4 =	vshll.u32 v31, $0x5  }
0x61d: {  	v9 =	vld [tilespmem:s25+$0xFFFFFF90];
	v47 =	vor.u32 v0, v4  }
0x61e: {  	v8 =	vshll.u32 v8, $0x5;
	[tilespmem:v10+s2+$0x0] =	vst.idx.add.f32.msk $0xffff, v11  }
0x61f: {  	v49 =	vor.u32 v0, v8;
	v10 =	vld [tilespmem:s25+$0xFFFFFBB0]  }
0x620: {  	[tilespmem:v46+s2+$0x0] =	vst.idx.add.f32.msk $0xffff, v14  }
0x621: {  	v12 =	vor.u32 v3, v45;
	v48 =	vld [tilespmem:s25+$0xFFFFFDA0]  }
0x622: {  	[tilespmem:v47+s2+$0x0] =	vst.idx.add.f32.msk $0xffff, v9  }
0x623: {  	v4 =	vor.u32 v3, v4;
	v9 =	vld [tilespmem:s25+$0xFFFFFFA0]  }
0x624: {  	[tilespmem:v49+s2+$0x0] =	vst.idx.add.f32.msk $0xffff, v10  }
0x625: {  	v8 =	vor.u32 v3, v8;
	v10 =	vld [tilespmem:s25+$0xFFFFFBC0]  }
0x626: {  	v50 =	vshll.u32 v20, $0x5;
	[tilespmem:v12+s2+$0x0] =	vst.idx.add.f32.msk $0xffff, v48  }
0x627: {  	v51 =	vor.u32 v0, v50;
	v13 =	vld [tilespmem:s25+$0xFFFFFDB0]  }
0x628: {  	[tilespmem:v4+s2+$0x0] =	vst.idx.add.f32.msk $0xffff, v9;
	v4 =	vshll.u32 v28, $0x5  }
0x629: {  	v9 =	vld [tilespmem:s25+$0xFFFFFFB0];
	v52 =	vor.u32 v0, v4  }
0x62a: {  	v7 =	vshll.u32 v7, $0x5;
	[tilespmem:v8+s2+$0x0] =	vst.idx.add.f32.msk $0xffff, v10  }
0x62b: {  	v54 =	vor.u32 v0, v7;
	v8 =	vld [tilespmem:s25+$0xFFFFFBD0]  }
0x62c: {  	[tilespmem:v51+s2+$0x0] =	vst.idx.add.f32.msk $0xffff, v13  }
0x62d: {  	v12 =	vor.u32 v3, v50;
	v53 =	vld [tilespmem:s25+$0xFFFFFDC0]  }
0x62e: {  	[tilespmem:v52+s2+$0x0] =	vst.idx.add.f32.msk $0xffff, v9  }
0x62f: {  	v4 =	vor.u32 v3, v4;
	v9 =	vld [tilespmem:s25+$0xFFFFFFC0]  }
0x630: {  	[tilespmem:v54+s2+$0x0] =	vst.idx.add.f32.msk $0xffff, v8  }
0x631: {  	v7 =	vor.u32 v3, v7;
	v8 =	vld [tilespmem:s25+$0xFFFFFBE0]  }
0x632: {  	v55 =	vshll.u32 v19, $0x5;
	[tilespmem:v12+s2+$0x0] =	vst.idx.add.f32.msk $0xffff, v53  }
0x633: {  	v56 =	vor.u32 v0, v55;
	v12 =	vld [tilespmem:s25+$0xFFFFFDD0]  }
0x634: {  	[tilespmem:v4+s2+$0x0] =	vst.idx.add.f32.msk $0xffff, v9;
	v4 =	vshll.u32 v26, $0x5  }
0x635: {  	v9 =	vld [tilespmem:s25+$0xFFFFFFD0];
	v57 =	vor.u32 v0, v4  }
0x636: {  	[tilespmem:v7+s2+$0x0] =	vst.idx.add.f32.msk $0xffff, v8  }
0x637: {  	v5 =	vshll.u32 v5, $0x5;
	v7 =	vld [tilespmem:s25+$0xFFFFFBF0]  }
0x638: {  	v59 =	vor.u32 v0, v5;
	[tilespmem:v56+s2+$0x0] =	vst.idx.add.f32.msk $0xffff, v12  }
0x639: {  	v11 =	vor.u32 v3, v55;
	v58 =	vld [tilespmem:s25+$0xFFFFFDE0]  }
0x63a: {  	[tilespmem:v57+s2+$0x0] =	vst.idx.add.f32.msk $0xffff, v9  }
0x63b: {  	v4 =	vor.u32 v3, v4;
	v9 =	vld [tilespmem:s25+$0xFFFFFFE0];
	_ =	sdelay $0x1  }
0x63c: {  	[tilespmem:v59+s2+$0x0] =	vst.idx.add.f32.msk $0xffff, v7  }
0x63d: {  	v60 =	vshll.u32 v18, $0x5;
	[tilespmem:v11+s2+$0x0] =	vst.idx.add.f32.msk $0xffff, v58  }
0x63e: {  	v61 =	vor.u32 v0, v60;
	v11 =	vld [tilespmem:s25+$0xFFFFFDF0]  }
0x63f: {  	[tilespmem:v4+s2+$0x0] =	vst.idx.add.f32.msk $0xffff, v9;
	v4 =	vshll.u32 v23, $0x5  }
0x640: {  	v9 =	vld [tilespmem:s25+$0xFFFFFFF0];
	v62 =	vor.u32 v0, v4  }
0x641: {  	v6 =	vld @!p0 [tilespmem:s28+$0xFFFFFFD0]  }
0x642: {  	v5 =	vor.u32 v3, v5;
	v7 =	vld [tilespmem:s25+$0xFFFFFC00]  }
0x643: {  	[tilespmem:v61+s2+$0x0] =	vst.idx.add.f32.msk $0xffff, v11  }
0x644: {  	v10 =	vor.u32 v3, v60;
	v63 =	vld [tilespmem:s25+$0xFFFFFE00]  }
0x645: {  	[tilespmem:v62+s2+$0x0] =	vst.idx.add.f32.msk $0xffff, v9  }
0x646: {  	v4 =	vor.u32 v3, v4;
	v9 =	vld [tilespmem:s25+$0x0]  }
0x647: {  	[tilespmem:v5+s2+$0x0] =	vst.idx.add.f32.msk $0xffff, v7  }
0x648: {  	v5 =	vld @!p0 [tilespmem:s28+$0xFFFFFFE0]  }
0x649: {  	[tilespmem:v10+s2+$0x0] =	vst.idx.add.f32.msk $0xffff, v63  }
0x64a: {  	v7 =	vld @!p0 [tilespmem:s28+$0xFFFFFFF0]  }
0x64b: {  	[tilespmem:v4+s2+$0x0] =	vst.idx.add.f32.msk $0xffff, v9  }
0x64c: {  	v4 =	vld @!p0 [tilespmem:s28+$0x0];
	_ =	sdelay $0x1  }
0x64d: {  	v6 =	vshll.u32 @!p0 v6, $0x4  }
0x64e: {  	v5 =	vshll.u32 @!p0 v5, $0x4  }
0x64f: {  	s24 =	sadd.s32 $0x4, s24;
	v7 =	vshll.u32 @!p0 v7, $0x4  }
0x650: {  	p1 =	slt.u32 s24, $0x3C;
	v4 =	vshll.u32 @!p0 v4, $0x4  }
.Ltmp6:
0x651: {  	s29 =	simm.s32 @!p0 $0x8000;
	v8 =	vimm.f32 @!p0 $1.000000000e+00;
	(pc) =	sbr.rel @p1 .LBB2_14-.Ltmp6, $4  }
0x652: {  	[tilespmem:v6+s29+$0x0] =	vst.idx.add.f32.msk @!p0 $0xffff, v8  }
0x653: {  	[tilespmem:v5+s29+$0x0] =	vst.idx.add.f32.msk @!p0 $0xffff, v8  }
0x654: {  	[tilespmem:v7+s29+$0x0] =	vst.idx.add.f32.msk @!p0 $0xffff, v8  }
0x655: {  	s26 =	sadd.s32 $0x40, s26;
	s25 =	sadd.s32 $0x800, s25;
	s28 =	sadd.s32 $0x40, s28;
	[tilespmem:v4+s29+$0x0] =	vst.idx.add.f32.msk @!p0 $0xffff, v8  }
0x656: {  	[hbm4b:s12+s2] =	stream.linear.scatter [tilespmem:s2], [sflag:$0x3], $0x8000, $0x38;
	[tilespmem:$0x1C800] =	vst v63  }
0x657: {  	_ =	swait.ge [sflag:s22], $0x8000  }
0x658: {  	s23 =	sadd.s32 $0x1, s23;
	[sflag:s22] =	ssyncset.done $0x0  }
0x659: {  	s24 =	simm.s32 @!p0 $0x0;
	p1 =	sne.s32 s23, s14;
	[sflag:s22] =	ssyncadd.s32 $0xFFFF8000  }
0x65a: {  	[hbm4b:s13+s24] =	stream.linear.scatter @!p0 [tilespmem:s29], [sflag:$0x3], $0x4000, $0x38;
	[tilespmem:$0x1C800] =	vst v63  }
.Ltmp7:
0x65b: {  	_ = 	snop;
	(pc) =	sbr.rel @p1 .LBB2_1-.Ltmp7, $4  }
0x65c: {  	s24 =	simm.s32 @!p0 $0x3  }
0x65d: {  	_ =	swait.ge @!p0 [sflag:s24], $0x4000  }
0x65e: {  	[sflag:s24] =	ssyncset.done @!p0 $0x0  }
0x65f: {  	[sflag:s24] =	ssyncadd.s32 @!p0 $0xFFFFC000  }
0x660: {  	_ =	sfence.sel $0x180000  }
0x661: {  	[bflag:$0x0] =	sbarrier.arrive $0xFFFF  }
0x662: {  	p0 =	sne.s32 s0, $0x0;
	_ =	strace $0x90000047  }
0x663: {  	s0 =	sadd.s32 @!p0 $0x100000, s1;
	[bflag:$0x2] =	sbarrier.arrive $0xFFFF  }
0x664: {  	[sflag:s0] =	ssyncadd.tile.s32 @!p0 $0x1;
	_ =	shalt  }
.Lfunc_end2:
_tile_overlayer_lowered:
.L_overlay_start_2:
0x665: {  	(tag) =	ssettag $0x2  }
0x666: {  	s0 =	rddreg [dreg:$0x0];
	s2 =	stileid.u32  }
0x667: {  	s1 =	rddreg [dreg:$0x1];
	p0 =	sne.s32 s2, $0x0  }
0x668: {  	s3 =	rddreg [dreg:$0x2];
	[bflag:$0x3] =	sbarrier.arrive $0xFFFF;
	s2 =	simm.s32 @!p0 $0x1C03  }
0x669: {  	[timem:s3], [sflag:s2] =	dma.local @!p0 [hbm:s0], s1  }
0x66a: {  	s0 =	simm.s32 @!p0 $0x3  }
0x66b: {  	_ =	swait.ge @!p0 [sflag:s0], s1  }
0x66c: {  	s1 =	ssub.s32 @!p0 $0x0, s1;
	[sflag:s0] =	ssyncset.done @!p0 $0x0  }
0x66d: {  	[sflag:s0] =	ssyncadd.s32 @!p0 s1  }
0x66e: {  	[bflag:$0x3] =	sbarrier.arrive $0xFFFF  }
0x66f: {  	_ =	shalt  }

</sc_bundles>
